<compile_context>
chip_gen: v7x
topology: tpu7x:2x2x1
jax: 0.10.2.dev20260603
libtpu: 0.0.44.dev20260713+nightly
codegen_flags: <defaults>
</compile_context>

<pallas_src>
import functools

import jax
import jax.numpy as jnp
from jax import lax
from jax.experimental import pallas as pl
from jax.experimental.pallas import tpu as pltpu
from jax.experimental.pallas import tpu_sc as plsc

_N = 100000
_E = 1600000
_F = 5
_G = 1024

_NP = 100352
_ROWS_PER_TILE = 6272
_EROWS = 12544
_EP = _EROWS * 128
_TILE_EROWS = 784
_EITERS = 98
_BLK = 512
_NBLKS = _NP // _BLK
_PG = 1152

@functools.cache
def _sc_mesh():
    return plsc.VectorSubcoreMesh(core_axis_name="c", subcore_axis_name="s")


def _make_agg(ngroups):
    n_pass = (ngroups + 1) // 2
    out_type = [jax.ShapeDtypeStruct((_NP, 16), jnp.float32)] * ngroups
    scratch = [
        [pltpu.VMEM((512,), jnp.int32)] * 2,
        [pltpu.VMEM((512,), jnp.int32)] * 2,
        [pltpu.VMEM((512, 16), jnp.float32)] * 2,
        pltpu.VMEM((196, 16), jnp.float32),
        pltpu.VMEM_SHARED((_NP, 16), jnp.float32),
        [pltpu.SemaphoreType.DMA] * 2,
        [pltpu.SemaphoreType.DMA] * 2,
        [pltpu.SemaphoreType.DMA] * 2,
    ]

    @functools.partial(pl.kernel, out_type=out_type, mesh=_sc_mesh(),
                       scratch_types=scratch,
                       compiler_params=pltpu.CompilerParams(
                           use_tc_tiling_on_sc=False))
    def agg(src_hbm, dst_hbm, *rest):
        tables = rest[:ngroups]
        outs = rest[ngroups:2 * ngroups]
        (srcs, dsts, rowsb, zbuf, shared, isems, gsems, ssems) = \
            rest[2 * ngroups:]
        c = lax.axis_index("c")
        s = lax.axis_index("s")
        base = s * _ROWS_PER_TILE

        def zb(i, carry):
            zbuf[i, :] = jnp.zeros((16,), jnp.float32)
            return carry
        lax.fori_loop(0, 196, zb, 0)

        for p in range(n_pass):
            def zrow(blk, carry):
                pltpu.sync_copy(zbuf,
                                shared.at[pl.ds(base + blk * 196, 196), :])
                return carry
            lax.fori_loop(0, 32, zrow, 0)
            plsc.subcore_barrier()

            for cv in range(2):
                g = 2 * p + cv
                if g >= ngroups:
                    continue

                @pl.when(c == cv)
                def _(g=g):
                    table = tables[g]

                    def idx_fire(cb, b):
                        e0 = (s * _TILE_EROWS + cb * 4) * 128
                        pltpu.async_copy(src_hbm.at[pl.ds(e0, 512)],
                                         srcs[b], isems[b])
                        pltpu.async_copy(dst_hbm.at[pl.ds(e0, 512)],
                                         dsts[b], isems[b])

                    def idx_wait(b):
                        pltpu.make_async_copy(
                            src_hbm.at[pl.ds(0, 512)], srcs[b],
                            isems[b]).wait()
                        pltpu.make_async_copy(
                            dst_hbm.at[pl.ds(0, 512)], dsts[b],
                            isems[b]).wait()

                    def g_fire(b):
                        pltpu.async_copy(table.at[srcs[b]], rowsb[b],
                                         gsems[b])

                    def g_wait(b):
                        pltpu.make_async_copy(table.at[srcs[b]], rowsb[b],
                                              gsems[b]).wait()

                    def s_fire(b):
                        pltpu.async_copy(rowsb[b], shared.at[dsts[b]],
                                         ssems[b], add=True)

                    def s_wait(b):
                        pltpu.make_async_copy(rowsb[b], shared.at[dsts[b]],
                                              ssems[b]).wait()

                    pltpu.sync_copy(
                        src_hbm.at[pl.ds(s * _TILE_EROWS * 128, 512)], srcs[0])
                    pltpu.sync_copy(
                        dst_hbm.at[pl.ds(s * _TILE_EROWS * 128, 512)], dsts[0])
                    g_fire(0)

                    def body(jj, carry):
                        for b in range(2):
                            cb = 2 * jj + b
                            nb = 1 - b
                            if b == 0:
                                @pl.when(jj > 0)
                                def _():
                                    s_wait(nb)
                            else:
                                s_wait(nb)
                            if b == 0:
                                idx_fire(cb + 1, nb)
                            else:
                                @pl.when(jj < _EITERS - 1)
                                def _():
                                    idx_fire(cb + 1, nb)
                            g_wait(b)
                            if b == 0:
                                idx_wait(nb)
                                g_fire(nb)
                            else:
                                @pl.when(jj < _EITERS - 1)
                                def _():
                                    idx_wait(nb)
                                    g_fire(nb)
                            s_fire(b)
                        return carry
                    lax.fori_loop(0, _EITERS, body, 0)
                    s_wait(1)
            plsc.subcore_barrier()

            for cv in range(2):
                g = 2 * p + cv
                if g >= ngroups:
                    continue

                @pl.when(c == cv)
                def _(g=g):
                    pltpu.sync_copy(shared.at[pl.ds(base, _ROWS_PER_TILE), :],
                                    outs[g].at[pl.ds(base, _ROWS_PER_TILE), :])
            if p + 1 < n_pass:
                plsc.subcore_barrier()
    return agg


def _make_pool():
    out_type = [jax.ShapeDtypeStruct((_G, 16), jnp.float32)] * 3
    scratch = [
        pltpu.VMEM((128,), jnp.int32),
        pltpu.VMEM((128, 16), jnp.float32),
        pltpu.VMEM((128, 16), jnp.float32),
        pltpu.VMEM((72, 16), jnp.float32),
        pltpu.VMEM_SHARED((_PG, 16), jnp.float32),
        pltpu.VMEM_SHARED((_PG, 16), jnp.float32),
    ]

    @functools.partial(pl.kernel, out_type=out_type, mesh=_sc_mesh(),
                       scratch_types=scratch,
                       compiler_params=pltpu.CompilerParams(
                           use_tc_tiling_on_sc=False))
    def pool(h0_hbm, h1_hbm, batch_hbm, out0, out1, outc,
             bidx, rows128, ones128, zb, spool, scnt):
        c = lax.axis_index("c")
        s = lax.axis_index("s")

        def fill(i, carry):
            ones128[i, :] = jnp.ones((16,), jnp.float32)
            return carry
        lax.fori_loop(0, 128, fill, 0)

        def zfill(i, carry):
            zb[i, :] = jnp.zeros((16,), jnp.float32)
            return carry
        lax.fori_loop(0, 72, zfill, 0)

        pltpu.sync_copy(zb, spool.at[pl.ds(s * 72, 72), :])
        pltpu.sync_copy(zb, scnt.at[pl.ds(s * 72, 72), :])
        plsc.subcore_barrier()

        def body(j, carry):
            r = s * 49 + j
            pltpu.sync_copy(batch_hbm.at[r], bidx)
            node0 = s * _ROWS_PER_TILE + j * 128
            for cv, tbl in ((0, h0_hbm), (1, h1_hbm)):
                @pl.when(c == cv)
                def _(tbl=tbl):
                    pltpu.sync_copy(tbl.at[pl.ds(node0, 128), :], rows128)
            pltpu.sync_copy(rows128, spool.at[bidx], add=True)

            @pl.when(c == 0)
            def _():
                pltpu.sync_copy(ones128, scnt.at[bidx], add=True)
            return carry
        lax.fori_loop(0, 49, body, 0)
        plsc.subcore_barrier()

        for cv, out in ((0, out0), (1, out1)):
            @pl.when((c == cv) & (s == 0))
            def _(out=out):
                pltpu.sync_copy(spool.at[pl.ds(0, _G), :], out)

        @pl.when((c == 0) & (s == 1))
        def _():
            pltpu.sync_copy(scnt.at[pl.ds(0, _G), :], outc)
    return pool


def _tc_map(aggr_list, h_list, const_list, n_out, compute):
    n_a, n_h = len(aggr_list), len(h_list)

    def kbody(*refs):
        a_refs = refs[:n_a]
        h_refs = refs[n_a:n_a + n_h]
        c_refs = refs[n_a + n_h:n_a + n_h + len(const_list)]
        o_refs = refs[n_a + n_h + len(const_list):]
        A = (jnp.concatenate([r[...] for r in a_refs], axis=1)
             if n_a > 1 else a_refs[0][...])
        H = (jnp.concatenate([r[...] for r in h_refs], axis=1)
             if n_h > 1 else h_refs[0][...])
        res = compute(A, H, [r[...] for r in c_refs])
        for i in range(n_out):
            o_refs[i][...] = res[:, 16 * i:16 * (i + 1)]

    in_specs = ([pl.BlockSpec((_BLK, 16), lambda i: (i, 0))
                 for _ in range(n_a + n_h)] +
                [pl.BlockSpec(cst.shape, lambda i, nd=cst.ndim: (0,) * nd)
                 for cst in const_list])
    out_specs = [pl.BlockSpec((_BLK, 16), lambda i: (i, 0))] * n_out
    out_shape = [jax.ShapeDtypeStruct((_NP, 16), jnp.float32)] * n_out
    return pl.pallas_call(
        kbody, grid=(_NBLKS,), in_specs=in_specs, out_specs=out_specs,
        out_shape=out_shape)(*aggr_list, *h_list, *const_list)


def _ln_relu(y, g, b):
    m = jnp.mean(y, axis=1, keepdims=True)
    yc = y - m
    v = jnp.mean(yc * yc, axis=1, keepdims=True)
    return jnp.maximum(yc / jnp.sqrt(v + 1e-5) * g + b, 0.0)


def _bdot(a, w):
    return jnp.dot(a.astype(jnp.bfloat16), w.astype(jnp.bfloat16),
                   preferred_element_type=jnp.float32)


def _make_mlp(consts):
    def kbody(p0, p1, cnt, *rest):
        c_refs = rest[:len(consts)]
        out = rest[-1]
        wd1, bd1, wd2, bd2, wo, bo = [r[...] for r in c_refs]
        sums = jnp.concatenate([p0[...], p1[...]], axis=1)
        n = jnp.maximum(cnt[:, 0:1], 1.0)
        h = sums / n
        h = jnp.maximum(_bdot(h, wd1) + bd1, 0.0)
        h = jnp.maximum(_bdot(h, wd2) + bd2, 0.0)
        out[...] = _bdot(h, wo) + bo

    in_specs = ([pl.BlockSpec((_G, 16), lambda: (0, 0))] * 3 +
                [pl.BlockSpec(cst.shape, lambda nd=cst.ndim: (0,) * nd)
                 for cst in consts])
    return pl.pallas_call(
        kbody, in_specs=in_specs,
        out_specs=pl.BlockSpec((_G, 1), lambda: (0, 0)),
        out_shape=jax.ShapeDtypeStruct((_G, 1), jnp.float32))


def kernel(x, edge_index, batch, params):
    f32 = jnp.float32

    xp = jnp.zeros((_NP, 16), f32).at[:_N, :_F].set(x)
    pad = jnp.full((_EP - _E,), _N, jnp.int32)
    src2 = jnp.concatenate([edge_index[0], pad])
    dst2 = jnp.concatenate([edge_index[1], pad])
    batch2 = jnp.concatenate(
        [batch, jnp.full((_NP - _N,), _G, jnp.int32)]).reshape(_NP // 128, 128)

    conv, ln = params["conv"], params["ln"]
    w1rel = jnp.zeros((16, 32), f32).at[:_F, :].set(conv[0]["W_rel"].T)
    w1root = jnp.zeros((16, 32), f32).at[:_F, :].set(conv[0]["W_root"].T)
    c1 = [w1rel, conv[0]["b_rel"][None, :], w1root,
          ln[0]["g"][None, :], ln[0]["b"][None, :]]
    c2 = [conv[1]["W_rel"].T, conv[1]["b_rel"][None, :], conv[1]["W_root"].T,
          ln[1]["g"][None, :], ln[1]["b"][None, :]]
    c3 = [conv[2]["W_rel"].T, conv[2]["b_rel"][None, :], conv[2]["W_root"].T,
          ln[2]["g"][None, :], ln[2]["b"][None, :]]
    c4 = [conv[3]["W_rel"].T, conv[3]["b_rel"][None, :], conv[3]["W_root"].T,
          ln[3]["g"][None, :], ln[3]["b"][None, :]]
    dense, outp = params["dense"], params["out"]
    cm = [dense[0]["W"].T, dense[0]["b"][None, :],
          dense[1]["W"].T, dense[1]["b"][None, :],
          outp["W"].T, outp["b"][None, :]]

    agg1, agg2, agg4 = _make_agg(1), _make_agg(2), _make_agg(4)

    (a0,) = agg1(src2, dst2, xp)
    h1 = _tc_map([a0], [xp], c1, 2,
                 lambda A, H, C: _ln_relu(
                     _bdot(A, C[0]) + C[1] + _bdot(H, C[2]), C[3], C[4]))

    a2 = agg2(src2, dst2, *h1)
    h2 = _tc_map(a2, h1, c2, 4,
                 lambda A, H, C: _ln_relu(
                     _bdot(A, C[0]) + C[1] + _bdot(H, C[2]), C[3], C[4]))

    a3 = agg4(src2, dst2, *h2)
    h3 = _tc_map(a3, h2, c3, 4,
                 lambda A, H, C: _ln_relu(
                     _bdot(A, C[0]) + C[1] + _bdot(H, C[2]), C[3], C[4]))

    a4 = agg4(src2, dst2, *h3)
    h4 = _tc_map(a4, h3, c4, 2,
                 lambda A, H, C: _ln_relu(
                     _bdot(A, C[0]) + C[1] + _bdot(H, C[2]), C[3], C[4]))

    p0, p1, cnt = _make_pool()(h4[0], h4[1], batch2)
    return _make_mlp(cm)(p0, p1, cnt, *cm)

# --- scband reference (transcript-rebuilt; emitter-appended) ---
"""Pipeline reference for scband-gnndecoder-71717363908961 (READ-ONLY COPY).

The authoritative reference and input builder live on the scoring server;
editing this copy changes nothing except your own understanding.
"""

import jax, jax.numpy as jnp
import numpy as np

N = 100000
E = 1600000
F = 5
G = 1024
GCN = [32, 64, 64, 32]
MLP = [64, 32]


def _linear_params(key, in_ch, out_ch, bias=True):
    k1, k2 = jax.random.split(key)
    s = 1.0 / np.sqrt(in_ch)
    W = jax.random.uniform(k1, (out_ch, in_ch), jnp.float32, -s, s)
    if bias:
        b = jax.random.uniform(k2, (out_ch,), jnp.float32, -s, s)
        return W, b
    return W, None


def setup_inputs(seed: int = 0) -> dict:
    key = jax.random.key(seed)
    ks = jax.random.split(key, 64)
    x = jax.random.normal(ks[0], (N, F), jnp.float32)
    edge_index = jax.random.randint(ks[1], (2, E), 0, N, dtype=jnp.int32)
    batch = jnp.sort(jax.random.randint(ks[2], (N,), 0, G, dtype=jnp.int32))

    chans = [F] + GCN
    conv = []
    ln = []
    ki = 3
    for i, (ic, oc) in enumerate(zip(chans[:-1], chans[1:])):
        W_rel, b_rel = _linear_params(ks[ki], ic, oc, bias=True); ki += 1
        W_root, _ = _linear_params(ks[ki], ic, oc, bias=False); ki += 1
        conv.append({"W_rel": W_rel, "b_rel": b_rel, "W_root": W_root})
        ln.append({"g": jnp.ones((oc,), jnp.float32), "b": jnp.zeros((oc,), jnp.float32)})

    mchans = GCN[-1:] + MLP
    dense = []
    for ic, oc in zip(mchans[:-1], mchans[1:]):
        W, b = _linear_params(ks[ki], ic, oc, bias=True); ki += 1
        dense.append({"W": W, "b": b})
    Wo, bo = _linear_params(ks[ki], MLP[-1], 1, bias=True)
    params = {"conv": conv, "ln": ln, "dense": dense, "out": {"W": Wo, "b": bo}}
    return {"x": x, "edge_index": edge_index, "batch": batch, "params": params}


def _graph_conv(h, src, dst, p):
    # PyG GraphConv (aggr='add'): out = lin_rel(sum_{j->i} x_j) + lin_root(x_i)
    msg = jnp.take(h, src, axis=0)
    aggr = jnp.zeros_like(h[:, : p["W_rel"].shape[1]])
    aggr = jnp.zeros((h.shape[0], h.shape[1]), h.dtype).at[dst].add(msg)
    return aggr @ p["W_rel"].T + p["b_rel"] + h @ p["W_root"].T


def _layer_norm(h, g, b, eps=1e-5):
    m = jnp.mean(h, axis=-1, keepdims=True)
    v = jnp.mean((h - m) ** 2, axis=-1, keepdims=True)
    return (h - m) / jnp.sqrt(v + eps) * g + b


def reference(x, edge_index, batch, params):
    src = edge_index[0]
    dst = edge_index[1]
    h = x
    for cp, lp in zip(params["conv"], params["ln"]):
        h = _graph_conv(h, src, dst, cp)
        h = _layer_norm(h, lp["g"], lp["b"])
        h = jax.nn.relu(h)
        # dropout is identity in eval mode
    sums = jax.ops.segment_sum(h, batch, num_segments=G)
    cnt = jax.ops.segment_sum(jnp.ones((h.shape[0], 1), h.dtype), batch, num_segments=G)
    h = sums / jnp.maximum(cnt, 1.0)
    for dp in params["dense"]:
        h = jax.nn.relu(h @ dp["W"].T + dp["b"])
    out = h @ params["out"]["W"].T + params["out"]["b"]
    return out

if __name__ == "__main__":
    import jax
    _d = setup_inputs()
    print(jax.jit(kernel)(*tuple(_d.values())))

</pallas_src>

<mosaic_0001>
#map = affine_map<(d0, d1) -> (0)>
#map1 = affine_map<(d0, d1) -> (0, 0)>
module attributes {stable_mosaic.version = 14 : i64} {
  func.func @agg(%arg0: i32, %arg1: i32, %arg2: memref<1605632xi32, #tpu.memory_space<hbm>>, %arg3: memref<1605632xi32, #tpu.memory_space<hbm>>, %arg4: memref<100352x16xf32, #tpu.memory_space<hbm>>, %arg5: memref<100352x16xf32, #tpu.memory_space<hbm>>, %arg6: memref<100352x16xf32, #tpu.memory_space<hbm>>, %arg7: memref<100352x16xf32, #tpu.memory_space<hbm>>, %arg8: memref<512xi32, #tpu.memory_space<vmem>>, %arg9: memref<512xi32, #tpu.memory_space<vmem>>, %arg10: memref<512xi32, #tpu.memory_space<vmem>>, %arg11: memref<512xi32, #tpu.memory_space<vmem>>, %arg12: memref<512x16xf32, #tpu.memory_space<vmem>>, %arg13: memref<512x16xf32, #tpu.memory_space<vmem>>, %arg14: memref<196x16xf32, #tpu.memory_space<vmem>>, %arg15: memref<100352x16xf32, #tpu.memory_space<vmem_shared>>, %arg16: memref<!tpu.dma_semaphore, #tpu.memory_space<semaphore_mem>>, %arg17: memref<!tpu.dma_semaphore, #tpu.memory_space<semaphore_mem>>, %arg18: memref<!tpu.dma_semaphore, #tpu.memory_space<semaphore_mem>>, %arg19: memref<!tpu.dma_semaphore, #tpu.memory_space<semaphore_mem>>, %arg20: memref<!tpu.dma_semaphore, #tpu.memory_space<semaphore_mem>>, %arg21: memref<!tpu.dma_semaphore, #tpu.memory_space<semaphore_mem>>) attributes {dimension_semantics = [#tpu.dimension_semantics<core_parallel>, #tpu.dimension_semantics<subcore_parallel>], iteration_bounds = array<i64: 2, 16>, scalar_prefetch = 0 : i64, scratch_operands = 14 : i64, tpu.core_type = #tpu.core_type<sc_vector_subcore>, window_params = [{transform_indices = #map}, {transform_indices = #map}, {transform_indices = #map1}, {transform_indices = #map1}, {transform_indices = #map1}, {transform_indices = #map1}]} {
    %mul3A = arith.constant 6272 : i32
    %mul3A_0 = arith.muli %arg1, %mul3A : i32
    %scan3A = arith.constant 0 : i32
    %scan3A_1 = arith.constant 0 : i32
    %scan3A_2 = arith.constant 196 : i32
    %scan3A_3 = arith.addi %scan3A_1, %scan3A_2 : i32
    %scan3A_4 = arith.constant 1 : i32
    scf.for %scan3A_30 = %scan3A_1 to %scan3A_3 step %scan3A_4  : i32 {
      %broadcast_in_dim3A = arith.constant 0.000000e+00 : f32
      %broadcast_in_dim3A_31 = vector.broadcast %broadcast_in_dim3A : f32 to vector<16xf32>
      %swap3A = arith.index_cast %scan3A_30 : i32 to index
      %swap3A_32 = arith.constant 0 : index
      %swap3A_33 = tpu.vector_load %arg14[%swap3A, %swap3A_32] {strides = array<i32>} : memref<196x16xf32, #tpu.memory_space<vmem>>, vector<1x16xf32>,
      %swap3A_34 = vector.shape_cast %swap3A_33 : vector<1x16xf32> to vector<16xf32>
      %swap3A_35 = vector.shape_cast %broadcast_in_dim3A_31 : vector<16xf32> to vector<1x16xf32>
      tpu.vector_store %arg14[%swap3A, %swap3A_32], %swap3A_35 {strides = array<i32>} : memref<196x16xf32, #tpu.memory_space<vmem>>, vector<1x16xf32>,
    }
    %scan3A_5 = arith.constant 196 : i32
    %scan3A_6 = arith.constant 0 : i32
    %scan3A_7 = arith.constant 0 : i32
    %scan3A_8 = arith.constant 32 : i32
    %scan3A_9 = arith.addi %scan3A_7, %scan3A_8 : i32
    %scan3A_10 = arith.constant 1 : i32
    scf.for %scan3A_30 = %scan3A_7 to %scan3A_9 step %scan3A_10  : i32 {
      %mul3A_31 = arith.constant 196 : i32
      %mul3A_32 = arith.muli %scan3A_30, %mul3A_31 : i32
      %add3A = arith.addi %mul3A_0, %mul3A_32 : i32
      "tpu.region"() ({
        %run_scoped3A = tpu.sem_alloc : memref<!tpu.dma_semaphore, #tpu.memory_space<semaphore_mem>>
        %dma_start3A = arith.constant 0 : i32
        %dma_start3A_33 = tpu.memref_slice %arg15[%add3A, %dma_start3A] : memref<100352x16xf32, #tpu.memory_space<vmem_shared>> -> memref<196x16xf32, #tpu.memory_space<vmem_shared>>
        %dma_start3A_34 = arith.constant 0 : i32
        %dma_start3A_35 = tpu.memref_slice %arg15[%add3A, %dma_start3A_34] : memref<100352x16xf32, #tpu.memory_space<vmem_shared>> -> memref<196x16xf32, #tpu.memory_space<vmem_shared>>
        tpu.enqueue_dma source(%arg14 : memref<196x16xf32, #tpu.memory_space<vmem>>) target(%dma_start3A_35 : memref<196x16xf32, #tpu.memory_space<vmem_shared>>) target_semaphore(%run_scoped3A : memref<!tpu.dma_semaphore, #tpu.memory_space<semaphore_mem>>)
        %dma_wait3A = arith.constant 0 : i32
        %dma_wait3A_36 = tpu.memref_slice %arg15[%add3A, %dma_wait3A] : memref<100352x16xf32, #tpu.memory_space<vmem_shared>> -> memref<196x16xf32, #tpu.memory_space<vmem_shared>>
        %dma_wait3A_37 = arith.constant 0 : i32
        %dma_wait3A_38 = tpu.memref_slice %arg15[%add3A, %dma_wait3A_37] : memref<100352x16xf32, #tpu.memory_space<vmem_shared>> -> memref<196x16xf32, #tpu.memory_space<vmem_shared>>
        tpu.wait_dma2 semaphore(%run_scoped3A : memref<!tpu.dma_semaphore, #tpu.memory_space<semaphore_mem>>) src(%arg14 : memref<196x16xf32, #tpu.memory_space<vmem>>) dst(%dma_wait3A_38 : memref<196x16xf32, #tpu.memory_space<vmem_shared>>)
        tpu.yield
      }) : () -> ()
    }
    %scan3A_11 = arith.constant 32 : i32
    %barrier3A = arith.constant 0 : index
    tpu.barrier barrier_id(%barrier3A)
    %eq3A = arith.constant 0 : i32
    %eq3A_12 = arith.cmpi eq, %arg0, %eq3A : i32
    %convert_element_type3A = arith.extui %eq3A_12 : i1 to i32
    %cond3A = arith.constant 0 : i32
    %cond3A_13 = arith.cmpi ne, %convert_element_type3A, %cond3A : i32
    scf.if %cond3A_13 {
      %mul3A_30 = arith.constant 784 : i32
      %mul3A_31 = arith.muli %arg1, %mul3A_30 : i32
      %mul3A_32 = arith.constant 128 : i32
      %mul3A_33 = arith.muli %mul3A_31, %mul3A_32 : i32
      "tpu.region"() ({
        %run_scoped3A = tpu.sem_alloc : memref<!tpu.dma_semaphore, #tpu.memory_space<semaphore_mem>>
        %dma_start3A_48 = tpu.memref_slice %arg2[%mul3A_33] : memref<1605632xi32, #tpu.memory_space<hbm>> -> memref<512xi32, #tpu.memory_space<hbm>>
        %dma_start3A_49 = tpu.memref_slice %arg2[%mul3A_33] : memref<1605632xi32, #tpu.memory_space<hbm>> -> memref<512xi32, #tpu.memory_space<hbm>>
        tpu.enqueue_dma source(%dma_start3A_49 : memref<512xi32, #tpu.memory_space<hbm>>) target(%arg8 : memref<512xi32, #tpu.memory_space<vmem>>) target_semaphore(%run_scoped3A : memref<!tpu.dma_semaphore, #tpu.memory_space<semaphore_mem>>)
        %dma_wait3A_50 = tpu.memref_slice %arg2[%mul3A_33] : memref<1605632xi32, #tpu.memory_space<hbm>> -> memref<512xi32, #tpu.memory_space<hbm>>
        %dma_wait3A_51 = tpu.memref_slice %arg2[%mul3A_33] : memref<1605632xi32, #tpu.memory_space<hbm>> -> memref<512xi32, #tpu.memory_space<hbm>>
        tpu.wait_dma2 semaphore(%run_scoped3A : memref<!tpu.dma_semaphore, #tpu.memory_space<semaphore_mem>>) src(%dma_wait3A_51 : memref<512xi32, #tpu.memory_space<hbm>>) dst(%arg8 : memref<512xi32, #tpu.memory_space<vmem>>)
        tpu.yield
      }) : () -> ()
      %mul3A_34 = arith.constant 784 : i32
      %mul3A_35 = arith.muli %arg1, %mul3A_34 : i32
      %mul3A_36 = arith.constant 128 : i32
      %mul3A_37 = arith.muli %mul3A_35, %mul3A_36 : i32
      "tpu.region"() ({
        %run_scoped3A = tpu.sem_alloc : memref<!tpu.dma_semaphore, #tpu.memory_space<semaphore_mem>>
        %dma_start3A_48 = tpu.memref_slice %arg3[%mul3A_37] : memref<1605632xi32, #tpu.memory_space<hbm>> -> memref<512xi32, #tpu.memory_space<hbm>>
        %dma_start3A_49 = tpu.memref_slice %arg3[%mul3A_37] : memref<1605632xi32, #tpu.memory_space<hbm>> -> memref<512xi32, #tpu.memory_space<hbm>>
        tpu.enqueue_dma source(%dma_start3A_49 : memref<512xi32, #tpu.memory_space<hbm>>) target(%arg10 : memref<512xi32, #tpu.memory_space<vmem>>) target_semaphore(%run_scoped3A : memref<!tpu.dma_semaphore, #tpu.memory_space<semaphore_mem>>)
        %dma_wait3A_50 = tpu.memref_slice %arg3[%mul3A_37] : memref<1605632xi32, #tpu.memory_space<hbm>> -> memref<512xi32, #tpu.memory_space<hbm>>
        %dma_wait3A_51 = tpu.memref_slice %arg3[%mul3A_37] : memref<1605632xi32, #tpu.memory_space<hbm>> -> memref<512xi32, #tpu.memory_space<hbm>>
        tpu.wait_dma2 semaphore(%run_scoped3A : memref<!tpu.dma_semaphore, #tpu.memory_space<semaphore_mem>>) src(%dma_wait3A_51 : memref<512xi32, #tpu.memory_space<hbm>>) dst(%arg10 : memref<512xi32, #tpu.memory_space<vmem>>)
        tpu.yield
      }) : () -> ()
      %dma_start3A = arith.constant 0 : i32
      %dma_start3A_38 = arith.constant 0 : i32
      %dma_start3A_39 = tpu.memref_slice %arg4[%dma_start3A, %dma_start3A_38] : memref<100352x16xf32, #tpu.memory_space<hbm>> -> memref<100352x16xf32, #tpu.memory_space<hbm>>
      tpu.enqueue_indirect_dma source(%dma_start3A_39 : memref<100352x16xf32, #tpu.memory_space<hbm>>) target(%arg12 : memref<512x16xf32, #tpu.memory_space<vmem>>) offsets(%arg8 : memref<512xi32, #tpu.memory_space<vmem>>) semaphore(%arg18 : memref<!tpu.dma_semaphore, #tpu.memory_space<semaphore_mem>>)
      %scan3A_40 = arith.constant 0 : i32
      %scan3A_41 = arith.constant 0 : i32
      %scan3A_42 = arith.constant 98 : i32
      %scan3A_43 = arith.addi %scan3A_41, %scan3A_42 : i32
      %scan3A_44 = arith.constant 1 : i32
      scf.for %scan3A_48 = %scan3A_41 to %scan3A_43 step %scan3A_44  : i32 {
        %mul3A_49 = arith.constant 2 : i32
        %mul3A_50 = arith.muli %mul3A_49, %scan3A_48 : i32
        %add3A = arith.constant 0 : i32
        %add3A_51 = arith.addi %mul3A_50, %add3A : i32
        %gt3A = arith.constant 0 : i32
        %gt3A_52 = arith.cmpi sgt, %scan3A_48, %gt3A : i32
        %convert_element_type3A_53 = arith.extui %gt3A_52 : i1 to i32
        %cond3A_54 = arith.constant 0 : i32
        %cond3A_55 = arith.cmpi ne, %convert_element_type3A_53, %cond3A_54 : i32
        scf.if %cond3A_55 {
          %dma_wait3A_108 = arith.constant 0 : i32
          %dma_wait3A_109 = arith.constant 0 : i32
          %dma_wait3A_110 = tpu.memref_slice %arg15[%dma_wait3A_108, %dma_wait3A_109] : memref<100352x16xf32, #tpu.memory_space<vmem_shared>> -> memref<100352x16xf32, #tpu.memory_space<vmem_shared>>
          tpu.wait_indirect_dma semaphore(%arg21 : memref<!tpu.dma_semaphore, #tpu.memory_space<semaphore_mem>>) src(%arg13 : memref<512x16xf32, #tpu.memory_space<vmem>>) dst(%dma_wait3A_110 : memref<100352x16xf32, #tpu.memory_space<vmem_shared>>)
        } else {
        }
        %add3A_56 = arith.constant 1 : i32
        %add3A_57 = arith.addi %add3A_51, %add3A_56 : i32
        %mul3A_58 = arith.constant 784 : i32
        %mul3A_59 = arith.muli %arg1, %mul3A_58 : i32
        %mul3A_60 = arith.constant 4 : i32
        %mul3A_61 = arith.muli %add3A_57, %mul3A_60 : i32
        %add3A_62 = arith.addi %mul3A_59, %mul3A_61 : i32
        %mul3A_63 = arith.constant 128 : i32
        %mul3A_64 = arith.muli %add3A_62, %mul3A_63 : i32
        %dma_start3A_65 = tpu.memref_slice %arg2[%mul3A_64] : memref<1605632xi32, #tpu.memory_space<hbm>> -> memref<512xi32, #tpu.memory_space<hbm>>
        %dma_start3A_66 = tpu.memref_slice %arg2[%mul3A_64] : memref<1605632xi32, #tpu.memory_space<hbm>> -> memref<512xi32, #tpu.memory_space<hbm>>
        tpu.enqueue_dma source(%dma_start3A_66 : memref<512xi32, #tpu.memory_space<hbm>>) target(%arg9 : memref<512xi32, #tpu.memory_space<vmem>>) target_semaphore(%arg17 : memref<!tpu.dma_semaphore, #tpu.memory_space<semaphore_mem>>)
        %dma_start3A_67 = tpu.memref_slice %arg3[%mul3A_64] : memref<1605632xi32, #tpu.memory_space<hbm>> -> memref<512xi32, #tpu.memory_space<hbm>>
        %dma_start3A_68 = tpu.memref_slice %arg3[%mul3A_64] : memref<1605632xi32, #tpu.memory_space<hbm>> -> memref<512xi32, #tpu.memory_space<hbm>>
        tpu.enqueue_dma source(%dma_start3A_68 : memref<512xi32, #tpu.memory_space<hbm>>) target(%arg11 : memref<512xi32, #tpu.memory_space<vmem>>) target_semaphore(%arg17 : memref<!tpu.dma_semaphore, #tpu.memory_space<semaphore_mem>>)
        %dma_wait3A_69 = arith.constant 0 : i32
        %dma_wait3A_70 = arith.constant 0 : i32
        %dma_wait3A_71 = tpu.memref_slice %arg4[%dma_wait3A_69, %dma_wait3A_70] : memref<100352x16xf32, #tpu.memory_space<hbm>> -> memref<100352x16xf32, #tpu.memory_space<hbm>>
        tpu.wait_indirect_dma semaphore(%arg18 : memref<!tpu.dma_semaphore, #tpu.memory_space<semaphore_mem>>) src(%dma_wait3A_71 : memref<100352x16xf32, #tpu.memory_space<hbm>>) dst(%arg12 : memref<512x16xf32, #tpu.memory_space<vmem>>)
        %dma_wait3A_72 = arith.constant 0 : i32
        %dma_wait3A_73 = tpu.memref_slice %arg2[%dma_wait3A_72] : memref<1605632xi32, #tpu.memory_space<hbm>> -> memref<512xi32, #tpu.memory_space<hbm>>
        %dma_wait3A_74 = arith.constant 0 : i32
        %dma_wait3A_75 = tpu.memref_slice %arg2[%dma_wait3A_74] : memref<1605632xi32, #tpu.memory_space<hbm>> -> memref<512xi32, #tpu.memory_space<hbm>>
        tpu.wait_dma2 semaphore(%arg17 : memref<!tpu.dma_semaphore, #tpu.memory_space<semaphore_mem>>) src(%dma_wait3A_75 : memref<512xi32, #tpu.memory_space<hbm>>) dst(%arg9 : memref<512xi32, #tpu.memory_space<vmem>>)
        %dma_wait3A_76 = arith.constant 0 : i32
        %dma_wait3A_77 = tpu.memref_slice %arg3[%dma_wait3A_76] : memref<1605632xi32, #tpu.memory_space<hbm>> -> memref<512xi32, #tpu.memory_space<hbm>>
        %dma_wait3A_78 = arith.constant 0 : i32
        %dma_wait3A_79 = tpu.memref_slice %arg3[%dma_wait3A_78] : memref<1605632xi32, #tpu.memory_space<hbm>> -> memref<512xi32, #tpu.memory_space<hbm>>
        tpu.wait_dma2 semaphore(%arg17 : memref<!tpu.dma_semaphore, #tpu.memory_space<semaphore_mem>>) src(%dma_wait3A_79 : memref<512xi32, #tpu.memory_space<hbm>>) dst(%arg11 : memref<512xi32, #tpu.memory_space<vmem>>)
        %dma_start3A_80 = arith.constant 0 : i32
        %dma_start3A_81 = arith.constant 0 : i32
        %dma_start3A_82 = tpu.memref_slice %arg4[%dma_start3A_80, %dma_start3A_81] : memref<100352x16xf32, #tpu.memory_space<hbm>> -> memref<100352x16xf32, #tpu.memory_space<hbm>>
        tpu.enqueue_indirect_dma source(%dma_start3A_82 : memref<100352x16xf32, #tpu.memory_space<hbm>>) target(%arg13 : memref<512x16xf32, #tpu.memory_space<vmem>>) offsets(%arg9 : memref<512xi32, #tpu.memory_space<vmem>>) semaphore(%arg19 : memref<!tpu.dma_semaphore, #tpu.memory_space<semaphore_mem>>)
        %dma_start3A_83 = arith.constant 0 : i32
        %dma_start3A_84 = arith.constant 0 : i32
        %dma_start3A_85 = tpu.memref_slice %arg15[%dma_start3A_83, %dma_start3A_84] : memref<100352x16xf32, #tpu.memory_space<vmem_shared>> -> memref<100352x16xf32, #tpu.memory_space<vmem_shared>>
        tpu.enqueue_indirect_dma source(%arg12 : memref<512x16xf32, #tpu.memory_space<vmem>>) target(%dma_start3A_85 : memref<100352x16xf32, #tpu.memory_space<vmem_shared>>) offsets(%arg10 : memref<512xi32, #tpu.memory_space<vmem>>) semaphore(%arg20 : memref<!tpu.dma_semaphore, #tpu.memory_space<semaphore_mem>>) {add = true}
        %mul3A_86 = arith.constant 2 : i32
        %mul3A_87 = arith.muli %mul3A_86, %scan3A_48 : i32
        %add3A_88 = arith.constant 1 : i32
        %add3A_89 = arith.addi %mul3A_87, %add3A_88 : i32
        %dma_wait3A_90 = arith.constant 0 : i32
        %dma_wait3A_91 = arith.constant 0 : i32
        %dma_wait3A_92 = tpu.memref_slice %arg15[%dma_wait3A_90, %dma_wait3A_91] : memref<100352x16xf32, #tpu.memory_space<vmem_shared>> -> memref<100352x16xf32, #tpu.memory_space<vmem_shared>>
        tpu.wait_indirect_dma semaphore(%arg20 : memref<!tpu.dma_semaphore, #tpu.memory_space<semaphore_mem>>) src(%arg12 : memref<512x16xf32, #tpu.memory_space<vmem>>) dst(%dma_wait3A_92 : memref<100352x16xf32, #tpu.memory_space<vmem_shared>>)
        %lt3A = arith.constant 97 : i32
        %lt3A_93 = arith.cmpi slt, %scan3A_48, %lt3A : i32
        %convert_element_type3A_94 = arith.extui %lt3A_93 : i1 to i32
        %cond3A_95 = arith.constant 0 : i32
        %cond3A_96 = arith.cmpi ne, %convert_element_type3A_94, %cond3A_95 : i32
        scf.if %cond3A_96 {
          %add3A_108 = arith.constant 1 : i32
          %add3A_109 = arith.addi %add3A_89, %add3A_108 : i32
          %mul3A_110 = arith.constant 784 : i32
          %mul3A_111 = arith.muli %arg1, %mul3A_110 : i32
          %mul3A_112 = arith.constant 4 : i32
          %mul3A_113 = arith.muli %add3A_109, %mul3A_112 : i32
          %add3A_114 = arith.addi %mul3A_111, %mul3A_113 : i32
          %mul3A_115 = arith.constant 128 : i32
          %mul3A_116 = arith.muli %add3A_114, %mul3A_115 : i32
          %dma_start3A_117 = tpu.memref_slice %arg2[%mul3A_116] : memref<1605632xi32, #tpu.memory_space<hbm>> -> memref<512xi32, #tpu.memory_space<hbm>>
          %dma_start3A_118 = tpu.memref_slice %arg2[%mul3A_116] : memref<1605632xi32, #tpu.memory_space<hbm>> -> memref<512xi32, #tpu.memory_space<hbm>>
          tpu.enqueue_dma source(%dma_start3A_118 : memref<512xi32, #tpu.memory_space<hbm>>) target(%arg8 : memref<512xi32, #tpu.memory_space<vmem>>) target_semaphore(%arg16 : memref<!tpu.dma_semaphore, #tpu.memory_space<semaphore_mem>>)
          %dma_start3A_119 = tpu.memref_slice %arg3[%mul3A_116] : memref<1605632xi32, #tpu.memory_space<hbm>> -> memref<512xi32, #tpu.memory_space<hbm>>
          %dma_start3A_120 = tpu.memref_slice %arg3[%mul3A_116] : memref<1605632xi32, #tpu.memory_space<hbm>> -> memref<512xi32, #tpu.memory_space<hbm>>
          tpu.enqueue_dma source(%dma_start3A_120 : memref<512xi32, #tpu.memory_space<hbm>>) target(%arg10 : memref<512xi32, #tpu.memory_space<vmem>>) target_semaphore(%arg16 : memref<!tpu.dma_semaphore, #tpu.memory_space<semaphore_mem>>)
        } else {
        }
        %dma_wait3A_97 = arith.constant 0 : i32
        %dma_wait3A_98 = arith.constant 0 : i32
        %dma_wait3A_99 = tpu.memref_slice %arg4[%dma_wait3A_97, %dma_wait3A_98] : memref<100352x16xf32, #tpu.memory_space<hbm>> -> memref<100352x16xf32, #tpu.memory_space<hbm>>
        tpu.wait_indirect_dma semaphore(%arg19 : memref<!tpu.dma_semaphore, #tpu.memory_space<semaphore_mem>>) src(%dma_wait3A_99 : memref<100352x16xf32, #tpu.memory_space<hbm>>) dst(%arg13 : memref<512x16xf32, #tpu.memory_space<vmem>>)
        %lt3A_100 = arith.constant 97 : i32
        %lt3A_101 = arith.cmpi slt, %scan3A_48, %lt3A_100 : i32
        %convert_element_type3A_102 = arith.extui %lt3A_101 : i1 to i32
        %cond3A_103 = arith.constant 0 : i32
        %cond3A_104 = arith.cmpi ne, %convert_element_type3A_102, %cond3A_103 : i32
        scf.if %cond3A_104 {
          %dma_wait3A_108 = arith.constant 0 : i32
          %dma_wait3A_109 = tpu.memref_slice %arg2[%dma_wait3A_108] : memref<1605632xi32, #tpu.memory_space<hbm>> -> memref<512xi32, #tpu.memory_space<hbm>>
          %dma_wait3A_110 = arith.constant 0 : i32
          %dma_wait3A_111 = tpu.memref_slice %arg2[%dma_wait3A_110] : memref<1605632xi32, #tpu.memory_space<hbm>> -> memref<512xi32, #tpu.memory_space<hbm>>
          tpu.wait_dma2 semaphore(%arg16 : memref<!tpu.dma_semaphore, #tpu.memory_space<semaphore_mem>>) src(%dma_wait3A_111 : memref<512xi32, #tpu.memory_space<hbm>>) dst(%arg8 : memref<512xi32, #tpu.memory_space<vmem>>)
          %dma_wait3A_112 = arith.constant 0 : i32
          %dma_wait3A_113 = tpu.memref_slice %arg3[%dma_wait3A_112] : memref<1605632xi32, #tpu.memory_space<hbm>> -> memref<512xi32, #tpu.memory_space<hbm>>
          %dma_wait3A_114 = arith.constant 0 : i32
          %dma_wait3A_115 = tpu.memref_slice %arg3[%dma_wait3A_114] : memref<1605632xi32, #tpu.memory_space<hbm>> -> memref<512xi32, #tpu.memory_space<hbm>>
          tpu.wait_dma2 semaphore(%arg16 : memref<!tpu.dma_semaphore, #tpu.memory_space<semaphore_mem>>) src(%dma_wait3A_115 : memref<512xi32, #tpu.memory_space<hbm>>) dst(%arg10 : memref<512xi32, #tpu.memory_space<vmem>>)
          %dma_start3A_116 = arith.constant 0 : i32
          %dma_start3A_117 = arith.constant 0 : i32
          %dma_start3A_118 = tpu.memref_slice %arg4[%dma_start3A_116, %dma_start3A_117] : memref<100352x16xf32, #tpu.memory_space<hbm>> -> memref<100352x16xf32, #tpu.memory_space<hbm>>
          tpu.enqueue_indirect_dma source(%dma_start3A_118 : memref<100352x16xf32, #tpu.memory_space<hbm>>) target(%arg12 : memref<512x16xf32, #tpu.memory_space<vmem>>) offsets(%arg8 : memref<512xi32, #tpu.memory_space<vmem>>) semaphore(%arg18 : memref<!tpu.dma_semaphore, #tpu.memory_space<semaphore_mem>>)
        } else {
        }
        %dma_start3A_105 = arith.constant 0 : i32
        %dma_start3A_106 = arith.constant 0 : i32
        %dma_start3A_107 = tpu.memref_slice %arg15[%dma_start3A_105, %dma_start3A_106] : memref<100352x16xf32, #tpu.memory_space<vmem_shared>> -> memref<100352x16xf32, #tpu.memory_space<vmem_shared>>
        tpu.enqueue_indirect_dma source(%arg13 : memref<512x16xf32, #tpu.memory_space<vmem>>) target(%dma_start3A_107 : memref<100352x16xf32, #tpu.memory_space<vmem_shared>>) offsets(%arg11 : memref<512xi32, #tpu.memory_space<vmem>>) semaphore(%arg21 : memref<!tpu.dma_semaphore, #tpu.memory_space<semaphore_mem>>) {add = true}
      }
      %scan3A_45 = arith.constant 98 : i32
      %dma_wait3A = arith.constant 0 : i32
      %dma_wait3A_46 = arith.constant 0 : i32
      %dma_wait3A_47 = tpu.memref_slice %arg15[%dma_wait3A, %dma_wait3A_46] : memref<100352x16xf32, #tpu.memory_space<vmem_shared>> -> memref<100352x16xf32, #tpu.memory_space<vmem_shared>>
      tpu.wait_indirect_dma semaphore(%arg21 : memref<!tpu.dma_semaphore, #tpu.memory_space<semaphore_mem>>) src(%arg13 : memref<512x16xf32, #tpu.memory_space<vmem>>) dst(%dma_wait3A_47 : memref<100352x16xf32, #tpu.memory_space<vmem_shared>>)
    } else {
    }
    %eq3A_14 = arith.constant 1 : i32
    %eq3A_15 = arith.cmpi eq, %arg0, %eq3A_14 : i32
    %convert_element_type3A_16 = arith.extui %eq3A_15 : i1 to i32
    %cond3A_17 = arith.constant 0 : i32
    %cond3A_18 = arith.cmpi ne, %convert_element_type3A_16, %cond3A_17 : i32
    scf.if %cond3A_18 {
      %mul3A_30 = arith.constant 784 : i32
      %mul3A_31 = arith.muli %arg1, %mul3A_30 : i32
      %mul3A_32 = arith.constant 128 : i32
      %mul3A_33 = arith.muli %mul3A_31, %mul3A_32 : i32
      "tpu.region"() ({
        %run_scoped3A = tpu.sem_alloc : memref<!tpu.dma_semaphore, #tpu.memory_space<semaphore_mem>>
        %dma_start3A_48 = tpu.memref_slice %arg2[%mul3A_33] : memref<1605632xi32, #tpu.memory_space<hbm>> -> memref<512xi32, #tpu.memory_space<hbm>>
        %dma_start3A_49 = tpu.memref_slice %arg2[%mul3A_33] : memref<1605632xi32, #tpu.memory_space<hbm>> -> memref<512xi32, #tpu.memory_space<hbm>>
        tpu.enqueue_dma source(%dma_start3A_49 : memref<512xi32, #tpu.memory_space<hbm>>) target(%arg8 : memref<512xi32, #tpu.memory_space<vmem>>) target_semaphore(%run_scoped3A : memref<!tpu.dma_semaphore, #tpu.memory_space<semaphore_mem>>)
        %dma_wait3A_50 = tpu.memref_slice %arg2[%mul3A_33] : memref<1605632xi32, #tpu.memory_space<hbm>> -> memref<512xi32, #tpu.memory_space<hbm>>
        %dma_wait3A_51 = tpu.memref_slice %arg2[%mul3A_33] : memref<1605632xi32, #tpu.memory_space<hbm>> -> memref<512xi32, #tpu.memory_space<hbm>>
        tpu.wait_dma2 semaphore(%run_scoped3A : memref<!tpu.dma_semaphore, #tpu.memory_space<semaphore_mem>>) src(%dma_wait3A_51 : memref<512xi32, #tpu.memory_space<hbm>>) dst(%arg8 : memref<512xi32, #tpu.memory_space<vmem>>)
        tpu.yield
      }) : () -> ()
      %mul3A_34 = arith.constant 784 : i32
      %mul3A_35 = arith.muli %arg1, %mul3A_34 : i32
      %mul3A_36 = arith.constant 128 : i32
      %mul3A_37 = arith.muli %mul3A_35, %mul3A_36 : i32
      "tpu.region"() ({
        %run_scoped3A = tpu.sem_alloc : memref<!tpu.dma_semaphore, #tpu.memory_space<semaphore_mem>>
        %dma_start3A_48 = tpu.memref_slice %arg3[%mul3A_37] : memref<1605632xi32, #tpu.memory_space<hbm>> -> memref<512xi32, #tpu.memory_space<hbm>>
        %dma_start3A_49 = tpu.memref_slice %arg3[%mul3A_37] : memref<1605632xi32, #tpu.memory_space<hbm>> -> memref<512xi32, #tpu.memory_space<hbm>>
        tpu.enqueue_dma source(%dma_start3A_49 : memref<512xi32, #tpu.memory_space<hbm>>) target(%arg10 : memref<512xi32, #tpu.memory_space<vmem>>) target_semaphore(%run_scoped3A : memref<!tpu.dma_semaphore, #tpu.memory_space<semaphore_mem>>)
        %dma_wait3A_50 = tpu.memref_slice %arg3[%mul3A_37] : memref<1605632xi32, #tpu.memory_space<hbm>> -> memref<512xi32, #tpu.memory_space<hbm>>
        %dma_wait3A_51 = tpu.memref_slice %arg3[%mul3A_37] : memref<1605632xi32, #tpu.memory_space<hbm>> -> memref<512xi32, #tpu.memory_space<hbm>>
        tpu.wait_dma2 semaphore(%run_scoped3A : memref<!tpu.dma_semaphore, #tpu.memory_space<semaphore_mem>>) src(%dma_wait3A_51 : memref<512xi32, #tpu.memory_space<hbm>>) dst(%arg10 : memref<512xi32, #tpu.memory_space<vmem>>)
        tpu.yield
      }) : () -> ()
      %dma_start3A = arith.constant 0 : i32
      %dma_start3A_38 = arith.constant 0 : i32
      %dma_start3A_39 = tpu.memref_slice %arg5[%dma_start3A, %dma_start3A_38] : memref<100352x16xf32, #tpu.memory_space<hbm>> -> memref<100352x16xf32, #tpu.memory_space<hbm>>
      tpu.enqueue_indirect_dma source(%dma_start3A_39 : memref<100352x16xf32, #tpu.memory_space<hbm>>) target(%arg12 : memref<512x16xf32, #tpu.memory_space<vmem>>) offsets(%arg8 : memref<512xi32, #tpu.memory_space<vmem>>) semaphore(%arg18 : memref<!tpu.dma_semaphore, #tpu.memory_space<semaphore_mem>>)
      %scan3A_40 = arith.constant 0 : i32
      %scan3A_41 = arith.constant 0 : i32
      %scan3A_42 = arith.constant 98 : i32
      %scan3A_43 = arith.addi %scan3A_41, %scan3A_42 : i32
      %scan3A_44 = arith.constant 1 : i32
      scf.for %scan3A_48 = %scan3A_41 to %scan3A_43 step %scan3A_44  : i32 {
        %mul3A_49 = arith.constant 2 : i32
        %mul3A_50 = arith.muli %mul3A_49, %scan3A_48 : i32
        %add3A = arith.constant 0 : i32
        %add3A_51 = arith.addi %mul3A_50, %add3A : i32
        %gt3A = arith.constant 0 : i32
        %gt3A_52 = arith.cmpi sgt, %scan3A_48, %gt3A : i32
        %convert_element_type3A_53 = arith.extui %gt3A_52 : i1 to i32
        %cond3A_54 = arith.constant 0 : i32
        %cond3A_55 = arith.cmpi ne, %convert_element_type3A_53, %cond3A_54 : i32
        scf.if %cond3A_55 {
          %dma_wait3A_108 = arith.constant 0 : i32
          %dma_wait3A_109 = arith.constant 0 : i32
          %dma_wait3A_110 = tpu.memref_slice %arg15[%dma_wait3A_108, %dma_wait3A_109] : memref<100352x16xf32, #tpu.memory_space<vmem_shared>> -> memref<100352x16xf32, #tpu.memory_space<vmem_shared>>
          tpu.wait_indirect_dma semaphore(%arg21 : memref<!tpu.dma_semaphore, #tpu.memory_space<semaphore_mem>>) src(%arg13 : memref<512x16xf32, #tpu.memory_space<vmem>>) dst(%dma_wait3A_110 : memref<100352x16xf32, #tpu.memory_space<vmem_shared>>)
        } else {
        }
        %add3A_56 = arith.constant 1 : i32
        %add3A_57 = arith.addi %add3A_51, %add3A_56 : i32
        %mul3A_58 = arith.constant 784 : i32
        %mul3A_59 = arith.muli %arg1, %mul3A_58 : i32
        %mul3A_60 = arith.constant 4 : i32
        %mul3A_61 = arith.muli %add3A_57, %mul3A_60 : i32
        %add3A_62 = arith.addi %mul3A_59, %mul3A_61 : i32
        %mul3A_63 = arith.constant 128 : i32
        %mul3A_64 = arith.muli %add3A_62, %mul3A_63 : i32
        %dma_start3A_65 = tpu.memref_slice %arg2[%mul3A_64] : memref<1605632xi32, #tpu.memory_space<hbm>> -> memref<512xi32, #tpu.memory_space<hbm>>
        %dma_start3A_66 = tpu.memref_slice %arg2[%mul3A_64] : memref<1605632xi32, #tpu.memory_space<hbm>> -> memref<512xi32, #tpu.memory_space<hbm>>
        tpu.enqueue_dma source(%dma_start3A_66 : memref<512xi32, #tpu.memory_space<hbm>>) target(%arg9 : memref<512xi32, #tpu.memory_space<vmem>>) target_semaphore(%arg17 : memref<!tpu.dma_semaphore, #tpu.memory_space<semaphore_mem>>)
        %dma_start3A_67 = tpu.memref_slice %arg3[%mul3A_64] : memref<1605632xi32, #tpu.memory_space<hbm>> -> memref<512xi32, #tpu.memory_space<hbm>>
        %dma_start3A_68 = tpu.memref_slice %arg3[%mul3A_64] : memref<1605632xi32, #tpu.memory_space<hbm>> -> memref<512xi32, #tpu.memory_space<hbm>>
        tpu.enqueue_dma source(%dma_start3A_68 : memref<512xi32, #tpu.memory_space<hbm>>) target(%arg11 : memref<512xi32, #tpu.memory_space<vmem>>) target_semaphore(%arg17 : memref<!tpu.dma_semaphore, #tpu.memory_space<semaphore_mem>>)
        %dma_wait3A_69 = arith.constant 0 : i32
        %dma_wait3A_70 = arith.constant 0 : i32
        %dma_wait3A_71 = tpu.memref_slice %arg5[%dma_wait3A_69, %dma_wait3A_70] : memref<100352x16xf32, #tpu.memory_space<hbm>> -> memref<100352x16xf32, #tpu.memory_space<hbm>>
        tpu.wait_indirect_dma semaphore(%arg18 : memref<!tpu.dma_semaphore, #tpu.memory_space<semaphore_mem>>) src(%dma_wait3A_71 : memref<100352x16xf32, #tpu.memory_space<hbm>>) dst(%arg12 : memref<512x16xf32, #tpu.memory_space<vmem>>)
        %dma_wait3A_72 = arith.constant 0 : i32
        %dma_wait3A_73 = tpu.memref_slice %arg2[%dma_wait3A_72] : memref<1605632xi32, #tpu.memory_space<hbm>> -> memref<512xi32, #tpu.memory_space<hbm>>
        %dma_wait3A_74 = arith.constant 0 : i32
        %dma_wait3A_75 = tpu.memref_slice %arg2[%dma_wait3A_74] : memref<1605632xi32, #tpu.memory_space<hbm>> -> memref<512xi32, #tpu.memory_space<hbm>>
        tpu.wait_dma2 semaphore(%arg17 : memref<!tpu.dma_semaphore, #tpu.memory_space<semaphore_mem>>) src(%dma_wait3A_75 : memref<512xi32, #tpu.memory_space<hbm>>) dst(%arg9 : memref<512xi32, #tpu.memory_space<vmem>>)
        %dma_wait3A_76 = arith.constant 0 : i32
        %dma_wait3A_77 = tpu.memref_slice %arg3[%dma_wait3A_76] : memref<1605632xi32, #tpu.memory_space<hbm>> -> memref<512xi32, #tpu.memory_space<hbm>>
        %dma_wait3A_78 = arith.constant 0 : i32
        %dma_wait3A_79 = tpu.memref_slice %arg3[%dma_wait3A_78] : memref<1605632xi32, #tpu.memory_space<hbm>> -> memref<512xi32, #tpu.memory_space<hbm>>
        tpu.wait_dma2 semaphore(%arg17 : memref<!tpu.dma_semaphore, #tpu.memory_space<semaphore_mem>>) src(%dma_wait3A_79 : memref<512xi32, #tpu.memory_space<hbm>>) dst(%arg11 : memref<512xi32, #tpu.memory_space<vmem>>)
        %dma_start3A_80 = arith.constant 0 : i32
        %dma_start3A_81 = arith.constant 0 : i32
        %dma_start3A_82 = tpu.memref_slice %arg5[%dma_start3A_80, %dma_start3A_81] : memref<100352x16xf32, #tpu.memory_space<hbm>> -> memref<100352x16xf32, #tpu.memory_space<hbm>>
        tpu.enqueue_indirect_dma source(%dma_start3A_82 : memref<100352x16xf32, #tpu.memory_space<hbm>>) target(%arg13 : memref<512x16xf32, #tpu.memory_space<vmem>>) offsets(%arg9 : memref<512xi32, #tpu.memory_space<vmem>>) semaphore(%arg19 : memref<!tpu.dma_semaphore, #tpu.memory_space<semaphore_mem>>)
        %dma_start3A_83 = arith.constant 0 : i32
        %dma_start3A_84 = arith.constant 0 : i32
        %dma_start3A_85 = tpu.memref_slice %arg15[%dma_start3A_83, %dma_start3A_84] : memref<100352x16xf32, #tpu.memory_space<vmem_shared>> -> memref<100352x16xf32, #tpu.memory_space<vmem_shared>>
        tpu.enqueue_indirect_dma source(%arg12 : memref<512x16xf32, #tpu.memory_space<vmem>>) target(%dma_start3A_85 : memref<100352x16xf32, #tpu.memory_space<vmem_shared>>) offsets(%arg10 : memref<512xi32, #tpu.memory_space<vmem>>) semaphore(%arg20 : memref<!tpu.dma_semaphore, #tpu.memory_space<semaphore_mem>>) {add = true}
        %mul3A_86 = arith.constant 2 : i32
        %mul3A_87 = arith.muli %mul3A_86, %scan3A_48 : i32
        %add3A_88 = arith.constant 1 : i32
        %add3A_89 = arith.addi %mul3A_87, %add3A_88 : i32
        %dma_wait3A_90 = arith.constant 0 : i32
        %dma_wait3A_91 = arith.constant 0 : i32
        %dma_wait3A_92 = tpu.memref_slice %arg15[%dma_wait3A_90, %dma_wait3A_91] : memref<100352x16xf32, #tpu.memory_space<vmem_shared>> -> memref<100352x16xf32, #tpu.memory_space<vmem_shared>>
        tpu.wait_indirect_dma semaphore(%arg20 : memref<!tpu.dma_semaphore, #tpu.memory_space<semaphore_mem>>) src(%arg12 : memref<512x16xf32, #tpu.memory_space<vmem>>) dst(%dma_wait3A_92 : memref<100352x16xf32, #tpu.memory_space<vmem_shared>>)
        %lt3A = arith.constant 97 : i32
        %lt3A_93 = arith.cmpi slt, %scan3A_48, %lt3A : i32
        %convert_element_type3A_94 = arith.extui %lt3A_93 : i1 to i32
        %cond3A_95 = arith.constant 0 : i32
        %cond3A_96 = arith.cmpi ne, %convert_element_type3A_94, %cond3A_95 : i32
        scf.if %cond3A_96 {
          %add3A_108 = arith.constant 1 : i32
          %add3A_109 = arith.addi %add3A_89, %add3A_108 : i32
          %mul3A_110 = arith.constant 784 : i32
          %mul3A_111 = arith.muli %arg1, %mul3A_110 : i32
          %mul3A_112 = arith.constant 4 : i32
          %mul3A_113 = arith.muli %add3A_109, %mul3A_112 : i32
          %add3A_114 = arith.addi %mul3A_111, %mul3A_113 : i32
          %mul3A_115 = arith.constant 128 : i32
          %mul3A_116 = arith.muli %add3A_114, %mul3A_115 : i32
          %dma_start3A_117 = tpu.memref_slice %arg2[%mul3A_116] : memref<1605632xi32, #tpu.memory_space<hbm>> -> memref<512xi32, #tpu.memory_space<hbm>>
          %dma_start3A_118 = tpu.memref_slice %arg2[%mul3A_116] : memref<1605632xi32, #tpu.memory_space<hbm>> -> memref<512xi32, #tpu.memory_space<hbm>>
          tpu.enqueue_dma source(%dma_start3A_118 : memref<512xi32, #tpu.memory_space<hbm>>) target(%arg8 : memref<512xi32, #tpu.memory_space<vmem>>) target_semaphore(%arg16 : memref<!tpu.dma_semaphore, #tpu.memory_space<semaphore_mem>>)
          %dma_start3A_119 = tpu.memref_slice %arg3[%mul3A_116] : memref<1605632xi32, #tpu.memory_space<hbm>> -> memref<512xi32, #tpu.memory_space<hbm>>
          %dma_start3A_120 = tpu.memref_slice %arg3[%mul3A_116] : memref<1605632xi32, #tpu.memory_space<hbm>> -> memref<512xi32, #tpu.memory_space<hbm>>
          tpu.enqueue_dma source(%dma_start3A_120 : memref<512xi32, #tpu.memory_space<hbm>>) target(%arg10 : memref<512xi32, #tpu.memory_space<vmem>>) target_semaphore(%arg16 : memref<!tpu.dma_semaphore, #tpu.memory_space<semaphore_mem>>)
        } else {
        }
        %dma_wait3A_97 = arith.constant 0 : i32
        %dma_wait3A_98 = arith.constant 0 : i32
        %dma_wait3A_99 = tpu.memref_slice %arg5[%dma_wait3A_97, %dma_wait3A_98] : memref<100352x16xf32, #tpu.memory_space<hbm>> -> memref<100352x16xf32, #tpu.memory_space<hbm>>
        tpu.wait_indirect_dma semaphore(%arg19 : memref<!tpu.dma_semaphore, #tpu.memory_space<semaphore_mem>>) src(%dma_wait3A_99 : memref<100352x16xf32, #tpu.memory_space<hbm>>) dst(%arg13 : memref<512x16xf32, #tpu.memory_space<vmem>>)
        %lt3A_100 = arith.constant 97 : i32
        %lt3A_101 = arith.cmpi slt, %scan3A_48, %lt3A_100 : i32
        %convert_element_type3A_102 = arith.extui %lt3A_101 : i1 to i32
        %cond3A_103 = arith.constant 0 : i32
        %cond3A_104 = arith.cmpi ne, %convert_element_type3A_102, %cond3A_103 : i32
        scf.if %cond3A_104 {
          %dma_wait3A_108 = arith.constant 0 : i32
          %dma_wait3A_109 = tpu.memref_slice %arg2[%dma_wait3A_108] : memref<1605632xi32, #tpu.memory_space<hbm>> -> memref<512xi32, #tpu.memory_space<hbm>>
          %dma_wait3A_110 = arith.constant 0 : i32
          %dma_wait3A_111 = tpu.memref_slice %arg2[%dma_wait3A_110] : memref<1605632xi32, #tpu.memory_space<hbm>> -> memref<512xi32, #tpu.memory_space<hbm>>
          tpu.wait_dma2 semaphore(%arg16 : memref<!tpu.dma_semaphore, #tpu.memory_space<semaphore_mem>>) src(%dma_wait3A_111 : memref<512xi32, #tpu.memory_space<hbm>>) dst(%arg8 : memref<512xi32, #tpu.memory_space<vmem>>)
          %dma_wait3A_112 = arith.constant 0 : i32
          %dma_wait3A_113 = tpu.memref_slice %arg3[%dma_wait3A_112] : memref<1605632xi32, #tpu.memory_space<hbm>> -> memref<512xi32, #tpu.memory_space<hbm>>
          %dma_wait3A_114 = arith.constant 0 : i32
          %dma_wait3A_115 = tpu.memref_slice %arg3[%dma_wait3A_114] : memref<1605632xi32, #tpu.memory_space<hbm>> -> memref<512xi32, #tpu.memory_space<hbm>>
          tpu.wait_dma2 semaphore(%arg16 : memref<!tpu.dma_semaphore, #tpu.memory_space<semaphore_mem>>) src(%dma_wait3A_115 : memref<512xi32, #tpu.memory_space<hbm>>) dst(%arg10 : memref<512xi32, #tpu.memory_space<vmem>>)
          %dma_start3A_116 = arith.constant 0 : i32
          %dma_start3A_117 = arith.constant 0 : i32
          %dma_start3A_118 = tpu.memref_slice %arg5[%dma_start3A_116, %dma_start3A_117] : memref<100352x16xf32, #tpu.memory_space<hbm>> -> memref<100352x16xf32, #tpu.memory_space<hbm>>
          tpu.enqueue_indirect_dma source(%dma_start3A_118 : memref<100352x16xf32, #tpu.memory_space<hbm>>) target(%arg12 : memref<512x16xf32, #tpu.memory_space<vmem>>) offsets(%arg8 : memref<512xi32, #tpu.memory_space<vmem>>) semaphore(%arg18 : memref<!tpu.dma_semaphore, #tpu.memory_space<semaphore_mem>>)
        } else {
        }
        %dma_start3A_105 = arith.constant 0 : i32
        %dma_start3A_106 = arith.constant 0 : i32
        %dma_start3A_107 = tpu.memref_slice %arg15[%dma_start3A_105, %dma_start3A_106] : memref<100352x16xf32, #tpu.memory_space<vmem_shared>> -> memref<100352x16xf32, #tpu.memory_space<vmem_shared>>
        tpu.enqueue_indirect_dma source(%arg13 : memref<512x16xf32, #tpu.memory_space<vmem>>) target(%dma_start3A_107 : memref<100352x16xf32, #tpu.memory_space<vmem_shared>>) offsets(%arg11 : memref<512xi32, #tpu.memory_space<vmem>>) semaphore(%arg21 : memref<!tpu.dma_semaphore, #tpu.memory_space<semaphore_mem>>) {add = true}
      }
      %scan3A_45 = arith.constant 98 : i32
      %dma_wait3A = arith.constant 0 : i32
      %dma_wait3A_46 = arith.constant 0 : i32
      %dma_wait3A_47 = tpu.memref_slice %arg15[%dma_wait3A, %dma_wait3A_46] : memref<100352x16xf32, #tpu.memory_space<vmem_shared>> -> memref<100352x16xf32, #tpu.memory_space<vmem_shared>>
      tpu.wait_indirect_dma semaphore(%arg21 : memref<!tpu.dma_semaphore, #tpu.memory_space<semaphore_mem>>) src(%arg13 : memref<512x16xf32, #tpu.memory_space<vmem>>) dst(%dma_wait3A_47 : memref<100352x16xf32, #tpu.memory_space<vmem_shared>>)
    } else {
    }
    %barrier3A_19 = arith.constant 0 : index
    tpu.barrier barrier_id(%barrier3A_19)
    %eq3A_20 = arith.constant 0 : i32
    %eq3A_21 = arith.cmpi eq, %arg0, %eq3A_20 : i32
    %convert_element_type3A_22 = arith.extui %eq3A_21 : i1 to i32
    %cond3A_23 = arith.constant 0 : i32
    %cond3A_24 = arith.cmpi ne, %convert_element_type3A_22, %cond3A_23 : i32
    scf.if %cond3A_24 {
      "tpu.region"() ({
        %run_scoped3A = tpu.sem_alloc : memref<!tpu.dma_semaphore, #tpu.memory_space<semaphore_mem>>
        %dma_start3A = arith.constant 0 : i32
        %dma_start3A_30 = tpu.memref_slice %arg6[%mul3A_0, %dma_start3A] : memref<100352x16xf32, #tpu.memory_space<hbm>> -> memref<6272x16xf32, #tpu.memory_space<hbm>>
        %dma_start3A_31 = arith.constant 0 : i32
        %dma_start3A_32 = tpu.memref_slice %arg15[%mul3A_0, %dma_start3A_31] : memref<100352x16xf32, #tpu.memory_space<vmem_shared>> -> memref<6272x16xf32, #tpu.memory_space<vmem_shared>>
        tpu.enqueue_dma source(%dma_start3A_32 : memref<6272x16xf32, #tpu.memory_space<vmem_shared>>) target(%dma_start3A_30 : memref<6272x16xf32, #tpu.memory_space<hbm>>) target_semaphore(%run_scoped3A : memref<!tpu.dma_semaphore, #tpu.memory_space<semaphore_mem>>)
        %dma_wait3A = arith.constant 0 : i32
        %dma_wait3A_33 = tpu.memref_slice %arg6[%mul3A_0, %dma_wait3A] : memref<100352x16xf32, #tpu.memory_space<hbm>> -> memref<6272x16xf32, #tpu.memory_space<hbm>>
        %dma_wait3A_34 = arith.constant 0 : i32
        %dma_wait3A_35 = tpu.memref_slice %arg15[%mul3A_0, %dma_wait3A_34] : memref<100352x16xf32, #tpu.memory_space<vmem_shared>> -> memref<6272x16xf32, #tpu.memory_space<vmem_shared>>
        tpu.wait_dma2 semaphore(%run_scoped3A : memref<!tpu.dma_semaphore, #tpu.memory_space<semaphore_mem>>) src(%dma_wait3A_35 : memref<6272x16xf32, #tpu.memory_space<vmem_shared>>) dst(%dma_wait3A_33 : memref<6272x16xf32, #tpu.memory_space<hbm>>)
        tpu.yield
      }) : () -> ()
    } else {
    }
    %eq3A_25 = arith.constant 1 : i32
    %eq3A_26 = arith.cmpi eq, %arg0, %eq3A_25 : i32
    %convert_element_type3A_27 = arith.extui %eq3A_26 : i1 to i32
    %cond3A_28 = arith.constant 0 : i32
    %cond3A_29 = arith.cmpi ne, %convert_element_type3A_27, %cond3A_28 : i32
    scf.if %cond3A_29 {
      "tpu.region"() ({
        %run_scoped3A = tpu.sem_alloc : memref<!tpu.dma_semaphore, #tpu.memory_space<semaphore_mem>>
        %dma_start3A = arith.constant 0 : i32
        %dma_start3A_30 = tpu.memref_slice %arg7[%mul3A_0, %dma_start3A] : memref<100352x16xf32, #tpu.memory_space<hbm>> -> memref<6272x16xf32, #tpu.memory_space<hbm>>
        %dma_start3A_31 = arith.constant 0 : i32
        %dma_start3A_32 = tpu.memref_slice %arg15[%mul3A_0, %dma_start3A_31] : memref<100352x16xf32, #tpu.memory_space<vmem_shared>> -> memref<6272x16xf32, #tpu.memory_space<vmem_shared>>
        tpu.enqueue_dma source(%dma_start3A_32 : memref<6272x16xf32, #tpu.memory_space<vmem_shared>>) target(%dma_start3A_30 : memref<6272x16xf32, #tpu.memory_space<hbm>>) target_semaphore(%run_scoped3A : memref<!tpu.dma_semaphore, #tpu.memory_space<semaphore_mem>>)
        %dma_wait3A = arith.constant 0 : i32
        %dma_wait3A_33 = tpu.memref_slice %arg7[%mul3A_0, %dma_wait3A] : memref<100352x16xf32, #tpu.memory_space<hbm>> -> memref<6272x16xf32, #tpu.memory_space<hbm>>
        %dma_wait3A_34 = arith.constant 0 : i32
        %dma_wait3A_35 = tpu.memref_slice %arg15[%mul3A_0, %dma_wait3A_34] : memref<100352x16xf32, #tpu.memory_space<vmem_shared>> -> memref<6272x16xf32, #tpu.memory_space<vmem_shared>>
        tpu.wait_dma2 semaphore(%run_scoped3A : memref<!tpu.dma_semaphore, #tpu.memory_space<semaphore_mem>>) src(%dma_wait3A_35 : memref<6272x16xf32, #tpu.memory_space<vmem_shared>>) dst(%dma_wait3A_33 : memref<6272x16xf32, #tpu.memory_space<hbm>>)
        tpu.yield
      }) : () -> ()
    } else {
    }
    return
  }
}

#map = affine_map<(d0, d1) -> (0)>
#map1 = affine_map<(d0, d1) -> (0, 0)>
module attributes {stable_mosaic.version = 14 : i64} {
  func.func @agg(%arg0: i32, %arg1: i32, %arg2: memref<1605632xi32, #tpu.memory_space<hbm>>, %arg3: memref<1605632xi32, #tpu.memory_space<hbm>>, %arg4: memref<100352x16xf32, #tpu.memory_space<hbm>>, %arg5: memref<100352x16xf32, #tpu.memory_space<hbm>>, %arg6: memref<512xi32, #tpu.memory_space<vmem>>, %arg7: memref<512xi32, #tpu.memory_space<vmem>>, %arg8: memref<512xi32, #tpu.memory_space<vmem>>, %arg9: memref<512xi32, #tpu.memory_space<vmem>>, %arg10: memref<512x16xf32, #tpu.memory_space<vmem>>, %arg11: memref<512x16xf32, #tpu.memory_space<vmem>>, %arg12: memref<196x16xf32, #tpu.memory_space<vmem>>, %arg13: memref<100352x16xf32, #tpu.memory_space<vmem_shared>>, %arg14: memref<!tpu.dma_semaphore, #tpu.memory_space<semaphore_mem>>, %arg15: memref<!tpu.dma_semaphore, #tpu.memory_space<semaphore_mem>>, %arg16: memref<!tpu.dma_semaphore, #tpu.memory_space<semaphore_mem>>, %arg17: memref<!tpu.dma_semaphore, #tpu.memory_space<semaphore_mem>>, %arg18: memref<!tpu.dma_semaphore, #tpu.memory_space<semaphore_mem>>, %arg19: memref<!tpu.dma_semaphore, #tpu.memory_space<semaphore_mem>>) attributes {dimension_semantics = [#tpu.dimension_semantics<core_parallel>, #tpu.dimension_semantics<subcore_parallel>], iteration_bounds = array<i64: 2, 16>, scalar_prefetch = 0 : i64, scratch_operands = 14 : i64, tpu.core_type = #tpu.core_type<sc_vector_subcore>, window_params = [{transform_indices = #map}, {transform_indices = #map}, {transform_indices = #map1}, {transform_indices = #map1}]} {
    %mul3A = arith.constant 6272 : i32
    %mul3A_0 = arith.muli %arg1, %mul3A : i32
    %scan3A = arith.constant 0 : i32
    %scan3A_1 = arith.constant 0 : i32
    %scan3A_2 = arith.constant 196 : i32
    %scan3A_3 = arith.addi %scan3A_1, %scan3A_2 : i32
    %scan3A_4 = arith.constant 1 : i32
    scf.for %scan3A_20 = %scan3A_1 to %scan3A_3 step %scan3A_4  : i32 {
      %broadcast_in_dim3A = arith.constant 0.000000e+00 : f32
      %broadcast_in_dim3A_21 = vector.broadcast %broadcast_in_dim3A : f32 to vector<16xf32>
      %swap3A = arith.index_cast %scan3A_20 : i32 to index
      %swap3A_22 = arith.constant 0 : index
      %swap3A_23 = tpu.vector_load %arg12[%swap3A, %swap3A_22] {strides = array<i32>} : memref<196x16xf32, #tpu.memory_space<vmem>>, vector<1x16xf32>,
      %swap3A_24 = vector.shape_cast %swap3A_23 : vector<1x16xf32> to vector<16xf32>
      %swap3A_25 = vector.shape_cast %broadcast_in_dim3A_21 : vector<16xf32> to vector<1x16xf32>
      tpu.vector_store %arg12[%swap3A, %swap3A_22], %swap3A_25 {strides = array<i32>} : memref<196x16xf32, #tpu.memory_space<vmem>>, vector<1x16xf32>,
    }
    %scan3A_5 = arith.constant 196 : i32
    %scan3A_6 = arith.constant 0 : i32
    %scan3A_7 = arith.constant 0 : i32
    %scan3A_8 = arith.constant 32 : i32
    %scan3A_9 = arith.addi %scan3A_7, %scan3A_8 : i32
    %scan3A_10 = arith.constant 1 : i32
    scf.for %scan3A_20 = %scan3A_7 to %scan3A_9 step %scan3A_10  : i32 {
      %mul3A_21 = arith.constant 196 : i32
      %mul3A_22 = arith.muli %scan3A_20, %mul3A_21 : i32
      %add3A = arith.addi %mul3A_0, %mul3A_22 : i32
      "tpu.region"() ({
        %run_scoped3A = tpu.sem_alloc : memref<!tpu.dma_semaphore, #tpu.memory_space<semaphore_mem>>
        %dma_start3A = arith.constant 0 : i32
        %dma_start3A_23 = tpu.memref_slice %arg13[%add3A, %dma_start3A] : memref<100352x16xf32, #tpu.memory_space<vmem_shared>> -> memref<196x16xf32, #tpu.memory_space<vmem_shared>>
        %dma_start3A_24 = arith.constant 0 : i32
        %dma_start3A_25 = tpu.memref_slice %arg13[%add3A, %dma_start3A_24] : memref<100352x16xf32, #tpu.memory_space<vmem_shared>> -> memref<196x16xf32, #tpu.memory_space<vmem_shared>>
        tpu.enqueue_dma source(%arg12 : memref<196x16xf32, #tpu.memory_space<vmem>>) target(%dma_start3A_25 : memref<196x16xf32, #tpu.memory_space<vmem_shared>>) target_semaphore(%run_scoped3A : memref<!tpu.dma_semaphore, #tpu.memory_space<semaphore_mem>>)
        %dma_wait3A = arith.constant 0 : i32
        %dma_wait3A_26 = tpu.memref_slice %arg13[%add3A, %dma_wait3A] : memref<100352x16xf32, #tpu.memory_space<vmem_shared>> -> memref<196x16xf32, #tpu.memory_space<vmem_shared>>
        %dma_wait3A_27 = arith.constant 0 : i32
        %dma_wait3A_28 = tpu.memref_slice %arg13[%add3A, %dma_wait3A_27] : memref<100352x16xf32, #tpu.memory_space<vmem_shared>> -> memref<196x16xf32, #tpu.memory_space<vmem_shared>>
        tpu.wait_dma2 semaphore(%run_scoped3A : memref<!tpu.dma_semaphore, #tpu.memory_space<semaphore_mem>>) src(%arg12 : memref<196x16xf32, #tpu.memory_space<vmem>>) dst(%dma_wait3A_28 : memref<196x16xf32, #tpu.memory_space<vmem_shared>>)
        tpu.yield
      }) : () -> ()
    }
    %scan3A_11 = arith.constant 32 : i32
    %barrier3A = arith.constant 0 : index
    tpu.barrier barrier_id(%barrier3A)
    %eq3A = arith.constant 0 : i32
    %eq3A_12 = arith.cmpi eq, %arg0, %eq3A : i32
    %convert_element_type3A = arith.extui %eq3A_12 : i1 to i32
    %cond3A = arith.constant 0 : i32
    %cond3A_13 = arith.cmpi ne, %convert_element_type3A, %cond3A : i32
    scf.if %cond3A_13 {
      %mul3A_20 = arith.constant 784 : i32
      %mul3A_21 = arith.muli %arg1, %mul3A_20 : i32
      %mul3A_22 = arith.constant 128 : i32
      %mul3A_23 = arith.muli %mul3A_21, %mul3A_22 : i32
      "tpu.region"() ({
        %run_scoped3A = tpu.sem_alloc : memref<!tpu.dma_semaphore, #tpu.memory_space<semaphore_mem>>
        %dma_start3A_38 = tpu.memref_slice %arg2[%mul3A_23] : memref<1605632xi32, #tpu.memory_space<hbm>> -> memref<512xi32, #tpu.memory_space<hbm>>
        %dma_start3A_39 = tpu.memref_slice %arg2[%mul3A_23] : memref<1605632xi32, #tpu.memory_space<hbm>> -> memref<512xi32, #tpu.memory_space<hbm>>
        tpu.enqueue_dma source(%dma_start3A_39 : memref<512xi32, #tpu.memory_space<hbm>>) target(%arg6 : memref<512xi32, #tpu.memory_space<vmem>>) target_semaphore(%run_scoped3A : memref<!tpu.dma_semaphore, #tpu.memory_space<semaphore_mem>>)
        %dma_wait3A_40 = tpu.memref_slice %arg2[%mul3A_23] : memref<1605632xi32, #tpu.memory_space<hbm>> -> memref<512xi32, #tpu.memory_space<hbm>>
        %dma_wait3A_41 = tpu.memref_slice %arg2[%mul3A_23] : memref<1605632xi32, #tpu.memory_space<hbm>> -> memref<512xi32, #tpu.memory_space<hbm>>
        tpu.wait_dma2 semaphore(%run_scoped3A : memref<!tpu.dma_semaphore, #tpu.memory_space<semaphore_mem>>) src(%dma_wait3A_41 : memref<512xi32, #tpu.memory_space<hbm>>) dst(%arg6 : memref<512xi32, #tpu.memory_space<vmem>>)
        tpu.yield
      }) : () -> ()
      %mul3A_24 = arith.constant 784 : i32
      %mul3A_25 = arith.muli %arg1, %mul3A_24 : i32
      %mul3A_26 = arith.constant 128 : i32
      %mul3A_27 = arith.muli %mul3A_25, %mul3A_26 : i32
      "tpu.region"() ({
        %run_scoped3A = tpu.sem_alloc : memref<!tpu.dma_semaphore, #tpu.memory_space<semaphore_mem>>
        %dma_start3A_38 = tpu.memref_slice %arg3[%mul3A_27] : memref<1605632xi32, #tpu.memory_space<hbm>> -> memref<512xi32, #tpu.memory_space<hbm>>
        %dma_start3A_39 = tpu.memref_slice %arg3[%mul3A_27] : memref<1605632xi32, #tpu.memory_space<hbm>> -> memref<512xi32, #tpu.memory_space<hbm>>
        tpu.enqueue_dma source(%dma_start3A_39 : memref<512xi32, #tpu.memory_space<hbm>>) target(%arg8 : memref<512xi32, #tpu.memory_space<vmem>>) target_semaphore(%run_scoped3A : memref<!tpu.dma_semaphore, #tpu.memory_space<semaphore_mem>>)
        %dma_wait3A_40 = tpu.memref_slice %arg3[%mul3A_27] : memref<1605632xi32, #tpu.memory_space<hbm>> -> memref<512xi32, #tpu.memory_space<hbm>>
        %dma_wait3A_41 = tpu.memref_slice %arg3[%mul3A_27] : memref<1605632xi32, #tpu.memory_space<hbm>> -> memref<512xi32, #tpu.memory_space<hbm>>
        tpu.wait_dma2 semaphore(%run_scoped3A : memref<!tpu.dma_semaphore, #tpu.memory_space<semaphore_mem>>) src(%dma_wait3A_41 : memref<512xi32, #tpu.memory_space<hbm>>) dst(%arg8 : memref<512xi32, #tpu.memory_space<vmem>>)
        tpu.yield
      }) : () -> ()
      %dma_start3A = arith.constant 0 : i32
      %dma_start3A_28 = arith.constant 0 : i32
      %dma_start3A_29 = tpu.memref_slice %arg4[%dma_start3A, %dma_start3A_28] : memref<100352x16xf32, #tpu.memory_space<hbm>> -> memref<100352x16xf32, #tpu.memory_space<hbm>>
      tpu.enqueue_indirect_dma source(%dma_start3A_29 : memref<100352x16xf32, #tpu.memory_space<hbm>>) target(%arg10 : memref<512x16xf32, #tpu.memory_space<vmem>>) offsets(%arg6 : memref<512xi32, #tpu.memory_space<vmem>>) semaphore(%arg16 : memref<!tpu.dma_semaphore, #tpu.memory_space<semaphore_mem>>)
      %scan3A_30 = arith.constant 0 : i32
      %scan3A_31 = arith.constant 0 : i32
      %scan3A_32 = arith.constant 98 : i32
      %scan3A_33 = arith.addi %scan3A_31, %scan3A_32 : i32
      %scan3A_34 = arith.constant 1 : i32
      scf.for %scan3A_38 = %scan3A_31 to %scan3A_33 step %scan3A_34  : i32 {
        %mul3A_39 = arith.constant 2 : i32
        %mul3A_40 = arith.muli %mul3A_39, %scan3A_38 : i32
        %add3A = arith.constant 0 : i32
        %add3A_41 = arith.addi %mul3A_40, %add3A : i32
        %gt3A = arith.constant 0 : i32
        %gt3A_42 = arith.cmpi sgt, %scan3A_38, %gt3A : i32
        %convert_element_type3A_43 = arith.extui %gt3A_42 : i1 to i32
        %cond3A_44 = arith.constant 0 : i32
        %cond3A_45 = arith.cmpi ne, %convert_element_type3A_43, %cond3A_44 : i32
        scf.if %cond3A_45 {
          %dma_wait3A_98 = arith.constant 0 : i32
          %dma_wait3A_99 = arith.constant 0 : i32
          %dma_wait3A_100 = tpu.memref_slice %arg13[%dma_wait3A_98, %dma_wait3A_99] : memref<100352x16xf32, #tpu.memory_space<vmem_shared>> -> memref<100352x16xf32, #tpu.memory_space<vmem_shared>>
          tpu.wait_indirect_dma semaphore(%arg19 : memref<!tpu.dma_semaphore, #tpu.memory_space<semaphore_mem>>) src(%arg11 : memref<512x16xf32, #tpu.memory_space<vmem>>) dst(%dma_wait3A_100 : memref<100352x16xf32, #tpu.memory_space<vmem_shared>>)
        } else {
        }
        %add3A_46 = arith.constant 1 : i32
        %add3A_47 = arith.addi %add3A_41, %add3A_46 : i32
        %mul3A_48 = arith.constant 784 : i32
        %mul3A_49 = arith.muli %arg1, %mul3A_48 : i32
        %mul3A_50 = arith.constant 4 : i32
        %mul3A_51 = arith.muli %add3A_47, %mul3A_50 : i32
        %add3A_52 = arith.addi %mul3A_49, %mul3A_51 : i32
        %mul3A_53 = arith.constant 128 : i32
        %mul3A_54 = arith.muli %add3A_52, %mul3A_53 : i32
        %dma_start3A_55 = tpu.memref_slice %arg2[%mul3A_54] : memref<1605632xi32, #tpu.memory_space<hbm>> -> memref<512xi32, #tpu.memory_space<hbm>>
        %dma_start3A_56 = tpu.memref_slice %arg2[%mul3A_54] : memref<1605632xi32, #tpu.memory_space<hbm>> -> memref<512xi32, #tpu.memory_space<hbm>>
        tpu.enqueue_dma source(%dma_start3A_56 : memref<512xi32, #tpu.memory_space<hbm>>) target(%arg7 : memref<512xi32, #tpu.memory_space<vmem>>) target_semaphore(%arg15 : memref<!tpu.dma_semaphore, #tpu.memory_space<semaphore_mem>>)
        %dma_start3A_57 = tpu.memref_slice %arg3[%mul3A_54] : memref<1605632xi32, #tpu.memory_space<hbm>> -> memref<512xi32, #tpu.memory_space<hbm>>
        %dma_start3A_58 = tpu.memref_slice %arg3[%mul3A_54] : memref<1605632xi32, #tpu.memory_space<hbm>> -> memref<512xi32, #tpu.memory_space<hbm>>
        tpu.enqueue_dma source(%dma_start3A_58 : memref<512xi32, #tpu.memory_space<hbm>>) target(%arg9 : memref<512xi32, #tpu.memory_space<vmem>>) target_semaphore(%arg15 : memref<!tpu.dma_semaphore, #tpu.memory_space<semaphore_mem>>)
        %dma_wait3A_59 = arith.constant 0 : i32
        %dma_wait3A_60 = arith.constant 0 : i32
        %dma_wait3A_61 = tpu.memref_slice %arg4[%dma_wait3A_59, %dma_wait3A_60] : memref<100352x16xf32, #tpu.memory_space<hbm>> -> memref<100352x16xf32, #tpu.memory_space<hbm>>
        tpu.wait_indirect_dma semaphore(%arg16 : memref<!tpu.dma_semaphore, #tpu.memory_space<semaphore_mem>>) src(%dma_wait3A_61 : memref<100352x16xf32, #tpu.memory_space<hbm>>) dst(%arg10 : memref<512x16xf32, #tpu.memory_space<vmem>>)
        %dma_wait3A_62 = arith.constant 0 : i32
        %dma_wait3A_63 = tpu.memref_slice %arg2[%dma_wait3A_62] : memref<1605632xi32, #tpu.memory_space<hbm>> -> memref<512xi32, #tpu.memory_space<hbm>>
        %dma_wait3A_64 = arith.constant 0 : i32
        %dma_wait3A_65 = tpu.memref_slice %arg2[%dma_wait3A_64] : memref<1605632xi32, #tpu.memory_space<hbm>> -> memref<512xi32, #tpu.memory_space<hbm>>
        tpu.wait_dma2 semaphore(%arg15 : memref<!tpu.dma_semaphore, #tpu.memory_space<semaphore_mem>>) src(%dma_wait3A_65 : memref<512xi32, #tpu.memory_space<hbm>>) dst(%arg7 : memref<512xi32, #tpu.memory_space<vmem>>)
        %dma_wait3A_66 = arith.constant 0 : i32
        %dma_wait3A_67 = tpu.memref_slice %arg3[%dma_wait3A_66] : memref<1605632xi32, #tpu.memory_space<hbm>> -> memref<512xi32, #tpu.memory_space<hbm>>
        %dma_wait3A_68 = arith.constant 0 : i32
        %dma_wait3A_69 = tpu.memref_slice %arg3[%dma_wait3A_68] : memref<1605632xi32, #tpu.memory_space<hbm>> -> memref<512xi32, #tpu.memory_space<hbm>>
        tpu.wait_dma2 semaphore(%arg15 : memref<!tpu.dma_semaphore, #tpu.memory_space<semaphore_mem>>) src(%dma_wait3A_69 : memref<512xi32, #tpu.memory_space<hbm>>) dst(%arg9 : memref<512xi32, #tpu.memory_space<vmem>>)
        %dma_start3A_70 = arith.constant 0 : i32
        %dma_start3A_71 = arith.constant 0 : i32
        %dma_start3A_72 = tpu.memref_slice %arg4[%dma_start3A_70, %dma_start3A_71] : memref<100352x16xf32, #tpu.memory_space<hbm>> -> memref<100352x16xf32, #tpu.memory_space<hbm>>
        tpu.enqueue_indirect_dma source(%dma_start3A_72 : memref<100352x16xf32, #tpu.memory_space<hbm>>) target(%arg11 : memref<512x16xf32, #tpu.memory_space<vmem>>) offsets(%arg7 : memref<512xi32, #tpu.memory_space<vmem>>) semaphore(%arg17 : memref<!tpu.dma_semaphore, #tpu.memory_space<semaphore_mem>>)
        %dma_start3A_73 = arith.constant 0 : i32
        %dma_start3A_74 = arith.constant 0 : i32
        %dma_start3A_75 = tpu.memref_slice %arg13[%dma_start3A_73, %dma_start3A_74] : memref<100352x16xf32, #tpu.memory_space<vmem_shared>> -> memref<100352x16xf32, #tpu.memory_space<vmem_shared>>
        tpu.enqueue_indirect_dma source(%arg10 : memref<512x16xf32, #tpu.memory_space<vmem>>) target(%dma_start3A_75 : memref<100352x16xf32, #tpu.memory_space<vmem_shared>>) offsets(%arg8 : memref<512xi32, #tpu.memory_space<vmem>>) semaphore(%arg18 : memref<!tpu.dma_semaphore, #tpu.memory_space<semaphore_mem>>) {add = true}
        %mul3A_76 = arith.constant 2 : i32
        %mul3A_77 = arith.muli %mul3A_76, %scan3A_38 : i32
        %add3A_78 = arith.constant 1 : i32
        %add3A_79 = arith.addi %mul3A_77, %add3A_78 : i32
        %dma_wait3A_80 = arith.constant 0 : i32
        %dma_wait3A_81 = arith.constant 0 : i32
        %dma_wait3A_82 = tpu.memref_slice %arg13[%dma_wait3A_80, %dma_wait3A_81] : memref<100352x16xf32, #tpu.memory_space<vmem_shared>> -> memref<100352x16xf32, #tpu.memory_space<vmem_shared>>
        tpu.wait_indirect_dma semaphore(%arg18 : memref<!tpu.dma_semaphore, #tpu.memory_space<semaphore_mem>>) src(%arg10 : memref<512x16xf32, #tpu.memory_space<vmem>>) dst(%dma_wait3A_82 : memref<100352x16xf32, #tpu.memory_space<vmem_shared>>)
        %lt3A = arith.constant 97 : i32
        %lt3A_83 = arith.cmpi slt, %scan3A_38, %lt3A : i32
        %convert_element_type3A_84 = arith.extui %lt3A_83 : i1 to i32
        %cond3A_85 = arith.constant 0 : i32
        %cond3A_86 = arith.cmpi ne, %convert_element_type3A_84, %cond3A_85 : i32
        scf.if %cond3A_86 {
          %add3A_98 = arith.constant 1 : i32
          %add3A_99 = arith.addi %add3A_79, %add3A_98 : i32
          %mul3A_100 = arith.constant 784 : i32
          %mul3A_101 = arith.muli %arg1, %mul3A_100 : i32
          %mul3A_102 = arith.constant 4 : i32
          %mul3A_103 = arith.muli %add3A_99, %mul3A_102 : i32
          %add3A_104 = arith.addi %mul3A_101, %mul3A_103 : i32
          %mul3A_105 = arith.constant 128 : i32
          %mul3A_106 = arith.muli %add3A_104, %mul3A_105 : i32
          %dma_start3A_107 = tpu.memref_slice %arg2[%mul3A_106] : memref<1605632xi32, #tpu.memory_space<hbm>> -> memref<512xi32, #tpu.memory_space<hbm>>
          %dma_start3A_108 = tpu.memref_slice %arg2[%mul3A_106] : memref<1605632xi32, #tpu.memory_space<hbm>> -> memref<512xi32, #tpu.memory_space<hbm>>
          tpu.enqueue_dma source(%dma_start3A_108 : memref<512xi32, #tpu.memory_space<hbm>>) target(%arg6 : memref<512xi32, #tpu.memory_space<vmem>>) target_semaphore(%arg14 : memref<!tpu.dma_semaphore, #tpu.memory_space<semaphore_mem>>)
          %dma_start3A_109 = tpu.memref_slice %arg3[%mul3A_106] : memref<1605632xi32, #tpu.memory_space<hbm>> -> memref<512xi32, #tpu.memory_space<hbm>>
          %dma_start3A_110 = tpu.memref_slice %arg3[%mul3A_106] : memref<1605632xi32, #tpu.memory_space<hbm>> -> memref<512xi32, #tpu.memory_space<hbm>>
          tpu.enqueue_dma source(%dma_start3A_110 : memref<512xi32, #tpu.memory_space<hbm>>) target(%arg8 : memref<512xi32, #tpu.memory_space<vmem>>) target_semaphore(%arg14 : memref<!tpu.dma_semaphore, #tpu.memory_space<semaphore_mem>>)
        } else {
        }
        %dma_wait3A_87 = arith.constant 0 : i32
        %dma_wait3A_88 = arith.constant 0 : i32
        %dma_wait3A_89 = tpu.memref_slice %arg4[%dma_wait3A_87, %dma_wait3A_88] : memref<100352x16xf32, #tpu.memory_space<hbm>> -> memref<100352x16xf32, #tpu.memory_space<hbm>>
        tpu.wait_indirect_dma semaphore(%arg17 : memref<!tpu.dma_semaphore, #tpu.memory_space<semaphore_mem>>) src(%dma_wait3A_89 : memref<100352x16xf32, #tpu.memory_space<hbm>>) dst(%arg11 : memref<512x16xf32, #tpu.memory_space<vmem>>)
        %lt3A_90 = arith.constant 97 : i32
        %lt3A_91 = arith.cmpi slt, %scan3A_38, %lt3A_90 : i32
        %convert_element_type3A_92 = arith.extui %lt3A_91 : i1 to i32
        %cond3A_93 = arith.constant 0 : i32
        %cond3A_94 = arith.cmpi ne, %convert_element_type3A_92, %cond3A_93 : i32
        scf.if %cond3A_94 {
          %dma_wait3A_98 = arith.constant 0 : i32
          %dma_wait3A_99 = tpu.memref_slice %arg2[%dma_wait3A_98] : memref<1605632xi32, #tpu.memory_space<hbm>> -> memref<512xi32, #tpu.memory_space<hbm>>
          %dma_wait3A_100 = arith.constant 0 : i32
          %dma_wait3A_101 = tpu.memref_slice %arg2[%dma_wait3A_100] : memref<1605632xi32, #tpu.memory_space<hbm>> -> memref<512xi32, #tpu.memory_space<hbm>>
          tpu.wait_dma2 semaphore(%arg14 : memref<!tpu.dma_semaphore, #tpu.memory_space<semaphore_mem>>) src(%dma_wait3A_101 : memref<512xi32, #tpu.memory_space<hbm>>) dst(%arg6 : memref<512xi32, #tpu.memory_space<vmem>>)
          %dma_wait3A_102 = arith.constant 0 : i32
          %dma_wait3A_103 = tpu.memref_slice %arg3[%dma_wait3A_102] : memref<1605632xi32, #tpu.memory_space<hbm>> -> memref<512xi32, #tpu.memory_space<hbm>>
          %dma_wait3A_104 = arith.constant 0 : i32
          %dma_wait3A_105 = tpu.memref_slice %arg3[%dma_wait3A_104] : memref<1605632xi32, #tpu.memory_space<hbm>> -> memref<512xi32, #tpu.memory_space<hbm>>
          tpu.wait_dma2 semaphore(%arg14 : memref<!tpu.dma_semaphore, #tpu.memory_space<semaphore_mem>>) src(%dma_wait3A_105 : memref<512xi32, #tpu.memory_space<hbm>>) dst(%arg8 : memref<512xi32, #tpu.memory_space<vmem>>)
          %dma_start3A_106 = arith.constant 0 : i32
          %dma_start3A_107 = arith.constant 0 : i32
          %dma_start3A_108 = tpu.memref_slice %arg4[%dma_start3A_106, %dma_start3A_107] : memref<100352x16xf32, #tpu.memory_space<hbm>> -> memref<100352x16xf32, #tpu.memory_space<hbm>>
          tpu.enqueue_indirect_dma source(%dma_start3A_108 : memref<100352x16xf32, #tpu.memory_space<hbm>>) target(%arg10 : memref<512x16xf32, #tpu.memory_space<vmem>>) offsets(%arg6 : memref<512xi32, #tpu.memory_space<vmem>>) semaphore(%arg16 : memref<!tpu.dma_semaphore, #tpu.memory_space<semaphore_mem>>)
        } else {
        }
        %dma_start3A_95 = arith.constant 0 : i32
        %dma_start3A_96 = arith.constant 0 : i32
        %dma_start3A_97 = tpu.memref_slice %arg13[%dma_start3A_95, %dma_start3A_96] : memref<100352x16xf32, #tpu.memory_space<vmem_shared>> -> memref<100352x16xf32, #tpu.memory_space<vmem_shared>>
        tpu.enqueue_indirect_dma source(%arg11 : memref<512x16xf32, #tpu.memory_space<vmem>>) target(%dma_start3A_97 : memref<100352x16xf32, #tpu.memory_space<vmem_shared>>) offsets(%arg9 : memref<512xi32, #tpu.memory_space<vmem>>) semaphore(%arg19 : memref<!tpu.dma_semaphore, #tpu.memory_space<semaphore_mem>>) {add = true}
      }
      %scan3A_35 = arith.constant 98 : i32
      %dma_wait3A = arith.constant 0 : i32
      %dma_wait3A_36 = arith.constant 0 : i32
      %dma_wait3A_37 = tpu.memref_slice %arg13[%dma_wait3A, %dma_wait3A_36] : memref<100352x16xf32, #tpu.memory_space<vmem_shared>> -> memref<100352x16xf32, #tpu.memory_space<vmem_shared>>
      tpu.wait_indirect_dma semaphore(%arg19 : memref<!tpu.dma_semaphore, #tpu.memory_space<semaphore_mem>>) src(%arg11 : memref<512x16xf32, #tpu.memory_space<vmem>>) dst(%dma_wait3A_37 : memref<100352x16xf32, #tpu.memory_space<vmem_shared>>)
    } else {
    }
    %barrier3A_14 = arith.constant 0 : index
    tpu.barrier barrier_id(%barrier3A_14)
    %eq3A_15 = arith.constant 0 : i32
    %eq3A_16 = arith.cmpi eq, %arg0, %eq3A_15 : i32
    %convert_element_type3A_17 = arith.extui %eq3A_16 : i1 to i32
    %cond3A_18 = arith.constant 0 : i32
    %cond3A_19 = arith.cmpi ne, %convert_element_type3A_17, %cond3A_18 : i32
    scf.if %cond3A_19 {
      "tpu.region"() ({
        %run_scoped3A = tpu.sem_alloc : memref<!tpu.dma_semaphore, #tpu.memory_space<semaphore_mem>>
        %dma_start3A = arith.constant 0 : i32
        %dma_start3A_20 = tpu.memref_slice %arg5[%mul3A_0, %dma_start3A] : memref<100352x16xf32, #tpu.memory_space<hbm>> -> memref<6272x16xf32, #tpu.memory_space<hbm>>
        %dma_start3A_21 = arith.constant 0 : i32
        %dma_start3A_22 = tpu.memref_slice %arg13[%mul3A_0, %dma_start3A_21] : memref<100352x16xf32, #tpu.memory_space<vmem_shared>> -> memref<6272x16xf32, #tpu.memory_space<vmem_shared>>
        tpu.enqueue_dma source(%dma_start3A_22 : memref<6272x16xf32, #tpu.memory_space<vmem_shared>>) target(%dma_start3A_20 : memref<6272x16xf32, #tpu.memory_space<hbm>>) target_semaphore(%run_scoped3A : memref<!tpu.dma_semaphore, #tpu.memory_space<semaphore_mem>>)
        %dma_wait3A = arith.constant 0 : i32
        %dma_wait3A_23 = tpu.memref_slice %arg5[%mul3A_0, %dma_wait3A] : memref<100352x16xf32, #tpu.memory_space<hbm>> -> memref<6272x16xf32, #tpu.memory_space<hbm>>
        %dma_wait3A_24 = arith.constant 0 : i32
        %dma_wait3A_25 = tpu.memref_slice %arg13[%mul3A_0, %dma_wait3A_24] : memref<100352x16xf32, #tpu.memory_space<vmem_shared>> -> memref<6272x16xf32, #tpu.memory_space<vmem_shared>>
        tpu.wait_dma2 semaphore(%run_scoped3A : memref<!tpu.dma_semaphore, #tpu.memory_space<semaphore_mem>>) src(%dma_wait3A_25 : memref<6272x16xf32, #tpu.memory_space<vmem_shared>>) dst(%dma_wait3A_23 : memref<6272x16xf32, #tpu.memory_space<hbm>>)
        tpu.yield
      }) : () -> ()
    } else {
    }
    return
  }
}

#map = affine_map<(d0, d1) -> (0)>
#map1 = affine_map<(d0, d1) -> (0, 0)>
module attributes {stable_mosaic.version = 14 : i64} {
  func.func @agg(%arg0: i32, %arg1: i32, %arg2: memref<1605632xi32, #tpu.memory_space<hbm>>, %arg3: memref<1605632xi32, #tpu.memory_space<hbm>>, %arg4: memref<100352x16xf32, #tpu.memory_space<hbm>>, %arg5: memref<100352x16xf32, #tpu.memory_space<hbm>>, %arg6: memref<100352x16xf32, #tpu.memory_space<hbm>>, %arg7: memref<100352x16xf32, #tpu.memory_space<hbm>>, %arg8: memref<100352x16xf32, #tpu.memory_space<hbm>>, %arg9: memref<100352x16xf32, #tpu.memory_space<hbm>>, %arg10: memref<100352x16xf32, #tpu.memory_space<hbm>>, %arg11: memref<100352x16xf32, #tpu.memory_space<hbm>>, %arg12: memref<512xi32, #tpu.memory_space<vmem>>, %arg13: memref<512xi32, #tpu.memory_space<vmem>>, %arg14: memref<512xi32, #tpu.memory_space<vmem>>, %arg15: memref<512xi32, #tpu.memory_space<vmem>>, %arg16: memref<512x16xf32, #tpu.memory_space<vmem>>, %arg17: memref<512x16xf32, #tpu.memory_space<vmem>>, %arg18: memref<196x16xf32, #tpu.memory_space<vmem>>, %arg19: memref<100352x16xf32, #tpu.memory_space<vmem_shared>>, %arg20: memref<!tpu.dma_semaphore, #tpu.memory_space<semaphore_mem>>, %arg21: memref<!tpu.dma_semaphore, #tpu.memory_space<semaphore_mem>>, %arg22: memref<!tpu.dma_semaphore, #tpu.memory_space<semaphore_mem>>, %arg23: memref<!tpu.dma_semaphore, #tpu.memory_space<semaphore_mem>>, %arg24: memref<!tpu.dma_semaphore, #tpu.memory_space<semaphore_mem>>, %arg25: memref<!tpu.dma_semaphore, #tpu.memory_space<semaphore_mem>>) attributes {dimension_semantics = [#tpu.dimension_semantics<core_parallel>, #tpu.dimension_semantics<subcore_parallel>], iteration_bounds = array<i64: 2, 16>, scalar_prefetch = 0 : i64, scratch_operands = 14 : i64, tpu.core_type = #tpu.core_type<sc_vector_subcore>, window_params = [{transform_indices = #map}, {transform_indices = #map}, {transform_indices = #map1}, {transform_indices = #map1}, {transform_indices = #map1}, {transform_indices = #map1}, {transform_indices = #map1}, {transform_indices = #map1}, {transform_indices = #map1}, {transform_indices = #map1}]} {
    %mul3A = arith.constant 6272 : i32
    %mul3A_0 = arith.muli %arg1, %mul3A : i32
    %scan3A = arith.constant 0 : i32
    %scan3A_1 = arith.constant 0 : i32
    %scan3A_2 = arith.constant 196 : i32
    %scan3A_3 = arith.addi %scan3A_1, %scan3A_2 : i32
    %scan3A_4 = arith.constant 1 : i32
    scf.for %scan3A_59 = %scan3A_1 to %scan3A_3 step %scan3A_4  : i32 {
      %broadcast_in_dim3A = arith.constant 0.000000e+00 : f32
      %broadcast_in_dim3A_60 = vector.broadcast %broadcast_in_dim3A : f32 to vector<16xf32>
      %swap3A = arith.index_cast %scan3A_59 : i32 to index
      %swap3A_61 = arith.constant 0 : index
      %swap3A_62 = tpu.vector_load %arg18[%swap3A, %swap3A_61] {strides = array<i32>} : memref<196x16xf32, #tpu.memory_space<vmem>>, vector<1x16xf32>,
      %swap3A_63 = vector.shape_cast %swap3A_62 : vector<1x16xf32> to vector<16xf32>
      %swap3A_64 = vector.shape_cast %broadcast_in_dim3A_60 : vector<16xf32> to vector<1x16xf32>
      tpu.vector_store %arg18[%swap3A, %swap3A_61], %swap3A_64 {strides = array<i32>} : memref<196x16xf32, #tpu.memory_space<vmem>>, vector<1x16xf32>,
    }
    %scan3A_5 = arith.constant 196 : i32
    %scan3A_6 = arith.constant 0 : i32
    %scan3A_7 = arith.constant 0 : i32
    %scan3A_8 = arith.constant 32 : i32
    %scan3A_9 = arith.addi %scan3A_7, %scan3A_8 : i32
    %scan3A_10 = arith.constant 1 : i32
    scf.for %scan3A_59 = %scan3A_7 to %scan3A_9 step %scan3A_10  : i32 {
      %mul3A_60 = arith.constant 196 : i32
      %mul3A_61 = arith.muli %scan3A_59, %mul3A_60 : i32
      %add3A = arith.addi %mul3A_0, %mul3A_61 : i32
      "tpu.region"() ({
        %run_scoped3A = tpu.sem_alloc : memref<!tpu.dma_semaphore, #tpu.memory_space<semaphore_mem>>
        %dma_start3A = arith.constant 0 : i32
        %dma_start3A_62 = tpu.memref_slice %arg19[%add3A, %dma_start3A] : memref<100352x16xf32, #tpu.memory_space<vmem_shared>> -> memref<196x16xf32, #tpu.memory_space<vmem_shared>>
        %dma_start3A_63 = arith.constant 0 : i32
        %dma_start3A_64 = tpu.memref_slice %arg19[%add3A, %dma_start3A_63] : memref<100352x16xf32, #tpu.memory_space<vmem_shared>> -> memref<196x16xf32, #tpu.memory_space<vmem_shared>>
        tpu.enqueue_dma source(%arg18 : memref<196x16xf32, #tpu.memory_space<vmem>>) target(%dma_start3A_64 : memref<196x16xf32, #tpu.memory_space<vmem_shared>>) target_semaphore(%run_scoped3A : memref<!tpu.dma_semaphore, #tpu.memory_space<semaphore_mem>>)
        %dma_wait3A = arith.constant 0 : i32
        %dma_wait3A_65 = tpu.memref_slice %arg19[%add3A, %dma_wait3A] : memref<100352x16xf32, #tpu.memory_space<vmem_shared>> -> memref<196x16xf32, #tpu.memory_space<vmem_shared>>
        %dma_wait3A_66 = arith.constant 0 : i32
        %dma_wait3A_67 = tpu.memref_slice %arg19[%add3A, %dma_wait3A_66] : memref<100352x16xf32, #tpu.memory_space<vmem_shared>> -> memref<196x16xf32, #tpu.memory_space<vmem_shared>>
        tpu.wait_dma2 semaphore(%run_scoped3A : memref<!tpu.dma_semaphore, #tpu.memory_space<semaphore_mem>>) src(%arg18 : memref<196x16xf32, #tpu.memory_space<vmem>>) dst(%dma_wait3A_67 : memref<196x16xf32, #tpu.memory_space<vmem_shared>>)
        tpu.yield
      }) : () -> ()
    }
    %scan3A_11 = arith.constant 32 : i32
    %barrier3A = arith.constant 0 : index
    tpu.barrier barrier_id(%barrier3A)
    %eq3A = arith.constant 0 : i32
    %eq3A_12 = arith.cmpi eq, %arg0, %eq3A : i32
    %convert_element_type3A = arith.extui %eq3A_12 : i1 to i32
    %cond3A = arith.constant 0 : i32
    %cond3A_13 = arith.cmpi ne, %convert_element_type3A, %cond3A : i32
    scf.if %cond3A_13 {
      %mul3A_59 = arith.constant 784 : i32
      %mul3A_60 = arith.muli %arg1, %mul3A_59 : i32
      %mul3A_61 = arith.constant 128 : i32
      %mul3A_62 = arith.muli %mul3A_60, %mul3A_61 : i32
      "tpu.region"() ({
        %run_scoped3A = tpu.sem_alloc : memref<!tpu.dma_semaphore, #tpu.memory_space<semaphore_mem>>
        %dma_start3A_77 = tpu.memref_slice %arg2[%mul3A_62] : memref<1605632xi32, #tpu.memory_space<hbm>> -> memref<512xi32, #tpu.memory_space<hbm>>
        %dma_start3A_78 = tpu.memref_slice %arg2[%mul3A_62] : memref<1605632xi32, #tpu.memory_space<hbm>> -> memref<512xi32, #tpu.memory_space<hbm>>
        tpu.enqueue_dma source(%dma_start3A_78 : memref<512xi32, #tpu.memory_space<hbm>>) target(%arg12 : memref<512xi32, #tpu.memory_space<vmem>>) target_semaphore(%run_scoped3A : memref<!tpu.dma_semaphore, #tpu.memory_space<semaphore_mem>>)
        %dma_wait3A_79 = tpu.memref_slice %arg2[%mul3A_62] : memref<1605632xi32, #tpu.memory_space<hbm>> -> memref<512xi32, #tpu.memory_space<hbm>>
        %dma_wait3A_80 = tpu.memref_slice %arg2[%mul3A_62] : memref<1605632xi32, #tpu.memory_space<hbm>> -> memref<512xi32, #tpu.memory_space<hbm>>
        tpu.wait_dma2 semaphore(%run_scoped3A : memref<!tpu.dma_semaphore, #tpu.memory_space<semaphore_mem>>) src(%dma_wait3A_80 : memref<512xi32, #tpu.memory_space<hbm>>) dst(%arg12 : memref<512xi32, #tpu.memory_space<vmem>>)
        tpu.yield
      }) : () -> ()
      %mul3A_63 = arith.constant 784 : i32
      %mul3A_64 = arith.muli %arg1, %mul3A_63 : i32
      %mul3A_65 = arith.constant 128 : i32
      %mul3A_66 = arith.muli %mul3A_64, %mul3A_65 : i32
      "tpu.region"() ({
        %run_scoped3A = tpu.sem_alloc : memref<!tpu.dma_semaphore, #tpu.memory_space<semaphore_mem>>
        %dma_start3A_77 = tpu.memref_slice %arg3[%mul3A_66] : memref<1605632xi32, #tpu.memory_space<hbm>> -> memref<512xi32, #tpu.memory_space<hbm>>
        %dma_start3A_78 = tpu.memref_slice %arg3[%mul3A_66] : memref<1605632xi32, #tpu.memory_space<hbm>> -> memref<512xi32, #tpu.memory_space<hbm>>
        tpu.enqueue_dma source(%dma_start3A_78 : memref<512xi32, #tpu.memory_space<hbm>>) target(%arg14 : memref<512xi32, #tpu.memory_space<vmem>>) target_semaphore(%run_scoped3A : memref<!tpu.dma_semaphore, #tpu.memory_space<semaphore_mem>>)
        %dma_wait3A_79 = tpu.memref_slice %arg3[%mul3A_66] : memref<1605632xi32, #tpu.memory_space<hbm>> -> memref<512xi32, #tpu.memory_space<hbm>>
        %dma_wait3A_80 = tpu.memref_slice %arg3[%mul3A_66] : memref<1605632xi32, #tpu.memory_space<hbm>> -> memref<512xi32, #tpu.memory_space<hbm>>
        tpu.wait_dma2 semaphore(%run_scoped3A : memref<!tpu.dma_semaphore, #tpu.memory_space<semaphore_mem>>) src(%dma_wait3A_80 : memref<512xi32, #tpu.memory_space<hbm>>) dst(%arg14 : memref<512xi32, #tpu.memory_space<vmem>>)
        tpu.yield
      }) : () -> ()
      %dma_start3A = arith.constant 0 : i32
      %dma_start3A_67 = arith.constant 0 : i32
      %dma_start3A_68 = tpu.memref_slice %arg4[%dma_start3A, %dma_start3A_67] : memref<100352x16xf32, #tpu.memory_space<hbm>> -> memref<100352x16xf32, #tpu.memory_space<hbm>>
      tpu.enqueue_indirect_dma source(%dma_start3A_68 : memref<100352x16xf32, #tpu.memory_space<hbm>>) target(%arg16 : memref<512x16xf32, #tpu.memory_space<vmem>>) offsets(%arg12 : memref<512xi32, #tpu.memory_space<vmem>>) semaphore(%arg22 : memref<!tpu.dma_semaphore, #tpu.memory_space<semaphore_mem>>)
      %scan3A_69 = arith.constant 0 : i32
      %scan3A_70 = arith.constant 0 : i32
      %scan3A_71 = arith.constant 98 : i32
      %scan3A_72 = arith.addi %scan3A_70, %scan3A_71 : i32
      %scan3A_73 = arith.constant 1 : i32
      scf.for %scan3A_77 = %scan3A_70 to %scan3A_72 step %scan3A_73  : i32 {
        %mul3A_78 = arith.constant 2 : i32
        %mul3A_79 = arith.muli %mul3A_78, %scan3A_77 : i32
        %add3A = arith.constant 0 : i32
        %add3A_80 = arith.addi %mul3A_79, %add3A : i32
        %gt3A = arith.constant 0 : i32
        %gt3A_81 = arith.cmpi sgt, %scan3A_77, %gt3A : i32
        %convert_element_type3A_82 = arith.extui %gt3A_81 : i1 to i32
        %cond3A_83 = arith.constant 0 : i32
        %cond3A_84 = arith.cmpi ne, %convert_element_type3A_82, %cond3A_83 : i32
        scf.if %cond3A_84 {
          %dma_wait3A_137 = arith.constant 0 : i32
          %dma_wait3A_138 = arith.constant 0 : i32
          %dma_wait3A_139 = tpu.memref_slice %arg19[%dma_wait3A_137, %dma_wait3A_138] : memref<100352x16xf32, #tpu.memory_space<vmem_shared>> -> memref<100352x16xf32, #tpu.memory_space<vmem_shared>>
          tpu.wait_indirect_dma semaphore(%arg25 : memref<!tpu.dma_semaphore, #tpu.memory_space<semaphore_mem>>) src(%arg17 : memref<512x16xf32, #tpu.memory_space<vmem>>) dst(%dma_wait3A_139 : memref<100352x16xf32, #tpu.memory_space<vmem_shared>>)
        } else {
        }
        %add3A_85 = arith.constant 1 : i32
        %add3A_86 = arith.addi %add3A_80, %add3A_85 : i32
        %mul3A_87 = arith.constant 784 : i32
        %mul3A_88 = arith.muli %arg1, %mul3A_87 : i32
        %mul3A_89 = arith.constant 4 : i32
        %mul3A_90 = arith.muli %add3A_86, %mul3A_89 : i32
        %add3A_91 = arith.addi %mul3A_88, %mul3A_90 : i32
        %mul3A_92 = arith.constant 128 : i32
        %mul3A_93 = arith.muli %add3A_91, %mul3A_92 : i32
        %dma_start3A_94 = tpu.memref_slice %arg2[%mul3A_93] : memref<1605632xi32, #tpu.memory_space<hbm>> -> memref<512xi32, #tpu.memory_space<hbm>>
        %dma_start3A_95 = tpu.memref_slice %arg2[%mul3A_93] : memref<1605632xi32, #tpu.memory_space<hbm>> -> memref<512xi32, #tpu.memory_space<hbm>>
        tpu.enqueue_dma source(%dma_start3A_95 : memref<512xi32, #tpu.memory_space<hbm>>) target(%arg13 : memref<512xi32, #tpu.memory_space<vmem>>) target_semaphore(%arg21 : memref<!tpu.dma_semaphore, #tpu.memory_space<semaphore_mem>>)
        %dma_start3A_96 = tpu.memref_slice %arg3[%mul3A_93] : memref<1605632xi32, #tpu.memory_space<hbm>> -> memref<512xi32, #tpu.memory_space<hbm>>
        %dma_start3A_97 = tpu.memref_slice %arg3[%mul3A_93] : memref<1605632xi32, #tpu.memory_space<hbm>> -> memref<512xi32, #tpu.memory_space<hbm>>
        tpu.enqueue_dma source(%dma_start3A_97 : memref<512xi32, #tpu.memory_space<hbm>>) target(%arg15 : memref<512xi32, #tpu.memory_space<vmem>>) target_semaphore(%arg21 : memref<!tpu.dma_semaphore, #tpu.memory_space<semaphore_mem>>)
        %dma_wait3A_98 = arith.constant 0 : i32
        %dma_wait3A_99 = arith.constant 0 : i32
        %dma_wait3A_100 = tpu.memref_slice %arg4[%dma_wait3A_98, %dma_wait3A_99] : memref<100352x16xf32, #tpu.memory_space<hbm>> -> memref<100352x16xf32, #tpu.memory_space<hbm>>
        tpu.wait_indirect_dma semaphore(%arg22 : memref<!tpu.dma_semaphore, #tpu.memory_space<semaphore_mem>>) src(%dma_wait3A_100 : memref<100352x16xf32, #tpu.memory_space<hbm>>) dst(%arg16 : memref<512x16xf32, #tpu.memory_space<vmem>>)
        %dma_wait3A_101 = arith.constant 0 : i32
        %dma_wait3A_102 = tpu.memref_slice %arg2[%dma_wait3A_101] : memref<1605632xi32, #tpu.memory_space<hbm>> -> memref<512xi32, #tpu.memory_space<hbm>>
        %dma_wait3A_103 = arith.constant 0 : i32
        %dma_wait3A_104 = tpu.memref_slice %arg2[%dma_wait3A_103] : memref<1605632xi32, #tpu.memory_space<hbm>> -> memref<512xi32, #tpu.memory_space<hbm>>
        tpu.wait_dma2 semaphore(%arg21 : memref<!tpu.dma_semaphore, #tpu.memory_space<semaphore_mem>>) src(%dma_wait3A_104 : memref<512xi32, #tpu.memory_space<hbm>>) dst(%arg13 : memref<512xi32, #tpu.memory_space<vmem>>)
        %dma_wait3A_105 = arith.constant 0 : i32
        %dma_wait3A_106 = tpu.memref_slice %arg3[%dma_wait3A_105] : memref<1605632xi32, #tpu.memory_space<hbm>> -> memref<512xi32, #tpu.memory_space<hbm>>
        %dma_wait3A_107 = arith.constant 0 : i32
        %dma_wait3A_108 = tpu.memref_slice %arg3[%dma_wait3A_107] : memref<1605632xi32, #tpu.memory_space<hbm>> -> memref<512xi32, #tpu.memory_space<hbm>>
        tpu.wait_dma2 semaphore(%arg21 : memref<!tpu.dma_semaphore, #tpu.memory_space<semaphore_mem>>) src(%dma_wait3A_108 : memref<512xi32, #tpu.memory_space<hbm>>) dst(%arg15 : memref<512xi32, #tpu.memory_space<vmem>>)
        %dma_start3A_109 = arith.constant 0 : i32
        %dma_start3A_110 = arith.constant 0 : i32
        %dma_start3A_111 = tpu.memref_slice %arg4[%dma_start3A_109, %dma_start3A_110] : memref<100352x16xf32, #tpu.memory_space<hbm>> -> memref<100352x16xf32, #tpu.memory_space<hbm>>
        tpu.enqueue_indirect_dma source(%dma_start3A_111 : memref<100352x16xf32, #tpu.memory_space<hbm>>) target(%arg17 : memref<512x16xf32, #tpu.memory_space<vmem>>) offsets(%arg13 : memref<512xi32, #tpu.memory_space<vmem>>) semaphore(%arg23 : memref<!tpu.dma_semaphore, #tpu.memory_space<semaphore_mem>>)
        %dma_start3A_112 = arith.constant 0 : i32
        %dma_start3A_113 = arith.constant 0 : i32
        %dma_start3A_114 = tpu.memref_slice %arg19[%dma_start3A_112, %dma_start3A_113] : memref<100352x16xf32, #tpu.memory_space<vmem_shared>> -> memref<100352x16xf32, #tpu.memory_space<vmem_shared>>
        tpu.enqueue_indirect_dma source(%arg16 : memref<512x16xf32, #tpu.memory_space<vmem>>) target(%dma_start3A_114 : memref<100352x16xf32, #tpu.memory_space<vmem_shared>>) offsets(%arg14 : memref<512xi32, #tpu.memory_space<vmem>>) semaphore(%arg24 : memref<!tpu.dma_semaphore, #tpu.memory_space<semaphore_mem>>) {add = true}
        %mul3A_115 = arith.constant 2 : i32
        %mul3A_116 = arith.muli %mul3A_115, %scan3A_77 : i32
        %add3A_117 = arith.constant 1 : i32
        %add3A_118 = arith.addi %mul3A_116, %add3A_117 : i32
        %dma_wait3A_119 = arith.constant 0 : i32
        %dma_wait3A_120 = arith.constant 0 : i32
        %dma_wait3A_121 = tpu.memref_slice %arg19[%dma_wait3A_119, %dma_wait3A_120] : memref<100352x16xf32, #tpu.memory_space<vmem_shared>> -> memref<100352x16xf32, #tpu.memory_space<vmem_shared>>
        tpu.wait_indirect_dma semaphore(%arg24 : memref<!tpu.dma_semaphore, #tpu.memory_space<semaphore_mem>>) src(%arg16 : memref<512x16xf32, #tpu.memory_space<vmem>>) dst(%dma_wait3A_121 : memref<100352x16xf32, #tpu.memory_space<vmem_shared>>)
        %lt3A = arith.constant 97 : i32
        %lt3A_122 = arith.cmpi slt, %scan3A_77, %lt3A : i32
        %convert_element_type3A_123 = arith.extui %lt3A_122 : i1 to i32
        %cond3A_124 = arith.constant 0 : i32
        %cond3A_125 = arith.cmpi ne, %convert_element_type3A_123, %cond3A_124 : i32
        scf.if %cond3A_125 {
          %add3A_137 = arith.constant 1 : i32
          %add3A_138 = arith.addi %add3A_118, %add3A_137 : i32
          %mul3A_139 = arith.constant 784 : i32
          %mul3A_140 = arith.muli %arg1, %mul3A_139 : i32
          %mul3A_141 = arith.constant 4 : i32
          %mul3A_142 = arith.muli %add3A_138, %mul3A_141 : i32
          %add3A_143 = arith.addi %mul3A_140, %mul3A_142 : i32
          %mul3A_144 = arith.constant 128 : i32
          %mul3A_145 = arith.muli %add3A_143, %mul3A_144 : i32
          %dma_start3A_146 = tpu.memref_slice %arg2[%mul3A_145] : memref<1605632xi32, #tpu.memory_space<hbm>> -> memref<512xi32, #tpu.memory_space<hbm>>
          %dma_start3A_147 = tpu.memref_slice %arg2[%mul3A_145] : memref<1605632xi32, #tpu.memory_space<hbm>> -> memref<512xi32, #tpu.memory_space<hbm>>
          tpu.enqueue_dma source(%dma_start3A_147 : memref<512xi32, #tpu.memory_space<hbm>>) target(%arg12 : memref<512xi32, #tpu.memory_space<vmem>>) target_semaphore(%arg20 : memref<!tpu.dma_semaphore, #tpu.memory_space<semaphore_mem>>)
          %dma_start3A_148 = tpu.memref_slice %arg3[%mul3A_145] : memref<1605632xi32, #tpu.memory_space<hbm>> -> memref<512xi32, #tpu.memory_space<hbm>>
          %dma_start3A_149 = tpu.memref_slice %arg3[%mul3A_145] : memref<1605632xi32, #tpu.memory_space<hbm>> -> memref<512xi32, #tpu.memory_space<hbm>>
          tpu.enqueue_dma source(%dma_start3A_149 : memref<512xi32, #tpu.memory_space<hbm>>) target(%arg14 : memref<512xi32, #tpu.memory_space<vmem>>) target_semaphore(%arg20 : memref<!tpu.dma_semaphore, #tpu.memory_space<semaphore_mem>>)
        } else {
        }
        %dma_wait3A_126 = arith.constant 0 : i32
        %dma_wait3A_127 = arith.constant 0 : i32
        %dma_wait3A_128 = tpu.memref_slice %arg4[%dma_wait3A_126, %dma_wait3A_127] : memref<100352x16xf32, #tpu.memory_space<hbm>> -> memref<100352x16xf32, #tpu.memory_space<hbm>>
        tpu.wait_indirect_dma semaphore(%arg23 : memref<!tpu.dma_semaphore, #tpu.memory_space<semaphore_mem>>) src(%dma_wait3A_128 : memref<100352x16xf32, #tpu.memory_space<hbm>>) dst(%arg17 : memref<512x16xf32, #tpu.memory_space<vmem>>)
        %lt3A_129 = arith.constant 97 : i32
        %lt3A_130 = arith.cmpi slt, %scan3A_77, %lt3A_129 : i32
        %convert_element_type3A_131 = arith.extui %lt3A_130 : i1 to i32
        %cond3A_132 = arith.constant 0 : i32
        %cond3A_133 = arith.cmpi ne, %convert_element_type3A_131, %cond3A_132 : i32
        scf.if %cond3A_133 {
          %dma_wait3A_137 = arith.constant 0 : i32
          %dma_wait3A_138 = tpu.memref_slice %arg2[%dma_wait3A_137] : memref<1605632xi32, #tpu.memory_space<hbm>> -> memref<512xi32, #tpu.memory_space<hbm>>
          %dma_wait3A_139 = arith.constant 0 : i32
          %dma_wait3A_140 = tpu.memref_slice %arg2[%dma_wait3A_139] : memref<1605632xi32, #tpu.memory_space<hbm>> -> memref<512xi32, #tpu.memory_space<hbm>>
          tpu.wait_dma2 semaphore(%arg20 : memref<!tpu.dma_semaphore, #tpu.memory_space<semaphore_mem>>) src(%dma_wait3A_140 : memref<512xi32, #tpu.memory_space<hbm>>) dst(%arg12 : memref<512xi32, #tpu.memory_space<vmem>>)
          %dma_wait3A_141 = arith.constant 0 : i32
          %dma_wait3A_142 = tpu.memref_slice %arg3[%dma_wait3A_141] : memref<1605632xi32, #tpu.memory_space<hbm>> -> memref<512xi32, #tpu.memory_space<hbm>>
          %dma_wait3A_143 = arith.constant 0 : i32
          %dma_wait3A_144 = tpu.memref_slice %arg3[%dma_wait3A_143] : memref<1605632xi32, #tpu.memory_space<hbm>> -> memref<512xi32, #tpu.memory_space<hbm>>
          tpu.wait_dma2 semaphore(%arg20 : memref<!tpu.dma_semaphore, #tpu.memory_space<semaphore_mem>>) src(%dma_wait3A_144 : memref<512xi32, #tpu.memory_space<hbm>>) dst(%arg14 : memref<512xi32, #tpu.memory_space<vmem>>)
          %dma_start3A_145 = arith.constant 0 : i32
          %dma_start3A_146 = arith.constant 0 : i32
          %dma_start3A_147 = tpu.memref_slice %arg4[%dma_start3A_145, %dma_start3A_146] : memref<100352x16xf32, #tpu.memory_space<hbm>> -> memref<100352x16xf32, #tpu.memory_space<hbm>>
          tpu.enqueue_indirect_dma source(%dma_start3A_147 : memref<100352x16xf32, #tpu.memory_space<hbm>>) target(%arg16 : memref<512x16xf32, #tpu.memory_space<vmem>>) offsets(%arg12 : memref<512xi32, #tpu.memory_space<vmem>>) semaphore(%arg22 : memref<!tpu.dma_semaphore, #tpu.memory_space<semaphore_mem>>)
        } else {
        }
        %dma_start3A_134 = arith.constant 0 : i32
        %dma_start3A_135 = arith.constant 0 : i32
        %dma_start3A_136 = tpu.memref_slice %arg19[%dma_start3A_134, %dma_start3A_135] : memref<100352x16xf32, #tpu.memory_space<vmem_shared>> -> memref<100352x16xf32, #tpu.memory_space<vmem_shared>>
        tpu.enqueue_indirect_dma source(%arg17 : memref<512x16xf32, #tpu.memory_space<vmem>>) target(%dma_start3A_136 : memref<100352x16xf32, #tpu.memory_space<vmem_shared>>) offsets(%arg15 : memref<512xi32, #tpu.memory_space<vmem>>) semaphore(%arg25 : memref<!tpu.dma_semaphore, #tpu.memory_space<semaphore_mem>>) {add = true}
      }
      %scan3A_74 = arith.constant 98 : i32
      %dma_wait3A = arith.constant 0 : i32
      %dma_wait3A_75 = arith.constant 0 : i32
      %dma_wait3A_76 = tpu.memref_slice %arg19[%dma_wait3A, %dma_wait3A_75] : memref<100352x16xf32, #tpu.memory_space<vmem_shared>> -> memref<100352x16xf32, #tpu.memory_space<vmem_shared>>
      tpu.wait_indirect_dma semaphore(%arg25 : memref<!tpu.dma_semaphore, #tpu.memory_space<semaphore_mem>>) src(%arg17 : memref<512x16xf32, #tpu.memory_space<vmem>>) dst(%dma_wait3A_76 : memref<100352x16xf32, #tpu.memory_space<vmem_shared>>)
    } else {
    }
    %eq3A_14 = arith.constant 1 : i32
    %eq3A_15 = arith.cmpi eq, %arg0, %eq3A_14 : i32
    %convert_element_type3A_16 = arith.extui %eq3A_15 : i1 to i32
    %cond3A_17 = arith.constant 0 : i32
    %cond3A_18 = arith.cmpi ne, %convert_element_type3A_16, %cond3A_17 : i32
    scf.if %cond3A_18 {
      %mul3A_59 = arith.constant 784 : i32
      %mul3A_60 = arith.muli %arg1, %mul3A_59 : i32
      %mul3A_61 = arith.constant 128 : i32
      %mul3A_62 = arith.muli %mul3A_60, %mul3A_61 : i32
      "tpu.region"() ({
        %run_scoped3A = tpu.sem_alloc : memref<!tpu.dma_semaphore, #tpu.memory_space<semaphore_mem>>
        %dma_start3A_77 = tpu.memref_slice %arg2[%mul3A_62] : memref<1605632xi32, #tpu.memory_space<hbm>> -> memref<512xi32, #tpu.memory_space<hbm>>
        %dma_start3A_78 = tpu.memref_slice %arg2[%mul3A_62] : memref<1605632xi32, #tpu.memory_space<hbm>> -> memref<512xi32, #tpu.memory_space<hbm>>
        tpu.enqueue_dma source(%dma_start3A_78 : memref<512xi32, #tpu.memory_space<hbm>>) target(%arg12 : memref<512xi32, #tpu.memory_space<vmem>>) target_semaphore(%run_scoped3A : memref<!tpu.dma_semaphore, #tpu.memory_space<semaphore_mem>>)
        %dma_wait3A_79 = tpu.memref_slice %arg2[%mul3A_62] : memref<1605632xi32, #tpu.memory_space<hbm>> -> memref<512xi32, #tpu.memory_space<hbm>>
        %dma_wait3A_80 = tpu.memref_slice %arg2[%mul3A_62] : memref<1605632xi32, #tpu.memory_space<hbm>> -> memref<512xi32, #tpu.memory_space<hbm>>
        tpu.wait_dma2 semaphore(%run_scoped3A : memref<!tpu.dma_semaphore, #tpu.memory_space<semaphore_mem>>) src(%dma_wait3A_80 : memref<512xi32, #tpu.memory_space<hbm>>) dst(%arg12 : memref<512xi32, #tpu.memory_space<vmem>>)
        tpu.yield
      }) : () -> ()
      %mul3A_63 = arith.constant 784 : i32
      %mul3A_64 = arith.muli %arg1, %mul3A_63 : i32
      %mul3A_65 = arith.constant 128 : i32
      %mul3A_66 = arith.muli %mul3A_64, %mul3A_65 : i32
      "tpu.region"() ({
        %run_scoped3A = tpu.sem_alloc : memref<!tpu.dma_semaphore, #tpu.memory_space<semaphore_mem>>
        %dma_start3A_77 = tpu.memref_slice %arg3[%mul3A_66] : memref<1605632xi32, #tpu.memory_space<hbm>> -> memref<512xi32, #tpu.memory_space<hbm>>
        %dma_start3A_78 = tpu.memref_slice %arg3[%mul3A_66] : memref<1605632xi32, #tpu.memory_space<hbm>> -> memref<512xi32, #tpu.memory_space<hbm>>
        tpu.enqueue_dma source(%dma_start3A_78 : memref<512xi32, #tpu.memory_space<hbm>>) target(%arg14 : memref<512xi32, #tpu.memory_space<vmem>>) target_semaphore(%run_scoped3A : memref<!tpu.dma_semaphore, #tpu.memory_space<semaphore_mem>>)
        %dma_wait3A_79 = tpu.memref_slice %arg3[%mul3A_66] : memref<1605632xi32, #tpu.memory_space<hbm>> -> memref<512xi32, #tpu.memory_space<hbm>>
        %dma_wait3A_80 = tpu.memref_slice %arg3[%mul3A_66] : memref<1605632xi32, #tpu.memory_space<hbm>> -> memref<512xi32, #tpu.memory_space<hbm>>
        tpu.wait_dma2 semaphore(%run_scoped3A : memref<!tpu.dma_semaphore, #tpu.memory_space<semaphore_mem>>) src(%dma_wait3A_80 : memref<512xi32, #tpu.memory_space<hbm>>) dst(%arg14 : memref<512xi32, #tpu.memory_space<vmem>>)
        tpu.yield
      }) : () -> ()
      %dma_start3A = arith.constant 0 : i32
      %dma_start3A_67 = arith.constant 0 : i32
      %dma_start3A_68 = tpu.memref_slice %arg5[%dma_start3A, %dma_start3A_67] : memref<100352x16xf32, #tpu.memory_space<hbm>> -> memref<100352x16xf32, #tpu.memory_space<hbm>>
      tpu.enqueue_indirect_dma source(%dma_start3A_68 : memref<100352x16xf32, #tpu.memory_space<hbm>>) target(%arg16 : memref<512x16xf32, #tpu.memory_space<vmem>>) offsets(%arg12 : memref<512xi32, #tpu.memory_space<vmem>>) semaphore(%arg22 : memref<!tpu.dma_semaphore, #tpu.memory_space<semaphore_mem>>)
      %scan3A_69 = arith.constant 0 : i32
      %scan3A_70 = arith.constant 0 : i32
      %scan3A_71 = arith.constant 98 : i32
      %scan3A_72 = arith.addi %scan3A_70, %scan3A_71 : i32
      %scan3A_73 = arith.constant 1 : i32
      scf.for %scan3A_77 = %scan3A_70 to %scan3A_72 step %scan3A_73  : i32 {
        %mul3A_78 = arith.constant 2 : i32
        %mul3A_79 = arith.muli %mul3A_78, %scan3A_77 : i32
        %add3A = arith.constant 0 : i32
        %add3A_80 = arith.addi %mul3A_79, %add3A : i32
        %gt3A = arith.constant 0 : i32
        %gt3A_81 = arith.cmpi sgt, %scan3A_77, %gt3A : i32
        %convert_element_type3A_82 = arith.extui %gt3A_81 : i1 to i32
        %cond3A_83 = arith.constant 0 : i32
        %cond3A_84 = arith.cmpi ne, %convert_element_type3A_82, %cond3A_83 : i32
        scf.if %cond3A_84 {
          %dma_wait3A_137 = arith.constant 0 : i32
          %dma_wait3A_138 = arith.constant 0 : i32
          %dma_wait3A_139 = tpu.memref_slice %arg19[%dma_wait3A_137, %dma_wait3A_138] : memref<100352x16xf32, #tpu.memory_space<vmem_shared>> -> memref<100352x16xf32, #tpu.memory_space<vmem_shared>>
          tpu.wait_indirect_dma semaphore(%arg25 : memref<!tpu.dma_semaphore, #tpu.memory_space<semaphore_mem>>) src(%arg17 : memref<512x16xf32, #tpu.memory_space<vmem>>) dst(%dma_wait3A_139 : memref<100352x16xf32, #tpu.memory_space<vmem_shared>>)
        } else {
        }
        %add3A_85 = arith.constant 1 : i32
        %add3A_86 = arith.addi %add3A_80, %add3A_85 : i32
        %mul3A_87 = arith.constant 784 : i32
        %mul3A_88 = arith.muli %arg1, %mul3A_87 : i32
        %mul3A_89 = arith.constant 4 : i32
        %mul3A_90 = arith.muli %add3A_86, %mul3A_89 : i32
        %add3A_91 = arith.addi %mul3A_88, %mul3A_90 : i32
        %mul3A_92 = arith.constant 128 : i32
        %mul3A_93 = arith.muli %add3A_91, %mul3A_92 : i32
        %dma_start3A_94 = tpu.memref_slice %arg2[%mul3A_93] : memref<1605632xi32, #tpu.memory_space<hbm>> -> memref<512xi32, #tpu.memory_space<hbm>>
        %dma_start3A_95 = tpu.memref_slice %arg2[%mul3A_93] : memref<1605632xi32, #tpu.memory_space<hbm>> -> memref<512xi32, #tpu.memory_space<hbm>>
        tpu.enqueue_dma source(%dma_start3A_95 : memref<512xi32, #tpu.memory_space<hbm>>) target(%arg13 : memref<512xi32, #tpu.memory_space<vmem>>) target_semaphore(%arg21 : memref<!tpu.dma_semaphore, #tpu.memory_space<semaphore_mem>>)
        %dma_start3A_96 = tpu.memref_slice %arg3[%mul3A_93] : memref<1605632xi32, #tpu.memory_space<hbm>> -> memref<512xi32, #tpu.memory_space<hbm>>
        %dma_start3A_97 = tpu.memref_slice %arg3[%mul3A_93] : memref<1605632xi32, #tpu.memory_space<hbm>> -> memref<512xi32, #tpu.memory_space<hbm>>
        tpu.enqueue_dma source(%dma_start3A_97 : memref<512xi32, #tpu.memory_space<hbm>>) target(%arg15 : memref<512xi32, #tpu.memory_space<vmem>>) target_semaphore(%arg21 : memref<!tpu.dma_semaphore, #tpu.memory_space<semaphore_mem>>)
        %dma_wait3A_98 = arith.constant 0 : i32
        %dma_wait3A_99 = arith.constant 0 : i32
        %dma_wait3A_100 = tpu.memref_slice %arg5[%dma_wait3A_98, %dma_wait3A_99] : memref<100352x16xf32, #tpu.memory_space<hbm>> -> memref<100352x16xf32, #tpu.memory_space<hbm>>
        tpu.wait_indirect_dma semaphore(%arg22 : memref<!tpu.dma_semaphore, #tpu.memory_space<semaphore_mem>>) src(%dma_wait3A_100 : memref<100352x16xf32, #tpu.memory_space<hbm>>) dst(%arg16 : memref<512x16xf32, #tpu.memory_space<vmem>>)
        %dma_wait3A_101 = arith.constant 0 : i32
        %dma_wait3A_102 = tpu.memref_slice %arg2[%dma_wait3A_101] : memref<1605632xi32, #tpu.memory_space<hbm>> -> memref<512xi32, #tpu.memory_space<hbm>>
        %dma_wait3A_103 = arith.constant 0 : i32
        %dma_wait3A_104 = tpu.memref_slice %arg2[%dma_wait3A_103] : memref<1605632xi32, #tpu.memory_space<hbm>> -> memref<512xi32, #tpu.memory_space<hbm>>
        tpu.wait_dma2 semaphore(%arg21 : memref<!tpu.dma_semaphore, #tpu.memory_space<semaphore_mem>>) src(%dma_wait3A_104 : memref<512xi32, #tpu.memory_space<hbm>>) dst(%arg13 : memref<512xi32, #tpu.memory_space<vmem>>)
        %dma_wait3A_105 = arith.constant 0 : i32
        %dma_wait3A_106 = tpu.memref_slice %arg3[%dma_wait3A_105] : memref<1605632xi32, #tpu.memory_space<hbm>> -> memref<512xi32, #tpu.memory_space<hbm>>
        %dma_wait3A_107 = arith.constant 0 : i32
        %dma_wait3A_108 = tpu.memref_slice %arg3[%dma_wait3A_107] : memref<1605632xi32, #tpu.memory_space<hbm>> -> memref<512xi32, #tpu.memory_space<hbm>>
        tpu.wait_dma2 semaphore(%arg21 : memref<!tpu.dma_semaphore, #tpu.memory_space<semaphore_mem>>) src(%dma_wait3A_108 : memref<512xi32, #tpu.memory_space<hbm>>) dst(%arg15 : memref<512xi32, #tpu.memory_space<vmem>>)
        %dma_start3A_109 = arith.constant 0 : i32
        %dma_start3A_110 = arith.constant 0 : i32
        %dma_start3A_111 = tpu.memref_slice %arg5[%dma_start3A_109, %dma_start3A_110] : memref<100352x16xf32, #tpu.memory_space<hbm>> -> memref<100352x16xf32, #tpu.memory_space<hbm>>
        tpu.enqueue_indirect_dma source(%dma_start3A_111 : memref<100352x16xf32, #tpu.memory_space<hbm>>) target(%arg17 : memref<512x16xf32, #tpu.memory_space<vmem>>) offsets(%arg13 : memref<512xi32, #tpu.memory_space<vmem>>) semaphore(%arg23 : memref<!tpu.dma_semaphore, #tpu.memory_space<semaphore_mem>>)
        %dma_start3A_112 = arith.constant 0 : i32
        %dma_start3A_113 = arith.constant 0 : i32
        %dma_start3A_114 = tpu.memref_slice %arg19[%dma_start3A_112, %dma_start3A_113] : memref<100352x16xf32, #tpu.memory_space<vmem_shared>> -> memref<100352x16xf32, #tpu.memory_space<vmem_shared>>
        tpu.enqueue_indirect_dma source(%arg16 : memref<512x16xf32, #tpu.memory_space<vmem>>) target(%dma_start3A_114 : memref<100352x16xf32, #tpu.memory_space<vmem_shared>>) offsets(%arg14 : memref<512xi32, #tpu.memory_space<vmem>>) semaphore(%arg24 : memref<!tpu.dma_semaphore, #tpu.memory_space<semaphore_mem>>) {add = true}
        %mul3A_115 = arith.constant 2 : i32
        %mul3A_116 = arith.muli %mul3A_115, %scan3A_77 : i32
        %add3A_117 = arith.constant 1 : i32
        %add3A_118 = arith.addi %mul3A_116, %add3A_117 : i32
        %dma_wait3A_119 = arith.constant 0 : i32
        %dma_wait3A_120 = arith.constant 0 : i32
        %dma_wait3A_121 = tpu.memref_slice %arg19[%dma_wait3A_119, %dma_wait3A_120] : memref<100352x16xf32, #tpu.memory_space<vmem_shared>> -> memref<100352x16xf32, #tpu.memory_space<vmem_shared>>
        tpu.wait_indirect_dma semaphore(%arg24 : memref<!tpu.dma_semaphore, #tpu.memory_space<semaphore_mem>>) src(%arg16 : memref<512x16xf32, #tpu.memory_space<vmem>>) dst(%dma_wait3A_121 : memref<100352x16xf32, #tpu.memory_space<vmem_shared>>)
        %lt3A = arith.constant 97 : i32
        %lt3A_122 = arith.cmpi slt, %scan3A_77, %lt3A : i32
        %convert_element_type3A_123 = arith.extui %lt3A_122 : i1 to i32
        %cond3A_124 = arith.constant 0 : i32
        %cond3A_125 = arith.cmpi ne, %convert_element_type3A_123, %cond3A_124 : i32
        scf.if %cond3A_125 {
          %add3A_137 = arith.constant 1 : i32
          %add3A_138 = arith.addi %add3A_118, %add3A_137 : i32
          %mul3A_139 = arith.constant 784 : i32
          %mul3A_140 = arith.muli %arg1, %mul3A_139 : i32
          %mul3A_141 = arith.constant 4 : i32
          %mul3A_142 = arith.muli %add3A_138, %mul3A_141 : i32
          %add3A_143 = arith.addi %mul3A_140, %mul3A_142 : i32
          %mul3A_144 = arith.constant 128 : i32
          %mul3A_145 = arith.muli %add3A_143, %mul3A_144 : i32
          %dma_start3A_146 = tpu.memref_slice %arg2[%mul3A_145] : memref<1605632xi32, #tpu.memory_space<hbm>> -> memref<512xi32, #tpu.memory_space<hbm>>
          %dma_start3A_147 = tpu.memref_slice %arg2[%mul3A_145] : memref<1605632xi32, #tpu.memory_space<hbm>> -> memref<512xi32, #tpu.memory_space<hbm>>
          tpu.enqueue_dma source(%dma_start3A_147 : memref<512xi32, #tpu.memory_space<hbm>>) target(%arg12 : memref<512xi32, #tpu.memory_space<vmem>>) target_semaphore(%arg20 : memref<!tpu.dma_semaphore, #tpu.memory_space<semaphore_mem>>)
          %dma_start3A_148 = tpu.memref_slice %arg3[%mul3A_145] : memref<1605632xi32, #tpu.memory_space<hbm>> -> memref<512xi32, #tpu.memory_space<hbm>>
          %dma_start3A_149 = tpu.memref_slice %arg3[%mul3A_145] : memref<1605632xi32, #tpu.memory_space<hbm>> -> memref<512xi32, #tpu.memory_space<hbm>>
          tpu.enqueue_dma source(%dma_start3A_149 : memref<512xi32, #tpu.memory_space<hbm>>) target(%arg14 : memref<512xi32, #tpu.memory_space<vmem>>) target_semaphore(%arg20 : memref<!tpu.dma_semaphore, #tpu.memory_space<semaphore_mem>>)
        } else {
        }
        %dma_wait3A_126 = arith.constant 0 : i32
        %dma_wait3A_127 = arith.constant 0 : i32
        %dma_wait3A_128 = tpu.memref_slice %arg5[%dma_wait3A_126, %dma_wait3A_127] : memref<100352x16xf32, #tpu.memory_space<hbm>> -> memref<100352x16xf32, #tpu.memory_space<hbm>>
        tpu.wait_indirect_dma semaphore(%arg23 : memref<!tpu.dma_semaphore, #tpu.memory_space<semaphore_mem>>) src(%dma_wait3A_128 : memref<100352x16xf32, #tpu.memory_space<hbm>>) dst(%arg17 : memref<512x16xf32, #tpu.memory_space<vmem>>)
        %lt3A_129 = arith.constant 97 : i32
        %lt3A_130 = arith.cmpi slt, %scan3A_77, %lt3A_129 : i32
        %convert_element_type3A_131 = arith.extui %lt3A_130 : i1 to i32
        %cond3A_132 = arith.constant 0 : i32
        %cond3A_133 = arith.cmpi ne, %convert_element_type3A_131, %cond3A_132 : i32
        scf.if %cond3A_133 {
          %dma_wait3A_137 = arith.constant 0 : i32
          %dma_wait3A_138 = tpu.memref_slice %arg2[%dma_wait3A_137] : memref<1605632xi32, #tpu.memory_space<hbm>> -> memref<512xi32, #tpu.memory_space<hbm>>
          %dma_wait3A_139 = arith.constant 0 : i32
          %dma_wait3A_140 = tpu.memref_slice %arg2[%dma_wait3A_139] : memref<1605632xi32, #tpu.memory_space<hbm>> -> memref<512xi32, #tpu.memory_space<hbm>>
          tpu.wait_dma2 semaphore(%arg20 : memref<!tpu.dma_semaphore, #tpu.memory_space<semaphore_mem>>) src(%dma_wait3A_140 : memref<512xi32, #tpu.memory_space<hbm>>) dst(%arg12 : memref<512xi32, #tpu.memory_space<vmem>>)
          %dma_wait3A_141 = arith.constant 0 : i32
          %dma_wait3A_142 = tpu.memref_slice %arg3[%dma_wait3A_141] : memref<1605632xi32, #tpu.memory_space<hbm>> -> memref<512xi32, #tpu.memory_space<hbm>>
          %dma_wait3A_143 = arith.constant 0 : i32
          %dma_wait3A_144 = tpu.memref_slice %arg3[%dma_wait3A_143] : memref<1605632xi32, #tpu.memory_space<hbm>> -> memref<512xi32, #tpu.memory_space<hbm>>
          tpu.wait_dma2 semaphore(%arg20 : memref<!tpu.dma_semaphore, #tpu.memory_space<semaphore_mem>>) src(%dma_wait3A_144 : memref<512xi32, #tpu.memory_space<hbm>>) dst(%arg14 : memref<512xi32, #tpu.memory_space<vmem>>)
          %dma_start3A_145 = arith.constant 0 : i32
          %dma_start3A_146 = arith.constant 0 : i32
          %dma_start3A_147 = tpu.memref_slice %arg5[%dma_start3A_145, %dma_start3A_146] : memref<100352x16xf32, #tpu.memory_space<hbm>> -> memref<100352x16xf32, #tpu.memory_space<hbm>>
          tpu.enqueue_indirect_dma source(%dma_start3A_147 : memref<100352x16xf32, #tpu.memory_space<hbm>>) target(%arg16 : memref<512x16xf32, #tpu.memory_space<vmem>>) offsets(%arg12 : memref<512xi32, #tpu.memory_space<vmem>>) semaphore(%arg22 : memref<!tpu.dma_semaphore, #tpu.memory_space<semaphore_mem>>)
        } else {
        }
        %dma_start3A_134 = arith.constant 0 : i32
        %dma_start3A_135 = arith.constant 0 : i32
        %dma_start3A_136 = tpu.memref_slice %arg19[%dma_start3A_134, %dma_start3A_135] : memref<100352x16xf32, #tpu.memory_space<vmem_shared>> -> memref<100352x16xf32, #tpu.memory_space<vmem_shared>>
        tpu.enqueue_indirect_dma source(%arg17 : memref<512x16xf32, #tpu.memory_space<vmem>>) target(%dma_start3A_136 : memref<100352x16xf32, #tpu.memory_space<vmem_shared>>) offsets(%arg15 : memref<512xi32, #tpu.memory_space<vmem>>) semaphore(%arg25 : memref<!tpu.dma_semaphore, #tpu.memory_space<semaphore_mem>>) {add = true}
      }
      %scan3A_74 = arith.constant 98 : i32
      %dma_wait3A = arith.constant 0 : i32
      %dma_wait3A_75 = arith.constant 0 : i32
      %dma_wait3A_76 = tpu.memref_slice %arg19[%dma_wait3A, %dma_wait3A_75] : memref<100352x16xf32, #tpu.memory_space<vmem_shared>> -> memref<100352x16xf32, #tpu.memory_space<vmem_shared>>
      tpu.wait_indirect_dma semaphore(%arg25 : memref<!tpu.dma_semaphore, #tpu.memory_space<semaphore_mem>>) src(%arg17 : memref<512x16xf32, #tpu.memory_space<vmem>>) dst(%dma_wait3A_76 : memref<100352x16xf32, #tpu.memory_space<vmem_shared>>)
    } else {
    }
    %barrier3A_19 = arith.constant 0 : index
    tpu.barrier barrier_id(%barrier3A_19)
    %eq3A_20 = arith.constant 0 : i32
    %eq3A_21 = arith.cmpi eq, %arg0, %eq3A_20 : i32
    %convert_element_type3A_22 = arith.extui %eq3A_21 : i1 to i32
    %cond3A_23 = arith.constant 0 : i32
    %cond3A_24 = arith.cmpi ne, %convert_element_type3A_22, %cond3A_23 : i32
    scf.if %cond3A_24 {
      "tpu.region"() ({
        %run_scoped3A = tpu.sem_alloc : memref<!tpu.dma_semaphore, #tpu.memory_space<semaphore_mem>>
        %dma_start3A = arith.constant 0 : i32
        %dma_start3A_59 = tpu.memref_slice %arg8[%mul3A_0, %dma_start3A] : memref<100352x16xf32, #tpu.memory_space<hbm>> -> memref<6272x16xf32, #tpu.memory_space<hbm>>
        %dma_start3A_60 = arith.constant 0 : i32
        %dma_start3A_61 = tpu.memref_slice %arg19[%mul3A_0, %dma_start3A_60] : memref<100352x16xf32, #tpu.memory_space<vmem_shared>> -> memref<6272x16xf32, #tpu.memory_space<vmem_shared>>
        tpu.enqueue_dma source(%dma_start3A_61 : memref<6272x16xf32, #tpu.memory_space<vmem_shared>>) target(%dma_start3A_59 : memref<6272x16xf32, #tpu.memory_space<hbm>>) target_semaphore(%run_scoped3A : memref<!tpu.dma_semaphore, #tpu.memory_space<semaphore_mem>>)
        %dma_wait3A = arith.constant 0 : i32
        %dma_wait3A_62 = tpu.memref_slice %arg8[%mul3A_0, %dma_wait3A] : memref<100352x16xf32, #tpu.memory_space<hbm>> -> memref<6272x16xf32, #tpu.memory_space<hbm>>
        %dma_wait3A_63 = arith.constant 0 : i32
        %dma_wait3A_64 = tpu.memref_slice %arg19[%mul3A_0, %dma_wait3A_63] : memref<100352x16xf32, #tpu.memory_space<vmem_shared>> -> memref<6272x16xf32, #tpu.memory_space<vmem_shared>>
        tpu.wait_dma2 semaphore(%run_scoped3A : memref<!tpu.dma_semaphore, #tpu.memory_space<semaphore_mem>>) src(%dma_wait3A_64 : memref<6272x16xf32, #tpu.memory_space<vmem_shared>>) dst(%dma_wait3A_62 : memref<6272x16xf32, #tpu.memory_space<hbm>>)
        tpu.yield
      }) : () -> ()
    } else {
    }
    %eq3A_25 = arith.constant 1 : i32
    %eq3A_26 = arith.cmpi eq, %arg0, %eq3A_25 : i32
    %convert_element_type3A_27 = arith.extui %eq3A_26 : i1 to i32
    %cond3A_28 = arith.constant 0 : i32
    %cond3A_29 = arith.cmpi ne, %convert_element_type3A_27, %cond3A_28 : i32
    scf.if %cond3A_29 {
      "tpu.region"() ({
        %run_scoped3A = tpu.sem_alloc : memref<!tpu.dma_semaphore, #tpu.memory_space<semaphore_mem>>
        %dma_start3A = arith.constant 0 : i32
        %dma_start3A_59 = tpu.memref_slice %arg9[%mul3A_0, %dma_start3A] : memref<100352x16xf32, #tpu.memory_space<hbm>> -> memref<6272x16xf32, #tpu.memory_space<hbm>>
        %dma_start3A_60 = arith.constant 0 : i32
        %dma_start3A_61 = tpu.memref_slice %arg19[%mul3A_0, %dma_start3A_60] : memref<100352x16xf32, #tpu.memory_space<vmem_shared>> -> memref<6272x16xf32, #tpu.memory_space<vmem_shared>>
        tpu.enqueue_dma source(%dma_start3A_61 : memref<6272x16xf32, #tpu.memory_space<vmem_shared>>) target(%dma_start3A_59 : memref<6272x16xf32, #tpu.memory_space<hbm>>) target_semaphore(%run_scoped3A : memref<!tpu.dma_semaphore, #tpu.memory_space<semaphore_mem>>)
        %dma_wait3A = arith.constant 0 : i32
        %dma_wait3A_62 = tpu.memref_slice %arg9[%mul3A_0, %dma_wait3A] : memref<100352x16xf32, #tpu.memory_space<hbm>> -> memref<6272x16xf32, #tpu.memory_space<hbm>>
        %dma_wait3A_63 = arith.constant 0 : i32
        %dma_wait3A_64 = tpu.memref_slice %arg19[%mul3A_0, %dma_wait3A_63] : memref<100352x16xf32, #tpu.memory_space<vmem_shared>> -> memref<6272x16xf32, #tpu.memory_space<vmem_shared>>
        tpu.wait_dma2 semaphore(%run_scoped3A : memref<!tpu.dma_semaphore, #tpu.memory_space<semaphore_mem>>) src(%dma_wait3A_64 : memref<6272x16xf32, #tpu.memory_space<vmem_shared>>) dst(%dma_wait3A_62 : memref<6272x16xf32, #tpu.memory_space<hbm>>)
        tpu.yield
      }) : () -> ()
    } else {
    }
    %barrier3A_30 = arith.constant 0 : index
    tpu.barrier barrier_id(%barrier3A_30)
    %scan3A_31 = arith.constant 0 : i32
    %scan3A_32 = arith.constant 0 : i32
    %scan3A_33 = arith.constant 32 : i32
    %scan3A_34 = arith.addi %scan3A_32, %scan3A_33 : i32
    %scan3A_35 = arith.constant 1 : i32
    scf.for %scan3A_59 = %scan3A_32 to %scan3A_34 step %scan3A_35  : i32 {
      %mul3A_60 = arith.constant 196 : i32
      %mul3A_61 = arith.muli %scan3A_59, %mul3A_60 : i32
      %add3A = arith.addi %mul3A_0, %mul3A_61 : i32
      "tpu.region"() ({
        %run_scoped3A = tpu.sem_alloc : memref<!tpu.dma_semaphore, #tpu.memory_space<semaphore_mem>>
        %dma_start3A = arith.constant 0 : i32
        %dma_start3A_62 = tpu.memref_slice %arg19[%add3A, %dma_start3A] : memref<100352x16xf32, #tpu.memory_space<vmem_shared>> -> memref<196x16xf32, #tpu.memory_space<vmem_shared>>
        %dma_start3A_63 = arith.constant 0 : i32
        %dma_start3A_64 = tpu.memref_slice %arg19[%add3A, %dma_start3A_63] : memref<100352x16xf32, #tpu.memory_space<vmem_shared>> -> memref<196x16xf32, #tpu.memory_space<vmem_shared>>
        tpu.enqueue_dma source(%arg18 : memref<196x16xf32, #tpu.memory_space<vmem>>) target(%dma_start3A_64 : memref<196x16xf32, #tpu.memory_space<vmem_shared>>) target_semaphore(%run_scoped3A : memref<!tpu.dma_semaphore, #tpu.memory_space<semaphore_mem>>)
        %dma_wait3A = arith.constant 0 : i32
        %dma_wait3A_65 = tpu.memref_slice %arg19[%add3A, %dma_wait3A] : memref<100352x16xf32, #tpu.memory_space<vmem_shared>> -> memref<196x16xf32, #tpu.memory_space<vmem_shared>>
        %dma_wait3A_66 = arith.constant 0 : i32
        %dma_wait3A_67 = tpu.memref_slice %arg19[%add3A, %dma_wait3A_66] : memref<100352x16xf32, #tpu.memory_space<vmem_shared>> -> memref<196x16xf32, #tpu.memory_space<vmem_shared>>
        tpu.wait_dma2 semaphore(%run_scoped3A : memref<!tpu.dma_semaphore, #tpu.memory_space<semaphore_mem>>) src(%arg18 : memref<196x16xf32, #tpu.memory_space<vmem>>) dst(%dma_wait3A_67 : memref<196x16xf32, #tpu.memory_space<vmem_shared>>)
        tpu.yield
      }) : () -> ()
    }
    %scan3A_36 = arith.constant 32 : i32
    %barrier3A_37 = arith.constant 0 : index
    tpu.barrier barrier_id(%barrier3A_37)
    %eq3A_38 = arith.constant 0 : i32
    %eq3A_39 = arith.cmpi eq, %arg0, %eq3A_38 : i32
    %convert_element_type3A_40 = arith.extui %eq3A_39 : i1 to i32
    %cond3A_41 = arith.constant 0 : i32
    %cond3A_42 = arith.cmpi ne, %convert_element_type3A_40, %cond3A_41 : i32
    scf.if %cond3A_42 {
      %mul3A_59 = arith.constant 784 : i32
      %mul3A_60 = arith.muli %arg1, %mul3A_59 : i32
      %mul3A_61 = arith.constant 128 : i32
      %mul3A_62 = arith.muli %mul3A_60, %mul3A_61 : i32
      "tpu.region"() ({
        %run_scoped3A = tpu.sem_alloc : memref<!tpu.dma_semaphore, #tpu.memory_space<semaphore_mem>>
        %dma_start3A_77 = tpu.memref_slice %arg2[%mul3A_62] : memref<1605632xi32, #tpu.memory_space<hbm>> -> memref<512xi32, #tpu.memory_space<hbm>>
        %dma_start3A_78 = tpu.memref_slice %arg2[%mul3A_62] : memref<1605632xi32, #tpu.memory_space<hbm>> -> memref<512xi32, #tpu.memory_space<hbm>>
        tpu.enqueue_dma source(%dma_start3A_78 : memref<512xi32, #tpu.memory_space<hbm>>) target(%arg12 : memref<512xi32, #tpu.memory_space<vmem>>) target_semaphore(%run_scoped3A : memref<!tpu.dma_semaphore, #tpu.memory_space<semaphore_mem>>)
        %dma_wait3A_79 = tpu.memref_slice %arg2[%mul3A_62] : memref<1605632xi32, #tpu.memory_space<hbm>> -> memref<512xi32, #tpu.memory_space<hbm>>
        %dma_wait3A_80 = tpu.memref_slice %arg2[%mul3A_62] : memref<1605632xi32, #tpu.memory_space<hbm>> -> memref<512xi32, #tpu.memory_space<hbm>>
        tpu.wait_dma2 semaphore(%run_scoped3A : memref<!tpu.dma_semaphore, #tpu.memory_space<semaphore_mem>>) src(%dma_wait3A_80 : memref<512xi32, #tpu.memory_space<hbm>>) dst(%arg12 : memref<512xi32, #tpu.memory_space<vmem>>)
        tpu.yield
      }) : () -> ()
      %mul3A_63 = arith.constant 784 : i32
      %mul3A_64 = arith.muli %arg1, %mul3A_63 : i32
      %mul3A_65 = arith.constant 128 : i32
      %mul3A_66 = arith.muli %mul3A_64, %mul3A_65 : i32
      "tpu.region"() ({
        %run_scoped3A = tpu.sem_alloc : memref<!tpu.dma_semaphore, #tpu.memory_space<semaphore_mem>>
        %dma_start3A_77 = tpu.memref_slice %arg3[%mul3A_66] : memref<1605632xi32, #tpu.memory_space<hbm>> -> memref<512xi32, #tpu.memory_space<hbm>>
        %dma_start3A_78 = tpu.memref_slice %arg3[%mul3A_66] : memref<1605632xi32, #tpu.memory_space<hbm>> -> memref<512xi32, #tpu.memory_space<hbm>>
        tpu.enqueue_dma source(%dma_start3A_78 : memref<512xi32, #tpu.memory_space<hbm>>) target(%arg14 : memref<512xi32, #tpu.memory_space<vmem>>) target_semaphore(%run_scoped3A : memref<!tpu.dma_semaphore, #tpu.memory_space<semaphore_mem>>)
        %dma_wait3A_79 = tpu.memref_slice %arg3[%mul3A_66] : memref<1605632xi32, #tpu.memory_space<hbm>> -> memref<512xi32, #tpu.memory_space<hbm>>
        %dma_wait3A_80 = tpu.memref_slice %arg3[%mul3A_66] : memref<1605632xi32, #tpu.memory_space<hbm>> -> memref<512xi32, #tpu.memory_space<hbm>>
        tpu.wait_dma2 semaphore(%run_scoped3A : memref<!tpu.dma_semaphore, #tpu.memory_space<semaphore_mem>>) src(%dma_wait3A_80 : memref<512xi32, #tpu.memory_space<hbm>>) dst(%arg14 : memref<512xi32, #tpu.memory_space<vmem>>)
        tpu.yield
      }) : () -> ()
      %dma_start3A = arith.constant 0 : i32
      %dma_start3A_67 = arith.constant 0 : i32
      %dma_start3A_68 = tpu.memref_slice %arg6[%dma_start3A, %dma_start3A_67] : memref<100352x16xf32, #tpu.memory_space<hbm>> -> memref<100352x16xf32, #tpu.memory_space<hbm>>
      tpu.enqueue_indirect_dma source(%dma_start3A_68 : memref<100352x16xf32, #tpu.memory_space<hbm>>) target(%arg16 : memref<512x16xf32, #tpu.memory_space<vmem>>) offsets(%arg12 : memref<512xi32, #tpu.memory_space<vmem>>) semaphore(%arg22 : memref<!tpu.dma_semaphore, #tpu.memory_space<semaphore_mem>>)
      %scan3A_69 = arith.constant 0 : i32
      %scan3A_70 = arith.constant 0 : i32
      %scan3A_71 = arith.constant 98 : i32
      %scan3A_72 = arith.addi %scan3A_70, %scan3A_71 : i32
      %scan3A_73 = arith.constant 1 : i32
      scf.for %scan3A_77 = %scan3A_70 to %scan3A_72 step %scan3A_73  : i32 {
        %mul3A_78 = arith.constant 2 : i32
        %mul3A_79 = arith.muli %mul3A_78, %scan3A_77 : i32
        %add3A = arith.constant 0 : i32
        %add3A_80 = arith.addi %mul3A_79, %add3A : i32
        %gt3A = arith.constant 0 : i32
        %gt3A_81 = arith.cmpi sgt, %scan3A_77, %gt3A : i32
        %convert_element_type3A_82 = arith.extui %gt3A_81 : i1 to i32
        %cond3A_83 = arith.constant 0 : i32
        %cond3A_84 = arith.cmpi ne, %convert_element_type3A_82, %cond3A_83 : i32
        scf.if %cond3A_84 {
          %dma_wait3A_137 = arith.constant 0 : i32
          %dma_wait3A_138 = arith.constant 0 : i32
          %dma_wait3A_139 = tpu.memref_slice %arg19[%dma_wait3A_137, %dma_wait3A_138] : memref<100352x16xf32, #tpu.memory_space<vmem_shared>> -> memref<100352x16xf32, #tpu.memory_space<vmem_shared>>
          tpu.wait_indirect_dma semaphore(%arg25 : memref<!tpu.dma_semaphore, #tpu.memory_space<semaphore_mem>>) src(%arg17 : memref<512x16xf32, #tpu.memory_space<vmem>>) dst(%dma_wait3A_139 : memref<100352x16xf32, #tpu.memory_space<vmem_shared>>)
        } else {
        }
        %add3A_85 = arith.constant 1 : i32
        %add3A_86 = arith.addi %add3A_80, %add3A_85 : i32
        %mul3A_87 = arith.constant 784 : i32
        %mul3A_88 = arith.muli %arg1, %mul3A_87 : i32
        %mul3A_89 = arith.constant 4 : i32
        %mul3A_90 = arith.muli %add3A_86, %mul3A_89 : i32
        %add3A_91 = arith.addi %mul3A_88, %mul3A_90 : i32
        %mul3A_92 = arith.constant 128 : i32
        %mul3A_93 = arith.muli %add3A_91, %mul3A_92 : i32
        %dma_start3A_94 = tpu.memref_slice %arg2[%mul3A_93] : memref<1605632xi32, #tpu.memory_space<hbm>> -> memref<512xi32, #tpu.memory_space<hbm>>
        %dma_start3A_95 = tpu.memref_slice %arg2[%mul3A_93] : memref<1605632xi32, #tpu.memory_space<hbm>> -> memref<512xi32, #tpu.memory_space<hbm>>
        tpu.enqueue_dma source(%dma_start3A_95 : memref<512xi32, #tpu.memory_space<hbm>>) target(%arg13 : memref<512xi32, #tpu.memory_space<vmem>>) target_semaphore(%arg21 : memref<!tpu.dma_semaphore, #tpu.memory_space<semaphore_mem>>)
        %dma_start3A_96 = tpu.memref_slice %arg3[%mul3A_93] : memref<1605632xi32, #tpu.memory_space<hbm>> -> memref<512xi32, #tpu.memory_space<hbm>>
        %dma_start3A_97 = tpu.memref_slice %arg3[%mul3A_93] : memref<1605632xi32, #tpu.memory_space<hbm>> -> memref<512xi32, #tpu.memory_space<hbm>>
        tpu.enqueue_dma source(%dma_start3A_97 : memref<512xi32, #tpu.memory_space<hbm>>) target(%arg15 : memref<512xi32, #tpu.memory_space<vmem>>) target_semaphore(%arg21 : memref<!tpu.dma_semaphore, #tpu.memory_space<semaphore_mem>>)
        %dma_wait3A_98 = arith.constant 0 : i32
        %dma_wait3A_99 = arith.constant 0 : i32
        %dma_wait3A_100 = tpu.memref_slice %arg6[%dma_wait3A_98, %dma_wait3A_99] : memref<100352x16xf32, #tpu.memory_space<hbm>> -> memref<100352x16xf32, #tpu.memory_space<hbm>>
        tpu.wait_indirect_dma semaphore(%arg22 : memref<!tpu.dma_semaphore, #tpu.memory_space<semaphore_mem>>) src(%dma_wait3A_100 : memref<100352x16xf32, #tpu.memory_space<hbm>>) dst(%arg16 : memref<512x16xf32, #tpu.memory_space<vmem>>)
        %dma_wait3A_101 = arith.constant 0 : i32
        %dma_wait3A_102 = tpu.memref_slice %arg2[%dma_wait3A_101] : memref<1605632xi32, #tpu.memory_space<hbm>> -> memref<512xi32, #tpu.memory_space<hbm>>
        %dma_wait3A_103 = arith.constant 0 : i32
        %dma_wait3A_104 = tpu.memref_slice %arg2[%dma_wait3A_103] : memref<1605632xi32, #tpu.memory_space<hbm>> -> memref<512xi32, #tpu.memory_space<hbm>>
        tpu.wait_dma2 semaphore(%arg21 : memref<!tpu.dma_semaphore, #tpu.memory_space<semaphore_mem>>) src(%dma_wait3A_104 : memref<512xi32, #tpu.memory_space<hbm>>) dst(%arg13 : memref<512xi32, #tpu.memory_space<vmem>>)
        %dma_wait3A_105 = arith.constant 0 : i32
        %dma_wait3A_106 = tpu.memref_slice %arg3[%dma_wait3A_105] : memref<1605632xi32, #tpu.memory_space<hbm>> -> memref<512xi32, #tpu.memory_space<hbm>>
        %dma_wait3A_107 = arith.constant 0 : i32
        %dma_wait3A_108 = tpu.memref_slice %arg3[%dma_wait3A_107] : memref<1605632xi32, #tpu.memory_space<hbm>> -> memref<512xi32, #tpu.memory_space<hbm>>
        tpu.wait_dma2 semaphore(%arg21 : memref<!tpu.dma_semaphore, #tpu.memory_space<semaphore_mem>>) src(%dma_wait3A_108 : memref<512xi32, #tpu.memory_space<hbm>>) dst(%arg15 : memref<512xi32, #tpu.memory_space<vmem>>)
        %dma_start3A_109 = arith.constant 0 : i32
        %dma_start3A_110 = arith.constant 0 : i32
        %dma_start3A_111 = tpu.memref_slice %arg6[%dma_start3A_109, %dma_start3A_110] : memref<100352x16xf32, #tpu.memory_space<hbm>> -> memref<100352x16xf32, #tpu.memory_space<hbm>>
        tpu.enqueue_indirect_dma source(%dma_start3A_111 : memref<100352x16xf32, #tpu.memory_space<hbm>>) target(%arg17 : memref<512x16xf32, #tpu.memory_space<vmem>>) offsets(%arg13 : memref<512xi32, #tpu.memory_space<vmem>>) semaphore(%arg23 : memref<!tpu.dma_semaphore, #tpu.memory_space<semaphore_mem>>)
        %dma_start3A_112 = arith.constant 0 : i32
        %dma_start3A_113 = arith.constant 0 : i32
        %dma_start3A_114 = tpu.memref_slice %arg19[%dma_start3A_112, %dma_start3A_113] : memref<100352x16xf32, #tpu.memory_space<vmem_shared>> -> memref<100352x16xf32, #tpu.memory_space<vmem_shared>>
        tpu.enqueue_indirect_dma source(%arg16 : memref<512x16xf32, #tpu.memory_space<vmem>>) target(%dma_start3A_114 : memref<100352x16xf32, #tpu.memory_space<vmem_shared>>) offsets(%arg14 : memref<512xi32, #tpu.memory_space<vmem>>) semaphore(%arg24 : memref<!tpu.dma_semaphore, #tpu.memory_space<semaphore_mem>>) {add = true}
        %mul3A_115 = arith.constant 2 : i32
        %mul3A_116 = arith.muli %mul3A_115, %scan3A_77 : i32
        %add3A_117 = arith.constant 1 : i32
        %add3A_118 = arith.addi %mul3A_116, %add3A_117 : i32
        %dma_wait3A_119 = arith.constant 0 : i32
        %dma_wait3A_120 = arith.constant 0 : i32
        %dma_wait3A_121 = tpu.memref_slice %arg19[%dma_wait3A_119, %dma_wait3A_120] : memref<100352x16xf32, #tpu.memory_space<vmem_shared>> -> memref<100352x16xf32, #tpu.memory_space<vmem_shared>>
        tpu.wait_indirect_dma semaphore(%arg24 : memref<!tpu.dma_semaphore, #tpu.memory_space<semaphore_mem>>) src(%arg16 : memref<512x16xf32, #tpu.memory_space<vmem>>) dst(%dma_wait3A_121 : memref<100352x16xf32, #tpu.memory_space<vmem_shared>>)
        %lt3A = arith.constant 97 : i32
        %lt3A_122 = arith.cmpi slt, %scan3A_77, %lt3A : i32
        %convert_element_type3A_123 = arith.extui %lt3A_122 : i1 to i32
        %cond3A_124 = arith.constant 0 : i32
        %cond3A_125 = arith.cmpi ne, %convert_element_type3A_123, %cond3A_124 : i32
        scf.if %cond3A_125 {
          %add3A_137 = arith.constant 1 : i32
          %add3A_138 = arith.addi %add3A_118, %add3A_137 : i32
          %mul3A_139 = arith.constant 784 : i32
          %mul3A_140 = arith.muli %arg1, %mul3A_139 : i32
          %mul3A_141 = arith.constant 4 : i32
          %mul3A_142 = arith.muli %add3A_138, %mul3A_141 : i32
          %add3A_143 = arith.addi %mul3A_140, %mul3A_142 : i32
          %mul3A_144 = arith.constant 128 : i32
          %mul3A_145 = arith.muli %add3A_143, %mul3A_144 : i32
          %dma_start3A_146 = tpu.memref_slice %arg2[%mul3A_145] : memref<1605632xi32, #tpu.memory_space<hbm>> -> memref<512xi32, #tpu.memory_space<hbm>>
          %dma_start3A_147 = tpu.memref_slice %arg2[%mul3A_145] : memref<1605632xi32, #tpu.memory_space<hbm>> -> memref<512xi32, #tpu.memory_space<hbm>>
          tpu.enqueue_dma source(%dma_start3A_147 : memref<512xi32, #tpu.memory_space<hbm>>) target(%arg12 : memref<512xi32, #tpu.memory_space<vmem>>) target_semaphore(%arg20 : memref<!tpu.dma_semaphore, #tpu.memory_space<semaphore_mem>>)
          %dma_start3A_148 = tpu.memref_slice %arg3[%mul3A_145] : memref<1605632xi32, #tpu.memory_space<hbm>> -> memref<512xi32, #tpu.memory_space<hbm>>
          %dma_start3A_149 = tpu.memref_slice %arg3[%mul3A_145] : memref<1605632xi32, #tpu.memory_space<hbm>> -> memref<512xi32, #tpu.memory_space<hbm>>
          tpu.enqueue_dma source(%dma_start3A_149 : memref<512xi32, #tpu.memory_space<hbm>>) target(%arg14 : memref<512xi32, #tpu.memory_space<vmem>>) target_semaphore(%arg20 : memref<!tpu.dma_semaphore, #tpu.memory_space<semaphore_mem>>)
        } else {
        }
        %dma_wait3A_126 = arith.constant 0 : i32
        %dma_wait3A_127 = arith.constant 0 : i32
        %dma_wait3A_128 = tpu.memref_slice %arg6[%dma_wait3A_126, %dma_wait3A_127] : memref<100352x16xf32, #tpu.memory_space<hbm>> -> memref<100352x16xf32, #tpu.memory_space<hbm>>
        tpu.wait_indirect_dma semaphore(%arg23 : memref<!tpu.dma_semaphore, #tpu.memory_space<semaphore_mem>>) src(%dma_wait3A_128 : memref<100352x16xf32, #tpu.memory_space<hbm>>) dst(%arg17 : memref<512x16xf32, #tpu.memory_space<vmem>>)
        %lt3A_129 = arith.constant 97 : i32
        %lt3A_130 = arith.cmpi slt, %scan3A_77, %lt3A_129 : i32
        %convert_element_type3A_131 = arith.extui %lt3A_130 : i1 to i32
        %cond3A_132 = arith.constant 0 : i32
        %cond3A_133 = arith.cmpi ne, %convert_element_type3A_131, %cond3A_132 : i32
        scf.if %cond3A_133 {
          %dma_wait3A_137 = arith.constant 0 : i32
          %dma_wait3A_138 = tpu.memref_slice %arg2[%dma_wait3A_137] : memref<1605632xi32, #tpu.memory_space<hbm>> -> memref<512xi32, #tpu.memory_space<hbm>>
          %dma_wait3A_139 = arith.constant 0 : i32
          %dma_wait3A_140 = tpu.memref_slice %arg2[%dma_wait3A_139] : memref<1605632xi32, #tpu.memory_space<hbm>> -> memref<512xi32, #tpu.memory_space<hbm>>
          tpu.wait_dma2 semaphore(%arg20 : memref<!tpu.dma_semaphore, #tpu.memory_space<semaphore_mem>>) src(%dma_wait3A_140 : memref<512xi32, #tpu.memory_space<hbm>>) dst(%arg12 : memref<512xi32, #tpu.memory_space<vmem>>)
          %dma_wait3A_141 = arith.constant 0 : i32
          %dma_wait3A_142 = tpu.memref_slice %arg3[%dma_wait3A_141] : memref<1605632xi32, #tpu.memory_space<hbm>> -> memref<512xi32, #tpu.memory_space<hbm>>
          %dma_wait3A_143 = arith.constant 0 : i32
          %dma_wait3A_144 = tpu.memref_slice %arg3[%dma_wait3A_143] : memref<1605632xi32, #tpu.memory_space<hbm>> -> memref<512xi32, #tpu.memory_space<hbm>>
          tpu.wait_dma2 semaphore(%arg20 : memref<!tpu.dma_semaphore, #tpu.memory_space<semaphore_mem>>) src(%dma_wait3A_144 : memref<512xi32, #tpu.memory_space<hbm>>) dst(%arg14 : memref<512xi32, #tpu.memory_space<vmem>>)
          %dma_start3A_145 = arith.constant 0 : i32
          %dma_start3A_146 = arith.constant 0 : i32
          %dma_start3A_147 = tpu.memref_slice %arg6[%dma_start3A_145, %dma_start3A_146] : memref<100352x16xf32, #tpu.memory_space<hbm>> -> memref<100352x16xf32, #tpu.memory_space<hbm>>
          tpu.enqueue_indirect_dma source(%dma_start3A_147 : memref<100352x16xf32, #tpu.memory_space<hbm>>) target(%arg16 : memref<512x16xf32, #tpu.memory_space<vmem>>) offsets(%arg12 : memref<512xi32, #tpu.memory_space<vmem>>) semaphore(%arg22 : memref<!tpu.dma_semaphore, #tpu.memory_space<semaphore_mem>>)
        } else {
        }
        %dma_start3A_134 = arith.constant 0 : i32
        %dma_start3A_135 = arith.constant 0 : i32
        %dma_start3A_136 = tpu.memref_slice %arg19[%dma_start3A_134, %dma_start3A_135] : memref<100352x16xf32, #tpu.memory_space<vmem_shared>> -> memref<100352x16xf32, #tpu.memory_space<vmem_shared>>
        tpu.enqueue_indirect_dma source(%arg17 : memref<512x16xf32, #tpu.memory_space<vmem>>) target(%dma_start3A_136 : memref<100352x16xf32, #tpu.memory_space<vmem_shared>>) offsets(%arg15 : memref<512xi32, #tpu.memory_space<vmem>>) semaphore(%arg25 : memref<!tpu.dma_semaphore, #tpu.memory_space<semaphore_mem>>) {add = true}
      }
      %scan3A_74 = arith.constant 98 : i32
      %dma_wait3A = arith.constant 0 : i32
      %dma_wait3A_75 = arith.constant 0 : i32
      %dma_wait3A_76 = tpu.memref_slice %arg19[%dma_wait3A, %dma_wait3A_75] : memref<100352x16xf32, #tpu.memory_space<vmem_shared>> -> memref<100352x16xf32, #tpu.memory_space<vmem_shared>>
      tpu.wait_indirect_dma semaphore(%arg25 : memref<!tpu.dma_semaphore, #tpu.memory_space<semaphore_mem>>) src(%arg17 : memref<512x16xf32, #tpu.memory_space<vmem>>) dst(%dma_wait3A_76 : memref<100352x16xf32, #tpu.memory_space<vmem_shared>>)
    } else {
    }
    %eq3A_43 = arith.constant 1 : i32
    %eq3A_44 = arith.cmpi eq, %arg0, %eq3A_43 : i32
    %convert_element_type3A_45 = arith.extui %eq3A_44 : i1 to i32
    %cond3A_46 = arith.constant 0 : i32
    %cond3A_47 = arith.cmpi ne, %convert_element_type3A_45, %cond3A_46 : i32
    scf.if %cond3A_47 {
      %mul3A_59 = arith.constant 784 : i32
      %mul3A_60 = arith.muli %arg1, %mul3A_59 : i32
      %mul3A_61 = arith.constant 128 : i32
      %mul3A_62 = arith.muli %mul3A_60, %mul3A_61 : i32
      "tpu.region"() ({
        %run_scoped3A = tpu.sem_alloc : memref<!tpu.dma_semaphore, #tpu.memory_space<semaphore_mem>>
        %dma_start3A_77 = tpu.memref_slice %arg2[%mul3A_62] : memref<1605632xi32, #tpu.memory_space<hbm>> -> memref<512xi32, #tpu.memory_space<hbm>>
        %dma_start3A_78 = tpu.memref_slice %arg2[%mul3A_62] : memref<1605632xi32, #tpu.memory_space<hbm>> -> memref<512xi32, #tpu.memory_space<hbm>>
        tpu.enqueue_dma source(%dma_start3A_78 : memref<512xi32, #tpu.memory_space<hbm>>) target(%arg12 : memref<512xi32, #tpu.memory_space<vmem>>) target_semaphore(%run_scoped3A : memref<!tpu.dma_semaphore, #tpu.memory_space<semaphore_mem>>)
        %dma_wait3A_79 = tpu.memref_slice %arg2[%mul3A_62] : memref<1605632xi32, #tpu.memory_space<hbm>> -> memref<512xi32, #tpu.memory_space<hbm>>
        %dma_wait3A_80 = tpu.memref_slice %arg2[%mul3A_62] : memref<1605632xi32, #tpu.memory_space<hbm>> -> memref<512xi32, #tpu.memory_space<hbm>>
        tpu.wait_dma2 semaphore(%run_scoped3A : memref<!tpu.dma_semaphore, #tpu.memory_space<semaphore_mem>>) src(%dma_wait3A_80 : memref<512xi32, #tpu.memory_space<hbm>>) dst(%arg12 : memref<512xi32, #tpu.memory_space<vmem>>)
        tpu.yield
      }) : () -> ()
      %mul3A_63 = arith.constant 784 : i32
      %mul3A_64 = arith.muli %arg1, %mul3A_63 : i32
      %mul3A_65 = arith.constant 128 : i32
      %mul3A_66 = arith.muli %mul3A_64, %mul3A_65 : i32
      "tpu.region"() ({
        %run_scoped3A = tpu.sem_alloc : memref<!tpu.dma_semaphore, #tpu.memory_space<semaphore_mem>>
        %dma_start3A_77 = tpu.memref_slice %arg3[%mul3A_66] : memref<1605632xi32, #tpu.memory_space<hbm>> -> memref<512xi32, #tpu.memory_space<hbm>>
        %dma_start3A_78 = tpu.memref_slice %arg3[%mul3A_66] : memref<1605632xi32, #tpu.memory_space<hbm>> -> memref<512xi32, #tpu.memory_space<hbm>>
        tpu.enqueue_dma source(%dma_start3A_78 : memref<512xi32, #tpu.memory_space<hbm>>) target(%arg14 : memref<512xi32, #tpu.memory_space<vmem>>) target_semaphore(%run_scoped3A : memref<!tpu.dma_semaphore, #tpu.memory_space<semaphore_mem>>)
        %dma_wait3A_79 = tpu.memref_slice %arg3[%mul3A_66] : memref<1605632xi32, #tpu.memory_space<hbm>> -> memref<512xi32, #tpu.memory_space<hbm>>
        %dma_wait3A_80 = tpu.memref_slice %arg3[%mul3A_66] : memref<1605632xi32, #tpu.memory_space<hbm>> -> memref<512xi32, #tpu.memory_space<hbm>>
        tpu.wait_dma2 semaphore(%run_scoped3A : memref<!tpu.dma_semaphore, #tpu.memory_space<semaphore_mem>>) src(%dma_wait3A_80 : memref<512xi32, #tpu.memory_space<hbm>>) dst(%arg14 : memref<512xi32, #tpu.memory_space<vmem>>)
        tpu.yield
      }) : () -> ()
      %dma_start3A = arith.constant 0 : i32
      %dma_start3A_67 = arith.constant 0 : i32
      %dma_start3A_68 = tpu.memref_slice %arg7[%dma_start3A, %dma_start3A_67] : memref<100352x16xf32, #tpu.memory_space<hbm>> -> memref<100352x16xf32, #tpu.memory_space<hbm>>
      tpu.enqueue_indirect_dma source(%dma_start3A_68 : memref<100352x16xf32, #tpu.memory_space<hbm>>) target(%arg16 : memref<512x16xf32, #tpu.memory_space<vmem>>) offsets(%arg12 : memref<512xi32, #tpu.memory_space<vmem>>) semaphore(%arg22 : memref<!tpu.dma_semaphore, #tpu.memory_space<semaphore_mem>>)
      %scan3A_69 = arith.constant 0 : i32
      %scan3A_70 = arith.constant 0 : i32
      %scan3A_71 = arith.constant 98 : i32
      %scan3A_72 = arith.addi %scan3A_70, %scan3A_71 : i32
      %scan3A_73 = arith.constant 1 : i32
      scf.for %scan3A_77 = %scan3A_70 to %scan3A_72 step %scan3A_73  : i32 {
        %mul3A_78 = arith.constant 2 : i32
        %mul3A_79 = arith.muli %mul3A_78, %scan3A_77 : i32
        %add3A = arith.constant 0 : i32
        %add3A_80 = arith.addi %mul3A_79, %add3A : i32
        %gt3A = arith.constant 0 : i32
        %gt3A_81 = arith.cmpi sgt, %scan3A_77, %gt3A : i32
        %convert_element_type3A_82 = arith.extui %gt3A_81 : i1 to i32
        %cond3A_83 = arith.constant 0 : i32
        %cond3A_84 = arith.cmpi ne, %convert_element_type3A_82, %cond3A_83 : i32
        scf.if %cond3A_84 {
          %dma_wait3A_137 = arith.constant 0 : i32
          %dma_wait3A_138 = arith.constant 0 : i32
          %dma_wait3A_139 = tpu.memref_slice %arg19[%dma_wait3A_137, %dma_wait3A_138] : memref<100352x16xf32, #tpu.memory_space<vmem_shared>> -> memref<100352x16xf32, #tpu.memory_space<vmem_shared>>
          tpu.wait_indirect_dma semaphore(%arg25 : memref<!tpu.dma_semaphore, #tpu.memory_space<semaphore_mem>>) src(%arg17 : memref<512x16xf32, #tpu.memory_space<vmem>>) dst(%dma_wait3A_139 : memref<100352x16xf32, #tpu.memory_space<vmem_shared>>)
        } else {
        }
        %add3A_85 = arith.constant 1 : i32
        %add3A_86 = arith.addi %add3A_80, %add3A_85 : i32
        %mul3A_87 = arith.constant 784 : i32
        %mul3A_88 = arith.muli %arg1, %mul3A_87 : i32
        %mul3A_89 = arith.constant 4 : i32
        %mul3A_90 = arith.muli %add3A_86, %mul3A_89 : i32
        %add3A_91 = arith.addi %mul3A_88, %mul3A_90 : i32
        %mul3A_92 = arith.constant 128 : i32
        %mul3A_93 = arith.muli %add3A_91, %mul3A_92 : i32
        %dma_start3A_94 = tpu.memref_slice %arg2[%mul3A_93] : memref<1605632xi32, #tpu.memory_space<hbm>> -> memref<512xi32, #tpu.memory_space<hbm>>
        %dma_start3A_95 = tpu.memref_slice %arg2[%mul3A_93] : memref<1605632xi32, #tpu.memory_space<hbm>> -> memref<512xi32, #tpu.memory_space<hbm>>
        tpu.enqueue_dma source(%dma_start3A_95 : memref<512xi32, #tpu.memory_space<hbm>>) target(%arg13 : memref<512xi32, #tpu.memory_space<vmem>>) target_semaphore(%arg21 : memref<!tpu.dma_semaphore, #tpu.memory_space<semaphore_mem>>)
        %dma_start3A_96 = tpu.memref_slice %arg3[%mul3A_93] : memref<1605632xi32, #tpu.memory_space<hbm>> -> memref<512xi32, #tpu.memory_space<hbm>>
        %dma_start3A_97 = tpu.memref_slice %arg3[%mul3A_93] : memref<1605632xi32, #tpu.memory_space<hbm>> -> memref<512xi32, #tpu.memory_space<hbm>>
        tpu.enqueue_dma source(%dma_start3A_97 : memref<512xi32, #tpu.memory_space<hbm>>) target(%arg15 : memref<512xi32, #tpu.memory_space<vmem>>) target_semaphore(%arg21 : memref<!tpu.dma_semaphore, #tpu.memory_space<semaphore_mem>>)
        %dma_wait3A_98 = arith.constant 0 : i32
        %dma_wait3A_99 = arith.constant 0 : i32
        %dma_wait3A_100 = tpu.memref_slice %arg7[%dma_wait3A_98, %dma_wait3A_99] : memref<100352x16xf32, #tpu.memory_space<hbm>> -> memref<100352x16xf32, #tpu.memory_space<hbm>>
        tpu.wait_indirect_dma semaphore(%arg22 : memref<!tpu.dma_semaphore, #tpu.memory_space<semaphore_mem>>) src(%dma_wait3A_100 : memref<100352x16xf32, #tpu.memory_space<hbm>>) dst(%arg16 : memref<512x16xf32, #tpu.memory_space<vmem>>)
        %dma_wait3A_101 = arith.constant 0 : i32
        %dma_wait3A_102 = tpu.memref_slice %arg2[%dma_wait3A_101] : memref<1605632xi32, #tpu.memory_space<hbm>> -> memref<512xi32, #tpu.memory_space<hbm>>
        %dma_wait3A_103 = arith.constant 0 : i32
        %dma_wait3A_104 = tpu.memref_slice %arg2[%dma_wait3A_103] : memref<1605632xi32, #tpu.memory_space<hbm>> -> memref<512xi32, #tpu.memory_space<hbm>>
        tpu.wait_dma2 semaphore(%arg21 : memref<!tpu.dma_semaphore, #tpu.memory_space<semaphore_mem>>) src(%dma_wait3A_104 : memref<512xi32, #tpu.memory_space<hbm>>) dst(%arg13 : memref<512xi32, #tpu.memory_space<vmem>>)
        %dma_wait3A_105 = arith.constant 0 : i32
        %dma_wait3A_106 = tpu.memref_slice %arg3[%dma_wait3A_105] : memref<1605632xi32, #tpu.memory_space<hbm>> -> memref<512xi32, #tpu.memory_space<hbm>>
        %dma_wait3A_107 = arith.constant 0 : i32
        %dma_wait3A_108 = tpu.memref_slice %arg3[%dma_wait3A_107] : memref<1605632xi32, #tpu.memory_space<hbm>> -> memref<512xi32, #tpu.memory_space<hbm>>
        tpu.wait_dma2 semaphore(%arg21 : memref<!tpu.dma_semaphore, #tpu.memory_space<semaphore_mem>>) src(%dma_wait3A_108 : memref<512xi32, #tpu.memory_space<hbm>>) dst(%arg15 : memref<512xi32, #tpu.memory_space<vmem>>)
        %dma_start3A_109 = arith.constant 0 : i32
        %dma_start3A_110 = arith.constant 0 : i32
        %dma_start3A_111 = tpu.memref_slice %arg7[%dma_start3A_109, %dma_start3A_110] : memref<100352x16xf32, #tpu.memory_space<hbm>> -> memref<100352x16xf32, #tpu.memory_space<hbm>>
        tpu.enqueue_indirect_dma source(%dma_start3A_111 : memref<100352x16xf32, #tpu.memory_space<hbm>>) target(%arg17 : memref<512x16xf32, #tpu.memory_space<vmem>>) offsets(%arg13 : memref<512xi32, #tpu.memory_space<vmem>>) semaphore(%arg23 : memref<!tpu.dma_semaphore, #tpu.memory_space<semaphore_mem>>)
        %dma_start3A_112 = arith.constant 0 : i32
        %dma_start3A_113 = arith.constant 0 : i32
        %dma_start3A_114 = tpu.memref_slice %arg19[%dma_start3A_112, %dma_start3A_113] : memref<100352x16xf32, #tpu.memory_space<vmem_shared>> -> memref<100352x16xf32, #tpu.memory_space<vmem_shared>>
        tpu.enqueue_indirect_dma source(%arg16 : memref<512x16xf32, #tpu.memory_space<vmem>>) target(%dma_start3A_114 : memref<100352x16xf32, #tpu.memory_space<vmem_shared>>) offsets(%arg14 : memref<512xi32, #tpu.memory_space<vmem>>) semaphore(%arg24 : memref<!tpu.dma_semaphore, #tpu.memory_space<semaphore_mem>>) {add = true}
        %mul3A_115 = arith.constant 2 : i32
        %mul3A_116 = arith.muli %mul3A_115, %scan3A_77 : i32
        %add3A_117 = arith.constant 1 : i32
        %add3A_118 = arith.addi %mul3A_116, %add3A_117 : i32
        %dma_wait3A_119 = arith.constant 0 : i32
        %dma_wait3A_120 = arith.constant 0 : i32
        %dma_wait3A_121 = tpu.memref_slice %arg19[%dma_wait3A_119, %dma_wait3A_120] : memref<100352x16xf32, #tpu.memory_space<vmem_shared>> -> memref<100352x16xf32, #tpu.memory_space<vmem_shared>>
        tpu.wait_indirect_dma semaphore(%arg24 : memref<!tpu.dma_semaphore, #tpu.memory_space<semaphore_mem>>) src(%arg16 : memref<512x16xf32, #tpu.memory_space<vmem>>) dst(%dma_wait3A_121 : memref<100352x16xf32, #tpu.memory_space<vmem_shared>>)
        %lt3A = arith.constant 97 : i32
        %lt3A_122 = arith.cmpi slt, %scan3A_77, %lt3A : i32
        %convert_element_type3A_123 = arith.extui %lt3A_122 : i1 to i32
        %cond3A_124 = arith.constant 0 : i32
        %cond3A_125 = arith.cmpi ne, %convert_element_type3A_123, %cond3A_124 : i32
        scf.if %cond3A_125 {
          %add3A_137 = arith.constant 1 : i32
          %add3A_138 = arith.addi %add3A_118, %add3A_137 : i32
          %mul3A_139 = arith.constant 784 : i32
          %mul3A_140 = arith.muli %arg1, %mul3A_139 : i32
          %mul3A_141 = arith.constant 4 : i32
          %mul3A_142 = arith.muli %add3A_138, %mul3A_141 : i32
          %add3A_143 = arith.addi %mul3A_140, %mul3A_142 : i32
          %mul3A_144 = arith.constant 128 : i32
          %mul3A_145 = arith.muli %add3A_143, %mul3A_144 : i32
          %dma_start3A_146 = tpu.memref_slice %arg2[%mul3A_145] : memref<1605632xi32, #tpu.memory_space<hbm>> -> memref<512xi32, #tpu.memory_space<hbm>>
          %dma_start3A_147 = tpu.memref_slice %arg2[%mul3A_145] : memref<1605632xi32, #tpu.memory_space<hbm>> -> memref<512xi32, #tpu.memory_space<hbm>>
          tpu.enqueue_dma source(%dma_start3A_147 : memref<512xi32, #tpu.memory_space<hbm>>) target(%arg12 : memref<512xi32, #tpu.memory_space<vmem>>) target_semaphore(%arg20 : memref<!tpu.dma_semaphore, #tpu.memory_space<semaphore_mem>>)
          %dma_start3A_148 = tpu.memref_slice %arg3[%mul3A_145] : memref<1605632xi32, #tpu.memory_space<hbm>> -> memref<512xi32, #tpu.memory_space<hbm>>
          %dma_start3A_149 = tpu.memref_slice %arg3[%mul3A_145] : memref<1605632xi32, #tpu.memory_space<hbm>> -> memref<512xi32, #tpu.memory_space<hbm>>
          tpu.enqueue_dma source(%dma_start3A_149 : memref<512xi32, #tpu.memory_space<hbm>>) target(%arg14 : memref<512xi32, #tpu.memory_space<vmem>>) target_semaphore(%arg20 : memref<!tpu.dma_semaphore, #tpu.memory_space<semaphore_mem>>)
        } else {
        }
        %dma_wait3A_126 = arith.constant 0 : i32
        %dma_wait3A_127 = arith.constant 0 : i32
        %dma_wait3A_128 = tpu.memref_slice %arg7[%dma_wait3A_126, %dma_wait3A_127] : memref<100352x16xf32, #tpu.memory_space<hbm>> -> memref<100352x16xf32, #tpu.memory_space<hbm>>
        tpu.wait_indirect_dma semaphore(%arg23 : memref<!tpu.dma_semaphore, #tpu.memory_space<semaphore_mem>>) src(%dma_wait3A_128 : memref<100352x16xf32, #tpu.memory_space<hbm>>) dst(%arg17 : memref<512x16xf32, #tpu.memory_space<vmem>>)
        %lt3A_129 = arith.constant 97 : i32
        %lt3A_130 = arith.cmpi slt, %scan3A_77, %lt3A_129 : i32
        %convert_element_type3A_131 = arith.extui %lt3A_130 : i1 to i32
        %cond3A_132 = arith.constant 0 : i32
        %cond3A_133 = arith.cmpi ne, %convert_element_type3A_131, %cond3A_132 : i32
        scf.if %cond3A_133 {
          %dma_wait3A_137 = arith.constant 0 : i32
          %dma_wait3A_138 = tpu.memref_slice %arg2[%dma_wait3A_137] : memref<1605632xi32, #tpu.memory_space<hbm>> -> memref<512xi32, #tpu.memory_space<hbm>>
          %dma_wait3A_139 = arith.constant 0 : i32
          %dma_wait3A_140 = tpu.memref_slice %arg2[%dma_wait3A_139] : memref<1605632xi32, #tpu.memory_space<hbm>> -> memref<512xi32, #tpu.memory_space<hbm>>
          tpu.wait_dma2 semaphore(%arg20 : memref<!tpu.dma_semaphore, #tpu.memory_space<semaphore_mem>>) src(%dma_wait3A_140 : memref<512xi32, #tpu.memory_space<hbm>>) dst(%arg12 : memref<512xi32, #tpu.memory_space<vmem>>)
          %dma_wait3A_141 = arith.constant 0 : i32
          %dma_wait3A_142 = tpu.memref_slice %arg3[%dma_wait3A_141] : memref<1605632xi32, #tpu.memory_space<hbm>> -> memref<512xi32, #tpu.memory_space<hbm>>
          %dma_wait3A_143 = arith.constant 0 : i32
          %dma_wait3A_144 = tpu.memref_slice %arg3[%dma_wait3A_143] : memref<1605632xi32, #tpu.memory_space<hbm>> -> memref<512xi32, #tpu.memory_space<hbm>>
          tpu.wait_dma2 semaphore(%arg20 : memref<!tpu.dma_semaphore, #tpu.memory_space<semaphore_mem>>) src(%dma_wait3A_144 : memref<512xi32, #tpu.memory_space<hbm>>) dst(%arg14 : memref<512xi32, #tpu.memory_space<vmem>>)
          %dma_start3A_145 = arith.constant 0 : i32
          %dma_start3A_146 = arith.constant 0 : i32
          %dma_start3A_147 = tpu.memref_slice %arg7[%dma_start3A_145, %dma_start3A_146] : memref<100352x16xf32, #tpu.memory_space<hbm>> -> memref<100352x16xf32, #tpu.memory_space<hbm>>
          tpu.enqueue_indirect_dma source(%dma_start3A_147 : memref<100352x16xf32, #tpu.memory_space<hbm>>) target(%arg16 : memref<512x16xf32, #tpu.memory_space<vmem>>) offsets(%arg12 : memref<512xi32, #tpu.memory_space<vmem>>) semaphore(%arg22 : memref<!tpu.dma_semaphore, #tpu.memory_space<semaphore_mem>>)
        } else {
        }
        %dma_start3A_134 = arith.constant 0 : i32
        %dma_start3A_135 = arith.constant 0 : i32
        %dma_start3A_136 = tpu.memref_slice %arg19[%dma_start3A_134, %dma_start3A_135] : memref<100352x16xf32, #tpu.memory_space<vmem_shared>> -> memref<100352x16xf32, #tpu.memory_space<vmem_shared>>
        tpu.enqueue_indirect_dma source(%arg17 : memref<512x16xf32, #tpu.memory_space<vmem>>) target(%dma_start3A_136 : memref<100352x16xf32, #tpu.memory_space<vmem_shared>>) offsets(%arg15 : memref<512xi32, #tpu.memory_space<vmem>>) semaphore(%arg25 : memref<!tpu.dma_semaphore, #tpu.memory_space<semaphore_mem>>) {add = true}
      }
      %scan3A_74 = arith.constant 98 : i32
      %dma_wait3A = arith.constant 0 : i32
      %dma_wait3A_75 = arith.constant 0 : i32
      %dma_wait3A_76 = tpu.memref_slice %arg19[%dma_wait3A, %dma_wait3A_75] : memref<100352x16xf32, #tpu.memory_space<vmem_shared>> -> memref<100352x16xf32, #tpu.memory_space<vmem_shared>>
      tpu.wait_indirect_dma semaphore(%arg25 : memref<!tpu.dma_semaphore, #tpu.memory_space<semaphore_mem>>) src(%arg17 : memref<512x16xf32, #tpu.memory_space<vmem>>) dst(%dma_wait3A_76 : memref<100352x16xf32, #tpu.memory_space<vmem_shared>>)
    } else {
    }
    %barrier3A_48 = arith.constant 0 : index
    tpu.barrier barrier_id(%barrier3A_48)
    %eq3A_49 = arith.constant 0 : i32
    %eq3A_50 = arith.cmpi eq, %arg0, %eq3A_49 : i32
    %convert_element_type3A_51 = arith.extui %eq3A_50 : i1 to i32
    %cond3A_52 = arith.constant 0 : i32
    %cond3A_53 = arith.cmpi ne, %convert_element_type3A_51, %cond3A_52 : i32
    scf.if %cond3A_53 {
      "tpu.region"() ({
        %run_scoped3A = tpu.sem_alloc : memref<!tpu.dma_semaphore, #tpu.memory_space<semaphore_mem>>
        %dma_start3A = arith.constant 0 : i32
        %dma_start3A_59 = tpu.memref_slice %arg10[%mul3A_0, %dma_start3A] : memref<100352x16xf32, #tpu.memory_space<hbm>> -> memref<6272x16xf32, #tpu.memory_space<hbm>>
        %dma_start3A_60 = arith.constant 0 : i32
        %dma_start3A_61 = tpu.memref_slice %arg19[%mul3A_0, %dma_start3A_60] : memref<100352x16xf32, #tpu.memory_space<vmem_shared>> -> memref<6272x16xf32, #tpu.memory_space<vmem_shared>>
        tpu.enqueue_dma source(%dma_start3A_61 : memref<6272x16xf32, #tpu.memory_space<vmem_shared>>) target(%dma_start3A_59 : memref<6272x16xf32, #tpu.memory_space<hbm>>) target_semaphore(%run_scoped3A : memref<!tpu.dma_semaphore, #tpu.memory_space<semaphore_mem>>)
        %dma_wait3A = arith.constant 0 : i32
        %dma_wait3A_62 = tpu.memref_slice %arg10[%mul3A_0, %dma_wait3A] : memref<100352x16xf32, #tpu.memory_space<hbm>> -> memref<6272x16xf32, #tpu.memory_space<hbm>>
        %dma_wait3A_63 = arith.constant 0 : i32
        %dma_wait3A_64 = tpu.memref_slice %arg19[%mul3A_0, %dma_wait3A_63] : memref<100352x16xf32, #tpu.memory_space<vmem_shared>> -> memref<6272x16xf32, #tpu.memory_space<vmem_shared>>
        tpu.wait_dma2 semaphore(%run_scoped3A : memref<!tpu.dma_semaphore, #tpu.memory_space<semaphore_mem>>) src(%dma_wait3A_64 : memref<6272x16xf32, #tpu.memory_space<vmem_shared>>) dst(%dma_wait3A_62 : memref<6272x16xf32, #tpu.memory_space<hbm>>)
        tpu.yield
      }) : () -> ()
    } else {
    }
    %eq3A_54 = arith.constant 1 : i32
    %eq3A_55 = arith.cmpi eq, %arg0, %eq3A_54 : i32
    %convert_element_type3A_56 = arith.extui %eq3A_55 : i1 to i32
    %cond3A_57 = arith.constant 0 : i32
    %cond3A_58 = arith.cmpi ne, %convert_element_type3A_56, %cond3A_57 : i32
    scf.if %cond3A_58 {
      "tpu.region"() ({
        %run_scoped3A = tpu.sem_alloc : memref<!tpu.dma_semaphore, #tpu.memory_space<semaphore_mem>>
        %dma_start3A = arith.constant 0 : i32
        %dma_start3A_59 = tpu.memref_slice %arg11[%mul3A_0, %dma_start3A] : memref<100352x16xf32, #tpu.memory_space<hbm>> -> memref<6272x16xf32, #tpu.memory_space<hbm>>
        %dma_start3A_60 = arith.constant 0 : i32
        %dma_start3A_61 = tpu.memref_slice %arg19[%mul3A_0, %dma_start3A_60] : memref<100352x16xf32, #tpu.memory_space<vmem_shared>> -> memref<6272x16xf32, #tpu.memory_space<vmem_shared>>
        tpu.enqueue_dma source(%dma_start3A_61 : memref<6272x16xf32, #tpu.memory_space<vmem_shared>>) target(%dma_start3A_59 : memref<6272x16xf32, #tpu.memory_space<hbm>>) target_semaphore(%run_scoped3A : memref<!tpu.dma_semaphore, #tpu.memory_space<semaphore_mem>>)
        %dma_wait3A = arith.constant 0 : i32
        %dma_wait3A_62 = tpu.memref_slice %arg11[%mul3A_0, %dma_wait3A] : memref<100352x16xf32, #tpu.memory_space<hbm>> -> memref<6272x16xf32, #tpu.memory_space<hbm>>
        %dma_wait3A_63 = arith.constant 0 : i32
        %dma_wait3A_64 = tpu.memref_slice %arg19[%mul3A_0, %dma_wait3A_63] : memref<100352x16xf32, #tpu.memory_space<vmem_shared>> -> memref<6272x16xf32, #tpu.memory_space<vmem_shared>>
        tpu.wait_dma2 semaphore(%run_scoped3A : memref<!tpu.dma_semaphore, #tpu.memory_space<semaphore_mem>>) src(%dma_wait3A_64 : memref<6272x16xf32, #tpu.memory_space<vmem_shared>>) dst(%dma_wait3A_62 : memref<6272x16xf32, #tpu.memory_space<hbm>>)
        tpu.yield
      }) : () -> ()
    } else {
    }
    return
  }
}

#map = affine_map<(d0, d1) -> (0)>
#map1 = affine_map<(d0, d1) -> (0, 0)>
module attributes {stable_mosaic.version = 14 : i64} {
  func.func @agg(%arg0: i32, %arg1: i32, %arg2: memref<1605632xi32, #tpu.memory_space<hbm>>, %arg3: memref<1605632xi32, #tpu.memory_space<hbm>>, %arg4: memref<100352x16xf32, #tpu.memory_space<hbm>>, %arg5: memref<100352x16xf32, #tpu.memory_space<hbm>>, %arg6: memref<100352x16xf32, #tpu.memory_space<hbm>>, %arg7: memref<100352x16xf32, #tpu.memory_space<hbm>>, %arg8: memref<100352x16xf32, #tpu.memory_space<hbm>>, %arg9: memref<100352x16xf32, #tpu.memory_space<hbm>>, %arg10: memref<100352x16xf32, #tpu.memory_space<hbm>>, %arg11: memref<100352x16xf32, #tpu.memory_space<hbm>>, %arg12: memref<512xi32, #tpu.memory_space<vmem>>, %arg13: memref<512xi32, #tpu.memory_space<vmem>>, %arg14: memref<512xi32, #tpu.memory_space<vmem>>, %arg15: memref<512xi32, #tpu.memory_space<vmem>>, %arg16: memref<512x16xf32, #tpu.memory_space<vmem>>, %arg17: memref<512x16xf32, #tpu.memory_space<vmem>>, %arg18: memref<196x16xf32, #tpu.memory_space<vmem>>, %arg19: memref<100352x16xf32, #tpu.memory_space<vmem_shared>>, %arg20: memref<!tpu.dma_semaphore, #tpu.memory_space<semaphore_mem>>, %arg21: memref<!tpu.dma_semaphore, #tpu.memory_space<semaphore_mem>>, %arg22: memref<!tpu.dma_semaphore, #tpu.memory_space<semaphore_mem>>, %arg23: memref<!tpu.dma_semaphore, #tpu.memory_space<semaphore_mem>>, %arg24: memref<!tpu.dma_semaphore, #tpu.memory_space<semaphore_mem>>, %arg25: memref<!tpu.dma_semaphore, #tpu.memory_space<semaphore_mem>>) attributes {dimension_semantics = [#tpu.dimension_semantics<core_parallel>, #tpu.dimension_semantics<subcore_parallel>], iteration_bounds = array<i64: 2, 16>, scalar_prefetch = 0 : i64, scratch_operands = 14 : i64, tpu.core_type = #tpu.core_type<sc_vector_subcore>, window_params = [{transform_indices = #map}, {transform_indices = #map}, {transform_indices = #map1}, {transform_indices = #map1}, {transform_indices = #map1}, {transform_indices = #map1}, {transform_indices = #map1}, {transform_indices = #map1}, {transform_indices = #map1}, {transform_indices = #map1}]} {
    %mul3A = arith.constant 6272 : i32
    %mul3A_0 = arith.muli %arg1, %mul3A : i32
    %scan3A = arith.constant 0 : i32
    %scan3A_1 = arith.constant 0 : i32
    %scan3A_2 = arith.constant 196 : i32
    %scan3A_3 = arith.addi %scan3A_1, %scan3A_2 : i32
    %scan3A_4 = arith.constant 1 : i32
    scf.for %scan3A_59 = %scan3A_1 to %scan3A_3 step %scan3A_4  : i32 {
      %broadcast_in_dim3A = arith.constant 0.000000e+00 : f32
      %broadcast_in_dim3A_60 = vector.broadcast %broadcast_in_dim3A : f32 to vector<16xf32>
      %swap3A = arith.index_cast %scan3A_59 : i32 to index
      %swap3A_61 = arith.constant 0 : index
      %swap3A_62 = tpu.vector_load %arg18[%swap3A, %swap3A_61] {strides = array<i32>} : memref<196x16xf32, #tpu.memory_space<vmem>>, vector<1x16xf32>,
      %swap3A_63 = vector.shape_cast %swap3A_62 : vector<1x16xf32> to vector<16xf32>
      %swap3A_64 = vector.shape_cast %broadcast_in_dim3A_60 : vector<16xf32> to vector<1x16xf32>
      tpu.vector_store %arg18[%swap3A, %swap3A_61], %swap3A_64 {strides = array<i32>} : memref<196x16xf32, #tpu.memory_space<vmem>>, vector<1x16xf32>,
    }
    %scan3A_5 = arith.constant 196 : i32
    %scan3A_6 = arith.constant 0 : i32
    %scan3A_7 = arith.constant 0 : i32
    %scan3A_8 = arith.constant 32 : i32
    %scan3A_9 = arith.addi %scan3A_7, %scan3A_8 : i32
    %scan3A_10 = arith.constant 1 : i32
    scf.for %scan3A_59 = %scan3A_7 to %scan3A_9 step %scan3A_10  : i32 {
      %mul3A_60 = arith.constant 196 : i32
      %mul3A_61 = arith.muli %scan3A_59, %mul3A_60 : i32
      %add3A = arith.addi %mul3A_0, %mul3A_61 : i32
      "tpu.region"() ({
        %run_scoped3A = tpu.sem_alloc : memref<!tpu.dma_semaphore, #tpu.memory_space<semaphore_mem>>
        %dma_start3A = arith.constant 0 : i32
        %dma_start3A_62 = tpu.memref_slice %arg19[%add3A, %dma_start3A] : memref<100352x16xf32, #tpu.memory_space<vmem_shared>> -> memref<196x16xf32, #tpu.memory_space<vmem_shared>>
        %dma_start3A_63 = arith.constant 0 : i32
        %dma_start3A_64 = tpu.memref_slice %arg19[%add3A, %dma_start3A_63] : memref<100352x16xf32, #tpu.memory_space<vmem_shared>> -> memref<196x16xf32, #tpu.memory_space<vmem_shared>>
        tpu.enqueue_dma source(%arg18 : memref<196x16xf32, #tpu.memory_space<vmem>>) target(%dma_start3A_64 : memref<196x16xf32, #tpu.memory_space<vmem_shared>>) target_semaphore(%run_scoped3A : memref<!tpu.dma_semaphore, #tpu.memory_space<semaphore_mem>>)
        %dma_wait3A = arith.constant 0 : i32
        %dma_wait3A_65 = tpu.memref_slice %arg19[%add3A, %dma_wait3A] : memref<100352x16xf32, #tpu.memory_space<vmem_shared>> -> memref<196x16xf32, #tpu.memory_space<vmem_shared>>
        %dma_wait3A_66 = arith.constant 0 : i32
        %dma_wait3A_67 = tpu.memref_slice %arg19[%add3A, %dma_wait3A_66] : memref<100352x16xf32, #tpu.memory_space<vmem_shared>> -> memref<196x16xf32, #tpu.memory_space<vmem_shared>>
        tpu.wait_dma2 semaphore(%run_scoped3A : memref<!tpu.dma_semaphore, #tpu.memory_space<semaphore_mem>>) src(%arg18 : memref<196x16xf32, #tpu.memory_space<vmem>>) dst(%dma_wait3A_67 : memref<196x16xf32, #tpu.memory_space<vmem_shared>>)
        tpu.yield
      }) : () -> ()
    }
    %scan3A_11 = arith.constant 32 : i32
    %barrier3A = arith.constant 0 : index
    tpu.barrier barrier_id(%barrier3A)
    %eq3A = arith.constant 0 : i32
    %eq3A_12 = arith.cmpi eq, %arg0, %eq3A : i32
    %convert_element_type3A = arith.extui %eq3A_12 : i1 to i32
    %cond3A = arith.constant 0 : i32
    %cond3A_13 = arith.cmpi ne, %convert_element_type3A, %cond3A : i32
    scf.if %cond3A_13 {
      %mul3A_59 = arith.constant 784 : i32
      %mul3A_60 = arith.muli %arg1, %mul3A_59 : i32
      %mul3A_61 = arith.constant 128 : i32
      %mul3A_62 = arith.muli %mul3A_60, %mul3A_61 : i32
      "tpu.region"() ({
        %run_scoped3A = tpu.sem_alloc : memref<!tpu.dma_semaphore, #tpu.memory_space<semaphore_mem>>
        %dma_start3A_77 = tpu.memref_slice %arg2[%mul3A_62] : memref<1605632xi32, #tpu.memory_space<hbm>> -> memref<512xi32, #tpu.memory_space<hbm>>
        %dma_start3A_78 = tpu.memref_slice %arg2[%mul3A_62] : memref<1605632xi32, #tpu.memory_space<hbm>> -> memref<512xi32, #tpu.memory_space<hbm>>
        tpu.enqueue_dma source(%dma_start3A_78 : memref<512xi32, #tpu.memory_space<hbm>>) target(%arg12 : memref<512xi32, #tpu.memory_space<vmem>>) target_semaphore(%run_scoped3A : memref<!tpu.dma_semaphore, #tpu.memory_space<semaphore_mem>>)
        %dma_wait3A_79 = tpu.memref_slice %arg2[%mul3A_62] : memref<1605632xi32, #tpu.memory_space<hbm>> -> memref<512xi32, #tpu.memory_space<hbm>>
        %dma_wait3A_80 = tpu.memref_slice %arg2[%mul3A_62] : memref<1605632xi32, #tpu.memory_space<hbm>> -> memref<512xi32, #tpu.memory_space<hbm>>
        tpu.wait_dma2 semaphore(%run_scoped3A : memref<!tpu.dma_semaphore, #tpu.memory_space<semaphore_mem>>) src(%dma_wait3A_80 : memref<512xi32, #tpu.memory_space<hbm>>) dst(%arg12 : memref<512xi32, #tpu.memory_space<vmem>>)
        tpu.yield
      }) : () -> ()
      %mul3A_63 = arith.constant 784 : i32
      %mul3A_64 = arith.muli %arg1, %mul3A_63 : i32
      %mul3A_65 = arith.constant 128 : i32
      %mul3A_66 = arith.muli %mul3A_64, %mul3A_65 : i32
      "tpu.region"() ({
        %run_scoped3A = tpu.sem_alloc : memref<!tpu.dma_semaphore, #tpu.memory_space<semaphore_mem>>
        %dma_start3A_77 = tpu.memref_slice %arg3[%mul3A_66] : memref<1605632xi32, #tpu.memory_space<hbm>> -> memref<512xi32, #tpu.memory_space<hbm>>
        %dma_start3A_78 = tpu.memref_slice %arg3[%mul3A_66] : memref<1605632xi32, #tpu.memory_space<hbm>> -> memref<512xi32, #tpu.memory_space<hbm>>
        tpu.enqueue_dma source(%dma_start3A_78 : memref<512xi32, #tpu.memory_space<hbm>>) target(%arg14 : memref<512xi32, #tpu.memory_space<vmem>>) target_semaphore(%run_scoped3A : memref<!tpu.dma_semaphore, #tpu.memory_space<semaphore_mem>>)
        %dma_wait3A_79 = tpu.memref_slice %arg3[%mul3A_66] : memref<1605632xi32, #tpu.memory_space<hbm>> -> memref<512xi32, #tpu.memory_space<hbm>>
        %dma_wait3A_80 = tpu.memref_slice %arg3[%mul3A_66] : memref<1605632xi32, #tpu.memory_space<hbm>> -> memref<512xi32, #tpu.memory_space<hbm>>
        tpu.wait_dma2 semaphore(%run_scoped3A : memref<!tpu.dma_semaphore, #tpu.memory_space<semaphore_mem>>) src(%dma_wait3A_80 : memref<512xi32, #tpu.memory_space<hbm>>) dst(%arg14 : memref<512xi32, #tpu.memory_space<vmem>>)
        tpu.yield
      }) : () -> ()
      %dma_start3A = arith.constant 0 : i32
      %dma_start3A_67 = arith.constant 0 : i32
      %dma_start3A_68 = tpu.memref_slice %arg4[%dma_start3A, %dma_start3A_67] : memref<100352x16xf32, #tpu.memory_space<hbm>> -> memref<100352x16xf32, #tpu.memory_space<hbm>>
      tpu.enqueue_indirect_dma source(%dma_start3A_68 : memref<100352x16xf32, #tpu.memory_space<hbm>>) target(%arg16 : memref<512x16xf32, #tpu.memory_space<vmem>>) offsets(%arg12 : memref<512xi32, #tpu.memory_space<vmem>>) semaphore(%arg22 : memref<!tpu.dma_semaphore, #tpu.memory_space<semaphore_mem>>)
      %scan3A_69 = arith.constant 0 : i32
      %scan3A_70 = arith.constant 0 : i32
      %scan3A_71 = arith.constant 98 : i32
      %scan3A_72 = arith.addi %scan3A_70, %scan3A_71 : i32
      %scan3A_73 = arith.constant 1 : i32
      scf.for %scan3A_77 = %scan3A_70 to %scan3A_72 step %scan3A_73  : i32 {
        %mul3A_78 = arith.constant 2 : i32
        %mul3A_79 = arith.muli %mul3A_78, %scan3A_77 : i32
        %add3A = arith.constant 0 : i32
        %add3A_80 = arith.addi %mul3A_79, %add3A : i32
        %gt3A = arith.constant 0 : i32
        %gt3A_81 = arith.cmpi sgt, %scan3A_77, %gt3A : i32
        %convert_element_type3A_82 = arith.extui %gt3A_81 : i1 to i32
        %cond3A_83 = arith.constant 0 : i32
        %cond3A_84 = arith.cmpi ne, %convert_element_type3A_82, %cond3A_83 : i32
        scf.if %cond3A_84 {
          %dma_wait3A_137 = arith.constant 0 : i32
          %dma_wait3A_138 = arith.constant 0 : i32
          %dma_wait3A_139 = tpu.memref_slice %arg19[%dma_wait3A_137, %dma_wait3A_138] : memref<100352x16xf32, #tpu.memory_space<vmem_shared>> -> memref<100352x16xf32, #tpu.memory_space<vmem_shared>>
          tpu.wait_indirect_dma semaphore(%arg25 : memref<!tpu.dma_semaphore, #tpu.memory_space<semaphore_mem>>) src(%arg17 : memref<512x16xf32, #tpu.memory_space<vmem>>) dst(%dma_wait3A_139 : memref<100352x16xf32, #tpu.memory_space<vmem_shared>>)
        } else {
        }
        %add3A_85 = arith.constant 1 : i32
        %add3A_86 = arith.addi %add3A_80, %add3A_85 : i32
        %mul3A_87 = arith.constant 784 : i32
        %mul3A_88 = arith.muli %arg1, %mul3A_87 : i32
        %mul3A_89 = arith.constant 4 : i32
        %mul3A_90 = arith.muli %add3A_86, %mul3A_89 : i32
        %add3A_91 = arith.addi %mul3A_88, %mul3A_90 : i32
        %mul3A_92 = arith.constant 128 : i32
        %mul3A_93 = arith.muli %add3A_91, %mul3A_92 : i32
        %dma_start3A_94 = tpu.memref_slice %arg2[%mul3A_93] : memref<1605632xi32, #tpu.memory_space<hbm>> -> memref<512xi32, #tpu.memory_space<hbm>>
        %dma_start3A_95 = tpu.memref_slice %arg2[%mul3A_93] : memref<1605632xi32, #tpu.memory_space<hbm>> -> memref<512xi32, #tpu.memory_space<hbm>>
        tpu.enqueue_dma source(%dma_start3A_95 : memref<512xi32, #tpu.memory_space<hbm>>) target(%arg13 : memref<512xi32, #tpu.memory_space<vmem>>) target_semaphore(%arg21 : memref<!tpu.dma_semaphore, #tpu.memory_space<semaphore_mem>>)
        %dma_start3A_96 = tpu.memref_slice %arg3[%mul3A_93] : memref<1605632xi32, #tpu.memory_space<hbm>> -> memref<512xi32, #tpu.memory_space<hbm>>
        %dma_start3A_97 = tpu.memref_slice %arg3[%mul3A_93] : memref<1605632xi32, #tpu.memory_space<hbm>> -> memref<512xi32, #tpu.memory_space<hbm>>
        tpu.enqueue_dma source(%dma_start3A_97 : memref<512xi32, #tpu.memory_space<hbm>>) target(%arg15 : memref<512xi32, #tpu.memory_space<vmem>>) target_semaphore(%arg21 : memref<!tpu.dma_semaphore, #tpu.memory_space<semaphore_mem>>)
        %dma_wait3A_98 = arith.constant 0 : i32
        %dma_wait3A_99 = arith.constant 0 : i32
        %dma_wait3A_100 = tpu.memref_slice %arg4[%dma_wait3A_98, %dma_wait3A_99] : memref<100352x16xf32, #tpu.memory_space<hbm>> -> memref<100352x16xf32, #tpu.memory_space<hbm>>
        tpu.wait_indirect_dma semaphore(%arg22 : memref<!tpu.dma_semaphore, #tpu.memory_space<semaphore_mem>>) src(%dma_wait3A_100 : memref<100352x16xf32, #tpu.memory_space<hbm>>) dst(%arg16 : memref<512x16xf32, #tpu.memory_space<vmem>>)
        %dma_wait3A_101 = arith.constant 0 : i32
        %dma_wait3A_102 = tpu.memref_slice %arg2[%dma_wait3A_101] : memref<1605632xi32, #tpu.memory_space<hbm>> -> memref<512xi32, #tpu.memory_space<hbm>>
        %dma_wait3A_103 = arith.constant 0 : i32
        %dma_wait3A_104 = tpu.memref_slice %arg2[%dma_wait3A_103] : memref<1605632xi32, #tpu.memory_space<hbm>> -> memref<512xi32, #tpu.memory_space<hbm>>
        tpu.wait_dma2 semaphore(%arg21 : memref<!tpu.dma_semaphore, #tpu.memory_space<semaphore_mem>>) src(%dma_wait3A_104 : memref<512xi32, #tpu.memory_space<hbm>>) dst(%arg13 : memref<512xi32, #tpu.memory_space<vmem>>)
        %dma_wait3A_105 = arith.constant 0 : i32
        %dma_wait3A_106 = tpu.memref_slice %arg3[%dma_wait3A_105] : memref<1605632xi32, #tpu.memory_space<hbm>> -> memref<512xi32, #tpu.memory_space<hbm>>
        %dma_wait3A_107 = arith.constant 0 : i32
        %dma_wait3A_108 = tpu.memref_slice %arg3[%dma_wait3A_107] : memref<1605632xi32, #tpu.memory_space<hbm>> -> memref<512xi32, #tpu.memory_space<hbm>>
        tpu.wait_dma2 semaphore(%arg21 : memref<!tpu.dma_semaphore, #tpu.memory_space<semaphore_mem>>) src(%dma_wait3A_108 : memref<512xi32, #tpu.memory_space<hbm>>) dst(%arg15 : memref<512xi32, #tpu.memory_space<vmem>>)
        %dma_start3A_109 = arith.constant 0 : i32
        %dma_start3A_110 = arith.constant 0 : i32
        %dma_start3A_111 = tpu.memref_slice %arg4[%dma_start3A_109, %dma_start3A_110] : memref<100352x16xf32, #tpu.memory_space<hbm>> -> memref<100352x16xf32, #tpu.memory_space<hbm>>
        tpu.enqueue_indirect_dma source(%dma_start3A_111 : memref<100352x16xf32, #tpu.memory_space<hbm>>) target(%arg17 : memref<512x16xf32, #tpu.memory_space<vmem>>) offsets(%arg13 : memref<512xi32, #tpu.memory_space<vmem>>) semaphore(%arg23 : memref<!tpu.dma_semaphore, #tpu.memory_space<semaphore_mem>>)
        %dma_start3A_112 = arith.constant 0 : i32
        %dma_start3A_113 = arith.constant 0 : i32
        %dma_start3A_114 = tpu.memref_slice %arg19[%dma_start3A_112, %dma_start3A_113] : memref<100352x16xf32, #tpu.memory_space<vmem_shared>> -> memref<100352x16xf32, #tpu.memory_space<vmem_shared>>
        tpu.enqueue_indirect_dma source(%arg16 : memref<512x16xf32, #tpu.memory_space<vmem>>) target(%dma_start3A_114 : memref<100352x16xf32, #tpu.memory_space<vmem_shared>>) offsets(%arg14 : memref<512xi32, #tpu.memory_space<vmem>>) semaphore(%arg24 : memref<!tpu.dma_semaphore, #tpu.memory_space<semaphore_mem>>) {add = true}
        %mul3A_115 = arith.constant 2 : i32
        %mul3A_116 = arith.muli %mul3A_115, %scan3A_77 : i32
        %add3A_117 = arith.constant 1 : i32
        %add3A_118 = arith.addi %mul3A_116, %add3A_117 : i32
        %dma_wait3A_119 = arith.constant 0 : i32
        %dma_wait3A_120 = arith.constant 0 : i32
        %dma_wait3A_121 = tpu.memref_slice %arg19[%dma_wait3A_119, %dma_wait3A_120] : memref<100352x16xf32, #tpu.memory_space<vmem_shared>> -> memref<100352x16xf32, #tpu.memory_space<vmem_shared>>
        tpu.wait_indirect_dma semaphore(%arg24 : memref<!tpu.dma_semaphore, #tpu.memory_space<semaphore_mem>>) src(%arg16 : memref<512x16xf32, #tpu.memory_space<vmem>>) dst(%dma_wait3A_121 : memref<100352x16xf32, #tpu.memory_space<vmem_shared>>)
        %lt3A = arith.constant 97 : i32
        %lt3A_122 = arith.cmpi slt, %scan3A_77, %lt3A : i32
        %convert_element_type3A_123 = arith.extui %lt3A_122 : i1 to i32
        %cond3A_124 = arith.constant 0 : i32
        %cond3A_125 = arith.cmpi ne, %convert_element_type3A_123, %cond3A_124 : i32
        scf.if %cond3A_125 {
          %add3A_137 = arith.constant 1 : i32
          %add3A_138 = arith.addi %add3A_118, %add3A_137 : i32
          %mul3A_139 = arith.constant 784 : i32
          %mul3A_140 = arith.muli %arg1, %mul3A_139 : i32
          %mul3A_141 = arith.constant 4 : i32
          %mul3A_142 = arith.muli %add3A_138, %mul3A_141 : i32
          %add3A_143 = arith.addi %mul3A_140, %mul3A_142 : i32
          %mul3A_144 = arith.constant 128 : i32
          %mul3A_145 = arith.muli %add3A_143, %mul3A_144 : i32
          %dma_start3A_146 = tpu.memref_slice %arg2[%mul3A_145] : memref<1605632xi32, #tpu.memory_space<hbm>> -> memref<512xi32, #tpu.memory_space<hbm>>
          %dma_start3A_147 = tpu.memref_slice %arg2[%mul3A_145] : memref<1605632xi32, #tpu.memory_space<hbm>> -> memref<512xi32, #tpu.memory_space<hbm>>
          tpu.enqueue_dma source(%dma_start3A_147 : memref<512xi32, #tpu.memory_space<hbm>>) target(%arg12 : memref<512xi32, #tpu.memory_space<vmem>>) target_semaphore(%arg20 : memref<!tpu.dma_semaphore, #tpu.memory_space<semaphore_mem>>)
          %dma_start3A_148 = tpu.memref_slice %arg3[%mul3A_145] : memref<1605632xi32, #tpu.memory_space<hbm>> -> memref<512xi32, #tpu.memory_space<hbm>>
          %dma_start3A_149 = tpu.memref_slice %arg3[%mul3A_145] : memref<1605632xi32, #tpu.memory_space<hbm>> -> memref<512xi32, #tpu.memory_space<hbm>>
          tpu.enqueue_dma source(%dma_start3A_149 : memref<512xi32, #tpu.memory_space<hbm>>) target(%arg14 : memref<512xi32, #tpu.memory_space<vmem>>) target_semaphore(%arg20 : memref<!tpu.dma_semaphore, #tpu.memory_space<semaphore_mem>>)
        } else {
        }
        %dma_wait3A_126 = arith.constant 0 : i32
        %dma_wait3A_127 = arith.constant 0 : i32
        %dma_wait3A_128 = tpu.memref_slice %arg4[%dma_wait3A_126, %dma_wait3A_127] : memref<100352x16xf32, #tpu.memory_space<hbm>> -> memref<100352x16xf32, #tpu.memory_space<hbm>>
        tpu.wait_indirect_dma semaphore(%arg23 : memref<!tpu.dma_semaphore, #tpu.memory_space<semaphore_mem>>) src(%dma_wait3A_128 : memref<100352x16xf32, #tpu.memory_space<hbm>>) dst(%arg17 : memref<512x16xf32, #tpu.memory_space<vmem>>)
        %lt3A_129 = arith.constant 97 : i32
        %lt3A_130 = arith.cmpi slt, %scan3A_77, %lt3A_129 : i32
        %convert_element_type3A_131 = arith.extui %lt3A_130 : i1 to i32
        %cond3A_132 = arith.constant 0 : i32
        %cond3A_133 = arith.cmpi ne, %convert_element_type3A_131, %cond3A_132 : i32
        scf.if %cond3A_133 {
          %dma_wait3A_137 = arith.constant 0 : i32
          %dma_wait3A_138 = tpu.memref_slice %arg2[%dma_wait3A_137] : memref<1605632xi32, #tpu.memory_space<hbm>> -> memref<512xi32, #tpu.memory_space<hbm>>
          %dma_wait3A_139 = arith.constant 0 : i32
          %dma_wait3A_140 = tpu.memref_slice %arg2[%dma_wait3A_139] : memref<1605632xi32, #tpu.memory_space<hbm>> -> memref<512xi32, #tpu.memory_space<hbm>>
          tpu.wait_dma2 semaphore(%arg20 : memref<!tpu.dma_semaphore, #tpu.memory_space<semaphore_mem>>) src(%dma_wait3A_140 : memref<512xi32, #tpu.memory_space<hbm>>) dst(%arg12 : memref<512xi32, #tpu.memory_space<vmem>>)
          %dma_wait3A_141 = arith.constant 0 : i32
          %dma_wait3A_142 = tpu.memref_slice %arg3[%dma_wait3A_141] : memref<1605632xi32, #tpu.memory_space<hbm>> -> memref<512xi32, #tpu.memory_space<hbm>>
          %dma_wait3A_143 = arith.constant 0 : i32
          %dma_wait3A_144 = tpu.memref_slice %arg3[%dma_wait3A_143] : memref<1605632xi32, #tpu.memory_space<hbm>> -> memref<512xi32, #tpu.memory_space<hbm>>
          tpu.wait_dma2 semaphore(%arg20 : memref<!tpu.dma_semaphore, #tpu.memory_space<semaphore_mem>>) src(%dma_wait3A_144 : memref<512xi32, #tpu.memory_space<hbm>>) dst(%arg14 : memref<512xi32, #tpu.memory_space<vmem>>)
          %dma_start3A_145 = arith.constant 0 : i32
          %dma_start3A_146 = arith.constant 0 : i32
          %dma_start3A_147 = tpu.memref_slice %arg4[%dma_start3A_145, %dma_start3A_146] : memref<100352x16xf32, #tpu.memory_space<hbm>> -> memref<100352x16xf32, #tpu.memory_space<hbm>>
          tpu.enqueue_indirect_dma source(%dma_start3A_147 : memref<100352x16xf32, #tpu.memory_space<hbm>>) target(%arg16 : memref<512x16xf32, #tpu.memory_space<vmem>>) offsets(%arg12 : memref<512xi32, #tpu.memory_space<vmem>>) semaphore(%arg22 : memref<!tpu.dma_semaphore, #tpu.memory_space<semaphore_mem>>)
        } else {
        }
        %dma_start3A_134 = arith.constant 0 : i32
        %dma_start3A_135 = arith.constant 0 : i32
        %dma_start3A_136 = tpu.memref_slice %arg19[%dma_start3A_134, %dma_start3A_135] : memref<100352x16xf32, #tpu.memory_space<vmem_shared>> -> memref<100352x16xf32, #tpu.memory_space<vmem_shared>>
        tpu.enqueue_indirect_dma source(%arg17 : memref<512x16xf32, #tpu.memory_space<vmem>>) target(%dma_start3A_136 : memref<100352x16xf32, #tpu.memory_space<vmem_shared>>) offsets(%arg15 : memref<512xi32, #tpu.memory_space<vmem>>) semaphore(%arg25 : memref<!tpu.dma_semaphore, #tpu.memory_space<semaphore_mem>>) {add = true}
      }
      %scan3A_74 = arith.constant 98 : i32
      %dma_wait3A = arith.constant 0 : i32
      %dma_wait3A_75 = arith.constant 0 : i32
      %dma_wait3A_76 = tpu.memref_slice %arg19[%dma_wait3A, %dma_wait3A_75] : memref<100352x16xf32, #tpu.memory_space<vmem_shared>> -> memref<100352x16xf32, #tpu.memory_space<vmem_shared>>
      tpu.wait_indirect_dma semaphore(%arg25 : memref<!tpu.dma_semaphore, #tpu.memory_space<semaphore_mem>>) src(%arg17 : memref<512x16xf32, #tpu.memory_space<vmem>>) dst(%dma_wait3A_76 : memref<100352x16xf32, #tpu.memory_space<vmem_shared>>)
    } else {
    }
    %eq3A_14 = arith.constant 1 : i32
    %eq3A_15 = arith.cmpi eq, %arg0, %eq3A_14 : i32
    %convert_element_type3A_16 = arith.extui %eq3A_15 : i1 to i32
    %cond3A_17 = arith.constant 0 : i32
    %cond3A_18 = arith.cmpi ne, %convert_element_type3A_16, %cond3A_17 : i32
    scf.if %cond3A_18 {
      %mul3A_59 = arith.constant 784 : i32
      %mul3A_60 = arith.muli %arg1, %mul3A_59 : i32
      %mul3A_61 = arith.constant 128 : i32
      %mul3A_62 = arith.muli %mul3A_60, %mul3A_61 : i32
      "tpu.region"() ({
        %run_scoped3A = tpu.sem_alloc : memref<!tpu.dma_semaphore, #tpu.memory_space<semaphore_mem>>
        %dma_start3A_77 = tpu.memref_slice %arg2[%mul3A_62] : memref<1605632xi32, #tpu.memory_space<hbm>> -> memref<512xi32, #tpu.memory_space<hbm>>
        %dma_start3A_78 = tpu.memref_slice %arg2[%mul3A_62] : memref<1605632xi32, #tpu.memory_space<hbm>> -> memref<512xi32, #tpu.memory_space<hbm>>
        tpu.enqueue_dma source(%dma_start3A_78 : memref<512xi32, #tpu.memory_space<hbm>>) target(%arg12 : memref<512xi32, #tpu.memory_space<vmem>>) target_semaphore(%run_scoped3A : memref<!tpu.dma_semaphore, #tpu.memory_space<semaphore_mem>>)
        %dma_wait3A_79 = tpu.memref_slice %arg2[%mul3A_62] : memref<1605632xi32, #tpu.memory_space<hbm>> -> memref<512xi32, #tpu.memory_space<hbm>>
        %dma_wait3A_80 = tpu.memref_slice %arg2[%mul3A_62] : memref<1605632xi32, #tpu.memory_space<hbm>> -> memref<512xi32, #tpu.memory_space<hbm>>
        tpu.wait_dma2 semaphore(%run_scoped3A : memref<!tpu.dma_semaphore, #tpu.memory_space<semaphore_mem>>) src(%dma_wait3A_80 : memref<512xi32, #tpu.memory_space<hbm>>) dst(%arg12 : memref<512xi32, #tpu.memory_space<vmem>>)
        tpu.yield
      }) : () -> ()
      %mul3A_63 = arith.constant 784 : i32
      %mul3A_64 = arith.muli %arg1, %mul3A_63 : i32
      %mul3A_65 = arith.constant 128 : i32
      %mul3A_66 = arith.muli %mul3A_64, %mul3A_65 : i32
      "tpu.region"() ({
        %run_scoped3A = tpu.sem_alloc : memref<!tpu.dma_semaphore, #tpu.memory_space<semaphore_mem>>
        %dma_start3A_77 = tpu.memref_slice %arg3[%mul3A_66] : memref<1605632xi32, #tpu.memory_space<hbm>> -> memref<512xi32, #tpu.memory_space<hbm>>
        %dma_start3A_78 = tpu.memref_slice %arg3[%mul3A_66] : memref<1605632xi32, #tpu.memory_space<hbm>> -> memref<512xi32, #tpu.memory_space<hbm>>
        tpu.enqueue_dma source(%dma_start3A_78 : memref<512xi32, #tpu.memory_space<hbm>>) target(%arg14 : memref<512xi32, #tpu.memory_space<vmem>>) target_semaphore(%run_scoped3A : memref<!tpu.dma_semaphore, #tpu.memory_space<semaphore_mem>>)
        %dma_wait3A_79 = tpu.memref_slice %arg3[%mul3A_66] : memref<1605632xi32, #tpu.memory_space<hbm>> -> memref<512xi32, #tpu.memory_space<hbm>>
        %dma_wait3A_80 = tpu.memref_slice %arg3[%mul3A_66] : memref<1605632xi32, #tpu.memory_space<hbm>> -> memref<512xi32, #tpu.memory_space<hbm>>
        tpu.wait_dma2 semaphore(%run_scoped3A : memref<!tpu.dma_semaphore, #tpu.memory_space<semaphore_mem>>) src(%dma_wait3A_80 : memref<512xi32, #tpu.memory_space<hbm>>) dst(%arg14 : memref<512xi32, #tpu.memory_space<vmem>>)
        tpu.yield
      }) : () -> ()
      %dma_start3A = arith.constant 0 : i32
      %dma_start3A_67 = arith.constant 0 : i32
      %dma_start3A_68 = tpu.memref_slice %arg5[%dma_start3A, %dma_start3A_67] : memref<100352x16xf32, #tpu.memory_space<hbm>> -> memref<100352x16xf32, #tpu.memory_space<hbm>>
      tpu.enqueue_indirect_dma source(%dma_start3A_68 : memref<100352x16xf32, #tpu.memory_space<hbm>>) target(%arg16 : memref<512x16xf32, #tpu.memory_space<vmem>>) offsets(%arg12 : memref<512xi32, #tpu.memory_space<vmem>>) semaphore(%arg22 : memref<!tpu.dma_semaphore, #tpu.memory_space<semaphore_mem>>)
      %scan3A_69 = arith.constant 0 : i32
      %scan3A_70 = arith.constant 0 : i32
      %scan3A_71 = arith.constant 98 : i32
      %scan3A_72 = arith.addi %scan3A_70, %scan3A_71 : i32
      %scan3A_73 = arith.constant 1 : i32
      scf.for %scan3A_77 = %scan3A_70 to %scan3A_72 step %scan3A_73  : i32 {
        %mul3A_78 = arith.constant 2 : i32
        %mul3A_79 = arith.muli %mul3A_78, %scan3A_77 : i32
        %add3A = arith.constant 0 : i32
        %add3A_80 = arith.addi %mul3A_79, %add3A : i32
        %gt3A = arith.constant 0 : i32
        %gt3A_81 = arith.cmpi sgt, %scan3A_77, %gt3A : i32
        %convert_element_type3A_82 = arith.extui %gt3A_81 : i1 to i32
        %cond3A_83 = arith.constant 0 : i32
        %cond3A_84 = arith.cmpi ne, %convert_element_type3A_82, %cond3A_83 : i32
        scf.if %cond3A_84 {
          %dma_wait3A_137 = arith.constant 0 : i32
          %dma_wait3A_138 = arith.constant 0 : i32
          %dma_wait3A_139 = tpu.memref_slice %arg19[%dma_wait3A_137, %dma_wait3A_138] : memref<100352x16xf32, #tpu.memory_space<vmem_shared>> -> memref<100352x16xf32, #tpu.memory_space<vmem_shared>>
          tpu.wait_indirect_dma semaphore(%arg25 : memref<!tpu.dma_semaphore, #tpu.memory_space<semaphore_mem>>) src(%arg17 : memref<512x16xf32, #tpu.memory_space<vmem>>) dst(%dma_wait3A_139 : memref<100352x16xf32, #tpu.memory_space<vmem_shared>>)
        } else {
        }
        %add3A_85 = arith.constant 1 : i32
        %add3A_86 = arith.addi %add3A_80, %add3A_85 : i32
        %mul3A_87 = arith.constant 784 : i32
        %mul3A_88 = arith.muli %arg1, %mul3A_87 : i32
        %mul3A_89 = arith.constant 4 : i32
        %mul3A_90 = arith.muli %add3A_86, %mul3A_89 : i32
        %add3A_91 = arith.addi %mul3A_88, %mul3A_90 : i32
        %mul3A_92 = arith.constant 128 : i32
        %mul3A_93 = arith.muli %add3A_91, %mul3A_92 : i32
        %dma_start3A_94 = tpu.memref_slice %arg2[%mul3A_93] : memref<1605632xi32, #tpu.memory_space<hbm>> -> memref<512xi32, #tpu.memory_space<hbm>>
        %dma_start3A_95 = tpu.memref_slice %arg2[%mul3A_93] : memref<1605632xi32, #tpu.memory_space<hbm>> -> memref<512xi32, #tpu.memory_space<hbm>>
        tpu.enqueue_dma source(%dma_start3A_95 : memref<512xi32, #tpu.memory_space<hbm>>) target(%arg13 : memref<512xi32, #tpu.memory_space<vmem>>) target_semaphore(%arg21 : memref<!tpu.dma_semaphore, #tpu.memory_space<semaphore_mem>>)
        %dma_start3A_96 = tpu.memref_slice %arg3[%mul3A_93] : memref<1605632xi32, #tpu.memory_space<hbm>> -> memref<512xi32, #tpu.memory_space<hbm>>
        %dma_start3A_97 = tpu.memref_slice %arg3[%mul3A_93] : memref<1605632xi32, #tpu.memory_space<hbm>> -> memref<512xi32, #tpu.memory_space<hbm>>
        tpu.enqueue_dma source(%dma_start3A_97 : memref<512xi32, #tpu.memory_space<hbm>>) target(%arg15 : memref<512xi32, #tpu.memory_space<vmem>>) target_semaphore(%arg21 : memref<!tpu.dma_semaphore, #tpu.memory_space<semaphore_mem>>)
        %dma_wait3A_98 = arith.constant 0 : i32
        %dma_wait3A_99 = arith.constant 0 : i32
        %dma_wait3A_100 = tpu.memref_slice %arg5[%dma_wait3A_98, %dma_wait3A_99] : memref<100352x16xf32, #tpu.memory_space<hbm>> -> memref<100352x16xf32, #tpu.memory_space<hbm>>
        tpu.wait_indirect_dma semaphore(%arg22 : memref<!tpu.dma_semaphore, #tpu.memory_space<semaphore_mem>>) src(%dma_wait3A_100 : memref<100352x16xf32, #tpu.memory_space<hbm>>) dst(%arg16 : memref<512x16xf32, #tpu.memory_space<vmem>>)
        %dma_wait3A_101 = arith.constant 0 : i32
        %dma_wait3A_102 = tpu.memref_slice %arg2[%dma_wait3A_101] : memref<1605632xi32, #tpu.memory_space<hbm>> -> memref<512xi32, #tpu.memory_space<hbm>>
        %dma_wait3A_103 = arith.constant 0 : i32
        %dma_wait3A_104 = tpu.memref_slice %arg2[%dma_wait3A_103] : memref<1605632xi32, #tpu.memory_space<hbm>> -> memref<512xi32, #tpu.memory_space<hbm>>
        tpu.wait_dma2 semaphore(%arg21 : memref<!tpu.dma_semaphore, #tpu.memory_space<semaphore_mem>>) src(%dma_wait3A_104 : memref<512xi32, #tpu.memory_space<hbm>>) dst(%arg13 : memref<512xi32, #tpu.memory_space<vmem>>)
        %dma_wait3A_105 = arith.constant 0 : i32
        %dma_wait3A_106 = tpu.memref_slice %arg3[%dma_wait3A_105] : memref<1605632xi32, #tpu.memory_space<hbm>> -> memref<512xi32, #tpu.memory_space<hbm>>
        %dma_wait3A_107 = arith.constant 0 : i32
        %dma_wait3A_108 = tpu.memref_slice %arg3[%dma_wait3A_107] : memref<1605632xi32, #tpu.memory_space<hbm>> -> memref<512xi32, #tpu.memory_space<hbm>>
        tpu.wait_dma2 semaphore(%arg21 : memref<!tpu.dma_semaphore, #tpu.memory_space<semaphore_mem>>) src(%dma_wait3A_108 : memref<512xi32, #tpu.memory_space<hbm>>) dst(%arg15 : memref<512xi32, #tpu.memory_space<vmem>>)
        %dma_start3A_109 = arith.constant 0 : i32
        %dma_start3A_110 = arith.constant 0 : i32
        %dma_start3A_111 = tpu.memref_slice %arg5[%dma_start3A_109, %dma_start3A_110] : memref<100352x16xf32, #tpu.memory_space<hbm>> -> memref<100352x16xf32, #tpu.memory_space<hbm>>
        tpu.enqueue_indirect_dma source(%dma_start3A_111 : memref<100352x16xf32, #tpu.memory_space<hbm>>) target(%arg17 : memref<512x16xf32, #tpu.memory_space<vmem>>) offsets(%arg13 : memref<512xi32, #tpu.memory_space<vmem>>) semaphore(%arg23 : memref<!tpu.dma_semaphore, #tpu.memory_space<semaphore_mem>>)
        %dma_start3A_112 = arith.constant 0 : i32
        %dma_start3A_113 = arith.constant 0 : i32
        %dma_start3A_114 = tpu.memref_slice %arg19[%dma_start3A_112, %dma_start3A_113] : memref<100352x16xf32, #tpu.memory_space<vmem_shared>> -> memref<100352x16xf32, #tpu.memory_space<vmem_shared>>
        tpu.enqueue_indirect_dma source(%arg16 : memref<512x16xf32, #tpu.memory_space<vmem>>) target(%dma_start3A_114 : memref<100352x16xf32, #tpu.memory_space<vmem_shared>>) offsets(%arg14 : memref<512xi32, #tpu.memory_space<vmem>>) semaphore(%arg24 : memref<!tpu.dma_semaphore, #tpu.memory_space<semaphore_mem>>) {add = true}
        %mul3A_115 = arith.constant 2 : i32
        %mul3A_116 = arith.muli %mul3A_115, %scan3A_77 : i32
        %add3A_117 = arith.constant 1 : i32
        %add3A_118 = arith.addi %mul3A_116, %add3A_117 : i32
        %dma_wait3A_119 = arith.constant 0 : i32
        %dma_wait3A_120 = arith.constant 0 : i32
        %dma_wait3A_121 = tpu.memref_slice %arg19[%dma_wait3A_119, %dma_wait3A_120] : memref<100352x16xf32, #tpu.memory_space<vmem_shared>> -> memref<100352x16xf32, #tpu.memory_space<vmem_shared>>
        tpu.wait_indirect_dma semaphore(%arg24 : memref<!tpu.dma_semaphore, #tpu.memory_space<semaphore_mem>>) src(%arg16 : memref<512x16xf32, #tpu.memory_space<vmem>>) dst(%dma_wait3A_121 : memref<100352x16xf32, #tpu.memory_space<vmem_shared>>)
        %lt3A = arith.constant 97 : i32
        %lt3A_122 = arith.cmpi slt, %scan3A_77, %lt3A : i32
        %convert_element_type3A_123 = arith.extui %lt3A_122 : i1 to i32
        %cond3A_124 = arith.constant 0 : i32
        %cond3A_125 = arith.cmpi ne, %convert_element_type3A_123, %cond3A_124 : i32
        scf.if %cond3A_125 {
          %add3A_137 = arith.constant 1 : i32
          %add3A_138 = arith.addi %add3A_118, %add3A_137 : i32
          %mul3A_139 = arith.constant 784 : i32
          %mul3A_140 = arith.muli %arg1, %mul3A_139 : i32
          %mul3A_141 = arith.constant 4 : i32
          %mul3A_142 = arith.muli %add3A_138, %mul3A_141 : i32
          %add3A_143 = arith.addi %mul3A_140, %mul3A_142 : i32
          %mul3A_144 = arith.constant 128 : i32
          %mul3A_145 = arith.muli %add3A_143, %mul3A_144 : i32
          %dma_start3A_146 = tpu.memref_slice %arg2[%mul3A_145] : memref<1605632xi32, #tpu.memory_space<hbm>> -> memref<512xi32, #tpu.memory_space<hbm>>
          %dma_start3A_147 = tpu.memref_slice %arg2[%mul3A_145] : memref<1605632xi32, #tpu.memory_space<hbm>> -> memref<512xi32, #tpu.memory_space<hbm>>
          tpu.enqueue_dma source(%dma_start3A_147 : memref<512xi32, #tpu.memory_space<hbm>>) target(%arg12 : memref<512xi32, #tpu.memory_space<vmem>>) target_semaphore(%arg20 : memref<!tpu.dma_semaphore, #tpu.memory_space<semaphore_mem>>)
          %dma_start3A_148 = tpu.memref_slice %arg3[%mul3A_145] : memref<1605632xi32, #tpu.memory_space<hbm>> -> memref<512xi32, #tpu.memory_space<hbm>>
          %dma_start3A_149 = tpu.memref_slice %arg3[%mul3A_145] : memref<1605632xi32, #tpu.memory_space<hbm>> -> memref<512xi32, #tpu.memory_space<hbm>>
          tpu.enqueue_dma source(%dma_start3A_149 : memref<512xi32, #tpu.memory_space<hbm>>) target(%arg14 : memref<512xi32, #tpu.memory_space<vmem>>) target_semaphore(%arg20 : memref<!tpu.dma_semaphore, #tpu.memory_space<semaphore_mem>>)
        } else {
        }
        %dma_wait3A_126 = arith.constant 0 : i32
        %dma_wait3A_127 = arith.constant 0 : i32
        %dma_wait3A_128 = tpu.memref_slice %arg5[%dma_wait3A_126, %dma_wait3A_127] : memref<100352x16xf32, #tpu.memory_space<hbm>> -> memref<100352x16xf32, #tpu.memory_space<hbm>>
        tpu.wait_indirect_dma semaphore(%arg23 : memref<!tpu.dma_semaphore, #tpu.memory_space<semaphore_mem>>) src(%dma_wait3A_128 : memref<100352x16xf32, #tpu.memory_space<hbm>>) dst(%arg17 : memref<512x16xf32, #tpu.memory_space<vmem>>)
        %lt3A_129 = arith.constant 97 : i32
        %lt3A_130 = arith.cmpi slt, %scan3A_77, %lt3A_129 : i32
        %convert_element_type3A_131 = arith.extui %lt3A_130 : i1 to i32
        %cond3A_132 = arith.constant 0 : i32
        %cond3A_133 = arith.cmpi ne, %convert_element_type3A_131, %cond3A_132 : i32
        scf.if %cond3A_133 {
          %dma_wait3A_137 = arith.constant 0 : i32
          %dma_wait3A_138 = tpu.memref_slice %arg2[%dma_wait3A_137] : memref<1605632xi32, #tpu.memory_space<hbm>> -> memref<512xi32, #tpu.memory_space<hbm>>
          %dma_wait3A_139 = arith.constant 0 : i32
          %dma_wait3A_140 = tpu.memref_slice %arg2[%dma_wait3A_139] : memref<1605632xi32, #tpu.memory_space<hbm>> -> memref<512xi32, #tpu.memory_space<hbm>>
          tpu.wait_dma2 semaphore(%arg20 : memref<!tpu.dma_semaphore, #tpu.memory_space<semaphore_mem>>) src(%dma_wait3A_140 : memref<512xi32, #tpu.memory_space<hbm>>) dst(%arg12 : memref<512xi32, #tpu.memory_space<vmem>>)
          %dma_wait3A_141 = arith.constant 0 : i32
          %dma_wait3A_142 = tpu.memref_slice %arg3[%dma_wait3A_141] : memref<1605632xi32, #tpu.memory_space<hbm>> -> memref<512xi32, #tpu.memory_space<hbm>>
          %dma_wait3A_143 = arith.constant 0 : i32
          %dma_wait3A_144 = tpu.memref_slice %arg3[%dma_wait3A_143] : memref<1605632xi32, #tpu.memory_space<hbm>> -> memref<512xi32, #tpu.memory_space<hbm>>
          tpu.wait_dma2 semaphore(%arg20 : memref<!tpu.dma_semaphore, #tpu.memory_space<semaphore_mem>>) src(%dma_wait3A_144 : memref<512xi32, #tpu.memory_space<hbm>>) dst(%arg14 : memref<512xi32, #tpu.memory_space<vmem>>)
          %dma_start3A_145 = arith.constant 0 : i32
          %dma_start3A_146 = arith.constant 0 : i32
          %dma_start3A_147 = tpu.memref_slice %arg5[%dma_start3A_145, %dma_start3A_146] : memref<100352x16xf32, #tpu.memory_space<hbm>> -> memref<100352x16xf32, #tpu.memory_space<hbm>>
          tpu.enqueue_indirect_dma source(%dma_start3A_147 : memref<100352x16xf32, #tpu.memory_space<hbm>>) target(%arg16 : memref<512x16xf32, #tpu.memory_space<vmem>>) offsets(%arg12 : memref<512xi32, #tpu.memory_space<vmem>>) semaphore(%arg22 : memref<!tpu.dma_semaphore, #tpu.memory_space<semaphore_mem>>)
        } else {
        }
        %dma_start3A_134 = arith.constant 0 : i32
        %dma_start3A_135 = arith.constant 0 : i32
        %dma_start3A_136 = tpu.memref_slice %arg19[%dma_start3A_134, %dma_start3A_135] : memref<100352x16xf32, #tpu.memory_space<vmem_shared>> -> memref<100352x16xf32, #tpu.memory_space<vmem_shared>>
        tpu.enqueue_indirect_dma source(%arg17 : memref<512x16xf32, #tpu.memory_space<vmem>>) target(%dma_start3A_136 : memref<100352x16xf32, #tpu.memory_space<vmem_shared>>) offsets(%arg15 : memref<512xi32, #tpu.memory_space<vmem>>) semaphore(%arg25 : memref<!tpu.dma_semaphore, #tpu.memory_space<semaphore_mem>>) {add = true}
      }
      %scan3A_74 = arith.constant 98 : i32
      %dma_wait3A = arith.constant 0 : i32
      %dma_wait3A_75 = arith.constant 0 : i32
      %dma_wait3A_76 = tpu.memref_slice %arg19[%dma_wait3A, %dma_wait3A_75] : memref<100352x16xf32, #tpu.memory_space<vmem_shared>> -> memref<100352x16xf32, #tpu.memory_space<vmem_shared>>
      tpu.wait_indirect_dma semaphore(%arg25 : memref<!tpu.dma_semaphore, #tpu.memory_space<semaphore_mem>>) src(%arg17 : memref<512x16xf32, #tpu.memory_space<vmem>>) dst(%dma_wait3A_76 : memref<100352x16xf32, #tpu.memory_space<vmem_shared>>)
    } else {
    }
    %barrier3A_19 = arith.constant 0 : index
    tpu.barrier barrier_id(%barrier3A_19)
    %eq3A_20 = arith.constant 0 : i32
    %eq3A_21 = arith.cmpi eq, %arg0, %eq3A_20 : i32
    %convert_element_type3A_22 = arith.extui %eq3A_21 : i1 to i32
    %cond3A_23 = arith.constant 0 : i32
    %cond3A_24 = arith.cmpi ne, %convert_element_type3A_22, %cond3A_23 : i32
    scf.if %cond3A_24 {
      "tpu.region"() ({
        %run_scoped3A = tpu.sem_alloc : memref<!tpu.dma_semaphore, #tpu.memory_space<semaphore_mem>>
        %dma_start3A = arith.constant 0 : i32
        %dma_start3A_59 = tpu.memref_slice %arg8[%mul3A_0, %dma_start3A] : memref<100352x16xf32, #tpu.memory_space<hbm>> -> memref<6272x16xf32, #tpu.memory_space<hbm>>
        %dma_start3A_60 = arith.constant 0 : i32
        %dma_start3A_61 = tpu.memref_slice %arg19[%mul3A_0, %dma_start3A_60] : memref<100352x16xf32, #tpu.memory_space<vmem_shared>> -> memref<6272x16xf32, #tpu.memory_space<vmem_shared>>
        tpu.enqueue_dma source(%dma_start3A_61 : memref<6272x16xf32, #tpu.memory_space<vmem_shared>>) target(%dma_start3A_59 : memref<6272x16xf32, #tpu.memory_space<hbm>>) target_semaphore(%run_scoped3A : memref<!tpu.dma_semaphore, #tpu.memory_space<semaphore_mem>>)
        %dma_wait3A = arith.constant 0 : i32
        %dma_wait3A_62 = tpu.memref_slice %arg8[%mul3A_0, %dma_wait3A] : memref<100352x16xf32, #tpu.memory_space<hbm>> -> memref<6272x16xf32, #tpu.memory_space<hbm>>
        %dma_wait3A_63 = arith.constant 0 : i32
        %dma_wait3A_64 = tpu.memref_slice %arg19[%mul3A_0, %dma_wait3A_63] : memref<100352x16xf32, #tpu.memory_space<vmem_shared>> -> memref<6272x16xf32, #tpu.memory_space<vmem_shared>>
        tpu.wait_dma2 semaphore(%run_scoped3A : memref<!tpu.dma_semaphore, #tpu.memory_space<semaphore_mem>>) src(%dma_wait3A_64 : memref<6272x16xf32, #tpu.memory_space<vmem_shared>>) dst(%dma_wait3A_62 : memref<6272x16xf32, #tpu.memory_space<hbm>>)
        tpu.yield
      }) : () -> ()
    } else {
    }
    %eq3A_25 = arith.constant 1 : i32
    %eq3A_26 = arith.cmpi eq, %arg0, %eq3A_25 : i32
    %convert_element_type3A_27 = arith.extui %eq3A_26 : i1 to i32
    %cond3A_28 = arith.constant 0 : i32
    %cond3A_29 = arith.cmpi ne, %convert_element_type3A_27, %cond3A_28 : i32
    scf.if %cond3A_29 {
      "tpu.region"() ({
        %run_scoped3A = tpu.sem_alloc : memref<!tpu.dma_semaphore, #tpu.memory_space<semaphore_mem>>
        %dma_start3A = arith.constant 0 : i32
        %dma_start3A_59 = tpu.memref_slice %arg9[%mul3A_0, %dma_start3A] : memref<100352x16xf32, #tpu.memory_space<hbm>> -> memref<6272x16xf32, #tpu.memory_space<hbm>>
        %dma_start3A_60 = arith.constant 0 : i32
        %dma_start3A_61 = tpu.memref_slice %arg19[%mul3A_0, %dma_start3A_60] : memref<100352x16xf32, #tpu.memory_space<vmem_shared>> -> memref<6272x16xf32, #tpu.memory_space<vmem_shared>>
        tpu.enqueue_dma source(%dma_start3A_61 : memref<6272x16xf32, #tpu.memory_space<vmem_shared>>) target(%dma_start3A_59 : memref<6272x16xf32, #tpu.memory_space<hbm>>) target_semaphore(%run_scoped3A : memref<!tpu.dma_semaphore, #tpu.memory_space<semaphore_mem>>)
        %dma_wait3A = arith.constant 0 : i32
        %dma_wait3A_62 = tpu.memref_slice %arg9[%mul3A_0, %dma_wait3A] : memref<100352x16xf32, #tpu.memory_space<hbm>> -> memref<6272x16xf32, #tpu.memory_space<hbm>>
        %dma_wait3A_63 = arith.constant 0 : i32
        %dma_wait3A_64 = tpu.memref_slice %arg19[%mul3A_0, %dma_wait3A_63] : memref<100352x16xf32, #tpu.memory_space<vmem_shared>> -> memref<6272x16xf32, #tpu.memory_space<vmem_shared>>
        tpu.wait_dma2 semaphore(%run_scoped3A : memref<!tpu.dma_semaphore, #tpu.memory_space<semaphore_mem>>) src(%dma_wait3A_64 : memref<6272x16xf32, #tpu.memory_space<vmem_shared>>) dst(%dma_wait3A_62 : memref<6272x16xf32, #tpu.memory_space<hbm>>)
        tpu.yield
      }) : () -> ()
    } else {
    }
    %barrier3A_30 = arith.constant 0 : index
    tpu.barrier barrier_id(%barrier3A_30)
    %scan3A_31 = arith.constant 0 : i32
    %scan3A_32 = arith.constant 0 : i32
    %scan3A_33 = arith.constant 32 : i32
    %scan3A_34 = arith.addi %scan3A_32, %scan3A_33 : i32
    %scan3A_35 = arith.constant 1 : i32
    scf.for %scan3A_59 = %scan3A_32 to %scan3A_34 step %scan3A_35  : i32 {
      %mul3A_60 = arith.constant 196 : i32
      %mul3A_61 = arith.muli %scan3A_59, %mul3A_60 : i32
      %add3A = arith.addi %mul3A_0, %mul3A_61 : i32
      "tpu.region"() ({
        %run_scoped3A = tpu.sem_alloc : memref<!tpu.dma_semaphore, #tpu.memory_space<semaphore_mem>>
        %dma_start3A = arith.constant 0 : i32
        %dma_start3A_62 = tpu.memref_slice %arg19[%add3A, %dma_start3A] : memref<100352x16xf32, #tpu.memory_space<vmem_shared>> -> memref<196x16xf32, #tpu.memory_space<vmem_shared>>
        %dma_start3A_63 = arith.constant 0 : i32
        %dma_start3A_64 = tpu.memref_slice %arg19[%add3A, %dma_start3A_63] : memref<100352x16xf32, #tpu.memory_space<vmem_shared>> -> memref<196x16xf32, #tpu.memory_space<vmem_shared>>
        tpu.enqueue_dma source(%arg18 : memref<196x16xf32, #tpu.memory_space<vmem>>) target(%dma_start3A_64 : memref<196x16xf32, #tpu.memory_space<vmem_shared>>) target_semaphore(%run_scoped3A : memref<!tpu.dma_semaphore, #tpu.memory_space<semaphore_mem>>)
        %dma_wait3A = arith.constant 0 : i32
        %dma_wait3A_65 = tpu.memref_slice %arg19[%add3A, %dma_wait3A] : memref<100352x16xf32, #tpu.memory_space<vmem_shared>> -> memref<196x16xf32, #tpu.memory_space<vmem_shared>>
        %dma_wait3A_66 = arith.constant 0 : i32
        %dma_wait3A_67 = tpu.memref_slice %arg19[%add3A, %dma_wait3A_66] : memref<100352x16xf32, #tpu.memory_space<vmem_shared>> -> memref<196x16xf32, #tpu.memory_space<vmem_shared>>
        tpu.wait_dma2 semaphore(%run_scoped3A : memref<!tpu.dma_semaphore, #tpu.memory_space<semaphore_mem>>) src(%arg18 : memref<196x16xf32, #tpu.memory_space<vmem>>) dst(%dma_wait3A_67 : memref<196x16xf32, #tpu.memory_space<vmem_shared>>)
        tpu.yield
      }) : () -> ()
    }
    %scan3A_36 = arith.constant 32 : i32
    %barrier3A_37 = arith.constant 0 : index
    tpu.barrier barrier_id(%barrier3A_37)
    %eq3A_38 = arith.constant 0 : i32
    %eq3A_39 = arith.cmpi eq, %arg0, %eq3A_38 : i32
    %convert_element_type3A_40 = arith.extui %eq3A_39 : i1 to i32
    %cond3A_41 = arith.constant 0 : i32
    %cond3A_42 = arith.cmpi ne, %convert_element_type3A_40, %cond3A_41 : i32
    scf.if %cond3A_42 {
      %mul3A_59 = arith.constant 784 : i32
      %mul3A_60 = arith.muli %arg1, %mul3A_59 : i32
      %mul3A_61 = arith.constant 128 : i32
      %mul3A_62 = arith.muli %mul3A_60, %mul3A_61 : i32
      "tpu.region"() ({
        %run_scoped3A = tpu.sem_alloc : memref<!tpu.dma_semaphore, #tpu.memory_space<semaphore_mem>>
        %dma_start3A_77 = tpu.memref_slice %arg2[%mul3A_62] : memref<1605632xi32, #tpu.memory_space<hbm>> -> memref<512xi32, #tpu.memory_space<hbm>>
        %dma_start3A_78 = tpu.memref_slice %arg2[%mul3A_62] : memref<1605632xi32, #tpu.memory_space<hbm>> -> memref<512xi32, #tpu.memory_space<hbm>>
        tpu.enqueue_dma source(%dma_start3A_78 : memref<512xi32, #tpu.memory_space<hbm>>) target(%arg12 : memref<512xi32, #tpu.memory_space<vmem>>) target_semaphore(%run_scoped3A : memref<!tpu.dma_semaphore, #tpu.memory_space<semaphore_mem>>)
        %dma_wait3A_79 = tpu.memref_slice %arg2[%mul3A_62] : memref<1605632xi32, #tpu.memory_space<hbm>> -> memref<512xi32, #tpu.memory_space<hbm>>
        %dma_wait3A_80 = tpu.memref_slice %arg2[%mul3A_62] : memref<1605632xi32, #tpu.memory_space<hbm>> -> memref<512xi32, #tpu.memory_space<hbm>>
        tpu.wait_dma2 semaphore(%run_scoped3A : memref<!tpu.dma_semaphore, #tpu.memory_space<semaphore_mem>>) src(%dma_wait3A_80 : memref<512xi32, #tpu.memory_space<hbm>>) dst(%arg12 : memref<512xi32, #tpu.memory_space<vmem>>)
        tpu.yield
      }) : () -> ()
      %mul3A_63 = arith.constant 784 : i32
      %mul3A_64 = arith.muli %arg1, %mul3A_63 : i32
      %mul3A_65 = arith.constant 128 : i32
      %mul3A_66 = arith.muli %mul3A_64, %mul3A_65 : i32
      "tpu.region"() ({
        %run_scoped3A = tpu.sem_alloc : memref<!tpu.dma_semaphore, #tpu.memory_space<semaphore_mem>>
        %dma_start3A_77 = tpu.memref_slice %arg3[%mul3A_66] : memref<1605632xi32, #tpu.memory_space<hbm>> -> memref<512xi32, #tpu.memory_space<hbm>>
        %dma_start3A_78 = tpu.memref_slice %arg3[%mul3A_66] : memref<1605632xi32, #tpu.memory_space<hbm>> -> memref<512xi32, #tpu.memory_space<hbm>>
        tpu.enqueue_dma source(%dma_start3A_78 : memref<512xi32, #tpu.memory_space<hbm>>) target(%arg14 : memref<512xi32, #tpu.memory_space<vmem>>) target_semaphore(%run_scoped3A : memref<!tpu.dma_semaphore, #tpu.memory_space<semaphore_mem>>)
        %dma_wait3A_79 = tpu.memref_slice %arg3[%mul3A_66] : memref<1605632xi32, #tpu.memory_space<hbm>> -> memref<512xi32, #tpu.memory_space<hbm>>
        %dma_wait3A_80 = tpu.memref_slice %arg3[%mul3A_66] : memref<1605632xi32, #tpu.memory_space<hbm>> -> memref<512xi32, #tpu.memory_space<hbm>>
        tpu.wait_dma2 semaphore(%run_scoped3A : memref<!tpu.dma_semaphore, #tpu.memory_space<semaphore_mem>>) src(%dma_wait3A_80 : memref<512xi32, #tpu.memory_space<hbm>>) dst(%arg14 : memref<512xi32, #tpu.memory_space<vmem>>)
        tpu.yield
      }) : () -> ()
      %dma_start3A = arith.constant 0 : i32
      %dma_start3A_67 = arith.constant 0 : i32
      %dma_start3A_68 = tpu.memref_slice %arg6[%dma_start3A, %dma_start3A_67] : memref<100352x16xf32, #tpu.memory_space<hbm>> -> memref<100352x16xf32, #tpu.memory_space<hbm>>
      tpu.enqueue_indirect_dma source(%dma_start3A_68 : memref<100352x16xf32, #tpu.memory_space<hbm>>) target(%arg16 : memref<512x16xf32, #tpu.memory_space<vmem>>) offsets(%arg12 : memref<512xi32, #tpu.memory_space<vmem>>) semaphore(%arg22 : memref<!tpu.dma_semaphore, #tpu.memory_space<semaphore_mem>>)
      %scan3A_69 = arith.constant 0 : i32
      %scan3A_70 = arith.constant 0 : i32
      %scan3A_71 = arith.constant 98 : i32
      %scan3A_72 = arith.addi %scan3A_70, %scan3A_71 : i32
      %scan3A_73 = arith.constant 1 : i32
      scf.for %scan3A_77 = %scan3A_70 to %scan3A_72 step %scan3A_73  : i32 {
        %mul3A_78 = arith.constant 2 : i32
        %mul3A_79 = arith.muli %mul3A_78, %scan3A_77 : i32
        %add3A = arith.constant 0 : i32
        %add3A_80 = arith.addi %mul3A_79, %add3A : i32
        %gt3A = arith.constant 0 : i32
        %gt3A_81 = arith.cmpi sgt, %scan3A_77, %gt3A : i32
        %convert_element_type3A_82 = arith.extui %gt3A_81 : i1 to i32
        %cond3A_83 = arith.constant 0 : i32
        %cond3A_84 = arith.cmpi ne, %convert_element_type3A_82, %cond3A_83 : i32
        scf.if %cond3A_84 {
          %dma_wait3A_137 = arith.constant 0 : i32
          %dma_wait3A_138 = arith.constant 0 : i32
          %dma_wait3A_139 = tpu.memref_slice %arg19[%dma_wait3A_137, %dma_wait3A_138] : memref<100352x16xf32, #tpu.memory_space<vmem_shared>> -> memref<100352x16xf32, #tpu.memory_space<vmem_shared>>
          tpu.wait_indirect_dma semaphore(%arg25 : memref<!tpu.dma_semaphore, #tpu.memory_space<semaphore_mem>>) src(%arg17 : memref<512x16xf32, #tpu.memory_space<vmem>>) dst(%dma_wait3A_139 : memref<100352x16xf32, #tpu.memory_space<vmem_shared>>)
        } else {
        }
        %add3A_85 = arith.constant 1 : i32
        %add3A_86 = arith.addi %add3A_80, %add3A_85 : i32
        %mul3A_87 = arith.constant 784 : i32
        %mul3A_88 = arith.muli %arg1, %mul3A_87 : i32
        %mul3A_89 = arith.constant 4 : i32
        %mul3A_90 = arith.muli %add3A_86, %mul3A_89 : i32
        %add3A_91 = arith.addi %mul3A_88, %mul3A_90 : i32
        %mul3A_92 = arith.constant 128 : i32
        %mul3A_93 = arith.muli %add3A_91, %mul3A_92 : i32
        %dma_start3A_94 = tpu.memref_slice %arg2[%mul3A_93] : memref<1605632xi32, #tpu.memory_space<hbm>> -> memref<512xi32, #tpu.memory_space<hbm>>
        %dma_start3A_95 = tpu.memref_slice %arg2[%mul3A_93] : memref<1605632xi32, #tpu.memory_space<hbm>> -> memref<512xi32, #tpu.memory_space<hbm>>
        tpu.enqueue_dma source(%dma_start3A_95 : memref<512xi32, #tpu.memory_space<hbm>>) target(%arg13 : memref<512xi32, #tpu.memory_space<vmem>>) target_semaphore(%arg21 : memref<!tpu.dma_semaphore, #tpu.memory_space<semaphore_mem>>)
        %dma_start3A_96 = tpu.memref_slice %arg3[%mul3A_93] : memref<1605632xi32, #tpu.memory_space<hbm>> -> memref<512xi32, #tpu.memory_space<hbm>>
        %dma_start3A_97 = tpu.memref_slice %arg3[%mul3A_93] : memref<1605632xi32, #tpu.memory_space<hbm>> -> memref<512xi32, #tpu.memory_space<hbm>>
        tpu.enqueue_dma source(%dma_start3A_97 : memref<512xi32, #tpu.memory_space<hbm>>) target(%arg15 : memref<512xi32, #tpu.memory_space<vmem>>) target_semaphore(%arg21 : memref<!tpu.dma_semaphore, #tpu.memory_space<semaphore_mem>>)
        %dma_wait3A_98 = arith.constant 0 : i32
        %dma_wait3A_99 = arith.constant 0 : i32
        %dma_wait3A_100 = tpu.memref_slice %arg6[%dma_wait3A_98, %dma_wait3A_99] : memref<100352x16xf32, #tpu.memory_space<hbm>> -> memref<100352x16xf32, #tpu.memory_space<hbm>>
        tpu.wait_indirect_dma semaphore(%arg22 : memref<!tpu.dma_semaphore, #tpu.memory_space<semaphore_mem>>) src(%dma_wait3A_100 : memref<100352x16xf32, #tpu.memory_space<hbm>>) dst(%arg16 : memref<512x16xf32, #tpu.memory_space<vmem>>)
        %dma_wait3A_101 = arith.constant 0 : i32
        %dma_wait3A_102 = tpu.memref_slice %arg2[%dma_wait3A_101] : memref<1605632xi32, #tpu.memory_space<hbm>> -> memref<512xi32, #tpu.memory_space<hbm>>
        %dma_wait3A_103 = arith.constant 0 : i32
        %dma_wait3A_104 = tpu.memref_slice %arg2[%dma_wait3A_103] : memref<1605632xi32, #tpu.memory_space<hbm>> -> memref<512xi32, #tpu.memory_space<hbm>>
        tpu.wait_dma2 semaphore(%arg21 : memref<!tpu.dma_semaphore, #tpu.memory_space<semaphore_mem>>) src(%dma_wait3A_104 : memref<512xi32, #tpu.memory_space<hbm>>) dst(%arg13 : memref<512xi32, #tpu.memory_space<vmem>>)
        %dma_wait3A_105 = arith.constant 0 : i32
        %dma_wait3A_106 = tpu.memref_slice %arg3[%dma_wait3A_105] : memref<1605632xi32, #tpu.memory_space<hbm>> -> memref<512xi32, #tpu.memory_space<hbm>>
        %dma_wait3A_107 = arith.constant 0 : i32
        %dma_wait3A_108 = tpu.memref_slice %arg3[%dma_wait3A_107] : memref<1605632xi32, #tpu.memory_space<hbm>> -> memref<512xi32, #tpu.memory_space<hbm>>
        tpu.wait_dma2 semaphore(%arg21 : memref<!tpu.dma_semaphore, #tpu.memory_space<semaphore_mem>>) src(%dma_wait3A_108 : memref<512xi32, #tpu.memory_space<hbm>>) dst(%arg15 : memref<512xi32, #tpu.memory_space<vmem>>)
        %dma_start3A_109 = arith.constant 0 : i32
        %dma_start3A_110 = arith.constant 0 : i32
        %dma_start3A_111 = tpu.memref_slice %arg6[%dma_start3A_109, %dma_start3A_110] : memref<100352x16xf32, #tpu.memory_space<hbm>> -> memref<100352x16xf32, #tpu.memory_space<hbm>>
        tpu.enqueue_indirect_dma source(%dma_start3A_111 : memref<100352x16xf32, #tpu.memory_space<hbm>>) target(%arg17 : memref<512x16xf32, #tpu.memory_space<vmem>>) offsets(%arg13 : memref<512xi32, #tpu.memory_space<vmem>>) semaphore(%arg23 : memref<!tpu.dma_semaphore, #tpu.memory_space<semaphore_mem>>)
        %dma_start3A_112 = arith.constant 0 : i32
        %dma_start3A_113 = arith.constant 0 : i32
        %dma_start3A_114 = tpu.memref_slice %arg19[%dma_start3A_112, %dma_start3A_113] : memref<100352x16xf32, #tpu.memory_space<vmem_shared>> -> memref<100352x16xf32, #tpu.memory_space<vmem_shared>>
        tpu.enqueue_indirect_dma source(%arg16 : memref<512x16xf32, #tpu.memory_space<vmem>>) target(%dma_start3A_114 : memref<100352x16xf32, #tpu.memory_space<vmem_shared>>) offsets(%arg14 : memref<512xi32, #tpu.memory_space<vmem>>) semaphore(%arg24 : memref<!tpu.dma_semaphore, #tpu.memory_space<semaphore_mem>>) {add = true}
        %mul3A_115 = arith.constant 2 : i32
        %mul3A_116 = arith.muli %mul3A_115, %scan3A_77 : i32
        %add3A_117 = arith.constant 1 : i32
        %add3A_118 = arith.addi %mul3A_116, %add3A_117 : i32
        %dma_wait3A_119 = arith.constant 0 : i32
        %dma_wait3A_120 = arith.constant 0 : i32
        %dma_wait3A_121 = tpu.memref_slice %arg19[%dma_wait3A_119, %dma_wait3A_120] : memref<100352x16xf32, #tpu.memory_space<vmem_shared>> -> memref<100352x16xf32, #tpu.memory_space<vmem_shared>>
        tpu.wait_indirect_dma semaphore(%arg24 : memref<!tpu.dma_semaphore, #tpu.memory_space<semaphore_mem>>) src(%arg16 : memref<512x16xf32, #tpu.memory_space<vmem>>) dst(%dma_wait3A_121 : memref<100352x16xf32, #tpu.memory_space<vmem_shared>>)
        %lt3A = arith.constant 97 : i32
        %lt3A_122 = arith.cmpi slt, %scan3A_77, %lt3A : i32
        %convert_element_type3A_123 = arith.extui %lt3A_122 : i1 to i32
        %cond3A_124 = arith.constant 0 : i32
        %cond3A_125 = arith.cmpi ne, %convert_element_type3A_123, %cond3A_124 : i32
        scf.if %cond3A_125 {
          %add3A_137 = arith.constant 1 : i32
          %add3A_138 = arith.addi %add3A_118, %add3A_137 : i32
          %mul3A_139 = arith.constant 784 : i32
          %mul3A_140 = arith.muli %arg1, %mul3A_139 : i32
          %mul3A_141 = arith.constant 4 : i32
          %mul3A_142 = arith.muli %add3A_138, %mul3A_141 : i32
          %add3A_143 = arith.addi %mul3A_140, %mul3A_142 : i32
          %mul3A_144 = arith.constant 128 : i32
          %mul3A_145 = arith.muli %add3A_143, %mul3A_144 : i32
          %dma_start3A_146 = tpu.memref_slice %arg2[%mul3A_145] : memref<1605632xi32, #tpu.memory_space<hbm>> -> memref<512xi32, #tpu.memory_space<hbm>>
          %dma_start3A_147 = tpu.memref_slice %arg2[%mul3A_145] : memref<1605632xi32, #tpu.memory_space<hbm>> -> memref<512xi32, #tpu.memory_space<hbm>>
          tpu.enqueue_dma source(%dma_start3A_147 : memref<512xi32, #tpu.memory_space<hbm>>) target(%arg12 : memref<512xi32, #tpu.memory_space<vmem>>) target_semaphore(%arg20 : memref<!tpu.dma_semaphore, #tpu.memory_space<semaphore_mem>>)
          %dma_start3A_148 = tpu.memref_slice %arg3[%mul3A_145] : memref<1605632xi32, #tpu.memory_space<hbm>> -> memref<512xi32, #tpu.memory_space<hbm>>
          %dma_start3A_149 = tpu.memref_slice %arg3[%mul3A_145] : memref<1605632xi32, #tpu.memory_space<hbm>> -> memref<512xi32, #tpu.memory_space<hbm>>
          tpu.enqueue_dma source(%dma_start3A_149 : memref<512xi32, #tpu.memory_space<hbm>>) target(%arg14 : memref<512xi32, #tpu.memory_space<vmem>>) target_semaphore(%arg20 : memref<!tpu.dma_semaphore, #tpu.memory_space<semaphore_mem>>)
        } else {
        }
        %dma_wait3A_126 = arith.constant 0 : i32
        %dma_wait3A_127 = arith.constant 0 : i32
        %dma_wait3A_128 = tpu.memref_slice %arg6[%dma_wait3A_126, %dma_wait3A_127] : memref<100352x16xf32, #tpu.memory_space<hbm>> -> memref<100352x16xf32, #tpu.memory_space<hbm>>
        tpu.wait_indirect_dma semaphore(%arg23 : memref<!tpu.dma_semaphore, #tpu.memory_space<semaphore_mem>>) src(%dma_wait3A_128 : memref<100352x16xf32, #tpu.memory_space<hbm>>) dst(%arg17 : memref<512x16xf32, #tpu.memory_space<vmem>>)
        %lt3A_129 = arith.constant 97 : i32
        %lt3A_130 = arith.cmpi slt, %scan3A_77, %lt3A_129 : i32
        %convert_element_type3A_131 = arith.extui %lt3A_130 : i1 to i32
        %cond3A_132 = arith.constant 0 : i32
        %cond3A_133 = arith.cmpi ne, %convert_element_type3A_131, %cond3A_132 : i32
        scf.if %cond3A_133 {
          %dma_wait3A_137 = arith.constant 0 : i32
          %dma_wait3A_138 = tpu.memref_slice %arg2[%dma_wait3A_137] : memref<1605632xi32, #tpu.memory_space<hbm>> -> memref<512xi32, #tpu.memory_space<hbm>>
          %dma_wait3A_139 = arith.constant 0 : i32
          %dma_wait3A_140 = tpu.memref_slice %arg2[%dma_wait3A_139] : memref<1605632xi32, #tpu.memory_space<hbm>> -> memref<512xi32, #tpu.memory_space<hbm>>
          tpu.wait_dma2 semaphore(%arg20 : memref<!tpu.dma_semaphore, #tpu.memory_space<semaphore_mem>>) src(%dma_wait3A_140 : memref<512xi32, #tpu.memory_space<hbm>>) dst(%arg12 : memref<512xi32, #tpu.memory_space<vmem>>)
          %dma_wait3A_141 = arith.constant 0 : i32
          %dma_wait3A_142 = tpu.memref_slice %arg3[%dma_wait3A_141] : memref<1605632xi32, #tpu.memory_space<hbm>> -> memref<512xi32, #tpu.memory_space<hbm>>
          %dma_wait3A_143 = arith.constant 0 : i32
          %dma_wait3A_144 = tpu.memref_slice %arg3[%dma_wait3A_143] : memref<1605632xi32, #tpu.memory_space<hbm>> -> memref<512xi32, #tpu.memory_space<hbm>>
          tpu.wait_dma2 semaphore(%arg20 : memref<!tpu.dma_semaphore, #tpu.memory_space<semaphore_mem>>) src(%dma_wait3A_144 : memref<512xi32, #tpu.memory_space<hbm>>) dst(%arg14 : memref<512xi32, #tpu.memory_space<vmem>>)
          %dma_start3A_145 = arith.constant 0 : i32
          %dma_start3A_146 = arith.constant 0 : i32
          %dma_start3A_147 = tpu.memref_slice %arg6[%dma_start3A_145, %dma_start3A_146] : memref<100352x16xf32, #tpu.memory_space<hbm>> -> memref<100352x16xf32, #tpu.memory_space<hbm>>
          tpu.enqueue_indirect_dma source(%dma_start3A_147 : memref<100352x16xf32, #tpu.memory_space<hbm>>) target(%arg16 : memref<512x16xf32, #tpu.memory_space<vmem>>) offsets(%arg12 : memref<512xi32, #tpu.memory_space<vmem>>) semaphore(%arg22 : memref<!tpu.dma_semaphore, #tpu.memory_space<semaphore_mem>>)
        } else {
        }
        %dma_start3A_134 = arith.constant 0 : i32
        %dma_start3A_135 = arith.constant 0 : i32
        %dma_start3A_136 = tpu.memref_slice %arg19[%dma_start3A_134, %dma_start3A_135] : memref<100352x16xf32, #tpu.memory_space<vmem_shared>> -> memref<100352x16xf32, #tpu.memory_space<vmem_shared>>
        tpu.enqueue_indirect_dma source(%arg17 : memref<512x16xf32, #tpu.memory_space<vmem>>) target(%dma_start3A_136 : memref<100352x16xf32, #tpu.memory_space<vmem_shared>>) offsets(%arg15 : memref<512xi32, #tpu.memory_space<vmem>>) semaphore(%arg25 : memref<!tpu.dma_semaphore, #tpu.memory_space<semaphore_mem>>) {add = true}
      }
      %scan3A_74 = arith.constant 98 : i32
      %dma_wait3A = arith.constant 0 : i32
      %dma_wait3A_75 = arith.constant 0 : i32
      %dma_wait3A_76 = tpu.memref_slice %arg19[%dma_wait3A, %dma_wait3A_75] : memref<100352x16xf32, #tpu.memory_space<vmem_shared>> -> memref<100352x16xf32, #tpu.memory_space<vmem_shared>>
      tpu.wait_indirect_dma semaphore(%arg25 : memref<!tpu.dma_semaphore, #tpu.memory_space<semaphore_mem>>) src(%arg17 : memref<512x16xf32, #tpu.memory_space<vmem>>) dst(%dma_wait3A_76 : memref<100352x16xf32, #tpu.memory_space<vmem_shared>>)
    } else {
    }
    %eq3A_43 = arith.constant 1 : i32
    %eq3A_44 = arith.cmpi eq, %arg0, %eq3A_43 : i32
    %convert_element_type3A_45 = arith.extui %eq3A_44 : i1 to i32
    %cond3A_46 = arith.constant 0 : i32
    %cond3A_47 = arith.cmpi ne, %convert_element_type3A_45, %cond3A_46 : i32
    scf.if %cond3A_47 {
      %mul3A_59 = arith.constant 784 : i32
      %mul3A_60 = arith.muli %arg1, %mul3A_59 : i32
      %mul3A_61 = arith.constant 128 : i32
      %mul3A_62 = arith.muli %mul3A_60, %mul3A_61 : i32
      "tpu.region"() ({
        %run_scoped3A = tpu.sem_alloc : memref<!tpu.dma_semaphore, #tpu.memory_space<semaphore_mem>>
        %dma_start3A_77 = tpu.memref_slice %arg2[%mul3A_62] : memref<1605632xi32, #tpu.memory_space<hbm>> -> memref<512xi32, #tpu.memory_space<hbm>>
        %dma_start3A_78 = tpu.memref_slice %arg2[%mul3A_62] : memref<1605632xi32, #tpu.memory_space<hbm>> -> memref<512xi32, #tpu.memory_space<hbm>>
        tpu.enqueue_dma source(%dma_start3A_78 : memref<512xi32, #tpu.memory_space<hbm>>) target(%arg12 : memref<512xi32, #tpu.memory_space<vmem>>) target_semaphore(%run_scoped3A : memref<!tpu.dma_semaphore, #tpu.memory_space<semaphore_mem>>)
        %dma_wait3A_79 = tpu.memref_slice %arg2[%mul3A_62] : memref<1605632xi32, #tpu.memory_space<hbm>> -> memref<512xi32, #tpu.memory_space<hbm>>
        %dma_wait3A_80 = tpu.memref_slice %arg2[%mul3A_62] : memref<1605632xi32, #tpu.memory_space<hbm>> -> memref<512xi32, #tpu.memory_space<hbm>>
        tpu.wait_dma2 semaphore(%run_scoped3A : memref<!tpu.dma_semaphore, #tpu.memory_space<semaphore_mem>>) src(%dma_wait3A_80 : memref<512xi32, #tpu.memory_space<hbm>>) dst(%arg12 : memref<512xi32, #tpu.memory_space<vmem>>)
        tpu.yield
      }) : () -> ()
      %mul3A_63 = arith.constant 784 : i32
      %mul3A_64 = arith.muli %arg1, %mul3A_63 : i32
      %mul3A_65 = arith.constant 128 : i32
      %mul3A_66 = arith.muli %mul3A_64, %mul3A_65 : i32
      "tpu.region"() ({
        %run_scoped3A = tpu.sem_alloc : memref<!tpu.dma_semaphore, #tpu.memory_space<semaphore_mem>>
        %dma_start3A_77 = tpu.memref_slice %arg3[%mul3A_66] : memref<1605632xi32, #tpu.memory_space<hbm>> -> memref<512xi32, #tpu.memory_space<hbm>>
        %dma_start3A_78 = tpu.memref_slice %arg3[%mul3A_66] : memref<1605632xi32, #tpu.memory_space<hbm>> -> memref<512xi32, #tpu.memory_space<hbm>>
        tpu.enqueue_dma source(%dma_start3A_78 : memref<512xi32, #tpu.memory_space<hbm>>) target(%arg14 : memref<512xi32, #tpu.memory_space<vmem>>) target_semaphore(%run_scoped3A : memref<!tpu.dma_semaphore, #tpu.memory_space<semaphore_mem>>)
        %dma_wait3A_79 = tpu.memref_slice %arg3[%mul3A_66] : memref<1605632xi32, #tpu.memory_space<hbm>> -> memref<512xi32, #tpu.memory_space<hbm>>
        %dma_wait3A_80 = tpu.memref_slice %arg3[%mul3A_66] : memref<1605632xi32, #tpu.memory_space<hbm>> -> memref<512xi32, #tpu.memory_space<hbm>>
        tpu.wait_dma2 semaphore(%run_scoped3A : memref<!tpu.dma_semaphore, #tpu.memory_space<semaphore_mem>>) src(%dma_wait3A_80 : memref<512xi32, #tpu.memory_space<hbm>>) dst(%arg14 : memref<512xi32, #tpu.memory_space<vmem>>)
        tpu.yield
      }) : () -> ()
      %dma_start3A = arith.constant 0 : i32
      %dma_start3A_67 = arith.constant 0 : i32
      %dma_start3A_68 = tpu.memref_slice %arg7[%dma_start3A, %dma_start3A_67] : memref<100352x16xf32, #tpu.memory_space<hbm>> -> memref<100352x16xf32, #tpu.memory_space<hbm>>
      tpu.enqueue_indirect_dma source(%dma_start3A_68 : memref<100352x16xf32, #tpu.memory_space<hbm>>) target(%arg16 : memref<512x16xf32, #tpu.memory_space<vmem>>) offsets(%arg12 : memref<512xi32, #tpu.memory_space<vmem>>) semaphore(%arg22 : memref<!tpu.dma_semaphore, #tpu.memory_space<semaphore_mem>>)
      %scan3A_69 = arith.constant 0 : i32
      %scan3A_70 = arith.constant 0 : i32
      %scan3A_71 = arith.constant 98 : i32
      %scan3A_72 = arith.addi %scan3A_70, %scan3A_71 : i32
      %scan3A_73 = arith.constant 1 : i32
      scf.for %scan3A_77 = %scan3A_70 to %scan3A_72 step %scan3A_73  : i32 {
        %mul3A_78 = arith.constant 2 : i32
        %mul3A_79 = arith.muli %mul3A_78, %scan3A_77 : i32
        %add3A = arith.constant 0 : i32
        %add3A_80 = arith.addi %mul3A_79, %add3A : i32
        %gt3A = arith.constant 0 : i32
        %gt3A_81 = arith.cmpi sgt, %scan3A_77, %gt3A : i32
        %convert_element_type3A_82 = arith.extui %gt3A_81 : i1 to i32
        %cond3A_83 = arith.constant 0 : i32
        %cond3A_84 = arith.cmpi ne, %convert_element_type3A_82, %cond3A_83 : i32
        scf.if %cond3A_84 {
          %dma_wait3A_137 = arith.constant 0 : i32
          %dma_wait3A_138 = arith.constant 0 : i32
          %dma_wait3A_139 = tpu.memref_slice %arg19[%dma_wait3A_137, %dma_wait3A_138] : memref<100352x16xf32, #tpu.memory_space<vmem_shared>> -> memref<100352x16xf32, #tpu.memory_space<vmem_shared>>
          tpu.wait_indirect_dma semaphore(%arg25 : memref<!tpu.dma_semaphore, #tpu.memory_space<semaphore_mem>>) src(%arg17 : memref<512x16xf32, #tpu.memory_space<vmem>>) dst(%dma_wait3A_139 : memref<100352x16xf32, #tpu.memory_space<vmem_shared>>)
        } else {
        }
        %add3A_85 = arith.constant 1 : i32
        %add3A_86 = arith.addi %add3A_80, %add3A_85 : i32
        %mul3A_87 = arith.constant 784 : i32
        %mul3A_88 = arith.muli %arg1, %mul3A_87 : i32
        %mul3A_89 = arith.constant 4 : i32
        %mul3A_90 = arith.muli %add3A_86, %mul3A_89 : i32
        %add3A_91 = arith.addi %mul3A_88, %mul3A_90 : i32
        %mul3A_92 = arith.constant 128 : i32
        %mul3A_93 = arith.muli %add3A_91, %mul3A_92 : i32
        %dma_start3A_94 = tpu.memref_slice %arg2[%mul3A_93] : memref<1605632xi32, #tpu.memory_space<hbm>> -> memref<512xi32, #tpu.memory_space<hbm>>
        %dma_start3A_95 = tpu.memref_slice %arg2[%mul3A_93] : memref<1605632xi32, #tpu.memory_space<hbm>> -> memref<512xi32, #tpu.memory_space<hbm>>
        tpu.enqueue_dma source(%dma_start3A_95 : memref<512xi32, #tpu.memory_space<hbm>>) target(%arg13 : memref<512xi32, #tpu.memory_space<vmem>>) target_semaphore(%arg21 : memref<!tpu.dma_semaphore, #tpu.memory_space<semaphore_mem>>)
        %dma_start3A_96 = tpu.memref_slice %arg3[%mul3A_93] : memref<1605632xi32, #tpu.memory_space<hbm>> -> memref<512xi32, #tpu.memory_space<hbm>>
        %dma_start3A_97 = tpu.memref_slice %arg3[%mul3A_93] : memref<1605632xi32, #tpu.memory_space<hbm>> -> memref<512xi32, #tpu.memory_space<hbm>>
        tpu.enqueue_dma source(%dma_start3A_97 : memref<512xi32, #tpu.memory_space<hbm>>) target(%arg15 : memref<512xi32, #tpu.memory_space<vmem>>) target_semaphore(%arg21 : memref<!tpu.dma_semaphore, #tpu.memory_space<semaphore_mem>>)
        %dma_wait3A_98 = arith.constant 0 : i32
        %dma_wait3A_99 = arith.constant 0 : i32
        %dma_wait3A_100 = tpu.memref_slice %arg7[%dma_wait3A_98, %dma_wait3A_99] : memref<100352x16xf32, #tpu.memory_space<hbm>> -> memref<100352x16xf32, #tpu.memory_space<hbm>>
        tpu.wait_indirect_dma semaphore(%arg22 : memref<!tpu.dma_semaphore, #tpu.memory_space<semaphore_mem>>) src(%dma_wait3A_100 : memref<100352x16xf32, #tpu.memory_space<hbm>>) dst(%arg16 : memref<512x16xf32, #tpu.memory_space<vmem>>)
        %dma_wait3A_101 = arith.constant 0 : i32
        %dma_wait3A_102 = tpu.memref_slice %arg2[%dma_wait3A_101] : memref<1605632xi32, #tpu.memory_space<hbm>> -> memref<512xi32, #tpu.memory_space<hbm>>
        %dma_wait3A_103 = arith.constant 0 : i32
        %dma_wait3A_104 = tpu.memref_slice %arg2[%dma_wait3A_103] : memref<1605632xi32, #tpu.memory_space<hbm>> -> memref<512xi32, #tpu.memory_space<hbm>>
        tpu.wait_dma2 semaphore(%arg21 : memref<!tpu.dma_semaphore, #tpu.memory_space<semaphore_mem>>) src(%dma_wait3A_104 : memref<512xi32, #tpu.memory_space<hbm>>) dst(%arg13 : memref<512xi32, #tpu.memory_space<vmem>>)
        %dma_wait3A_105 = arith.constant 0 : i32
        %dma_wait3A_106 = tpu.memref_slice %arg3[%dma_wait3A_105] : memref<1605632xi32, #tpu.memory_space<hbm>> -> memref<512xi32, #tpu.memory_space<hbm>>
        %dma_wait3A_107 = arith.constant 0 : i32
        %dma_wait3A_108 = tpu.memref_slice %arg3[%dma_wait3A_107] : memref<1605632xi32, #tpu.memory_space<hbm>> -> memref<512xi32, #tpu.memory_space<hbm>>
        tpu.wait_dma2 semaphore(%arg21 : memref<!tpu.dma_semaphore, #tpu.memory_space<semaphore_mem>>) src(%dma_wait3A_108 : memref<512xi32, #tpu.memory_space<hbm>>) dst(%arg15 : memref<512xi32, #tpu.memory_space<vmem>>)
        %dma_start3A_109 = arith.constant 0 : i32
        %dma_start3A_110 = arith.constant 0 : i32
        %dma_start3A_111 = tpu.memref_slice %arg7[%dma_start3A_109, %dma_start3A_110] : memref<100352x16xf32, #tpu.memory_space<hbm>> -> memref<100352x16xf32, #tpu.memory_space<hbm>>
        tpu.enqueue_indirect_dma source(%dma_start3A_111 : memref<100352x16xf32, #tpu.memory_space<hbm>>) target(%arg17 : memref<512x16xf32, #tpu.memory_space<vmem>>) offsets(%arg13 : memref<512xi32, #tpu.memory_space<vmem>>) semaphore(%arg23 : memref<!tpu.dma_semaphore, #tpu.memory_space<semaphore_mem>>)
        %dma_start3A_112 = arith.constant 0 : i32
        %dma_start3A_113 = arith.constant 0 : i32
        %dma_start3A_114 = tpu.memref_slice %arg19[%dma_start3A_112, %dma_start3A_113] : memref<100352x16xf32, #tpu.memory_space<vmem_shared>> -> memref<100352x16xf32, #tpu.memory_space<vmem_shared>>
        tpu.enqueue_indirect_dma source(%arg16 : memref<512x16xf32, #tpu.memory_space<vmem>>) target(%dma_start3A_114 : memref<100352x16xf32, #tpu.memory_space<vmem_shared>>) offsets(%arg14 : memref<512xi32, #tpu.memory_space<vmem>>) semaphore(%arg24 : memref<!tpu.dma_semaphore, #tpu.memory_space<semaphore_mem>>) {add = true}
        %mul3A_115 = arith.constant 2 : i32
        %mul3A_116 = arith.muli %mul3A_115, %scan3A_77 : i32
        %add3A_117 = arith.constant 1 : i32
        %add3A_118 = arith.addi %mul3A_116, %add3A_117 : i32
        %dma_wait3A_119 = arith.constant 0 : i32
        %dma_wait3A_120 = arith.constant 0 : i32
        %dma_wait3A_121 = tpu.memref_slice %arg19[%dma_wait3A_119, %dma_wait3A_120] : memref<100352x16xf32, #tpu.memory_space<vmem_shared>> -> memref<100352x16xf32, #tpu.memory_space<vmem_shared>>
        tpu.wait_indirect_dma semaphore(%arg24 : memref<!tpu.dma_semaphore, #tpu.memory_space<semaphore_mem>>) src(%arg16 : memref<512x16xf32, #tpu.memory_space<vmem>>) dst(%dma_wait3A_121 : memref<100352x16xf32, #tpu.memory_space<vmem_shared>>)
        %lt3A = arith.constant 97 : i32
        %lt3A_122 = arith.cmpi slt, %scan3A_77, %lt3A : i32
        %convert_element_type3A_123 = arith.extui %lt3A_122 : i1 to i32
        %cond3A_124 = arith.constant 0 : i32
        %cond3A_125 = arith.cmpi ne, %convert_element_type3A_123, %cond3A_124 : i32
        scf.if %cond3A_125 {
          %add3A_137 = arith.constant 1 : i32
          %add3A_138 = arith.addi %add3A_118, %add3A_137 : i32
          %mul3A_139 = arith.constant 784 : i32
          %mul3A_140 = arith.muli %arg1, %mul3A_139 : i32
          %mul3A_141 = arith.constant 4 : i32
          %mul3A_142 = arith.muli %add3A_138, %mul3A_141 : i32
          %add3A_143 = arith.addi %mul3A_140, %mul3A_142 : i32
          %mul3A_144 = arith.constant 128 : i32
          %mul3A_145 = arith.muli %add3A_143, %mul3A_144 : i32
          %dma_start3A_146 = tpu.memref_slice %arg2[%mul3A_145] : memref<1605632xi32, #tpu.memory_space<hbm>> -> memref<512xi32, #tpu.memory_space<hbm>>
          %dma_start3A_147 = tpu.memref_slice %arg2[%mul3A_145] : memref<1605632xi32, #tpu.memory_space<hbm>> -> memref<512xi32, #tpu.memory_space<hbm>>
          tpu.enqueue_dma source(%dma_start3A_147 : memref<512xi32, #tpu.memory_space<hbm>>) target(%arg12 : memref<512xi32, #tpu.memory_space<vmem>>) target_semaphore(%arg20 : memref<!tpu.dma_semaphore, #tpu.memory_space<semaphore_mem>>)
          %dma_start3A_148 = tpu.memref_slice %arg3[%mul3A_145] : memref<1605632xi32, #tpu.memory_space<hbm>> -> memref<512xi32, #tpu.memory_space<hbm>>
          %dma_start3A_149 = tpu.memref_slice %arg3[%mul3A_145] : memref<1605632xi32, #tpu.memory_space<hbm>> -> memref<512xi32, #tpu.memory_space<hbm>>
          tpu.enqueue_dma source(%dma_start3A_149 : memref<512xi32, #tpu.memory_space<hbm>>) target(%arg14 : memref<512xi32, #tpu.memory_space<vmem>>) target_semaphore(%arg20 : memref<!tpu.dma_semaphore, #tpu.memory_space<semaphore_mem>>)
        } else {
        }
        %dma_wait3A_126 = arith.constant 0 : i32
        %dma_wait3A_127 = arith.constant 0 : i32
        %dma_wait3A_128 = tpu.memref_slice %arg7[%dma_wait3A_126, %dma_wait3A_127] : memref<100352x16xf32, #tpu.memory_space<hbm>> -> memref<100352x16xf32, #tpu.memory_space<hbm>>
        tpu.wait_indirect_dma semaphore(%arg23 : memref<!tpu.dma_semaphore, #tpu.memory_space<semaphore_mem>>) src(%dma_wait3A_128 : memref<100352x16xf32, #tpu.memory_space<hbm>>) dst(%arg17 : memref<512x16xf32, #tpu.memory_space<vmem>>)
        %lt3A_129 = arith.constant 97 : i32
        %lt3A_130 = arith.cmpi slt, %scan3A_77, %lt3A_129 : i32
        %convert_element_type3A_131 = arith.extui %lt3A_130 : i1 to i32
        %cond3A_132 = arith.constant 0 : i32
        %cond3A_133 = arith.cmpi ne, %convert_element_type3A_131, %cond3A_132 : i32
        scf.if %cond3A_133 {
          %dma_wait3A_137 = arith.constant 0 : i32
          %dma_wait3A_138 = tpu.memref_slice %arg2[%dma_wait3A_137] : memref<1605632xi32, #tpu.memory_space<hbm>> -> memref<512xi32, #tpu.memory_space<hbm>>
          %dma_wait3A_139 = arith.constant 0 : i32
          %dma_wait3A_140 = tpu.memref_slice %arg2[%dma_wait3A_139] : memref<1605632xi32, #tpu.memory_space<hbm>> -> memref<512xi32, #tpu.memory_space<hbm>>
          tpu.wait_dma2 semaphore(%arg20 : memref<!tpu.dma_semaphore, #tpu.memory_space<semaphore_mem>>) src(%dma_wait3A_140 : memref<512xi32, #tpu.memory_space<hbm>>) dst(%arg12 : memref<512xi32, #tpu.memory_space<vmem>>)
          %dma_wait3A_141 = arith.constant 0 : i32
          %dma_wait3A_142 = tpu.memref_slice %arg3[%dma_wait3A_141] : memref<1605632xi32, #tpu.memory_space<hbm>> -> memref<512xi32, #tpu.memory_space<hbm>>
          %dma_wait3A_143 = arith.constant 0 : i32
          %dma_wait3A_144 = tpu.memref_slice %arg3[%dma_wait3A_143] : memref<1605632xi32, #tpu.memory_space<hbm>> -> memref<512xi32, #tpu.memory_space<hbm>>
          tpu.wait_dma2 semaphore(%arg20 : memref<!tpu.dma_semaphore, #tpu.memory_space<semaphore_mem>>) src(%dma_wait3A_144 : memref<512xi32, #tpu.memory_space<hbm>>) dst(%arg14 : memref<512xi32, #tpu.memory_space<vmem>>)
          %dma_start3A_145 = arith.constant 0 : i32
          %dma_start3A_146 = arith.constant 0 : i32
          %dma_start3A_147 = tpu.memref_slice %arg7[%dma_start3A_145, %dma_start3A_146] : memref<100352x16xf32, #tpu.memory_space<hbm>> -> memref<100352x16xf32, #tpu.memory_space<hbm>>
          tpu.enqueue_indirect_dma source(%dma_start3A_147 : memref<100352x16xf32, #tpu.memory_space<hbm>>) target(%arg16 : memref<512x16xf32, #tpu.memory_space<vmem>>) offsets(%arg12 : memref<512xi32, #tpu.memory_space<vmem>>) semaphore(%arg22 : memref<!tpu.dma_semaphore, #tpu.memory_space<semaphore_mem>>)
        } else {
        }
        %dma_start3A_134 = arith.constant 0 : i32
        %dma_start3A_135 = arith.constant 0 : i32
        %dma_start3A_136 = tpu.memref_slice %arg19[%dma_start3A_134, %dma_start3A_135] : memref<100352x16xf32, #tpu.memory_space<vmem_shared>> -> memref<100352x16xf32, #tpu.memory_space<vmem_shared>>
        tpu.enqueue_indirect_dma source(%arg17 : memref<512x16xf32, #tpu.memory_space<vmem>>) target(%dma_start3A_136 : memref<100352x16xf32, #tpu.memory_space<vmem_shared>>) offsets(%arg15 : memref<512xi32, #tpu.memory_space<vmem>>) semaphore(%arg25 : memref<!tpu.dma_semaphore, #tpu.memory_space<semaphore_mem>>) {add = true}
      }
      %scan3A_74 = arith.constant 98 : i32
      %dma_wait3A = arith.constant 0 : i32
      %dma_wait3A_75 = arith.constant 0 : i32
      %dma_wait3A_76 = tpu.memref_slice %arg19[%dma_wait3A, %dma_wait3A_75] : memref<100352x16xf32, #tpu.memory_space<vmem_shared>> -> memref<100352x16xf32, #tpu.memory_space<vmem_shared>>
      tpu.wait_indirect_dma semaphore(%arg25 : memref<!tpu.dma_semaphore, #tpu.memory_space<semaphore_mem>>) src(%arg17 : memref<512x16xf32, #tpu.memory_space<vmem>>) dst(%dma_wait3A_76 : memref<100352x16xf32, #tpu.memory_space<vmem_shared>>)
    } else {
    }
    %barrier3A_48 = arith.constant 0 : index
    tpu.barrier barrier_id(%barrier3A_48)
    %eq3A_49 = arith.constant 0 : i32
    %eq3A_50 = arith.cmpi eq, %arg0, %eq3A_49 : i32
    %convert_element_type3A_51 = arith.extui %eq3A_50 : i1 to i32
    %cond3A_52 = arith.constant 0 : i32
    %cond3A_53 = arith.cmpi ne, %convert_element_type3A_51, %cond3A_52 : i32
    scf.if %cond3A_53 {
      "tpu.region"() ({
        %run_scoped3A = tpu.sem_alloc : memref<!tpu.dma_semaphore, #tpu.memory_space<semaphore_mem>>
        %dma_start3A = arith.constant 0 : i32
        %dma_start3A_59 = tpu.memref_slice %arg10[%mul3A_0, %dma_start3A] : memref<100352x16xf32, #tpu.memory_space<hbm>> -> memref<6272x16xf32, #tpu.memory_space<hbm>>
        %dma_start3A_60 = arith.constant 0 : i32
        %dma_start3A_61 = tpu.memref_slice %arg19[%mul3A_0, %dma_start3A_60] : memref<100352x16xf32, #tpu.memory_space<vmem_shared>> -> memref<6272x16xf32, #tpu.memory_space<vmem_shared>>
        tpu.enqueue_dma source(%dma_start3A_61 : memref<6272x16xf32, #tpu.memory_space<vmem_shared>>) target(%dma_start3A_59 : memref<6272x16xf32, #tpu.memory_space<hbm>>) target_semaphore(%run_scoped3A : memref<!tpu.dma_semaphore, #tpu.memory_space<semaphore_mem>>)
        %dma_wait3A = arith.constant 0 : i32
        %dma_wait3A_62 = tpu.memref_slice %arg10[%mul3A_0, %dma_wait3A] : memref<100352x16xf32, #tpu.memory_space<hbm>> -> memref<6272x16xf32, #tpu.memory_space<hbm>>
        %dma_wait3A_63 = arith.constant 0 : i32
        %dma_wait3A_64 = tpu.memref_slice %arg19[%mul3A_0, %dma_wait3A_63] : memref<100352x16xf32, #tpu.memory_space<vmem_shared>> -> memref<6272x16xf32, #tpu.memory_space<vmem_shared>>
        tpu.wait_dma2 semaphore(%run_scoped3A : memref<!tpu.dma_semaphore, #tpu.memory_space<semaphore_mem>>) src(%dma_wait3A_64 : memref<6272x16xf32, #tpu.memory_space<vmem_shared>>) dst(%dma_wait3A_62 : memref<6272x16xf32, #tpu.memory_space<hbm>>)
        tpu.yield
      }) : () -> ()
    } else {
    }
    %eq3A_54 = arith.constant 1 : i32
    %eq3A_55 = arith.cmpi eq, %arg0, %eq3A_54 : i32
    %convert_element_type3A_56 = arith.extui %eq3A_55 : i1 to i32
    %cond3A_57 = arith.constant 0 : i32
    %cond3A_58 = arith.cmpi ne, %convert_element_type3A_56, %cond3A_57 : i32
    scf.if %cond3A_58 {
      "tpu.region"() ({
        %run_scoped3A = tpu.sem_alloc : memref<!tpu.dma_semaphore, #tpu.memory_space<semaphore_mem>>
        %dma_start3A = arith.constant 0 : i32
        %dma_start3A_59 = tpu.memref_slice %arg11[%mul3A_0, %dma_start3A] : memref<100352x16xf32, #tpu.memory_space<hbm>> -> memref<6272x16xf32, #tpu.memory_space<hbm>>
        %dma_start3A_60 = arith.constant 0 : i32
        %dma_start3A_61 = tpu.memref_slice %arg19[%mul3A_0, %dma_start3A_60] : memref<100352x16xf32, #tpu.memory_space<vmem_shared>> -> memref<6272x16xf32, #tpu.memory_space<vmem_shared>>
        tpu.enqueue_dma source(%dma_start3A_61 : memref<6272x16xf32, #tpu.memory_space<vmem_shared>>) target(%dma_start3A_59 : memref<6272x16xf32, #tpu.memory_space<hbm>>) target_semaphore(%run_scoped3A : memref<!tpu.dma_semaphore, #tpu.memory_space<semaphore_mem>>)
        %dma_wait3A = arith.constant 0 : i32
        %dma_wait3A_62 = tpu.memref_slice %arg11[%mul3A_0, %dma_wait3A] : memref<100352x16xf32, #tpu.memory_space<hbm>> -> memref<6272x16xf32, #tpu.memory_space<hbm>>
        %dma_wait3A_63 = arith.constant 0 : i32
        %dma_wait3A_64 = tpu.memref_slice %arg19[%mul3A_0, %dma_wait3A_63] : memref<100352x16xf32, #tpu.memory_space<vmem_shared>> -> memref<6272x16xf32, #tpu.memory_space<vmem_shared>>
        tpu.wait_dma2 semaphore(%run_scoped3A : memref<!tpu.dma_semaphore, #tpu.memory_space<semaphore_mem>>) src(%dma_wait3A_64 : memref<6272x16xf32, #tpu.memory_space<vmem_shared>>) dst(%dma_wait3A_62 : memref<6272x16xf32, #tpu.memory_space<hbm>>)
        tpu.yield
      }) : () -> ()
    } else {
    }
    return
  }
}

#map = affine_map<(d0, d1) -> (0, 0)>
module attributes {stable_mosaic.version = 14 : i64} {
  func.func @pool(%arg0: i32, %arg1: i32, %arg2: memref<100352x16xf32, #tpu.memory_space<hbm>>, %arg3: memref<100352x16xf32, #tpu.memory_space<hbm>>, %arg4: memref<784x128xi32, #tpu.memory_space<hbm>>, %arg5: memref<1024x16xf32, #tpu.memory_space<hbm>>, %arg6: memref<1024x16xf32, #tpu.memory_space<hbm>>, %arg7: memref<1024x16xf32, #tpu.memory_space<hbm>>, %arg8: memref<128xi32, #tpu.memory_space<vmem>>, %arg9: memref<128x16xf32, #tpu.memory_space<vmem>>, %arg10: memref<128x16xf32, #tpu.memory_space<vmem>>, %arg11: memref<72x16xf32, #tpu.memory_space<vmem>>, %arg12: memref<1152x16xf32, #tpu.memory_space<vmem_shared>>, %arg13: memref<1152x16xf32, #tpu.memory_space<vmem_shared>>) attributes {dimension_semantics = [#tpu.dimension_semantics<core_parallel>, #tpu.dimension_semantics<subcore_parallel>], iteration_bounds = array<i64: 2, 16>, scalar_prefetch = 0 : i64, scratch_operands = 6 : i64, tpu.core_type = #tpu.core_type<sc_vector_subcore>, window_params = [{transform_indices = #map}, {transform_indices = #map}, {transform_indices = #map}, {transform_indices = #map}, {transform_indices = #map}, {transform_indices = #map}]} {
    %scan3A = arith.constant 0 : i32
    %scan3A_0 = arith.constant 0 : i32
    %scan3A_1 = arith.constant 128 : i32
    %scan3A_2 = arith.addi %scan3A_0, %scan3A_1 : i32
    %scan3A_3 = arith.constant 1 : i32
    scf.for %scan3A_41 = %scan3A_0 to %scan3A_2 step %scan3A_3  : i32 {
      %broadcast_in_dim3A = arith.constant 1.000000e+00 : f32
      %broadcast_in_dim3A_42 = vector.broadcast %broadcast_in_dim3A : f32 to vector<16xf32>
      %swap3A = arith.index_cast %scan3A_41 : i32 to index
      %swap3A_43 = arith.constant 0 : index
      %swap3A_44 = tpu.vector_load %arg10[%swap3A, %swap3A_43] {strides = array<i32>} : memref<128x16xf32, #tpu.memory_space<vmem>>, vector<1x16xf32>,
      %swap3A_45 = vector.shape_cast %swap3A_44 : vector<1x16xf32> to vector<16xf32>
      %swap3A_46 = vector.shape_cast %broadcast_in_dim3A_42 : vector<16xf32> to vector<1x16xf32>
      tpu.vector_store %arg10[%swap3A, %swap3A_43], %swap3A_46 {strides = array<i32>} : memref<128x16xf32, #tpu.memory_space<vmem>>, vector<1x16xf32>,
    }
    %scan3A_4 = arith.constant 128 : i32
    %scan3A_5 = arith.constant 0 : i32
    %scan3A_6 = arith.constant 0 : i32
    %scan3A_7 = arith.constant 72 : i32
    %scan3A_8 = arith.addi %scan3A_6, %scan3A_7 : i32
    %scan3A_9 = arith.constant 1 : i32
    scf.for %scan3A_41 = %scan3A_6 to %scan3A_8 step %scan3A_9  : i32 {
      %broadcast_in_dim3A = arith.constant 0.000000e+00 : f32
      %broadcast_in_dim3A_42 = vector.broadcast %broadcast_in_dim3A : f32 to vector<16xf32>
      %swap3A = arith.index_cast %scan3A_41 : i32 to index
      %swap3A_43 = arith.constant 0 : index
      %swap3A_44 = tpu.vector_load %arg11[%swap3A, %swap3A_43] {strides = array<i32>} : memref<72x16xf32, #tpu.memory_space<vmem>>, vector<1x16xf32>,
      %swap3A_45 = vector.shape_cast %swap3A_44 : vector<1x16xf32> to vector<16xf32>
      %swap3A_46 = vector.shape_cast %broadcast_in_dim3A_42 : vector<16xf32> to vector<1x16xf32>
      tpu.vector_store %arg11[%swap3A, %swap3A_43], %swap3A_46 {strides = array<i32>} : memref<72x16xf32, #tpu.memory_space<vmem>>, vector<1x16xf32>,
    }
    %scan3A_10 = arith.constant 72 : i32
    %mul3A = arith.constant 72 : i32
    %mul3A_11 = arith.muli %arg1, %mul3A : i32
    "tpu.region"() ({
      %run_scoped3A = tpu.sem_alloc : memref<!tpu.dma_semaphore, #tpu.memory_space<semaphore_mem>>
      %dma_start3A = arith.constant 0 : i32
      %dma_start3A_41 = tpu.memref_slice %arg12[%mul3A_11, %dma_start3A] : memref<1152x16xf32, #tpu.memory_space<vmem_shared>> -> memref<72x16xf32, #tpu.memory_space<vmem_shared>>
      %dma_start3A_42 = arith.constant 0 : i32
      %dma_start3A_43 = tpu.memref_slice %arg12[%mul3A_11, %dma_start3A_42] : memref<1152x16xf32, #tpu.memory_space<vmem_shared>> -> memref<72x16xf32, #tpu.memory_space<vmem_shared>>
      tpu.enqueue_dma source(%arg11 : memref<72x16xf32, #tpu.memory_space<vmem>>) target(%dma_start3A_43 : memref<72x16xf32, #tpu.memory_space<vmem_shared>>) target_semaphore(%run_scoped3A : memref<!tpu.dma_semaphore, #tpu.memory_space<semaphore_mem>>)
      %dma_wait3A = arith.constant 0 : i32
      %dma_wait3A_44 = tpu.memref_slice %arg12[%mul3A_11, %dma_wait3A] : memref<1152x16xf32, #tpu.memory_space<vmem_shared>> -> memref<72x16xf32, #tpu.memory_space<vmem_shared>>
      %dma_wait3A_45 = arith.constant 0 : i32
      %dma_wait3A_46 = tpu.memref_slice %arg12[%mul3A_11, %dma_wait3A_45] : memref<1152x16xf32, #tpu.memory_space<vmem_shared>> -> memref<72x16xf32, #tpu.memory_space<vmem_shared>>
      tpu.wait_dma2 semaphore(%run_scoped3A : memref<!tpu.dma_semaphore, #tpu.memory_space<semaphore_mem>>) src(%arg11 : memref<72x16xf32, #tpu.memory_space<vmem>>) dst(%dma_wait3A_46 : memref<72x16xf32, #tpu.memory_space<vmem_shared>>)
      tpu.yield
    }) : () -> ()
    %mul3A_12 = arith.constant 72 : i32
    %mul3A_13 = arith.muli %arg1, %mul3A_12 : i32
    "tpu.region"() ({
      %run_scoped3A = tpu.sem_alloc : memref<!tpu.dma_semaphore, #tpu.memory_space<semaphore_mem>>
      %dma_start3A = arith.constant 0 : i32
      %dma_start3A_41 = tpu.memref_slice %arg13[%mul3A_13, %dma_start3A] : memref<1152x16xf32, #tpu.memory_space<vmem_shared>> -> memref<72x16xf32, #tpu.memory_space<vmem_shared>>
      %dma_start3A_42 = arith.constant 0 : i32
      %dma_start3A_43 = tpu.memref_slice %arg13[%mul3A_13, %dma_start3A_42] : memref<1152x16xf32, #tpu.memory_space<vmem_shared>> -> memref<72x16xf32, #tpu.memory_space<vmem_shared>>
      tpu.enqueue_dma source(%arg11 : memref<72x16xf32, #tpu.memory_space<vmem>>) target(%dma_start3A_43 : memref<72x16xf32, #tpu.memory_space<vmem_shared>>) target_semaphore(%run_scoped3A : memref<!tpu.dma_semaphore, #tpu.memory_space<semaphore_mem>>)
      %dma_wait3A = arith.constant 0 : i32
      %dma_wait3A_44 = tpu.memref_slice %arg13[%mul3A_13, %dma_wait3A] : memref<1152x16xf32, #tpu.memory_space<vmem_shared>> -> memref<72x16xf32, #tpu.memory_space<vmem_shared>>
      %dma_wait3A_45 = arith.constant 0 : i32
      %dma_wait3A_46 = tpu.memref_slice %arg13[%mul3A_13, %dma_wait3A_45] : memref<1152x16xf32, #tpu.memory_space<vmem_shared>> -> memref<72x16xf32, #tpu.memory_space<vmem_shared>>
      tpu.wait_dma2 semaphore(%run_scoped3A : memref<!tpu.dma_semaphore, #tpu.memory_space<semaphore_mem>>) src(%arg11 : memref<72x16xf32, #tpu.memory_space<vmem>>) dst(%dma_wait3A_46 : memref<72x16xf32, #tpu.memory_space<vmem_shared>>)
      tpu.yield
    }) : () -> ()
    %barrier3A = arith.constant 0 : index
    tpu.barrier barrier_id(%barrier3A)
    %scan3A_14 = arith.constant 0 : i32
    %scan3A_15 = arith.constant 0 : i32
    %scan3A_16 = arith.constant 49 : i32
    %scan3A_17 = arith.addi %scan3A_15, %scan3A_16 : i32
    %scan3A_18 = arith.constant 1 : i32
    scf.for %scan3A_41 = %scan3A_15 to %scan3A_17 step %scan3A_18  : i32 {
      %mul3A_42 = arith.constant 49 : i32
      %mul3A_43 = arith.muli %arg1, %mul3A_42 : i32
      %add3A = arith.addi %mul3A_43, %scan3A_41 : i32
      "tpu.region"() ({
        %run_scoped3A = tpu.sem_alloc : memref<!tpu.dma_semaphore, #tpu.memory_space<semaphore_mem>>
        %dma_start3A = arith.constant 0 : i32
        %dma_start3A_64 = tpu.memref_slice %arg4[%add3A, %dma_start3A] : memref<784x128xi32, #tpu.memory_space<hbm>> -> memref<1x128xi32, #tpu.memory_space<hbm>>
        %dma_start3A_65 = tpu.memref_squeeze %dma_start3A_64 : memref<1x128xi32, #tpu.memory_space<hbm>> -> memref<128xi32, #tpu.memory_space<hbm>>
        %dma_start3A_66 = arith.constant 0 : i32
        %dma_start3A_67 = tpu.memref_slice %arg4[%add3A, %dma_start3A_66] : memref<784x128xi32, #tpu.memory_space<hbm>> -> memref<1x128xi32, #tpu.memory_space<hbm>>
        %dma_start3A_68 = tpu.memref_squeeze %dma_start3A_67 : memref<1x128xi32, #tpu.memory_space<hbm>> -> memref<128xi32, #tpu.memory_space<hbm>>
        tpu.enqueue_dma source(%dma_start3A_68 : memref<128xi32, #tpu.memory_space<hbm>>) target(%arg8 : memref<128xi32, #tpu.memory_space<vmem>>) target_semaphore(%run_scoped3A : memref<!tpu.dma_semaphore, #tpu.memory_space<semaphore_mem>>)
        %dma_wait3A = arith.constant 0 : i32
        %dma_wait3A_69 = tpu.memref_slice %arg4[%add3A, %dma_wait3A] : memref<784x128xi32, #tpu.memory_space<hbm>> -> memref<1x128xi32, #tpu.memory_space<hbm>>
        %dma_wait3A_70 = tpu.memref_squeeze %dma_wait3A_69 : memref<1x128xi32, #tpu.memory_space<hbm>> -> memref<128xi32, #tpu.memory_space<hbm>>
        %dma_wait3A_71 = arith.constant 0 : i32
        %dma_wait3A_72 = tpu.memref_slice %arg4[%add3A, %dma_wait3A_71] : memref<784x128xi32, #tpu.memory_space<hbm>> -> memref<1x128xi32, #tpu.memory_space<hbm>>
        %dma_wait3A_73 = tpu.memref_squeeze %dma_wait3A_72 : memref<1x128xi32, #tpu.memory_space<hbm>> -> memref<128xi32, #tpu.memory_space<hbm>>
        tpu.wait_dma2 semaphore(%run_scoped3A : memref<!tpu.dma_semaphore, #tpu.memory_space<semaphore_mem>>) src(%dma_wait3A_73 : memref<128xi32, #tpu.memory_space<hbm>>) dst(%arg8 : memref<128xi32, #tpu.memory_space<vmem>>)
        tpu.yield
      }) : () -> ()
      %mul3A_44 = arith.constant 6272 : i32
      %mul3A_45 = arith.muli %arg1, %mul3A_44 : i32
      %mul3A_46 = arith.constant 128 : i32
      %mul3A_47 = arith.muli %scan3A_41, %mul3A_46 : i32
      %add3A_48 = arith.addi %mul3A_45, %mul3A_47 : i32
      %eq3A_49 = arith.constant 0 : i32
      %eq3A_50 = arith.cmpi eq, %arg0, %eq3A_49 : i32
      %convert_element_type3A_51 = arith.extui %eq3A_50 : i1 to i32
      %cond3A_52 = arith.constant 0 : i32
      %cond3A_53 = arith.cmpi ne, %convert_element_type3A_51, %cond3A_52 : i32
      scf.if %cond3A_53 {
        "tpu.region"() ({
          %run_scoped3A = tpu.sem_alloc : memref<!tpu.dma_semaphore, #tpu.memory_space<semaphore_mem>>
          %dma_start3A = arith.constant 0 : i32
          %dma_start3A_64 = tpu.memref_slice %arg2[%add3A_48, %dma_start3A] : memref<100352x16xf32, #tpu.memory_space<hbm>> -> memref<128x16xf32, #tpu.memory_space<hbm>>
          %dma_start3A_65 = arith.constant 0 : i32
          %dma_start3A_66 = tpu.memref_slice %arg2[%add3A_48, %dma_start3A_65] : memref<100352x16xf32, #tpu.memory_space<hbm>> -> memref<128x16xf32, #tpu.memory_space<hbm>>
          tpu.enqueue_dma source(%dma_start3A_66 : memref<128x16xf32, #tpu.memory_space<hbm>>) target(%arg9 : memref<128x16xf32, #tpu.memory_space<vmem>>) target_semaphore(%run_scoped3A : memref<!tpu.dma_semaphore, #tpu.memory_space<semaphore_mem>>)
          %dma_wait3A = arith.constant 0 : i32
          %dma_wait3A_67 = tpu.memref_slice %arg2[%add3A_48, %dma_wait3A] : memref<100352x16xf32, #tpu.memory_space<hbm>> -> memref<128x16xf32, #tpu.memory_space<hbm>>
          %dma_wait3A_68 = arith.constant 0 : i32
          %dma_wait3A_69 = tpu.memref_slice %arg2[%add3A_48, %dma_wait3A_68] : memref<100352x16xf32, #tpu.memory_space<hbm>> -> memref<128x16xf32, #tpu.memory_space<hbm>>
          tpu.wait_dma2 semaphore(%run_scoped3A : memref<!tpu.dma_semaphore, #tpu.memory_space<semaphore_mem>>) src(%dma_wait3A_69 : memref<128x16xf32, #tpu.memory_space<hbm>>) dst(%arg9 : memref<128x16xf32, #tpu.memory_space<vmem>>)
          tpu.yield
        }) : () -> ()
      } else {
      }
      %eq3A_54 = arith.constant 1 : i32
      %eq3A_55 = arith.cmpi eq, %arg0, %eq3A_54 : i32
      %convert_element_type3A_56 = arith.extui %eq3A_55 : i1 to i32
      %cond3A_57 = arith.constant 0 : i32
      %cond3A_58 = arith.cmpi ne, %convert_element_type3A_56, %cond3A_57 : i32
      scf.if %cond3A_58 {
        "tpu.region"() ({
          %run_scoped3A = tpu.sem_alloc : memref<!tpu.dma_semaphore, #tpu.memory_space<semaphore_mem>>
          %dma_start3A = arith.constant 0 : i32
          %dma_start3A_64 = tpu.memref_slice %arg3[%add3A_48, %dma_start3A] : memref<100352x16xf32, #tpu.memory_space<hbm>> -> memref<128x16xf32, #tpu.memory_space<hbm>>
          %dma_start3A_65 = arith.constant 0 : i32
          %dma_start3A_66 = tpu.memref_slice %arg3[%add3A_48, %dma_start3A_65] : memref<100352x16xf32, #tpu.memory_space<hbm>> -> memref<128x16xf32, #tpu.memory_space<hbm>>
          tpu.enqueue_dma source(%dma_start3A_66 : memref<128x16xf32, #tpu.memory_space<hbm>>) target(%arg9 : memref<128x16xf32, #tpu.memory_space<vmem>>) target_semaphore(%run_scoped3A : memref<!tpu.dma_semaphore, #tpu.memory_space<semaphore_mem>>)
          %dma_wait3A = arith.constant 0 : i32
          %dma_wait3A_67 = tpu.memref_slice %arg3[%add3A_48, %dma_wait3A] : memref<100352x16xf32, #tpu.memory_space<hbm>> -> memref<128x16xf32, #tpu.memory_space<hbm>>
          %dma_wait3A_68 = arith.constant 0 : i32
          %dma_wait3A_69 = tpu.memref_slice %arg3[%add3A_48, %dma_wait3A_68] : memref<100352x16xf32, #tpu.memory_space<hbm>> -> memref<128x16xf32, #tpu.memory_space<hbm>>
          tpu.wait_dma2 semaphore(%run_scoped3A : memref<!tpu.dma_semaphore, #tpu.memory_space<semaphore_mem>>) src(%dma_wait3A_69 : memref<128x16xf32, #tpu.memory_space<hbm>>) dst(%arg9 : memref<128x16xf32, #tpu.memory_space<vmem>>)
          tpu.yield
        }) : () -> ()
      } else {
      }
      "tpu.region"() ({
        %run_scoped3A = tpu.sem_alloc : memref<!tpu.dma_semaphore, #tpu.memory_space<semaphore_mem>>
        %dma_start3A = arith.constant 0 : i32
        %dma_start3A_64 = arith.constant 0 : i32
        %dma_start3A_65 = tpu.memref_slice %arg12[%dma_start3A, %dma_start3A_64] : memref<1152x16xf32, #tpu.memory_space<vmem_shared>> -> memref<1152x16xf32, #tpu.memory_space<vmem_shared>>
        tpu.enqueue_indirect_dma source(%arg9 : memref<128x16xf32, #tpu.memory_space<vmem>>) target(%dma_start3A_65 : memref<1152x16xf32, #tpu.memory_space<vmem_shared>>) offsets(%arg8 : memref<128xi32, #tpu.memory_space<vmem>>) semaphore(%run_scoped3A : memref<!tpu.dma_semaphore, #tpu.memory_space<semaphore_mem>>) {add = true}
        %dma_wait3A = arith.constant 0 : i32
        %dma_wait3A_66 = arith.constant 0 : i32
        %dma_wait3A_67 = tpu.memref_slice %arg12[%dma_wait3A, %dma_wait3A_66] : memref<1152x16xf32, #tpu.memory_space<vmem_shared>> -> memref<1152x16xf32, #tpu.memory_space<vmem_shared>>
        tpu.wait_indirect_dma semaphore(%run_scoped3A : memref<!tpu.dma_semaphore, #tpu.memory_space<semaphore_mem>>) src(%arg9 : memref<128x16xf32, #tpu.memory_space<vmem>>) dst(%dma_wait3A_67 : memref<1152x16xf32, #tpu.memory_space<vmem_shared>>)
        tpu.yield
      }) : () -> ()
      %eq3A_59 = arith.constant 0 : i32
      %eq3A_60 = arith.cmpi eq, %arg0, %eq3A_59 : i32
      %convert_element_type3A_61 = arith.extui %eq3A_60 : i1 to i32
      %cond3A_62 = arith.constant 0 : i32
      %cond3A_63 = arith.cmpi ne, %convert_element_type3A_61, %cond3A_62 : i32
      scf.if %cond3A_63 {
        "tpu.region"() ({
          %run_scoped3A = tpu.sem_alloc : memref<!tpu.dma_semaphore, #tpu.memory_space<semaphore_mem>>
          %dma_start3A = arith.constant 0 : i32
          %dma_start3A_64 = arith.constant 0 : i32
          %dma_start3A_65 = tpu.memref_slice %arg13[%dma_start3A, %dma_start3A_64] : memref<1152x16xf32, #tpu.memory_space<vmem_shared>> -> memref<1152x16xf32, #tpu.memory_space<vmem_shared>>
          tpu.enqueue_indirect_dma source(%arg10 : memref<128x16xf32, #tpu.memory_space<vmem>>) target(%dma_start3A_65 : memref<1152x16xf32, #tpu.memory_space<vmem_shared>>) offsets(%arg8 : memref<128xi32, #tpu.memory_space<vmem>>) semaphore(%run_scoped3A : memref<!tpu.dma_semaphore, #tpu.memory_space<semaphore_mem>>) {add = true}
          %dma_wait3A = arith.constant 0 : i32
          %dma_wait3A_66 = arith.constant 0 : i32
          %dma_wait3A_67 = tpu.memref_slice %arg13[%dma_wait3A, %dma_wait3A_66] : memref<1152x16xf32, #tpu.memory_space<vmem_shared>> -> memref<1152x16xf32, #tpu.memory_space<vmem_shared>>
          tpu.wait_indirect_dma semaphore(%run_scoped3A : memref<!tpu.dma_semaphore, #tpu.memory_space<semaphore_mem>>) src(%arg10 : memref<128x16xf32, #tpu.memory_space<vmem>>) dst(%dma_wait3A_67 : memref<1152x16xf32, #tpu.memory_space<vmem_shared>>)
          tpu.yield
        }) : () -> ()
      } else {
      }
    }
    %scan3A_19 = arith.constant 49 : i32
    %barrier3A_20 = arith.constant 0 : index
    tpu.barrier barrier_id(%barrier3A_20)
    %eq3A = arith.constant 0 : i32
    %eq3A_21 = arith.cmpi eq, %arg0, %eq3A : i32
    %eq3A_22 = arith.constant 0 : i32
    %eq3A_23 = arith.cmpi eq, %arg1, %eq3A_22 : i32
    %and3A = arith.andi %eq3A_21, %eq3A_23 : i1
    %convert_element_type3A = arith.extui %and3A : i1 to i32
    %cond3A = arith.constant 0 : i32
    %cond3A_24 = arith.cmpi ne, %convert_element_type3A, %cond3A : i32
    scf.if %cond3A_24 {
      "tpu.region"() ({
        %run_scoped3A = tpu.sem_alloc : memref<!tpu.dma_semaphore, #tpu.memory_space<semaphore_mem>>
        %dma_start3A = arith.constant 0 : i32
        %dma_start3A_41 = arith.constant 0 : i32
        %dma_start3A_42 = tpu.memref_slice %arg12[%dma_start3A, %dma_start3A_41] : memref<1152x16xf32, #tpu.memory_space<vmem_shared>> -> memref<1024x16xf32, #tpu.memory_space<vmem_shared>>
        tpu.enqueue_dma source(%dma_start3A_42 : memref<1024x16xf32, #tpu.memory_space<vmem_shared>>) target(%arg5 : memref<1024x16xf32, #tpu.memory_space<hbm>>) target_semaphore(%run_scoped3A : memref<!tpu.dma_semaphore, #tpu.memory_space<semaphore_mem>>)
        %dma_wait3A = arith.constant 0 : i32
        %dma_wait3A_43 = arith.constant 0 : i32
        %dma_wait3A_44 = tpu.memref_slice %arg12[%dma_wait3A, %dma_wait3A_43] : memref<1152x16xf32, #tpu.memory_space<vmem_shared>> -> memref<1024x16xf32, #tpu.memory_space<vmem_shared>>
        tpu.wait_dma2 semaphore(%run_scoped3A : memref<!tpu.dma_semaphore, #tpu.memory_space<semaphore_mem>>) src(%dma_wait3A_44 : memref<1024x16xf32, #tpu.memory_space<vmem_shared>>) dst(%arg5 : memref<1024x16xf32, #tpu.memory_space<hbm>>)
        tpu.yield
      }) : () -> ()
    } else {
    }
    %eq3A_25 = arith.constant 1 : i32
    %eq3A_26 = arith.cmpi eq, %arg0, %eq3A_25 : i32
    %eq3A_27 = arith.constant 0 : i32
    %eq3A_28 = arith.cmpi eq, %arg1, %eq3A_27 : i32
    %and3A_29 = arith.andi %eq3A_26, %eq3A_28 : i1
    %convert_element_type3A_30 = arith.extui %and3A_29 : i1 to i32
    %cond3A_31 = arith.constant 0 : i32
    %cond3A_32 = arith.cmpi ne, %convert_element_type3A_30, %cond3A_31 : i32
    scf.if %cond3A_32 {
      "tpu.region"() ({
        %run_scoped3A = tpu.sem_alloc : memref<!tpu.dma_semaphore, #tpu.memory_space<semaphore_mem>>
        %dma_start3A = arith.constant 0 : i32
        %dma_start3A_41 = arith.constant 0 : i32
        %dma_start3A_42 = tpu.memref_slice %arg12[%dma_start3A, %dma_start3A_41] : memref<1152x16xf32, #tpu.memory_space<vmem_shared>> -> memref<1024x16xf32, #tpu.memory_space<vmem_shared>>
        tpu.enqueue_dma source(%dma_start3A_42 : memref<1024x16xf32, #tpu.memory_space<vmem_shared>>) target(%arg6 : memref<1024x16xf32, #tpu.memory_space<hbm>>) target_semaphore(%run_scoped3A : memref<!tpu.dma_semaphore, #tpu.memory_space<semaphore_mem>>)
        %dma_wait3A = arith.constant 0 : i32
        %dma_wait3A_43 = arith.constant 0 : i32
        %dma_wait3A_44 = tpu.memref_slice %arg12[%dma_wait3A, %dma_wait3A_43] : memref<1152x16xf32, #tpu.memory_space<vmem_shared>> -> memref<1024x16xf32, #tpu.memory_space<vmem_shared>>
        tpu.wait_dma2 semaphore(%run_scoped3A : memref<!tpu.dma_semaphore, #tpu.memory_space<semaphore_mem>>) src(%dma_wait3A_44 : memref<1024x16xf32, #tpu.memory_space<vmem_shared>>) dst(%arg6 : memref<1024x16xf32, #tpu.memory_space<hbm>>)
        tpu.yield
      }) : () -> ()
    } else {
    }
    %eq3A_33 = arith.constant 0 : i32
    %eq3A_34 = arith.cmpi eq, %arg0, %eq3A_33 : i32
    %eq3A_35 = arith.constant 1 : i32
    %eq3A_36 = arith.cmpi eq, %arg1, %eq3A_35 : i32
    %and3A_37 = arith.andi %eq3A_34, %eq3A_36 : i1
    %convert_element_type3A_38 = arith.extui %and3A_37 : i1 to i32
    %cond3A_39 = arith.constant 0 : i32
    %cond3A_40 = arith.cmpi ne, %convert_element_type3A_38, %cond3A_39 : i32
    scf.if %cond3A_40 {
      "tpu.region"() ({
        %run_scoped3A = tpu.sem_alloc : memref<!tpu.dma_semaphore, #tpu.memory_space<semaphore_mem>>
        %dma_start3A = arith.constant 0 : i32
        %dma_start3A_41 = arith.constant 0 : i32
        %dma_start3A_42 = tpu.memref_slice %arg13[%dma_start3A, %dma_start3A_41] : memref<1152x16xf32, #tpu.memory_space<vmem_shared>> -> memref<1024x16xf32, #tpu.memory_space<vmem_shared>>
        tpu.enqueue_dma source(%dma_start3A_42 : memref<1024x16xf32, #tpu.memory_space<vmem_shared>>) target(%arg7 : memref<1024x16xf32, #tpu.memory_space<hbm>>) target_semaphore(%run_scoped3A : memref<!tpu.dma_semaphore, #tpu.memory_space<semaphore_mem>>)
        %dma_wait3A = arith.constant 0 : i32
        %dma_wait3A_43 = arith.constant 0 : i32
        %dma_wait3A_44 = tpu.memref_slice %arg13[%dma_wait3A, %dma_wait3A_43] : memref<1152x16xf32, #tpu.memory_space<vmem_shared>> -> memref<1024x16xf32, #tpu.memory_space<vmem_shared>>
        tpu.wait_dma2 semaphore(%run_scoped3A : memref<!tpu.dma_semaphore, #tpu.memory_space<semaphore_mem>>) src(%dma_wait3A_44 : memref<1024x16xf32, #tpu.memory_space<vmem_shared>>) dst(%arg7 : memref<1024x16xf32, #tpu.memory_space<hbm>>)
        tpu.yield
      }) : () -> ()
    } else {
    }
    return
  }
}

module attributes {stable_mosaic.version = 14 : i64} {
  func.func @kbody(%arg0: i32, %arg1: memref<512x16xf32, #tpu.memory_space<vmem>>, %arg2: memref<512x16xf32, #tpu.memory_space<vmem>>, %arg3: memref<16x32xf32, #tpu.memory_space<vmem>>, %arg4: memref<1x32xf32, #tpu.memory_space<vmem>>, %arg5: memref<16x32xf32, #tpu.memory_space<vmem>>, %arg6: memref<1x32xf32, #tpu.memory_space<vmem>>, %arg7: memref<1x32xf32, #tpu.memory_space<vmem>>, %arg8: memref<512x16xf32, #tpu.memory_space<vmem>>, %arg9: memref<512x16xf32, #tpu.memory_space<vmem>>) attributes {dimension_semantics = [#tpu.dimension_semantics<arbitrary>], iteration_bounds = array<i64: 196>, scalar_prefetch = 0 : i64, scratch_operands = 0 : i64, tpu.core_type = #tpu.core_type<tc>, window_params = [{transform_indices = @transform_0, window_bounds = array<i64: 512, 16>}, {transform_indices = @transform_1, window_bounds = array<i64: 512, 16>}, {pipeline_mode = #tpu.pipeline_mode<synchronous>, transform_indices = @transform_2, window_bounds = array<i64: 16, 32>}, {pipeline_mode = #tpu.pipeline_mode<synchronous>, transform_indices = @transform_3, window_bounds = array<i64: 1, 32>}, {pipeline_mode = #tpu.pipeline_mode<synchronous>, transform_indices = @transform_4, window_bounds = array<i64: 16, 32>}, {pipeline_mode = #tpu.pipeline_mode<synchronous>, transform_indices = @transform_5, window_bounds = array<i64: 1, 32>}, {pipeline_mode = #tpu.pipeline_mode<synchronous>, transform_indices = @transform_6, window_bounds = array<i64: 1, 32>}, {transform_indices = @transform_7, window_bounds = array<i64: 512, 16>}, {transform_indices = @transform_8, window_bounds = array<i64: 512, 16>}]} {
    %get3A = arith.constant 0 : index
    %get3A_0 = arith.constant 0 : index
    %get3A_1 = vector.load %arg1[%get3A, %get3A_0] : memref<512x16xf32, #tpu.memory_space<vmem>>, vector<512x16xf32>
    %get3A_2 = arith.constant 0 : index
    %get3A_3 = arith.constant 0 : index
    %get3A_4 = vector.load %arg2[%get3A_2, %get3A_3] : memref<512x16xf32, #tpu.memory_space<vmem>>, vector<512x16xf32>
    %get3A_5 = arith.constant 0 : index
    %get3A_6 = arith.constant 0 : index
    %get3A_7 = vector.load %arg3[%get3A_5, %get3A_6] : memref<16x32xf32, #tpu.memory_space<vmem>>, vector<16x32xf32>
    %get3A_8 = arith.constant 0 : index
    %get3A_9 = arith.constant 0 : index
    %get3A_10 = vector.load %arg4[%get3A_8, %get3A_9] : memref<1x32xf32, #tpu.memory_space<vmem>>, vector<1x32xf32>
    %get3A_11 = arith.constant 0 : index
    %get3A_12 = arith.constant 0 : index
    %get3A_13 = vector.load %arg5[%get3A_11, %get3A_12] : memref<16x32xf32, #tpu.memory_space<vmem>>, vector<16x32xf32>
    %get3A_14 = arith.constant 0 : index
    %get3A_15 = arith.constant 0 : index
    %get3A_16 = vector.load %arg6[%get3A_14, %get3A_15] : memref<1x32xf32, #tpu.memory_space<vmem>>, vector<1x32xf32>
    %get3A_17 = arith.constant 0 : index
    %get3A_18 = arith.constant 0 : index
    %get3A_19 = vector.load %arg7[%get3A_17, %get3A_18] : memref<1x32xf32, #tpu.memory_space<vmem>>, vector<1x32xf32>
    %convert_element_type3A = arith.truncf %get3A_1 : vector<512x16xf32> to vector<512x16xbf16>
    %convert_element_type3A_20 = arith.truncf %get3A_7 : vector<16x32xf32> to vector<16x32xbf16>
    %dot_general3A = arith.constant dense<0.000000e+00> : vector<512x32xf32>
    %dot_general3A_21 = tpu.matmul %convert_element_type3A, %convert_element_type3A_20, %dot_general3A {dimension_numbers = #tpu.dot_dimension_numbers<[1], [0], [0], [1], [0, 0, 1, 1], [], []>, transpose_lhs_hint = false} : vector<512x16xbf16>, vector<16x32xbf16>, vector<512x32xf32> -> vector<512x32xf32>
    %add3A = vector.broadcast %get3A_10 : vector<1x32xf32> to vector<512x32xf32>
    %add3A_22 = arith.addf %dot_general3A_21, %add3A : vector<512x32xf32>
    %convert_element_type3A_23 = arith.truncf %get3A_4 : vector<512x16xf32> to vector<512x16xbf16>
    %convert_element_type3A_24 = arith.truncf %get3A_13 : vector<16x32xf32> to vector<16x32xbf16>
    %dot_general3A_25 = arith.constant dense<0.000000e+00> : vector<512x32xf32>
    %dot_general3A_26 = tpu.matmul %convert_element_type3A_23, %convert_element_type3A_24, %dot_general3A_25 {dimension_numbers = #tpu.dot_dimension_numbers<[1], [0], [0], [1], [0, 0, 1, 1], [], []>, transpose_lhs_hint = false} : vector<512x16xbf16>, vector<16x32xbf16>, vector<512x32xf32> -> vector<512x32xf32>
    %add3A_27 = arith.addf %add3A_22, %dot_general3A_26 : vector<512x32xf32>
    %reduce_sum3A = arith.constant dense<0.000000e+00> : vector<512xf32>
    %reduce_sum3A_28 = vector.multi_reduction <add>, %add3A_27, %reduce_sum3A [1] : vector<512x32xf32> to vector<512xf32>
    %broadcast_in_dim3A = vector.shape_cast %reduce_sum3A_28 : vector<512xf32> to vector<512x1xf32>
    %div3A = arith.constant 3.200000e+01 : f32
    %div3A_29 = vector.broadcast %div3A : f32 to vector<512x1xf32>
    %div3A_30 = arith.divf %broadcast_in_dim3A, %div3A_29 : vector<512x1xf32>
    %sub3A = vector.broadcast %div3A_30 : vector<512x1xf32> to vector<512x32xf32>
    %sub3A_31 = arith.subf %add3A_27, %sub3A : vector<512x32xf32>
    %mul3A = arith.mulf %sub3A_31, %sub3A_31 : vector<512x32xf32>
    %reduce_sum3A_32 = arith.constant dense<0.000000e+00> : vector<512xf32>
    %reduce_sum3A_33 = vector.multi_reduction <add>, %mul3A, %reduce_sum3A_32 [1] : vector<512x32xf32> to vector<512xf32>
    %broadcast_in_dim3A_34 = vector.shape_cast %reduce_sum3A_33 : vector<512xf32> to vector<512x1xf32>
    %div3A_35 = arith.constant 3.200000e+01 : f32
    %div3A_36 = vector.broadcast %div3A_35 : f32 to vector<512x1xf32>
    %div3A_37 = arith.divf %broadcast_in_dim3A_34, %div3A_36 : vector<512x1xf32>
    %add3A_38 = arith.constant 9.99999974E-6 : f32
    %add3A_39 = vector.broadcast %add3A_38 : f32 to vector<512x1xf32>
    %add3A_40 = arith.addf %div3A_37, %add3A_39 : vector<512x1xf32>
    %sqrt3A = math.sqrt %add3A_40 : vector<512x1xf32>
    %div3A_41 = vector.broadcast %sqrt3A : vector<512x1xf32> to vector<512x32xf32>
    %div3A_42 = arith.divf %sub3A_31, %div3A_41 : vector<512x32xf32>
    %mul3A_43 = vector.broadcast %get3A_16 : vector<1x32xf32> to vector<512x32xf32>
    %mul3A_44 = arith.mulf %div3A_42, %mul3A_43 : vector<512x32xf32>
    %add3A_45 = vector.broadcast %get3A_19 : vector<1x32xf32> to vector<512x32xf32>
    %add3A_46 = arith.addf %mul3A_44, %add3A_45 : vector<512x32xf32>
    %max3A = arith.constant 0.000000e+00 : f32
    %max3A_47 = vector.broadcast %max3A : f32 to vector<512x32xf32>
    %max3A_48 = arith.maximumf %add3A_46, %max3A_47 : vector<512x32xf32>
    %slice3A = vector.extract_strided_slice %max3A_48 {offsets = [0, 0], sizes = [512, 16], strides = [1, 1]} : vector<512x32xf32> to vector<512x16xf32>
    %swap3A = arith.constant 0 : index
    %swap3A_49 = arith.constant 0 : index
    %swap3A_50 = vector.load %arg8[%swap3A, %swap3A_49] : memref<512x16xf32, #tpu.memory_space<vmem>>, vector<512x16xf32>
    tpu.vector_store %arg8[%swap3A, %swap3A_49], %slice3A {strides = array<i32>} : memref<512x16xf32, #tpu.memory_space<vmem>>, vector<512x16xf32>,
    %slice3A_51 = vector.extract_strided_slice %max3A_48 {offsets = [0, 16], sizes = [512, 16], strides = [1, 1]} : vector<512x32xf32> to vector<512x16xf32>
    %swap3A_52 = arith.constant 0 : index
    %swap3A_53 = arith.constant 0 : index
    %swap3A_54 = vector.load %arg9[%swap3A_52, %swap3A_53] : memref<512x16xf32, #tpu.memory_space<vmem>>, vector<512x16xf32>
    tpu.vector_store %arg9[%swap3A_52, %swap3A_53], %slice3A_51 {strides = array<i32>} : memref<512x16xf32, #tpu.memory_space<vmem>>, vector<512x16xf32>,
    return
  }
  func.func @transform_0(%arg0: i32) -> (i32, i32) {
    %c0_i32 = arith.constant 0 : i32
    %c0_i32_0 = arith.constant 0 : i32
    return %arg0, %c0_i32 : i32, i32
  }
  func.func @transform_1(%arg0: i32) -> (i32, i32) {
    %c0_i32 = arith.constant 0 : i32
    %c0_i32_0 = arith.constant 0 : i32
    return %arg0, %c0_i32 : i32, i32
  }
  func.func @transform_2(%arg0: i32) -> (i32, i32) {
    %c0_i32 = arith.constant 0 : i32
    %c0_i32_0 = arith.constant 0 : i32
    %c0_i32_1 = arith.constant 0 : i32
    return %c0_i32, %c0_i32_0 : i32, i32
  }
  func.func @transform_3(%arg0: i32) -> (i32, i32) {
    %c0_i32 = arith.constant 0 : i32
    %c0_i32_0 = arith.constant 0 : i32
    %c0_i32_1 = arith.constant 0 : i32
    return %c0_i32, %c0_i32_0 : i32, i32
  }
  func.func @transform_4(%arg0: i32) -> (i32, i32) {
    %c0_i32 = arith.constant 0 : i32
    %c0_i32_0 = arith.constant 0 : i32
    %c0_i32_1 = arith.constant 0 : i32
    return %c0_i32, %c0_i32_0 : i32, i32
  }
  func.func @transform_5(%arg0: i32) -> (i32, i32) {
    %c0_i32 = arith.constant 0 : i32
    %c0_i32_0 = arith.constant 0 : i32
    %c0_i32_1 = arith.constant 0 : i32
    return %c0_i32, %c0_i32_0 : i32, i32
  }
  func.func @transform_6(%arg0: i32) -> (i32, i32) {
    %c0_i32 = arith.constant 0 : i32
    %c0_i32_0 = arith.constant 0 : i32
    %c0_i32_1 = arith.constant 0 : i32
    return %c0_i32, %c0_i32_0 : i32, i32
  }
  func.func @transform_7(%arg0: i32) -> (i32, i32) {
    %c0_i32 = arith.constant 0 : i32
    %c0_i32_0 = arith.constant 0 : i32
    return %arg0, %c0_i32 : i32, i32
  }
  func.func @transform_8(%arg0: i32) -> (i32, i32) {
    %c0_i32 = arith.constant 0 : i32
    %c0_i32_0 = arith.constant 0 : i32
    return %arg0, %c0_i32 : i32, i32
  }
}

module attributes {stable_mosaic.version = 14 : i64} {
  func.func @kbody(%arg0: i32, %arg1: memref<512x16xf32, #tpu.memory_space<vmem>>, %arg2: memref<512x16xf32, #tpu.memory_space<vmem>>, %arg3: memref<512x16xf32, #tpu.memory_space<vmem>>, %arg4: memref<512x16xf32, #tpu.memory_space<vmem>>, %arg5: memref<32x64xf32, #tpu.memory_space<vmem>>, %arg6: memref<1x64xf32, #tpu.memory_space<vmem>>, %arg7: memref<32x64xf32, #tpu.memory_space<vmem>>, %arg8: memref<1x64xf32, #tpu.memory_space<vmem>>, %arg9: memref<1x64xf32, #tpu.memory_space<vmem>>, %arg10: memref<512x16xf32, #tpu.memory_space<vmem>>, %arg11: memref<512x16xf32, #tpu.memory_space<vmem>>, %arg12: memref<512x16xf32, #tpu.memory_space<vmem>>, %arg13: memref<512x16xf32, #tpu.memory_space<vmem>>) attributes {dimension_semantics = [#tpu.dimension_semantics<arbitrary>], iteration_bounds = array<i64: 196>, scalar_prefetch = 0 : i64, scratch_operands = 0 : i64, tpu.core_type = #tpu.core_type<tc>, window_params = [{transform_indices = @transform_0, window_bounds = array<i64: 512, 16>}, {transform_indices = @transform_1, window_bounds = array<i64: 512, 16>}, {transform_indices = @transform_2, window_bounds = array<i64: 512, 16>}, {transform_indices = @transform_3, window_bounds = array<i64: 512, 16>}, {pipeline_mode = #tpu.pipeline_mode<synchronous>, transform_indices = @transform_4, window_bounds = array<i64: 32, 64>}, {pipeline_mode = #tpu.pipeline_mode<synchronous>, transform_indices = @transform_5, window_bounds = array<i64: 1, 64>}, {pipeline_mode = #tpu.pipeline_mode<synchronous>, transform_indices = @transform_6, window_bounds = array<i64: 32, 64>}, {pipeline_mode = #tpu.pipeline_mode<synchronous>, transform_indices = @transform_7, window_bounds = array<i64: 1, 64>}, {pipeline_mode = #tpu.pipeline_mode<synchronous>, transform_indices = @transform_8, window_bounds = array<i64: 1, 64>}, {transform_indices = @transform_9, window_bounds = array<i64: 512, 16>}, {transform_indices = @transform_10, window_bounds = array<i64: 512, 16>}, {transform_indices = @transform_11, window_bounds = array<i64: 512, 16>}, {transform_indices = @transform_12, window_bounds = array<i64: 512, 16>}]} {
    %get3A = arith.constant 0 : index
    %get3A_0 = arith.constant 0 : index
    %get3A_1 = vector.load %arg1[%get3A, %get3A_0] : memref<512x16xf32, #tpu.memory_space<vmem>>, vector<512x16xf32>
    %get3A_2 = arith.constant 0 : index
    %get3A_3 = arith.constant 0 : index
    %get3A_4 = vector.load %arg2[%get3A_2, %get3A_3] : memref<512x16xf32, #tpu.memory_space<vmem>>, vector<512x16xf32>
    %concatenate3A = tpu.concatenate %get3A_1, %get3A_4 in 1 : vector<512x16xf32>, vector<512x16xf32> -> vector<512x32xf32>
    %get3A_5 = arith.constant 0 : index
    %get3A_6 = arith.constant 0 : index
    %get3A_7 = vector.load %arg3[%get3A_5, %get3A_6] : memref<512x16xf32, #tpu.memory_space<vmem>>, vector<512x16xf32>
    %get3A_8 = arith.constant 0 : index
    %get3A_9 = arith.constant 0 : index
    %get3A_10 = vector.load %arg4[%get3A_8, %get3A_9] : memref<512x16xf32, #tpu.memory_space<vmem>>, vector<512x16xf32>
    %concatenate3A_11 = tpu.concatenate %get3A_7, %get3A_10 in 1 : vector<512x16xf32>, vector<512x16xf32> -> vector<512x32xf32>
    %get3A_12 = arith.constant 0 : index
    %get3A_13 = arith.constant 0 : index
    %get3A_14 = vector.load %arg5[%get3A_12, %get3A_13] : memref<32x64xf32, #tpu.memory_space<vmem>>, vector<32x64xf32>
    %get3A_15 = arith.constant 0 : index
    %get3A_16 = arith.constant 0 : index
    %get3A_17 = vector.load %arg6[%get3A_15, %get3A_16] : memref<1x64xf32, #tpu.memory_space<vmem>>, vector<1x64xf32>
    %get3A_18 = arith.constant 0 : index
    %get3A_19 = arith.constant 0 : index
    %get3A_20 = vector.load %arg7[%get3A_18, %get3A_19] : memref<32x64xf32, #tpu.memory_space<vmem>>, vector<32x64xf32>
    %get3A_21 = arith.constant 0 : index
    %get3A_22 = arith.constant 0 : index
    %get3A_23 = vector.load %arg8[%get3A_21, %get3A_22] : memref<1x64xf32, #tpu.memory_space<vmem>>, vector<1x64xf32>
    %get3A_24 = arith.constant 0 : index
    %get3A_25 = arith.constant 0 : index
    %get3A_26 = vector.load %arg9[%get3A_24, %get3A_25] : memref<1x64xf32, #tpu.memory_space<vmem>>, vector<1x64xf32>
    %convert_element_type3A = arith.truncf %concatenate3A : vector<512x32xf32> to vector<512x32xbf16>
    %convert_element_type3A_27 = arith.truncf %get3A_14 : vector<32x64xf32> to vector<32x64xbf16>
    %dot_general3A = arith.constant dense<0.000000e+00> : vector<512x64xf32>
    %dot_general3A_28 = tpu.matmul %convert_element_type3A, %convert_element_type3A_27, %dot_general3A {dimension_numbers = #tpu.dot_dimension_numbers<[1], [0], [0], [1], [0, 0, 1, 1], [], []>, transpose_lhs_hint = false} : vector<512x32xbf16>, vector<32x64xbf16>, vector<512x64xf32> -> vector<512x64xf32>
    %add3A = vector.broadcast %get3A_17 : vector<1x64xf32> to vector<512x64xf32>
    %add3A_29 = arith.addf %dot_general3A_28, %add3A : vector<512x64xf32>
    %convert_element_type3A_30 = arith.truncf %concatenate3A_11 : vector<512x32xf32> to vector<512x32xbf16>
    %convert_element_type3A_31 = arith.truncf %get3A_20 : vector<32x64xf32> to vector<32x64xbf16>
    %dot_general3A_32 = arith.constant dense<0.000000e+00> : vector<512x64xf32>
    %dot_general3A_33 = tpu.matmul %convert_element_type3A_30, %convert_element_type3A_31, %dot_general3A_32 {dimension_numbers = #tpu.dot_dimension_numbers<[1], [0], [0], [1], [0, 0, 1, 1], [], []>, transpose_lhs_hint = false} : vector<512x32xbf16>, vector<32x64xbf16>, vector<512x64xf32> -> vector<512x64xf32>
    %add3A_34 = arith.addf %add3A_29, %dot_general3A_33 : vector<512x64xf32>
    %reduce_sum3A = arith.constant dense<0.000000e+00> : vector<512xf32>
    %reduce_sum3A_35 = vector.multi_reduction <add>, %add3A_34, %reduce_sum3A [1] : vector<512x64xf32> to vector<512xf32>
    %broadcast_in_dim3A = vector.shape_cast %reduce_sum3A_35 : vector<512xf32> to vector<512x1xf32>
    %div3A = arith.constant 6.400000e+01 : f32
    %div3A_36 = vector.broadcast %div3A : f32 to vector<512x1xf32>
    %div3A_37 = arith.divf %broadcast_in_dim3A, %div3A_36 : vector<512x1xf32>
    %sub3A = vector.broadcast %div3A_37 : vector<512x1xf32> to vector<512x64xf32>
    %sub3A_38 = arith.subf %add3A_34, %sub3A : vector<512x64xf32>
    %mul3A = arith.mulf %sub3A_38, %sub3A_38 : vector<512x64xf32>
    %reduce_sum3A_39 = arith.constant dense<0.000000e+00> : vector<512xf32>
    %reduce_sum3A_40 = vector.multi_reduction <add>, %mul3A, %reduce_sum3A_39 [1] : vector<512x64xf32> to vector<512xf32>
    %broadcast_in_dim3A_41 = vector.shape_cast %reduce_sum3A_40 : vector<512xf32> to vector<512x1xf32>
    %div3A_42 = arith.constant 6.400000e+01 : f32
    %div3A_43 = vector.broadcast %div3A_42 : f32 to vector<512x1xf32>
    %div3A_44 = arith.divf %broadcast_in_dim3A_41, %div3A_43 : vector<512x1xf32>
    %add3A_45 = arith.constant 9.99999974E-6 : f32
    %add3A_46 = vector.broadcast %add3A_45 : f32 to vector<512x1xf32>
    %add3A_47 = arith.addf %div3A_44, %add3A_46 : vector<512x1xf32>
    %sqrt3A = math.sqrt %add3A_47 : vector<512x1xf32>
    %div3A_48 = vector.broadcast %sqrt3A : vector<512x1xf32> to vector<512x64xf32>
    %div3A_49 = arith.divf %sub3A_38, %div3A_48 : vector<512x64xf32>
    %mul3A_50 = vector.broadcast %get3A_23 : vector<1x64xf32> to vector<512x64xf32>
    %mul3A_51 = arith.mulf %div3A_49, %mul3A_50 : vector<512x64xf32>
    %add3A_52 = vector.broadcast %get3A_26 : vector<1x64xf32> to vector<512x64xf32>
    %add3A_53 = arith.addf %mul3A_51, %add3A_52 : vector<512x64xf32>
    %max3A = arith.constant 0.000000e+00 : f32
    %max3A_54 = vector.broadcast %max3A : f32 to vector<512x64xf32>
    %max3A_55 = arith.maximumf %add3A_53, %max3A_54 : vector<512x64xf32>
    %slice3A = vector.extract_strided_slice %max3A_55 {offsets = [0, 0], sizes = [512, 16], strides = [1, 1]} : vector<512x64xf32> to vector<512x16xf32>
    %swap3A = arith.constant 0 : index
    %swap3A_56 = arith.constant 0 : index
    %swap3A_57 = vector.load %arg10[%swap3A, %swap3A_56] : memref<512x16xf32, #tpu.memory_space<vmem>>, vector<512x16xf32>
    tpu.vector_store %arg10[%swap3A, %swap3A_56], %slice3A {strides = array<i32>} : memref<512x16xf32, #tpu.memory_space<vmem>>, vector<512x16xf32>,
    %slice3A_58 = vector.extract_strided_slice %max3A_55 {offsets = [0, 16], sizes = [512, 16], strides = [1, 1]} : vector<512x64xf32> to vector<512x16xf32>
    %swap3A_59 = arith.constant 0 : index
    %swap3A_60 = arith.constant 0 : index
    %swap3A_61 = vector.load %arg11[%swap3A_59, %swap3A_60] : memref<512x16xf32, #tpu.memory_space<vmem>>, vector<512x16xf32>
    tpu.vector_store %arg11[%swap3A_59, %swap3A_60], %slice3A_58 {strides = array<i32>} : memref<512x16xf32, #tpu.memory_space<vmem>>, vector<512x16xf32>,
    %slice3A_62 = vector.extract_strided_slice %max3A_55 {offsets = [0, 32], sizes = [512, 16], strides = [1, 1]} : vector<512x64xf32> to vector<512x16xf32>
    %swap3A_63 = arith.constant 0 : index
    %swap3A_64 = arith.constant 0 : index
    %swap3A_65 = vector.load %arg12[%swap3A_63, %swap3A_64] : memref<512x16xf32, #tpu.memory_space<vmem>>, vector<512x16xf32>
    tpu.vector_store %arg12[%swap3A_63, %swap3A_64], %slice3A_62 {strides = array<i32>} : memref<512x16xf32, #tpu.memory_space<vmem>>, vector<512x16xf32>,
    %slice3A_66 = vector.extract_strided_slice %max3A_55 {offsets = [0, 48], sizes = [512, 16], strides = [1, 1]} : vector<512x64xf32> to vector<512x16xf32>
    %swap3A_67 = arith.constant 0 : index
    %swap3A_68 = arith.constant 0 : index
    %swap3A_69 = vector.load %arg13[%swap3A_67, %swap3A_68] : memref<512x16xf32, #tpu.memory_space<vmem>>, vector<512x16xf32>
    tpu.vector_store %arg13[%swap3A_67, %swap3A_68], %slice3A_66 {strides = array<i32>} : memref<512x16xf32, #tpu.memory_space<vmem>>, vector<512x16xf32>,
    return
  }
  func.func @transform_0(%arg0: i32) -> (i32, i32) {
    %c0_i32 = arith.constant 0 : i32
    %c0_i32_0 = arith.constant 0 : i32
    return %arg0, %c0_i32 : i32, i32
  }
  func.func @transform_1(%arg0: i32) -> (i32, i32) {
    %c0_i32 = arith.constant 0 : i32
    %c0_i32_0 = arith.constant 0 : i32
    return %arg0, %c0_i32 : i32, i32
  }
  func.func @transform_2(%arg0: i32) -> (i32, i32) {
    %c0_i32 = arith.constant 0 : i32
    %c0_i32_0 = arith.constant 0 : i32
    return %arg0, %c0_i32 : i32, i32
  }
  func.func @transform_3(%arg0: i32) -> (i32, i32) {
    %c0_i32 = arith.constant 0 : i32
    %c0_i32_0 = arith.constant 0 : i32
    return %arg0, %c0_i32 : i32, i32
  }
  func.func @transform_4(%arg0: i32) -> (i32, i32) {
    %c0_i32 = arith.constant 0 : i32
    %c0_i32_0 = arith.constant 0 : i32
    %c0_i32_1 = arith.constant 0 : i32
    return %c0_i32, %c0_i32_0 : i32, i32
  }
  func.func @transform_5(%arg0: i32) -> (i32, i32) {
    %c0_i32 = arith.constant 0 : i32
    %c0_i32_0 = arith.constant 0 : i32
    %c0_i32_1 = arith.constant 0 : i32
    return %c0_i32, %c0_i32_0 : i32, i32
  }
  func.func @transform_6(%arg0: i32) -> (i32, i32) {
    %c0_i32 = arith.constant 0 : i32
    %c0_i32_0 = arith.constant 0 : i32
    %c0_i32_1 = arith.constant 0 : i32
    return %c0_i32, %c0_i32_0 : i32, i32
  }
  func.func @transform_7(%arg0: i32) -> (i32, i32) {
    %c0_i32 = arith.constant 0 : i32
    %c0_i32_0 = arith.constant 0 : i32
    %c0_i32_1 = arith.constant 0 : i32
    return %c0_i32, %c0_i32_0 : i32, i32
  }
  func.func @transform_8(%arg0: i32) -> (i32, i32) {
    %c0_i32 = arith.constant 0 : i32
    %c0_i32_0 = arith.constant 0 : i32
    %c0_i32_1 = arith.constant 0 : i32
    return %c0_i32, %c0_i32_0 : i32, i32
  }
  func.func @transform_9(%arg0: i32) -> (i32, i32) {
    %c0_i32 = arith.constant 0 : i32
    %c0_i32_0 = arith.constant 0 : i32
    return %arg0, %c0_i32 : i32, i32
  }
  func.func @transform_10(%arg0: i32) -> (i32, i32) {
    %c0_i32 = arith.constant 0 : i32
    %c0_i32_0 = arith.constant 0 : i32
    return %arg0, %c0_i32 : i32, i32
  }
  func.func @transform_11(%arg0: i32) -> (i32, i32) {
    %c0_i32 = arith.constant 0 : i32
    %c0_i32_0 = arith.constant 0 : i32
    return %arg0, %c0_i32 : i32, i32
  }
  func.func @transform_12(%arg0: i32) -> (i32, i32) {
    %c0_i32 = arith.constant 0 : i32
    %c0_i32_0 = arith.constant 0 : i32
    return %arg0, %c0_i32 : i32, i32
  }
}

module attributes {stable_mosaic.version = 14 : i64} {
  func.func @kbody(%arg0: i32, %arg1: memref<512x16xf32, #tpu.memory_space<vmem>>, %arg2: memref<512x16xf32, #tpu.memory_space<vmem>>, %arg3: memref<512x16xf32, #tpu.memory_space<vmem>>, %arg4: memref<512x16xf32, #tpu.memory_space<vmem>>, %arg5: memref<512x16xf32, #tpu.memory_space<vmem>>, %arg6: memref<512x16xf32, #tpu.memory_space<vmem>>, %arg7: memref<512x16xf32, #tpu.memory_space<vmem>>, %arg8: memref<512x16xf32, #tpu.memory_space<vmem>>, %arg9: memref<64x64xf32, #tpu.memory_space<vmem>>, %arg10: memref<1x64xf32, #tpu.memory_space<vmem>>, %arg11: memref<64x64xf32, #tpu.memory_space<vmem>>, %arg12: memref<1x64xf32, #tpu.memory_space<vmem>>, %arg13: memref<1x64xf32, #tpu.memory_space<vmem>>, %arg14: memref<512x16xf32, #tpu.memory_space<vmem>>, %arg15: memref<512x16xf32, #tpu.memory_space<vmem>>, %arg16: memref<512x16xf32, #tpu.memory_space<vmem>>, %arg17: memref<512x16xf32, #tpu.memory_space<vmem>>) attributes {dimension_semantics = [#tpu.dimension_semantics<arbitrary>], iteration_bounds = array<i64: 196>, scalar_prefetch = 0 : i64, scratch_operands = 0 : i64, tpu.core_type = #tpu.core_type<tc>, window_params = [{transform_indices = @transform_0, window_bounds = array<i64: 512, 16>}, {transform_indices = @transform_1, window_bounds = array<i64: 512, 16>}, {transform_indices = @transform_2, window_bounds = array<i64: 512, 16>}, {transform_indices = @transform_3, window_bounds = array<i64: 512, 16>}, {transform_indices = @transform_4, window_bounds = array<i64: 512, 16>}, {transform_indices = @transform_5, window_bounds = array<i64: 512, 16>}, {transform_indices = @transform_6, window_bounds = array<i64: 512, 16>}, {transform_indices = @transform_7, window_bounds = array<i64: 512, 16>}, {pipeline_mode = #tpu.pipeline_mode<synchronous>, transform_indices = @transform_8, window_bounds = array<i64: 64, 64>}, {pipeline_mode = #tpu.pipeline_mode<synchronous>, transform_indices = @transform_9, window_bounds = array<i64: 1, 64>}, {pipeline_mode = #tpu.pipeline_mode<synchronous>, transform_indices = @transform_10, window_bounds = array<i64: 64, 64>}, {pipeline_mode = #tpu.pipeline_mode<synchronous>, transform_indices = @transform_11, window_bounds = array<i64: 1, 64>}, {pipeline_mode = #tpu.pipeline_mode<synchronous>, transform_indices = @transform_12, window_bounds = array<i64: 1, 64>}, {transform_indices = @transform_13, window_bounds = array<i64: 512, 16>}, {transform_indices = @transform_14, window_bounds = array<i64: 512, 16>}, {transform_indices = @transform_15, window_bounds = array<i64: 512, 16>}, {transform_indices = @transform_16, window_bounds = array<i64: 512, 16>}]} {
    %get3A = arith.constant 0 : index
    %get3A_0 = arith.constant 0 : index
    %get3A_1 = vector.load %arg1[%get3A, %get3A_0] : memref<512x16xf32, #tpu.memory_space<vmem>>, vector<512x16xf32>
    %get3A_2 = arith.constant 0 : index
    %get3A_3 = arith.constant 0 : index
    %get3A_4 = vector.load %arg2[%get3A_2, %get3A_3] : memref<512x16xf32, #tpu.memory_space<vmem>>, vector<512x16xf32>
    %get3A_5 = arith.constant 0 : index
    %get3A_6 = arith.constant 0 : index
    %get3A_7 = vector.load %arg3[%get3A_5, %get3A_6] : memref<512x16xf32, #tpu.memory_space<vmem>>, vector<512x16xf32>
    %get3A_8 = arith.constant 0 : index
    %get3A_9 = arith.constant 0 : index
    %get3A_10 = vector.load %arg4[%get3A_8, %get3A_9] : memref<512x16xf32, #tpu.memory_space<vmem>>, vector<512x16xf32>
    %concatenate3A = tpu.concatenate %get3A_1, %get3A_4, %get3A_7, %get3A_10 in 1 : vector<512x16xf32>, vector<512x16xf32>, vector<512x16xf32>, vector<512x16xf32> -> vector<512x64xf32>
    %get3A_11 = arith.constant 0 : index
    %get3A_12 = arith.constant 0 : index
    %get3A_13 = vector.load %arg5[%get3A_11, %get3A_12] : memref<512x16xf32, #tpu.memory_space<vmem>>, vector<512x16xf32>
    %get3A_14 = arith.constant 0 : index
    %get3A_15 = arith.constant 0 : index
    %get3A_16 = vector.load %arg6[%get3A_14, %get3A_15] : memref<512x16xf32, #tpu.memory_space<vmem>>, vector<512x16xf32>
    %get3A_17 = arith.constant 0 : index
    %get3A_18 = arith.constant 0 : index
    %get3A_19 = vector.load %arg7[%get3A_17, %get3A_18] : memref<512x16xf32, #tpu.memory_space<vmem>>, vector<512x16xf32>
    %get3A_20 = arith.constant 0 : index
    %get3A_21 = arith.constant 0 : index
    %get3A_22 = vector.load %arg8[%get3A_20, %get3A_21] : memref<512x16xf32, #tpu.memory_space<vmem>>, vector<512x16xf32>
    %concatenate3A_23 = tpu.concatenate %get3A_13, %get3A_16, %get3A_19, %get3A_22 in 1 : vector<512x16xf32>, vector<512x16xf32>, vector<512x16xf32>, vector<512x16xf32> -> vector<512x64xf32>
    %get3A_24 = arith.constant 0 : index
    %get3A_25 = arith.constant 0 : index
    %get3A_26 = vector.load %arg9[%get3A_24, %get3A_25] : memref<64x64xf32, #tpu.memory_space<vmem>>, vector<64x64xf32>
    %get3A_27 = arith.constant 0 : index
    %get3A_28 = arith.constant 0 : index
    %get3A_29 = vector.load %arg10[%get3A_27, %get3A_28] : memref<1x64xf32, #tpu.memory_space<vmem>>, vector<1x64xf32>
    %get3A_30 = arith.constant 0 : index
    %get3A_31 = arith.constant 0 : index
    %get3A_32 = vector.load %arg11[%get3A_30, %get3A_31] : memref<64x64xf32, #tpu.memory_space<vmem>>, vector<64x64xf32>
    %get3A_33 = arith.constant 0 : index
    %get3A_34 = arith.constant 0 : index
    %get3A_35 = vector.load %arg12[%get3A_33, %get3A_34] : memref<1x64xf32, #tpu.memory_space<vmem>>, vector<1x64xf32>
    %get3A_36 = arith.constant 0 : index
    %get3A_37 = arith.constant 0 : index
    %get3A_38 = vector.load %arg13[%get3A_36, %get3A_37] : memref<1x64xf32, #tpu.memory_space<vmem>>, vector<1x64xf32>
    %convert_element_type3A = arith.truncf %concatenate3A : vector<512x64xf32> to vector<512x64xbf16>
    %convert_element_type3A_39 = arith.truncf %get3A_26 : vector<64x64xf32> to vector<64x64xbf16>
    %dot_general3A = arith.constant dense<0.000000e+00> : vector<512x64xf32>
    %dot_general3A_40 = tpu.matmul %convert_element_type3A, %convert_element_type3A_39, %dot_general3A {dimension_numbers = #tpu.dot_dimension_numbers<[1], [0], [0], [1], [0, 0, 1, 1], [], []>, transpose_lhs_hint = false} : vector<512x64xbf16>, vector<64x64xbf16>, vector<512x64xf32> -> vector<512x64xf32>
    %add3A = vector.broadcast %get3A_29 : vector<1x64xf32> to vector<512x64xf32>
    %add3A_41 = arith.addf %dot_general3A_40, %add3A : vector<512x64xf32>
    %convert_element_type3A_42 = arith.truncf %concatenate3A_23 : vector<512x64xf32> to vector<512x64xbf16>
    %convert_element_type3A_43 = arith.truncf %get3A_32 : vector<64x64xf32> to vector<64x64xbf16>
    %dot_general3A_44 = arith.constant dense<0.000000e+00> : vector<512x64xf32>
    %dot_general3A_45 = tpu.matmul %convert_element_type3A_42, %convert_element_type3A_43, %dot_general3A_44 {dimension_numbers = #tpu.dot_dimension_numbers<[1], [0], [0], [1], [0, 0, 1, 1], [], []>, transpose_lhs_hint = false} : vector<512x64xbf16>, vector<64x64xbf16>, vector<512x64xf32> -> vector<512x64xf32>
    %add3A_46 = arith.addf %add3A_41, %dot_general3A_45 : vector<512x64xf32>
    %reduce_sum3A = arith.constant dense<0.000000e+00> : vector<512xf32>
    %reduce_sum3A_47 = vector.multi_reduction <add>, %add3A_46, %reduce_sum3A [1] : vector<512x64xf32> to vector<512xf32>
    %broadcast_in_dim3A = vector.shape_cast %reduce_sum3A_47 : vector<512xf32> to vector<512x1xf32>
    %div3A = arith.constant 6.400000e+01 : f32
    %div3A_48 = vector.broadcast %div3A : f32 to vector<512x1xf32>
    %div3A_49 = arith.divf %broadcast_in_dim3A, %div3A_48 : vector<512x1xf32>
    %sub3A = vector.broadcast %div3A_49 : vector<512x1xf32> to vector<512x64xf32>
    %sub3A_50 = arith.subf %add3A_46, %sub3A : vector<512x64xf32>
    %mul3A = arith.mulf %sub3A_50, %sub3A_50 : vector<512x64xf32>
    %reduce_sum3A_51 = arith.constant dense<0.000000e+00> : vector<512xf32>
    %reduce_sum3A_52 = vector.multi_reduction <add>, %mul3A, %reduce_sum3A_51 [1] : vector<512x64xf32> to vector<512xf32>
    %broadcast_in_dim3A_53 = vector.shape_cast %reduce_sum3A_52 : vector<512xf32> to vector<512x1xf32>
    %div3A_54 = arith.constant 6.400000e+01 : f32
    %div3A_55 = vector.broadcast %div3A_54 : f32 to vector<512x1xf32>
    %div3A_56 = arith.divf %broadcast_in_dim3A_53, %div3A_55 : vector<512x1xf32>
    %add3A_57 = arith.constant 9.99999974E-6 : f32
    %add3A_58 = vector.broadcast %add3A_57 : f32 to vector<512x1xf32>
    %add3A_59 = arith.addf %div3A_56, %add3A_58 : vector<512x1xf32>
    %sqrt3A = math.sqrt %add3A_59 : vector<512x1xf32>
    %div3A_60 = vector.broadcast %sqrt3A : vector<512x1xf32> to vector<512x64xf32>
    %div3A_61 = arith.divf %sub3A_50, %div3A_60 : vector<512x64xf32>
    %mul3A_62 = vector.broadcast %get3A_35 : vector<1x64xf32> to vector<512x64xf32>
    %mul3A_63 = arith.mulf %div3A_61, %mul3A_62 : vector<512x64xf32>
    %add3A_64 = vector.broadcast %get3A_38 : vector<1x64xf32> to vector<512x64xf32>
    %add3A_65 = arith.addf %mul3A_63, %add3A_64 : vector<512x64xf32>
    %max3A = arith.constant 0.000000e+00 : f32
    %max3A_66 = vector.broadcast %max3A : f32 to vector<512x64xf32>
    %max3A_67 = arith.maximumf %add3A_65, %max3A_66 : vector<512x64xf32>
    %slice3A = vector.extract_strided_slice %max3A_67 {offsets = [0, 0], sizes = [512, 16], strides = [1, 1]} : vector<512x64xf32> to vector<512x16xf32>
    %swap3A = arith.constant 0 : index
    %swap3A_68 = arith.constant 0 : index
    %swap3A_69 = vector.load %arg14[%swap3A, %swap3A_68] : memref<512x16xf32, #tpu.memory_space<vmem>>, vector<512x16xf32>
    tpu.vector_store %arg14[%swap3A, %swap3A_68], %slice3A {strides = array<i32>} : memref<512x16xf32, #tpu.memory_space<vmem>>, vector<512x16xf32>,
    %slice3A_70 = vector.extract_strided_slice %max3A_67 {offsets = [0, 16], sizes = [512, 16], strides = [1, 1]} : vector<512x64xf32> to vector<512x16xf32>
    %swap3A_71 = arith.constant 0 : index
    %swap3A_72 = arith.constant 0 : index
    %swap3A_73 = vector.load %arg15[%swap3A_71, %swap3A_72] : memref<512x16xf32, #tpu.memory_space<vmem>>, vector<512x16xf32>
    tpu.vector_store %arg15[%swap3A_71, %swap3A_72], %slice3A_70 {strides = array<i32>} : memref<512x16xf32, #tpu.memory_space<vmem>>, vector<512x16xf32>,
    %slice3A_74 = vector.extract_strided_slice %max3A_67 {offsets = [0, 32], sizes = [512, 16], strides = [1, 1]} : vector<512x64xf32> to vector<512x16xf32>
    %swap3A_75 = arith.constant 0 : index
    %swap3A_76 = arith.constant 0 : index
    %swap3A_77 = vector.load %arg16[%swap3A_75, %swap3A_76] : memref<512x16xf32, #tpu.memory_space<vmem>>, vector<512x16xf32>
    tpu.vector_store %arg16[%swap3A_75, %swap3A_76], %slice3A_74 {strides = array<i32>} : memref<512x16xf32, #tpu.memory_space<vmem>>, vector<512x16xf32>,
    %slice3A_78 = vector.extract_strided_slice %max3A_67 {offsets = [0, 48], sizes = [512, 16], strides = [1, 1]} : vector<512x64xf32> to vector<512x16xf32>
    %swap3A_79 = arith.constant 0 : index
    %swap3A_80 = arith.constant 0 : index
    %swap3A_81 = vector.load %arg17[%swap3A_79, %swap3A_80] : memref<512x16xf32, #tpu.memory_space<vmem>>, vector<512x16xf32>
    tpu.vector_store %arg17[%swap3A_79, %swap3A_80], %slice3A_78 {strides = array<i32>} : memref<512x16xf32, #tpu.memory_space<vmem>>, vector<512x16xf32>,
    return
  }
  func.func @transform_0(%arg0: i32) -> (i32, i32) {
    %c0_i32 = arith.constant 0 : i32
    %c0_i32_0 = arith.constant 0 : i32
    return %arg0, %c0_i32 : i32, i32
  }
  func.func @transform_1(%arg0: i32) -> (i32, i32) {
    %c0_i32 = arith.constant 0 : i32
    %c0_i32_0 = arith.constant 0 : i32
    return %arg0, %c0_i32 : i32, i32
  }
  func.func @transform_2(%arg0: i32) -> (i32, i32) {
    %c0_i32 = arith.constant 0 : i32
    %c0_i32_0 = arith.constant 0 : i32
    return %arg0, %c0_i32 : i32, i32
  }
  func.func @transform_3(%arg0: i32) -> (i32, i32) {
    %c0_i32 = arith.constant 0 : i32
    %c0_i32_0 = arith.constant 0 : i32
    return %arg0, %c0_i32 : i32, i32
  }
  func.func @transform_4(%arg0: i32) -> (i32, i32) {
    %c0_i32 = arith.constant 0 : i32
    %c0_i32_0 = arith.constant 0 : i32
    return %arg0, %c0_i32 : i32, i32
  }
  func.func @transform_5(%arg0: i32) -> (i32, i32) {
    %c0_i32 = arith.constant 0 : i32
    %c0_i32_0 = arith.constant 0 : i32
    return %arg0, %c0_i32 : i32, i32
  }
  func.func @transform_6(%arg0: i32) -> (i32, i32) {
    %c0_i32 = arith.constant 0 : i32
    %c0_i32_0 = arith.constant 0 : i32
    return %arg0, %c0_i32 : i32, i32
  }
  func.func @transform_7(%arg0: i32) -> (i32, i32) {
    %c0_i32 = arith.constant 0 : i32
    %c0_i32_0 = arith.constant 0 : i32
    return %arg0, %c0_i32 : i32, i32
  }
  func.func @transform_8(%arg0: i32) -> (i32, i32) {
    %c0_i32 = arith.constant 0 : i32
    %c0_i32_0 = arith.constant 0 : i32
    %c0_i32_1 = arith.constant 0 : i32
    return %c0_i32, %c0_i32_0 : i32, i32
  }
  func.func @transform_9(%arg0: i32) -> (i32, i32) {
    %c0_i32 = arith.constant 0 : i32
    %c0_i32_0 = arith.constant 0 : i32
    %c0_i32_1 = arith.constant 0 : i32
    return %c0_i32, %c0_i32_0 : i32, i32
  }
  func.func @transform_10(%arg0: i32) -> (i32, i32) {
    %c0_i32 = arith.constant 0 : i32
    %c0_i32_0 = arith.constant 0 : i32
    %c0_i32_1 = arith.constant 0 : i32
    return %c0_i32, %c0_i32_0 : i32, i32
  }
  func.func @transform_11(%arg0: i32) -> (i32, i32) {
    %c0_i32 = arith.constant 0 : i32
    %c0_i32_0 = arith.constant 0 : i32
    %c0_i32_1 = arith.constant 0 : i32
    return %c0_i32, %c0_i32_0 : i32, i32
  }
  func.func @transform_12(%arg0: i32) -> (i32, i32) {
    %c0_i32 = arith.constant 0 : i32
    %c0_i32_0 = arith.constant 0 : i32
    %c0_i32_1 = arith.constant 0 : i32
    return %c0_i32, %c0_i32_0 : i32, i32
  }
  func.func @transform_13(%arg0: i32) -> (i32, i32) {
    %c0_i32 = arith.constant 0 : i32
    %c0_i32_0 = arith.constant 0 : i32
    return %arg0, %c0_i32 : i32, i32
  }
  func.func @transform_14(%arg0: i32) -> (i32, i32) {
    %c0_i32 = arith.constant 0 : i32
    %c0_i32_0 = arith.constant 0 : i32
    return %arg0, %c0_i32 : i32, i32
  }
  func.func @transform_15(%arg0: i32) -> (i32, i32) {
    %c0_i32 = arith.constant 0 : i32
    %c0_i32_0 = arith.constant 0 : i32
    return %arg0, %c0_i32 : i32, i32
  }
  func.func @transform_16(%arg0: i32) -> (i32, i32) {
    %c0_i32 = arith.constant 0 : i32
    %c0_i32_0 = arith.constant 0 : i32
    return %arg0, %c0_i32 : i32, i32
  }
}

module attributes {stable_mosaic.version = 14 : i64} {
  func.func @kbody(%arg0: i32, %arg1: memref<512x16xf32, #tpu.memory_space<vmem>>, %arg2: memref<512x16xf32, #tpu.memory_space<vmem>>, %arg3: memref<512x16xf32, #tpu.memory_space<vmem>>, %arg4: memref<512x16xf32, #tpu.memory_space<vmem>>, %arg5: memref<512x16xf32, #tpu.memory_space<vmem>>, %arg6: memref<512x16xf32, #tpu.memory_space<vmem>>, %arg7: memref<512x16xf32, #tpu.memory_space<vmem>>, %arg8: memref<512x16xf32, #tpu.memory_space<vmem>>, %arg9: memref<64x32xf32, #tpu.memory_space<vmem>>, %arg10: memref<1x32xf32, #tpu.memory_space<vmem>>, %arg11: memref<64x32xf32, #tpu.memory_space<vmem>>, %arg12: memref<1x32xf32, #tpu.memory_space<vmem>>, %arg13: memref<1x32xf32, #tpu.memory_space<vmem>>, %arg14: memref<512x16xf32, #tpu.memory_space<vmem>>, %arg15: memref<512x16xf32, #tpu.memory_space<vmem>>) attributes {dimension_semantics = [#tpu.dimension_semantics<arbitrary>], iteration_bounds = array<i64: 196>, scalar_prefetch = 0 : i64, scratch_operands = 0 : i64, tpu.core_type = #tpu.core_type<tc>, window_params = [{transform_indices = @transform_0, window_bounds = array<i64: 512, 16>}, {transform_indices = @transform_1, window_bounds = array<i64: 512, 16>}, {transform_indices = @transform_2, window_bounds = array<i64: 512, 16>}, {transform_indices = @transform_3, window_bounds = array<i64: 512, 16>}, {transform_indices = @transform_4, window_bounds = array<i64: 512, 16>}, {transform_indices = @transform_5, window_bounds = array<i64: 512, 16>}, {transform_indices = @transform_6, window_bounds = array<i64: 512, 16>}, {transform_indices = @transform_7, window_bounds = array<i64: 512, 16>}, {pipeline_mode = #tpu.pipeline_mode<synchronous>, transform_indices = @transform_8, window_bounds = array<i64: 64, 32>}, {pipeline_mode = #tpu.pipeline_mode<synchronous>, transform_indices = @transform_9, window_bounds = array<i64: 1, 32>}, {pipeline_mode = #tpu.pipeline_mode<synchronous>, transform_indices = @transform_10, window_bounds = array<i64: 64, 32>}, {pipeline_mode = #tpu.pipeline_mode<synchronous>, transform_indices = @transform_11, window_bounds = array<i64: 1, 32>}, {pipeline_mode = #tpu.pipeline_mode<synchronous>, transform_indices = @transform_12, window_bounds = array<i64: 1, 32>}, {transform_indices = @transform_13, window_bounds = array<i64: 512, 16>}, {transform_indices = @transform_14, window_bounds = array<i64: 512, 16>}]} {
    %get3A = arith.constant 0 : index
    %get3A_0 = arith.constant 0 : index
    %get3A_1 = vector.load %arg1[%get3A, %get3A_0] : memref<512x16xf32, #tpu.memory_space<vmem>>, vector<512x16xf32>
    %get3A_2 = arith.constant 0 : index
    %get3A_3 = arith.constant 0 : index
    %get3A_4 = vector.load %arg2[%get3A_2, %get3A_3] : memref<512x16xf32, #tpu.memory_space<vmem>>, vector<512x16xf32>
    %get3A_5 = arith.constant 0 : index
    %get3A_6 = arith.constant 0 : index
    %get3A_7 = vector.load %arg3[%get3A_5, %get3A_6] : memref<512x16xf32, #tpu.memory_space<vmem>>, vector<512x16xf32>
    %get3A_8 = arith.constant 0 : index
    %get3A_9 = arith.constant 0 : index
    %get3A_10 = vector.load %arg4[%get3A_8, %get3A_9] : memref<512x16xf32, #tpu.memory_space<vmem>>, vector<512x16xf32>
    %concatenate3A = tpu.concatenate %get3A_1, %get3A_4, %get3A_7, %get3A_10 in 1 : vector<512x16xf32>, vector<512x16xf32>, vector<512x16xf32>, vector<512x16xf32> -> vector<512x64xf32>
    %get3A_11 = arith.constant 0 : index
    %get3A_12 = arith.constant 0 : index
    %get3A_13 = vector.load %arg5[%get3A_11, %get3A_12] : memref<512x16xf32, #tpu.memory_space<vmem>>, vector<512x16xf32>
    %get3A_14 = arith.constant 0 : index
    %get3A_15 = arith.constant 0 : index
    %get3A_16 = vector.load %arg6[%get3A_14, %get3A_15] : memref<512x16xf32, #tpu.memory_space<vmem>>, vector<512x16xf32>
    %get3A_17 = arith.constant 0 : index
    %get3A_18 = arith.constant 0 : index
    %get3A_19 = vector.load %arg7[%get3A_17, %get3A_18] : memref<512x16xf32, #tpu.memory_space<vmem>>, vector<512x16xf32>
    %get3A_20 = arith.constant 0 : index
    %get3A_21 = arith.constant 0 : index
    %get3A_22 = vector.load %arg8[%get3A_20, %get3A_21] : memref<512x16xf32, #tpu.memory_space<vmem>>, vector<512x16xf32>
    %concatenate3A_23 = tpu.concatenate %get3A_13, %get3A_16, %get3A_19, %get3A_22 in 1 : vector<512x16xf32>, vector<512x16xf32>, vector<512x16xf32>, vector<512x16xf32> -> vector<512x64xf32>
    %get3A_24 = arith.constant 0 : index
    %get3A_25 = arith.constant 0 : index
    %get3A_26 = vector.load %arg9[%get3A_24, %get3A_25] : memref<64x32xf32, #tpu.memory_space<vmem>>, vector<64x32xf32>
    %get3A_27 = arith.constant 0 : index
    %get3A_28 = arith.constant 0 : index
    %get3A_29 = vector.load %arg10[%get3A_27, %get3A_28] : memref<1x32xf32, #tpu.memory_space<vmem>>, vector<1x32xf32>
    %get3A_30 = arith.constant 0 : index
    %get3A_31 = arith.constant 0 : index
    %get3A_32 = vector.load %arg11[%get3A_30, %get3A_31] : memref<64x32xf32, #tpu.memory_space<vmem>>, vector<64x32xf32>
    %get3A_33 = arith.constant 0 : index
    %get3A_34 = arith.constant 0 : index
    %get3A_35 = vector.load %arg12[%get3A_33, %get3A_34] : memref<1x32xf32, #tpu.memory_space<vmem>>, vector<1x32xf32>
    %get3A_36 = arith.constant 0 : index
    %get3A_37 = arith.constant 0 : index
    %get3A_38 = vector.load %arg13[%get3A_36, %get3A_37] : memref<1x32xf32, #tpu.memory_space<vmem>>, vector<1x32xf32>
    %convert_element_type3A = arith.truncf %concatenate3A : vector<512x64xf32> to vector<512x64xbf16>
    %convert_element_type3A_39 = arith.truncf %get3A_26 : vector<64x32xf32> to vector<64x32xbf16>
    %dot_general3A = arith.constant dense<0.000000e+00> : vector<512x32xf32>
    %dot_general3A_40 = tpu.matmul %convert_element_type3A, %convert_element_type3A_39, %dot_general3A {dimension_numbers = #tpu.dot_dimension_numbers<[1], [0], [0], [1], [0, 0, 1, 1], [], []>, transpose_lhs_hint = false} : vector<512x64xbf16>, vector<64x32xbf16>, vector<512x32xf32> -> vector<512x32xf32>
    %add3A = vector.broadcast %get3A_29 : vector<1x32xf32> to vector<512x32xf32>
    %add3A_41 = arith.addf %dot_general3A_40, %add3A : vector<512x32xf32>
    %convert_element_type3A_42 = arith.truncf %concatenate3A_23 : vector<512x64xf32> to vector<512x64xbf16>
    %convert_element_type3A_43 = arith.truncf %get3A_32 : vector<64x32xf32> to vector<64x32xbf16>
    %dot_general3A_44 = arith.constant dense<0.000000e+00> : vector<512x32xf32>
    %dot_general3A_45 = tpu.matmul %convert_element_type3A_42, %convert_element_type3A_43, %dot_general3A_44 {dimension_numbers = #tpu.dot_dimension_numbers<[1], [0], [0], [1], [0, 0, 1, 1], [], []>, transpose_lhs_hint = false} : vector<512x64xbf16>, vector<64x32xbf16>, vector<512x32xf32> -> vector<512x32xf32>
    %add3A_46 = arith.addf %add3A_41, %dot_general3A_45 : vector<512x32xf32>
    %reduce_sum3A = arith.constant dense<0.000000e+00> : vector<512xf32>
    %reduce_sum3A_47 = vector.multi_reduction <add>, %add3A_46, %reduce_sum3A [1] : vector<512x32xf32> to vector<512xf32>
    %broadcast_in_dim3A = vector.shape_cast %reduce_sum3A_47 : vector<512xf32> to vector<512x1xf32>
    %div3A = arith.constant 3.200000e+01 : f32
    %div3A_48 = vector.broadcast %div3A : f32 to vector<512x1xf32>
    %div3A_49 = arith.divf %broadcast_in_dim3A, %div3A_48 : vector<512x1xf32>
    %sub3A = vector.broadcast %div3A_49 : vector<512x1xf32> to vector<512x32xf32>
    %sub3A_50 = arith.subf %add3A_46, %sub3A : vector<512x32xf32>
    %mul3A = arith.mulf %sub3A_50, %sub3A_50 : vector<512x32xf32>
    %reduce_sum3A_51 = arith.constant dense<0.000000e+00> : vector<512xf32>
    %reduce_sum3A_52 = vector.multi_reduction <add>, %mul3A, %reduce_sum3A_51 [1] : vector<512x32xf32> to vector<512xf32>
    %broadcast_in_dim3A_53 = vector.shape_cast %reduce_sum3A_52 : vector<512xf32> to vector<512x1xf32>
    %div3A_54 = arith.constant 3.200000e+01 : f32
    %div3A_55 = vector.broadcast %div3A_54 : f32 to vector<512x1xf32>
    %div3A_56 = arith.divf %broadcast_in_dim3A_53, %div3A_55 : vector<512x1xf32>
    %add3A_57 = arith.constant 9.99999974E-6 : f32
    %add3A_58 = vector.broadcast %add3A_57 : f32 to vector<512x1xf32>
    %add3A_59 = arith.addf %div3A_56, %add3A_58 : vector<512x1xf32>
    %sqrt3A = math.sqrt %add3A_59 : vector<512x1xf32>
    %div3A_60 = vector.broadcast %sqrt3A : vector<512x1xf32> to vector<512x32xf32>
    %div3A_61 = arith.divf %sub3A_50, %div3A_60 : vector<512x32xf32>
    %mul3A_62 = vector.broadcast %get3A_35 : vector<1x32xf32> to vector<512x32xf32>
    %mul3A_63 = arith.mulf %div3A_61, %mul3A_62 : vector<512x32xf32>
    %add3A_64 = vector.broadcast %get3A_38 : vector<1x32xf32> to vector<512x32xf32>
    %add3A_65 = arith.addf %mul3A_63, %add3A_64 : vector<512x32xf32>
    %max3A = arith.constant 0.000000e+00 : f32
    %max3A_66 = vector.broadcast %max3A : f32 to vector<512x32xf32>
    %max3A_67 = arith.maximumf %add3A_65, %max3A_66 : vector<512x32xf32>
    %slice3A = vector.extract_strided_slice %max3A_67 {offsets = [0, 0], sizes = [512, 16], strides = [1, 1]} : vector<512x32xf32> to vector<512x16xf32>
    %swap3A = arith.constant 0 : index
    %swap3A_68 = arith.constant 0 : index
    %swap3A_69 = vector.load %arg14[%swap3A, %swap3A_68] : memref<512x16xf32, #tpu.memory_space<vmem>>, vector<512x16xf32>
    tpu.vector_store %arg14[%swap3A, %swap3A_68], %slice3A {strides = array<i32>} : memref<512x16xf32, #tpu.memory_space<vmem>>, vector<512x16xf32>,
    %slice3A_70 = vector.extract_strided_slice %max3A_67 {offsets = [0, 16], sizes = [512, 16], strides = [1, 1]} : vector<512x32xf32> to vector<512x16xf32>
    %swap3A_71 = arith.constant 0 : index
    %swap3A_72 = arith.constant 0 : index
    %swap3A_73 = vector.load %arg15[%swap3A_71, %swap3A_72] : memref<512x16xf32, #tpu.memory_space<vmem>>, vector<512x16xf32>
    tpu.vector_store %arg15[%swap3A_71, %swap3A_72], %slice3A_70 {strides = array<i32>} : memref<512x16xf32, #tpu.memory_space<vmem>>, vector<512x16xf32>,
    return
  }
  func.func @transform_0(%arg0: i32) -> (i32, i32) {
    %c0_i32 = arith.constant 0 : i32
    %c0_i32_0 = arith.constant 0 : i32
    return %arg0, %c0_i32 : i32, i32
  }
  func.func @transform_1(%arg0: i32) -> (i32, i32) {
    %c0_i32 = arith.constant 0 : i32
    %c0_i32_0 = arith.constant 0 : i32
    return %arg0, %c0_i32 : i32, i32
  }
  func.func @transform_2(%arg0: i32) -> (i32, i32) {
    %c0_i32 = arith.constant 0 : i32
    %c0_i32_0 = arith.constant 0 : i32
    return %arg0, %c0_i32 : i32, i32
  }
  func.func @transform_3(%arg0: i32) -> (i32, i32) {
    %c0_i32 = arith.constant 0 : i32
    %c0_i32_0 = arith.constant 0 : i32
    return %arg0, %c0_i32 : i32, i32
  }
  func.func @transform_4(%arg0: i32) -> (i32, i32) {
    %c0_i32 = arith.constant 0 : i32
    %c0_i32_0 = arith.constant 0 : i32
    return %arg0, %c0_i32 : i32, i32
  }
  func.func @transform_5(%arg0: i32) -> (i32, i32) {
    %c0_i32 = arith.constant 0 : i32
    %c0_i32_0 = arith.constant 0 : i32
    return %arg0, %c0_i32 : i32, i32
  }
  func.func @transform_6(%arg0: i32) -> (i32, i32) {
    %c0_i32 = arith.constant 0 : i32
    %c0_i32_0 = arith.constant 0 : i32
    return %arg0, %c0_i32 : i32, i32
  }
  func.func @transform_7(%arg0: i32) -> (i32, i32) {
    %c0_i32 = arith.constant 0 : i32
    %c0_i32_0 = arith.constant 0 : i32
    return %arg0, %c0_i32 : i32, i32
  }
  func.func @transform_8(%arg0: i32) -> (i32, i32) {
    %c0_i32 = arith.constant 0 : i32
    %c0_i32_0 = arith.constant 0 : i32
    %c0_i32_1 = arith.constant 0 : i32
    return %c0_i32, %c0_i32_0 : i32, i32
  }
  func.func @transform_9(%arg0: i32) -> (i32, i32) {
    %c0_i32 = arith.constant 0 : i32
    %c0_i32_0 = arith.constant 0 : i32
    %c0_i32_1 = arith.constant 0 : i32
    return %c0_i32, %c0_i32_0 : i32, i32
  }
  func.func @transform_10(%arg0: i32) -> (i32, i32) {
    %c0_i32 = arith.constant 0 : i32
    %c0_i32_0 = arith.constant 0 : i32
    %c0_i32_1 = arith.constant 0 : i32
    return %c0_i32, %c0_i32_0 : i32, i32
  }
  func.func @transform_11(%arg0: i32) -> (i32, i32) {
    %c0_i32 = arith.constant 0 : i32
    %c0_i32_0 = arith.constant 0 : i32
    %c0_i32_1 = arith.constant 0 : i32
    return %c0_i32, %c0_i32_0 : i32, i32
  }
  func.func @transform_12(%arg0: i32) -> (i32, i32) {
    %c0_i32 = arith.constant 0 : i32
    %c0_i32_0 = arith.constant 0 : i32
    %c0_i32_1 = arith.constant 0 : i32
    return %c0_i32, %c0_i32_0 : i32, i32
  }
  func.func @transform_13(%arg0: i32) -> (i32, i32) {
    %c0_i32 = arith.constant 0 : i32
    %c0_i32_0 = arith.constant 0 : i32
    return %arg0, %c0_i32 : i32, i32
  }
  func.func @transform_14(%arg0: i32) -> (i32, i32) {
    %c0_i32 = arith.constant 0 : i32
    %c0_i32_0 = arith.constant 0 : i32
    return %arg0, %c0_i32 : i32, i32
  }
}

module attributes {stable_mosaic.version = 14 : i64} {
  func.func @kbody(%arg0: memref<1024x16xf32, #tpu.memory_space<vmem>>, %arg1: memref<1024x16xf32, #tpu.memory_space<vmem>>, %arg2: memref<1024x16xf32, #tpu.memory_space<vmem>>, %arg3: memref<32x64xf32, #tpu.memory_space<vmem>>, %arg4: memref<1x64xf32, #tpu.memory_space<vmem>>, %arg5: memref<64x32xf32, #tpu.memory_space<vmem>>, %arg6: memref<1x32xf32, #tpu.memory_space<vmem>>, %arg7: memref<32x1xf32, #tpu.memory_space<vmem>>, %arg8: memref<1x1xf32, #tpu.memory_space<vmem>>, %arg9: memref<1024x1xf32, #tpu.memory_space<vmem>>) attributes {dimension_semantics = [], scalar_prefetch = 0 : i64, scratch_operands = 0 : i64, tpu.core_type = #tpu.core_type<tc>} {
    %get3A = arith.constant 0 : index
    %get3A_0 = arith.constant 0 : index
    %get3A_1 = vector.load %arg3[%get3A, %get3A_0] : memref<32x64xf32, #tpu.memory_space<vmem>>, vector<32x64xf32>
    %get3A_2 = arith.constant 0 : index
    %get3A_3 = arith.constant 0 : index
    %get3A_4 = vector.load %arg4[%get3A_2, %get3A_3] : memref<1x64xf32, #tpu.memory_space<vmem>>, vector<1x64xf32>
    %get3A_5 = arith.constant 0 : index
    %get3A_6 = arith.constant 0 : index
    %get3A_7 = vector.load %arg5[%get3A_5, %get3A_6] : memref<64x32xf32, #tpu.memory_space<vmem>>, vector<64x32xf32>
    %get3A_8 = arith.constant 0 : index
    %get3A_9 = arith.constant 0 : index
    %get3A_10 = vector.load %arg6[%get3A_8, %get3A_9] : memref<1x32xf32, #tpu.memory_space<vmem>>, vector<1x32xf32>
    %get3A_11 = arith.constant 0 : index
    %get3A_12 = arith.constant 0 : index
    %get3A_13 = vector.load %arg7[%get3A_11, %get3A_12] : memref<32x1xf32, #tpu.memory_space<vmem>>, vector<32x1xf32>
    %get3A_14 = arith.constant 0 : index
    %get3A_15 = arith.constant 0 : index
    %get3A_16 = vector.load %arg8[%get3A_14, %get3A_15] : memref<1x1xf32, #tpu.memory_space<vmem>>, vector<1x1xf32>
    %get3A_17 = arith.constant 0 : index
    %get3A_18 = arith.constant 0 : index
    %get3A_19 = vector.load %arg0[%get3A_17, %get3A_18] : memref<1024x16xf32, #tpu.memory_space<vmem>>, vector<1024x16xf32>
    %get3A_20 = arith.constant 0 : index
    %get3A_21 = arith.constant 0 : index
    %get3A_22 = vector.load %arg1[%get3A_20, %get3A_21] : memref<1024x16xf32, #tpu.memory_space<vmem>>, vector<1024x16xf32>
    %concatenate3A = tpu.concatenate %get3A_19, %get3A_22 in 1 : vector<1024x16xf32>, vector<1024x16xf32> -> vector<1024x32xf32>
    %get3A_23 = arith.constant 0 : index
    %get3A_24 = arith.constant 0 : index
    %get3A_25 = vector.load %arg2[%get3A_23, %get3A_24] : memref<1024x16xf32, #tpu.memory_space<vmem>>, vector<1024x1xf32>
    %max3A = arith.constant 1.000000e+00 : f32
    %max3A_26 = vector.broadcast %max3A : f32 to vector<1024x1xf32>
    %max3A_27 = arith.maximumf %get3A_25, %max3A_26 : vector<1024x1xf32>
    %div3A = vector.broadcast %max3A_27 : vector<1024x1xf32> to vector<1024x32xf32>
    %div3A_28 = arith.divf %concatenate3A, %div3A : vector<1024x32xf32>
    %convert_element_type3A = arith.truncf %div3A_28 : vector<1024x32xf32> to vector<1024x32xbf16>
    %convert_element_type3A_29 = arith.truncf %get3A_1 : vector<32x64xf32> to vector<32x64xbf16>
    %dot_general3A = arith.constant dense<0.000000e+00> : vector<1024x64xf32>
    %dot_general3A_30 = tpu.matmul %convert_element_type3A, %convert_element_type3A_29, %dot_general3A {dimension_numbers = #tpu.dot_dimension_numbers<[1], [0], [0], [1], [0, 0, 1, 1], [], []>, transpose_lhs_hint = false} : vector<1024x32xbf16>, vector<32x64xbf16>, vector<1024x64xf32> -> vector<1024x64xf32>
    %add3A = vector.broadcast %get3A_4 : vector<1x64xf32> to vector<1024x64xf32>
    %add3A_31 = arith.addf %dot_general3A_30, %add3A : vector<1024x64xf32>
    %max3A_32 = arith.constant 0.000000e+00 : f32
    %max3A_33 = vector.broadcast %max3A_32 : f32 to vector<1024x64xf32>
    %max3A_34 = arith.maximumf %add3A_31, %max3A_33 : vector<1024x64xf32>
    %convert_element_type3A_35 = arith.truncf %max3A_34 : vector<1024x64xf32> to vector<1024x64xbf16>
    %convert_element_type3A_36 = arith.truncf %get3A_7 : vector<64x32xf32> to vector<64x32xbf16>
    %dot_general3A_37 = arith.constant dense<0.000000e+00> : vector<1024x32xf32>
    %dot_general3A_38 = tpu.matmul %convert_element_type3A_35, %convert_element_type3A_36, %dot_general3A_37 {dimension_numbers = #tpu.dot_dimension_numbers<[1], [0], [0], [1], [0, 0, 1, 1], [], []>, transpose_lhs_hint = false} : vector<1024x64xbf16>, vector<64x32xbf16>, vector<1024x32xf32> -> vector<1024x32xf32>
    %add3A_39 = vector.broadcast %get3A_10 : vector<1x32xf32> to vector<1024x32xf32>
    %add3A_40 = arith.addf %dot_general3A_38, %add3A_39 : vector<1024x32xf32>
    %max3A_41 = arith.constant 0.000000e+00 : f32
    %max3A_42 = vector.broadcast %max3A_41 : f32 to vector<1024x32xf32>
    %max3A_43 = arith.maximumf %add3A_40, %max3A_42 : vector<1024x32xf32>
    %convert_element_type3A_44 = arith.truncf %max3A_43 : vector<1024x32xf32> to vector<1024x32xbf16>
    %convert_element_type3A_45 = arith.truncf %get3A_13 : vector<32x1xf32> to vector<32x1xbf16>
    %dot_general3A_46 = arith.constant dense<0.000000e+00> : vector<1024x1xf32>
    %dot_general3A_47 = tpu.matmul %convert_element_type3A_44, %convert_element_type3A_45, %dot_general3A_46 {dimension_numbers = #tpu.dot_dimension_numbers<[1], [0], [0], [1], [0, 0, 1, 1], [], []>, transpose_lhs_hint = false} : vector<1024x32xbf16>, vector<32x1xbf16>, vector<1024x1xf32> -> vector<1024x1xf32>
    %add3A_48 = vector.broadcast %get3A_16 : vector<1x1xf32> to vector<1024x1xf32>
    %add3A_49 = arith.addf %dot_general3A_47, %add3A_48 : vector<1024x1xf32>
    %swap3A = arith.constant 0 : index
    %swap3A_50 = arith.constant 0 : index
    %swap3A_51 = vector.load %arg9[%swap3A, %swap3A_50] : memref<1024x1xf32, #tpu.memory_space<vmem>>, vector<1024x1xf32>
    tpu.vector_store %arg9[%swap3A, %swap3A_50], %add3A_49 {strides = array<i32>} : memref<1024x1xf32, #tpu.memory_space<vmem>>, vector<1024x1xf32>,
    return
  }
}

</mosaic_0001>

<sc_bundles>
// kernel: kernel.12.cloned.1.call-start
scs
__scs_entry_jumppad:
0x0: {  	(pc) =	sbr.rel $0x88, $3  }
0x1: {  	(tag) =	ssettag $0x0;
	lr =	simm.s32 $0x1  }
0x2: {  	[smem:$0x3F84] =	sst lr;
	_ =	strace $0xD0000000  }
0x3: {  	_ = 	snop  }
0x4: {  	_ = 	snop  }
0x5: {  	_ = 	snop  }
0x6: {  	_ = 	snop  }
0x7: {  	_ = 	snop  }
__scs_overlays_trampoline_lowered:
0x8: {  	[smem:$0x3F93] =	sst s0  }
0x9: {  	[smem:$0x3F94] =	sst s1  }
0xa: {  	[smem:$0x3F95] =	sst s2  }
0xb: {  	[smem:$0x3F96] =	sst s3  }
0xc: {  	[smem:$0x3F97] =	sst s4  }
0xd: {  	[smem:$0x3F98] =	sst s5  }
0xe: {  	[smem:$0x3F99] =	sst s6  }
0xf: {  	[smem:$0x3F9A] =	sst s7  }
0x10: {  	[smem:$0x3F9B] =	sst s8  }
0x11: {  	[smem:$0x3F9C] =	sst s9;
	s0 =	simm.s32 @!p0 $0x0  }
0x12: {  	s1 =	sld [smem:$0x3F82];
	s0 =	simm.s32 @p0 $0x1  }
0x13: {  	[smem:$0x3F9D] =	sst s0;
	s0 =	simm.s32 @!p1 $0x0  }
0x14: {  	s2 =	sld [smem:$0x3F81];
	s0 =	simm.s32 @p1 $0x1  }
0x15: {  	[smem:$0x3F9E] =	sst s0;
	s0 =	simm.s32 @!p2 $0x0  }
0x16: {  	s3 =	sld [smem:$0x3FDB];
	s0 =	simm.s32 @p2 $0x1  }
0x17: {  	s4 =	simm.s32 $0x1BF5;
	[smem:$0x3FA0] =	sst s0  }
0x18: {  	s0 =	sld [smem:$0x3F83];
	_ =	swait.ge [sflag:s4], $0x0  }
0x19: {  	s7 =	sld [smem:$0x3F84]  }
0x1a: {  	s8 =	sadd.s32 $0xFFFFE003, lr  }
0x1b: {  	s9 =	sadd.s32 $0xFFFFFEF7, lr;
	s5 =	simm.s32 $0xFFFFFFFF;
	p2 =	slt.u32 s8, $0xFFFFF086  }
0x1c: {  	p1 =	slt.u32 s9, $0xF7A;
	s5 =	simm.s32 @!p2 $0x0  }
0x1d: {  	s5 =	simm.s32 @p1 $0x1;
	p0 =	seq.s32 s7, s2  }
0x1e: {  	s7 =	smul.u32 @!p0 $0xF7A, s2;
	p2 =	seq.s32 @!p0 s5, $0x0  }
0x1f: {  	s9 =	smul.u32 $0xF7A, s1;
	s8 =	simm.s32 @!p0 $0x1BF5;
	p2 =	por !p2, p0  }
0x20: {  	[sflag:s8] =	ssyncset.s32 @!p0 $0xFFFFF086;
	s6 =	sadd.s32 @!p0 s3, s7;
	s7 =	simm.s32 @!p0 $0x108  }
0x21: {  	s3 =	sadd.s32 s3, s9;
	s6 =	sadd.s32 @!p0 $0x88, s6;
	s7 =	simm.s32 @p2 $0x1082  }
0x22: {  	[simem:s7], [sflag:s8] =	dma.local @!p0 [hbm:s6], $0xF7A  }
0x23: {  	s9 =	sor.u32 $0xD0000000, s2;
	s6 =	simm.s32 $0x108;
	_ =	swait.ge @!p0 [sflag:s8], $0x0  }
0x24: {  	s3 =	sadd.s32 $0x88, s3;
	s6 =	simm.s32 @!p1 $0x1082;
	[sflag:s4] =	ssyncset.s32 $0xFFFFF086  }
0x25: {  	[simem:s6], [sflag:s4] =	dma.local [hbm:s3], $0xF7A  }
0x26: {  	[smem:$0x3F84] =	sst s1;
	(tag) =	ssettag s2;
	_ =	strace s9  }
0x27: {  	s1 =	sld [smem:$0x3F94]  }
0x28: {  	s2 =	sld [smem:$0x3F95]  }
0x29: {  	s4 =	sld [smem:$0x3F97]  }
0x2a: {  	p0 =	seq.s32 s5, $0x0;
	s5 =	sld [smem:$0x3F98]  }
0x2b: {  	s6 =	sld [smem:$0x3F99]  }
0x2c: {  	s7 =	sld [smem:$0x3F9A]  }
0x2d: {  	s3 =	simm.s32 $0x108;
	s8 =	sld [smem:$0x3F9B]  }
0x2e: {  	s3 =	simm.s32 @!p0 $0x1082;
	s9 =	sld [smem:$0x3F9C]  }
0x2f: {  	lr =	sadd.s32 s0, s3;
	s0 =	sld [smem:$0x3F93]  }
0x30: {  	s3 =	sld [smem:$0x3F96]  }
0x31: {  	[smem:$0x3F9F] =	sst s10  }
0x32: {  	s10 =	sld [smem:$0x3F9D];
	_ =	sdelay $0x3  }
0x33: {  	p0 =	seq.s32 s10, $0x1;
	s10 =	sld [smem:$0x3F9F];
	_ =	sdelay $0x3  }
0x34: {  	[smem:$0x3F9F] =	sst s10  }
0x35: {  	s10 =	sld [smem:$0x3F9E];
	_ =	sdelay $0x3  }
0x36: {  	p1 =	seq.s32 s10, $0x1;
	s10 =	sld [smem:$0x3F9F];
	_ =	sdelay $0x3  }
0x37: {  	[smem:$0x3F9F] =	sst s10  }
0x38: {  	s10 =	sld [smem:$0x3FA0]  }
0x39: {  	_ = 	snop;
	(pc) =	sbr.ind lr, $3  }
0x3a: {  	_ = 	snop  }
0x3b: {  	_ = 	snop  }
0x3c: {  	p2 =	seq.s32 s10, $0x1;
	s10 =	sld [smem:$0x3F9F]  }
0x3d: {  	_ =	shalt  }
0x3e: {  	_ =	shalt  }
0x3f: {  	_ =	shalt  }
0x40: {  	_ =	shalt  }
0x41: {  	_ =	shalt  }
0x42: {  	_ =	shalt  }
0x43: {  	_ =	shalt  }
0x44: {  	_ =	shalt  }
0x45: {  	_ =	shalt  }
0x46: {  	_ =	shalt  }
0x47: {  	_ =	shalt  }
0x48: {  	_ =	shalt  }
0x49: {  	_ =	shalt  }
0x4a: {  	_ =	shalt  }
0x4b: {  	_ =	shalt  }
0x4c: {  	_ =	shalt  }
0x4d: {  	_ =	shalt  }
0x4e: {  	_ =	shalt  }
0x4f: {  	_ =	shalt  }
0x50: {  	_ =	shalt  }
0x51: {  	_ =	shalt  }
0x52: {  	_ =	shalt  }
0x53: {  	_ =	shalt  }
0x54: {  	_ =	shalt  }
0x55: {  	_ =	shalt  }
0x56: {  	_ =	shalt  }
0x57: {  	_ =	shalt  }
0x58: {  	_ =	shalt  }
0x59: {  	_ =	shalt  }
0x5a: {  	_ =	shalt  }
0x5b: {  	_ =	shalt  }
0x5c: {  	_ =	shalt  }
0x5d: {  	_ =	shalt  }
0x5e: {  	_ =	shalt  }
0x5f: {  	_ =	shalt  }
0x60: {  	_ =	shalt  }
0x61: {  	_ =	shalt  }
0x62: {  	_ =	shalt  }
0x63: {  	_ =	shalt  }
0x64: {  	_ =	shalt  }
0x65: {  	_ =	shalt  }
0x66: {  	_ =	shalt  }
0x67: {  	_ =	shalt  }
0x68: {  	_ =	shalt  }
0x69: {  	_ =	shalt  }
0x6a: {  	_ =	shalt  }
0x6b: {  	_ =	shalt  }
0x6c: {  	_ =	shalt  }
0x6d: {  	_ =	shalt  }
0x6e: {  	_ =	shalt  }
0x6f: {  	_ =	shalt  }
0x70: {  	_ =	shalt  }
0x71: {  	_ =	shalt  }
0x72: {  	_ =	shalt  }
0x73: {  	_ =	shalt  }
0x74: {  	_ =	shalt  }
0x75: {  	_ =	shalt  }
0x76: {  	_ =	shalt  }
0x77: {  	_ =	shalt  }
0x78: {  	_ =	shalt  }
0x79: {  	_ =	shalt  }
0x7a: {  	_ =	shalt  }
0x7b: {  	_ =	shalt  }
0x7c: {  	_ =	shalt  }
0x7d: {  	_ =	shalt  }
0x7e: {  	_ =	shalt  }
0x7f: {  	_ =	shalt  }
0x80: {  	_ =	shalt  }
0x81: {  	_ =	shalt  }
0x82: {  	_ =	shalt  }
0x83: {  	_ =	shalt  }
0x84: {  	_ =	shalt  }
0x85: {  	_ =	shalt  }
0x86: {  	_ =	shalt  }
0x87: {  	_ =	shalt  }
.Lfunc_end0:
.L_simem_size_0:
called_computation_lowered:
.L_overlay_start_0:
0x88: {  	s2 =	sld [smem:$0x3FD9]  }
0x89: {  	s3 =	sld [smem:$0x3FFE];
	_ =	sdelay $0x1  }
0x8a: {  	s1 =	srdreg.scid  }
0x8b: {  	s0 =	sand.u32 $0x1, s1  }
0x8c: {  	s16 =	sshll.u32 s0, $0xA;
	s2 =	sadd.s32 s3, s2  }
0x8d: {  	s2 =	sadd.s32 s2, s16  }
0x8e: {  	[smem:$0x3FAB] =	sst s2  }
0x8f: {  	_ = 	snop  }
0x90: {  	(tm) =	ssettm $0x1  }
0x91: {  	s17 =	sld [smem:$0x3FFB];
	_ =	sdelay $0x3  }
0x92: {  	_ =	strace s17  }
0x93: {  	s2 =	sld [smem:$0x3FFC];
	_ =	sdelay $0x3  }
0x94: {  	_ =	strace s2  }
0x95: {  	s2 =	sld [smem:$0x3FFD];
	_ =	sdelay $0x3  }
0x96: {  	_ =	strace s2  }
0x97: {  	_ =	strace $0x8FFFFFFF  }
0x98: {  	s18 =	sld [smem:$0x3FDB];
	_ =	sdelay $0x1  }
0x99: {  	s19 =	simm.s32 $_scs_section_size  }
0x9a: {  	s4 =	simm.s32 $_size__tile_overlayer_lowered;
	s5 =	simm.s32 $_tile_overlayer_lowered  }
0x9b: {  	s22 =	simm.s32 $0x1BFF;
	s21 =	sshll.u32 s5, $0x1;
	s2 =	sadd.s32 s19, s18  }
0x9c: {  	s6 =	simm.s32 $0x0;
	s20 =	sshll.u32 s4, $0x1;
	s4 =	sadd.s32 s21, s2  }
0x9d: {  	[timem:s6], [sflag:s22] =	dma.local [hbm:s4], s20  }
0x9e: {  	_ =	swait.ge [sflag:s22], s20  }
0x9f: {  	s3 =	ssub.s32 $0x0, s20;
	[sflag:s22] =	ssyncset.done $0x0  }
0xa0: {  	[sflag:s22] =	ssyncadd.s32 s3;
	_ =	sdelay $0x1  }
0xa1: {  	s23 =	simm.s32 $0x1B8B  }
0xa2: {  	_ =	swait.ge [sflag:s23], $0x1  }
0xa3: {  	[sflag:s23] =	ssyncset.done $0x0  }
0xa4: {  	s25 =	simm.s32 $0x1B8E;
	s24 =	sld [smem:$0x3FFE];
	[sflag:s23] =	ssyncadd.s32 $0xFFFFFFFF  }
0xa5: {  	s26 =	simm.s32 $execute0_lowered;
	[smem:$0x3FD2] =	sst s25  }
0xa6: {  	s4 =	sshll.u32 s26, $0x1;
	_ =	strace $0x80000046;
	[dreg:$0x1] =	wrdreg $0xFFFFFFFF  }
0xa7: {  	s28 =	simm.s32 $_size_execute0_lowered;
	s2 =	sadd.s32 s2, s4;
	[dreg:$0x0] =	wrdreg $0x0  }
0xa8: {  	s4 =	sshll.u32 s28, $0x1;
	[dreg:$0x2] =	wrdreg s2  }
0xa9: {  	[dreg:$0x3] =	wrdreg s4  }
0xaa: {  	[dreg:$0x4] =	wrdreg $0xC0  }
0xab: {  	_ =	task [dreg:s6], $0x5FFFF  }
0xac: {  	[dreg:$0x1] =	wrdreg $0xFFFFFFFF  }
0xad: {  	[dreg:$0x0] =	wrdreg $0x60  }
0xae: {  	[dreg:$0x2] =	wrdreg s24  }
0xaf: {  	[dreg:$0x3] =	wrdreg $0x54400  }
0xb0: {  	[dreg:$0x4] =	wrdreg $0x9  }
0xb1: {  	_ =	task.clear_ibuf [dreg:s6], $0x5FFFF;
	_ =	strace $0x90000046  }
0xb2: {  	s29 =	simm.s32 $0x9;
	_ =	strace $0x80000048  }
0xb3: {  	_ =	swait.ge [sflag:s29], $0x1  }
0xb4: {  	[sflag:s29] =	ssyncadd.s32 $0xFFFFFFFF  }
0xb5: {  	_ =	strace $0x90000048  }
0xb6: {  	_ =	sfence  }
0xb7: {  	s30 =	sld [smem:$0x0];
	_ =	sdelay $0x2  }
0xb8: {  	s31 =	sshll.u32 s1, $0xD;
	s1 =	sshrl.u32 s1, $0x2  }
0xb9: {  	s3 =	sand.u32 $0x4000, s31;
	s1 =	sadd.s32 s1, s30  }
0xba: {  	s0 =	sor.u32 s3, s0;
	s1 =	sshll.u32 s1, $0x11  }
0xbb: {  	s0 =	sor.u32 s1, s0  }
0xbc: {  	s0 =	sadd.s32 $0x8F2B, s0  }
0xbd: {  	[sflag:s0] =	ssyncadd.remote.s32 $0x1  }
0xbe: {  	_ =	sfence.sel $0xFFFF  }
0xbf: {  	[dreg:$0x0] =	wrdreg $0xFFFFFFFF;
	(pc) =	sbr.abs _section_cstart, $3  }
0xc0: {  	[dreg:$0x1] =	wrdreg $0xFFFFFFFF  }
0xc1: {  	_ =	task.clear_ibuf [dreg:s6], $0x2FFFF;
	_ =	strace $0x9FFFFFFF  }
0xc2: {  	(tm) =	ssettm $0x7FFFFFFF  }
0xc3: {  	_ =	shalt  }
tec
execute0_lowered:
.L_overlay_start_1:
0x0: {  	(tag) =	ssettag $0x1  }
0x1: {  	s0 =	rddreg [dreg:$0x0]  }
0x2: {  	s2 =	rddreg [dreg:$0x1];
	s3 =	simm.s32 $0x0;
	s1 =	stileid.u32  }
0x3: {  	s4 =	srdreg.scid;
	s17 =	simm.s32 $0x200;
	s18 =	simm.s32 $0x800  }
0x4: {  	s19 =	simm.s32 $0x600;
	s20 =	simm.s32 $0x3;
	s21 =	simm.s32 $0x2  }
0x5: {  	s22 =	simm.s32 $0x2800;
	s23 =	simm.s32 $0x5;
	s24 =	simm.s32 $0x4  }
0x6: {  	s26 =	simm.s32 $0x1;
	s28 =	simm.s32 $0x6;
	s29 =	simm.s32 $0x0  }
0x7: {  	[smem:$0x7FF] =	sst s3;
	s8 =	smul.u32 $0x18800, s1;
	s16 =	sand.u32 $0x1, s4  }
0x8: {  	s11 =	sadd.s32 $0x37800, s0;
	s12 =	sadd.s32 $0x6800, s0;
	s10 =	smul.u32 $0x3100, s1  }
0x9: {  	s4 =	sadd.s32 $0x68800, s0;
	s14 =	smul.u32 $0x62000, s1;
	_ =	strace $0x80000047  }
0xa: {  	s5 =	ssub.s32 $0x2, s16;
	p0 =	sne.s32 s16, $0x0;
	s16 =	simm.s32 $0x400  }
0xb: {  	s6 =	sshrl.u32 s8, $0x3;
	s7 =	sshrl.u32 s5, $0x1;
	s30 =	sadd.s32 s8, s2  }
0xc: {  	s13 =	sor.u32 $0x40, s10;
	s15 =	sor.u32 $0x80, s10;
	s31 =	sshrl.u32 s14, $0x2  }
.Ltmp0:
0xd: {  	s14 =	simm.s32 $0x4800;
	s0 =	sadd.s32 s6, s0;
	(pc) =	sbr.rel .LBB2_1-.Ltmp0, $4  }
0xe: {  	s9 =	ssub.s32 s5, s7;
	s5 =	sadd.s32 s11, s10;
	s6 =	sadd.s32 s12, s10  }
0xf: {  	s10 =	sadd.s32 s12, s13;
	s12 =	sadd.s32 s12, s15;
	s25 =	sshrl.u32 s30, $0x3  }
0x10: {  	s7 =	sadd.s32 $0x99800, s0;
	s8 =	smax.u32 s9, $0x1;
	s9 =	sadd.s32 s11, s13  }
0x11: {  	v0 =	vimm.f32 $0.0e+00;
	s11 =	sadd.s32 s11, s15;
	s13 =	sadd.s32 s31, s2;
	s15 =	simm.s32 $0x7  }
.LBB2_10:
0x12: {  	[bflag:$0x0] =	sbarrier.arrive $0xFFFF  }
.LBB2_11:
0x13: {  	s29 =	sadd.s32 $0x1, s29  }
0x14: {  	p1 =	sne.s32 s29, s8  }
.Ltmp1:
0x15: {  	_ = 	snop;
	(pc) =	sbr.rel @!p1 .LBB2_12-.Ltmp1, $1  }
0x16: {  	_ =	sdelay $0x3  }
.LBB2_1:
0x17: {  	s0 =	simm.s32 $0x0  }
.LBB2_2:
0x18: {  	p1 =	sne.s32 s0, $0x30C0  }
.Ltmp2:
0x19: {  	_ = 	snop;
	(pc) =	sbr.rel @p1 .LBB2_2-.Ltmp2, $3  }
0x1a: {  	_ =	sdelay $0x1  }
0x1b: {  	s30 =	sshra.s32 s0, $0x2  }
0x1c: {  	s0 =	sadd.s32 $0x40, s0;
	[tilespmem:s30+$0x4800] =	vst v0  }
0x1d: {  	s0 =	sadd.s32 $0x0, s13  }
0x1e: {  	[spmem:s0] =	stream.linear.scatter [tilespmem:s14], [sflag:$0x7], $0xC40, $0x38;
	[tilespmem:$0x1DC40] =	vst v63  }
0x1f: {  	s0 =	simm.s32 $0x3100;
	_ =	swait.ge [sflag:s15], $0xC40  }
.LBB2_4:
0x20: {  	s30 =	sshra.s32 s0, $0x2;
	[sflag:s15] =	ssyncset.done $0x0;
	p1 =	sne.s32 s0, $0x5EF00  }
.Ltmp3:
0x21: {  	s30 =	sadd.s32 s30, s13;
	[sflag:s15] =	ssyncadd.s32 $0xFFFFF3C0;
	(pc) =	sbr.rel @p1 .LBB2_4-.Ltmp3, $3  }
0x22: {  	[spmem:s30] =	stream.linear.scatter [tilespmem:s14], [sflag:$0x7], $0xC40, $0x38;
	[tilespmem:$0x1DC40] =	vst v63  }
0x23: {  	s0 =	sadd.s32 $0x3100, s0;
	_ =	sdelay $0x1  }
0x24: {  	_ =	swait.ge [sflag:s15], $0xC40  }
.Ltmp4:
0x25: {  	(pc) =	sbr.rel @p0 .LBB2_10-.Ltmp4, $3  }
0x26: {  	[sflag:s15] =	ssyncset.done $0x0  }
0x27: {  	[sflag:s15] =	ssyncadd.s32 $0xFFFFF3C0  }
0x28: {  	[bflag:$0x0] =	sbarrier.arrive $0xFFFF;
	_ =	sdelay $0x1  }
0x29: {  	[tilespmem:s3], [sflag:$0x7] =	stream.linear.gather [hbm4b:s5+s3], $0x200, $0x38;
	[tilespmem:$0x1DC40] =	vst v63  }
0x2a: {  	_ =	swait.ge [sflag:s15], $0x200  }
0x2b: {  	[sflag:s15] =	ssyncset.done $0x0  }
0x2c: {  	[sflag:s15] =	ssyncadd.s32 $0xFFFFFE00  }
0x2d: {  	[tilespmem:s16], [sflag:$0x7] =	stream.linear.gather [hbm4b:s6+s3], $0x200, $0x38;
	[tilespmem:$0x1DC40] =	vst v63  }
0x2e: {  	_ =	swait.ge [sflag:s15], $0x200  }
0x2f: {  	[sflag:s15] =	ssyncset.done $0x0  }
0x30: {  	[sflag:s15] =	ssyncadd.s32 $0xFFFFFE00  }
0x31: {  	[tilespmem:s18], [sflag:$0x3] =	stream.indirect.gather [hbm4b:s4+s17], $0x10, s3, s17, $0xb8;
	[tilespmem:$0x1DC40] =	vst v63  }
0x32: {  	_ = 	snop  }
0x33: {  	[tilespmem:s17], [sflag:$0x2] =	stream.linear.gather [hbm4b:s9+s3], $0x200, $0x38;
	[tilespmem:$0x1DC40] =	vst v63  }
0x34: {  	_ = 	snop  }
0x35: {  	[tilespmem:s19], [sflag:$0x2] =	stream.linear.gather [hbm4b:s10+s3], $0x200, $0x38;
	[tilespmem:$0x1DC40] =	vst v63  }
0x36: {  	_ =	swait.ge [sflag:s20], $0x2000  }
0x37: {  	[sflag:s20] =	ssyncset.done $0x0  }
0x38: {  	[sflag:s20] =	ssyncadd.s32 $0xFFFFE000  }
0x39: {  	_ =	swait.ge [sflag:s21], $0x200  }
0x3a: {  	[sflag:s21] =	ssyncset.done $0x0  }
0x3b: {  	[sflag:s21] =	ssyncadd.s32 $0xFFFFFE00  }
0x3c: {  	_ =	swait.ge [sflag:s21], $0x200  }
0x3d: {  	[sflag:s21] =	ssyncset.done $0x0  }
0x3e: {  	[sflag:s21] =	ssyncadd.s32 $0xFFFFFE00  }
0x3f: {  	[tilespmem:s22], [sflag:$0x4] =	stream.indirect.gather [hbm4b:s4+s17], $0x10, s17, s17, $0xb8;
	[tilespmem:$0x1DC40] =	vst v63  }
0x40: {  	_ = 	snop  }
0x41: {  	[spmem:s2] =	stream.indirect.scatter.add.f32 [tilespmem:s18], [sflag:$0x5], $0x10, s16, s17, $0xb8;
	[tilespmem:$0x1DC40] =	vst v63  }
0x42: {  	_ =	swait.ge [sflag:s23], $0x2000  }
0x43: {  	[sflag:s23] =	ssyncset.done $0x0  }
0x44: {  	[sflag:s23] =	ssyncadd.s32 $0xFFFFE000  }
0x45: {  	[tilespmem:s3], [sflag:$0x1] =	stream.linear.gather [hbm4b:s11+s3], $0x200, $0x38;
	[tilespmem:$0x1DC40] =	vst v63  }
0x46: {  	_ = 	snop  }
0x47: {  	[tilespmem:s16], [sflag:$0x1] =	stream.linear.gather [hbm4b:s12+s3], $0x200, $0x38;
	[tilespmem:$0x1DC40] =	vst v63  }
0x48: {  	_ =	swait.ge [sflag:s24], $0x2000  }
0x49: {  	[sflag:s24] =	ssyncset.done $0x0  }
0x4a: {  	[sflag:s24] =	ssyncadd.s32 $0xFFFFE000  }
0x4b: {  	_ =	swait.ge [sflag:s26], $0x200  }
0x4c: {  	[sflag:s26] =	ssyncset.done $0x0  }
0x4d: {  	[sflag:s26] =	ssyncadd.s32 $0xFFFFFE00  }
0x4e: {  	_ =	swait.ge [sflag:s26], $0x200  }
0x4f: {  	[sflag:s26] =	ssyncset.done $0x0  }
0x50: {  	[sflag:s26] =	ssyncadd.s32 $0xFFFFFE00  }
0x51: {  	[tilespmem:s18], [sflag:$0x3] =	stream.indirect.gather [hbm4b:s4+s17], $0x10, s3, s17, $0xb8;
	[tilespmem:$0x1DC40] =	vst v63  }
0x52: {  	s30 =	simm.s32 $0xFFFFD000  }
0x53: {  	[spmem:s2] =	stream.indirect.scatter.add.f32 [tilespmem:s22], [sflag:$0x6], $0x10, s19, s17, $0xb8;
	[tilespmem:$0x1DC40] =	vst v63  }
.LBB2_7:
0x54: {  	_ =	swait.ge [sflag:s28], $0x2000  }
0x55: {  	s31 =	sadd.s32 s30, s5;
	[sflag:s28] =	ssyncset.done $0x0  }
0x56: {  	s0 =	sadd.s32 $0x30C0, s31;
	[sflag:s28] =	ssyncadd.s32 $0xFFFFE000  }
0x57: {  	[tilespmem:s17], [sflag:$0x2] =	stream.linear.gather [hbm4b:s0+s3], $0x200, $0x38;
	[tilespmem:$0x1DC40] =	vst v63  }
0x58: {  	s0 =	sadd.s32 s30, s6  }
0x59: {  	s1 =	sadd.s32 $0x30C0, s0  }
0x5a: {  	[tilespmem:s19], [sflag:$0x2] =	stream.linear.gather [hbm4b:s1+s3], $0x200, $0x38;
	[tilespmem:$0x1DC40] =	vst v63  }
0x5b: {  	_ =	swait.ge [sflag:s20], $0x2000  }
0x5c: {  	[sflag:s20] =	ssyncset.done $0x0  }
0x5d: {  	[sflag:s20] =	ssyncadd.s32 $0xFFFFE000  }
0x5e: {  	_ =	swait.ge [sflag:s21], $0x200  }
0x5f: {  	[sflag:s21] =	ssyncset.done $0x0  }
0x60: {  	[sflag:s21] =	ssyncadd.s32 $0xFFFFFE00  }
0x61: {  	_ =	swait.ge [sflag:s21], $0x200  }
0x62: {  	[sflag:s21] =	ssyncset.done $0x0  }
0x63: {  	p1 =	seq.s32 s30, $0x0;
	[sflag:s21] =	ssyncadd.s32 $0xFFFFFE00  }
0x64: {  	[tilespmem:s22], [sflag:$0x4] =	stream.indirect.gather [hbm4b:s4+s17], $0x10, s17, s17, $0xb8;
	[tilespmem:$0x1DC40] =	vst v63  }
.Ltmp5:
0x65: {  	_ = 	snop;
	(pc) =	sbr.rel @p1 .LBB2_9-.Ltmp5, $4  }
0x66: {  	[spmem:s2] =	stream.indirect.scatter.add.f32 [tilespmem:s18], [sflag:$0x5], $0x10, s16, s17, $0xb8;
	[tilespmem:$0x1DC40] =	vst v63  }
0x67: {  	_ =	swait.ge [sflag:s23], $0x2000  }
0x68: {  	[sflag:s23] =	ssyncset.done $0x0  }
0x69: {  	[sflag:s23] =	ssyncadd.s32 $0xFFFFE000  }
0x6a: {  	s1 =	sadd.s32 $0x3100, s31  }
0x6b: {  	[tilespmem:s3], [sflag:$0x1] =	stream.linear.gather [hbm4b:s1+s3], $0x200, $0x38;
	[tilespmem:$0x1DC40] =	vst v63  }
0x6c: {  	s0 =	sadd.s32 $0x3100, s0  }
0x6d: {  	[tilespmem:s16], [sflag:$0x1] =	stream.linear.gather [hbm4b:s0+s3], $0x200, $0x38;
	[tilespmem:$0x1DC40] =	vst v63  }
0x6e: {  	_ =	swait.ge [sflag:s24], $0x2000  }
0x6f: {  	[sflag:s24] =	ssyncset.done $0x0  }
0x70: {  	[sflag:s24] =	ssyncadd.s32 $0xFFFFE000  }
0x71: {  	_ =	swait.ge [sflag:s26], $0x200  }
0x72: {  	[sflag:s26] =	ssyncset.done $0x0  }
0x73: {  	[sflag:s26] =	ssyncadd.s32 $0xFFFFFE00  }
0x74: {  	_ =	swait.ge [sflag:s26], $0x200  }
.Ltmp6:
0x75: {  	[sflag:s26] =	ssyncset.done $0x0;
	(pc) =	sbr.rel .LBB2_7-.Ltmp6, $4  }
0x76: {  	[sflag:s26] =	ssyncadd.s32 $0xFFFFFE00  }
0x77: {  	[tilespmem:s18], [sflag:$0x3] =	stream.indirect.gather [hbm4b:s4+s17], $0x10, s3, s17, $0xb8;
	[tilespmem:$0x1DC40] =	vst v63  }
0x78: {  	s30 =	sadd.s32 $0x80, s30  }
0x79: {  	[spmem:s2] =	stream.indirect.scatter.add.f32 [tilespmem:s22], [sflag:$0x6], $0x10, s19, s17, $0xb8;
	[tilespmem:$0x1DC40] =	vst v63  }
.LBB2_9:
0x7a: {  	_ =	swait.ge [sflag:s24], $0x2000  }
0x7b: {  	[sflag:s24] =	ssyncset.done $0x0  }
0x7c: {  	[sflag:s24] =	ssyncadd.s32 $0xFFFFE000  }
0x7d: {  	[spmem:s2] =	stream.indirect.scatter.add.f32 [tilespmem:s22], [sflag:$0x6], $0x10, s19, s17, $0xb8;
	[tilespmem:$0x1DC40] =	vst v63  }
0x7e: {  	_ =	swait.ge [sflag:s28], $0x2000  }
0x7f: {  	s0 =	stileid.u32;
	[sflag:s28] =	ssyncset.done $0x0  }
0x80: {  	s0 =	sshll.u32 s0, $0x6;
	[sflag:s28] =	ssyncadd.s32 $0xFFFFE000  }
.Ltmp7:
0x81: {  	s0 =	sor.u32 $0x1C07, s0;
	[bflag:$0x0] =	sbarrier.arrive $0xFFFF;
	(pc) =	sbr.rel .LBB2_11-.Ltmp7, $4  }
0x82: {  	[hbm:s7], [sflag:s0] =	dma.local [spmem:s25], $0x3100  }
0x83: {  	_ =	swait.ge [sflag:s15], $0x3100  }
0x84: {  	[sflag:s15] =	ssyncset.done $0x0  }
0x85: {  	[sflag:s15] =	ssyncadd.s32 $0xFFFFCF00  }
.LBB2_12:
0x86: {  	_ =	sfence.sel $0x180000  }
0x87: {  	[bflag:$0x0] =	sbarrier.arrive $0xFFFF  }
0x88: {  	_ =	strace $0x90000047  }
0x89: {  	s0 =	stileid.u32;
	[bflag:$0x2] =	sbarrier.arrive $0xFFFF  }
0x8a: {  	p0 =	sne.s32 s0, $0x0;
	s0 =	rddreg [dreg:$0x2]  }
0x8b: {  	s0 =	sadd.s32 @!p0 $0x100000, s0  }
0x8c: {  	[sflag:s0] =	ssyncadd.tile.s32 @!p0 $0x1;
	_ =	shalt  }
.Lfunc_end2:
_tile_overlayer_lowered:
.L_overlay_start_2:
0x8d: {  	(tag) =	ssettag $0x2  }
0x8e: {  	s0 =	rddreg [dreg:$0x0];
	s2 =	stileid.u32  }
0x8f: {  	s1 =	rddreg [dreg:$0x1];
	p0 =	sne.s32 s2, $0x0  }
0x90: {  	s3 =	rddreg [dreg:$0x2];
	[bflag:$0x3] =	sbarrier.arrive $0xFFFF;
	s2 =	simm.s32 @!p0 $0x1C07  }
0x91: {  	[timem:s3], [sflag:s2] =	dma.local @!p0 [hbm:s0], s1  }
0x92: {  	s0 =	simm.s32 @!p0 $0x7  }
0x93: {  	_ =	swait.ge @!p0 [sflag:s0], s1  }
0x94: {  	s1 =	ssub.s32 @!p0 $0x0, s1;
	[sflag:s0] =	ssyncset.done @!p0 $0x0  }
0x95: {  	[sflag:s0] =	ssyncadd.s32 @!p0 s1  }
0x96: {  	[bflag:$0x3] =	sbarrier.arrive $0xFFFF  }
0x97: {  	_ =	shalt  }

// kernel: kernel.15.cloned.1.call-start
scs
__scs_entry_jumppad:
0x0: {  	(pc) =	sbr.rel $0x88, $3  }
0x1: {  	(tag) =	ssettag $0x0;
	lr =	simm.s32 $0x1  }
0x2: {  	[smem:$0x3F84] =	sst lr;
	_ =	strace $0xD0000000  }
0x3: {  	_ = 	snop  }
0x4: {  	_ = 	snop  }
0x5: {  	_ = 	snop  }
0x6: {  	_ = 	snop  }
0x7: {  	_ = 	snop  }
__scs_overlays_trampoline_lowered:
0x8: {  	[smem:$0x3F93] =	sst s0  }
0x9: {  	[smem:$0x3F94] =	sst s1  }
0xa: {  	[smem:$0x3F95] =	sst s2  }
0xb: {  	[smem:$0x3F96] =	sst s3  }
0xc: {  	[smem:$0x3F97] =	sst s4  }
0xd: {  	[smem:$0x3F98] =	sst s5  }
0xe: {  	[smem:$0x3F99] =	sst s6  }
0xf: {  	[smem:$0x3F9A] =	sst s7  }
0x10: {  	[smem:$0x3F9B] =	sst s8  }
0x11: {  	[smem:$0x3F9C] =	sst s9;
	s0 =	simm.s32 @!p0 $0x0  }
0x12: {  	s1 =	sld [smem:$0x3F82];
	s0 =	simm.s32 @p0 $0x1  }
0x13: {  	[smem:$0x3F9D] =	sst s0;
	s0 =	simm.s32 @!p1 $0x0  }
0x14: {  	s2 =	sld [smem:$0x3F81];
	s0 =	simm.s32 @p1 $0x1  }
0x15: {  	[smem:$0x3F9E] =	sst s0;
	s0 =	simm.s32 @!p2 $0x0  }
0x16: {  	s3 =	sld [smem:$0x3FDB];
	s0 =	simm.s32 @p2 $0x1  }
0x17: {  	s4 =	simm.s32 $0x1BF5;
	[smem:$0x3FA0] =	sst s0  }
0x18: {  	s0 =	sld [smem:$0x3F83];
	_ =	swait.ge [sflag:s4], $0x0  }
0x19: {  	s7 =	sld [smem:$0x3F84]  }
0x1a: {  	s8 =	sadd.s32 $0xFFFFE003, lr  }
0x1b: {  	s9 =	sadd.s32 $0xFFFFFEF7, lr;
	s5 =	simm.s32 $0xFFFFFFFF;
	p2 =	slt.u32 s8, $0xFFFFF086  }
0x1c: {  	p1 =	slt.u32 s9, $0xF7A;
	s5 =	simm.s32 @!p2 $0x0  }
0x1d: {  	s5 =	simm.s32 @p1 $0x1;
	p0 =	seq.s32 s7, s2  }
0x1e: {  	s7 =	smul.u32 @!p0 $0xF7A, s2;
	p2 =	seq.s32 @!p0 s5, $0x0  }
0x1f: {  	s9 =	smul.u32 $0xF7A, s1;
	s8 =	simm.s32 @!p0 $0x1BF5;
	p2 =	por !p2, p0  }
0x20: {  	[sflag:s8] =	ssyncset.s32 @!p0 $0xFFFFF086;
	s6 =	sadd.s32 @!p0 s3, s7;
	s7 =	simm.s32 @!p0 $0x108  }
0x21: {  	s3 =	sadd.s32 s3, s9;
	s6 =	sadd.s32 @!p0 $0x88, s6;
	s7 =	simm.s32 @p2 $0x1082  }
0x22: {  	[simem:s7], [sflag:s8] =	dma.local @!p0 [hbm:s6], $0xF7A  }
0x23: {  	s9 =	sor.u32 $0xD0000000, s2;
	s6 =	simm.s32 $0x108;
	_ =	swait.ge @!p0 [sflag:s8], $0x0  }
0x24: {  	s3 =	sadd.s32 $0x88, s3;
	s6 =	simm.s32 @!p1 $0x1082;
	[sflag:s4] =	ssyncset.s32 $0xFFFFF086  }
0x25: {  	[simem:s6], [sflag:s4] =	dma.local [hbm:s3], $0xF7A  }
0x26: {  	[smem:$0x3F84] =	sst s1;
	(tag) =	ssettag s2;
	_ =	strace s9  }
0x27: {  	s1 =	sld [smem:$0x3F94]  }
0x28: {  	s2 =	sld [smem:$0x3F95]  }
0x29: {  	s4 =	sld [smem:$0x3F97]  }
0x2a: {  	p0 =	seq.s32 s5, $0x0;
	s5 =	sld [smem:$0x3F98]  }
0x2b: {  	s6 =	sld [smem:$0x3F99]  }
0x2c: {  	s7 =	sld [smem:$0x3F9A]  }
0x2d: {  	s3 =	simm.s32 $0x108;
	s8 =	sld [smem:$0x3F9B]  }
0x2e: {  	s3 =	simm.s32 @!p0 $0x1082;
	s9 =	sld [smem:$0x3F9C]  }
0x2f: {  	lr =	sadd.s32 s0, s3;
	s0 =	sld [smem:$0x3F93]  }
0x30: {  	s3 =	sld [smem:$0x3F96]  }
0x31: {  	[smem:$0x3F9F] =	sst s10  }
0x32: {  	s10 =	sld [smem:$0x3F9D];
	_ =	sdelay $0x3  }
0x33: {  	p0 =	seq.s32 s10, $0x1;
	s10 =	sld [smem:$0x3F9F];
	_ =	sdelay $0x3  }
0x34: {  	[smem:$0x3F9F] =	sst s10  }
0x35: {  	s10 =	sld [smem:$0x3F9E];
	_ =	sdelay $0x3  }
0x36: {  	p1 =	seq.s32 s10, $0x1;
	s10 =	sld [smem:$0x3F9F];
	_ =	sdelay $0x3  }
0x37: {  	[smem:$0x3F9F] =	sst s10  }
0x38: {  	s10 =	sld [smem:$0x3FA0]  }
0x39: {  	_ = 	snop;
	(pc) =	sbr.ind lr, $3  }
0x3a: {  	_ = 	snop  }
0x3b: {  	_ = 	snop  }
0x3c: {  	p2 =	seq.s32 s10, $0x1;
	s10 =	sld [smem:$0x3F9F]  }
0x3d: {  	_ =	shalt  }
0x3e: {  	_ =	shalt  }
0x3f: {  	_ =	shalt  }
0x40: {  	_ =	shalt  }
0x41: {  	_ =	shalt  }
0x42: {  	_ =	shalt  }
0x43: {  	_ =	shalt  }
0x44: {  	_ =	shalt  }
0x45: {  	_ =	shalt  }
0x46: {  	_ =	shalt  }
0x47: {  	_ =	shalt  }
0x48: {  	_ =	shalt  }
0x49: {  	_ =	shalt  }
0x4a: {  	_ =	shalt  }
0x4b: {  	_ =	shalt  }
0x4c: {  	_ =	shalt  }
0x4d: {  	_ =	shalt  }
0x4e: {  	_ =	shalt  }
0x4f: {  	_ =	shalt  }
0x50: {  	_ =	shalt  }
0x51: {  	_ =	shalt  }
0x52: {  	_ =	shalt  }
0x53: {  	_ =	shalt  }
0x54: {  	_ =	shalt  }
0x55: {  	_ =	shalt  }
0x56: {  	_ =	shalt  }
0x57: {  	_ =	shalt  }
0x58: {  	_ =	shalt  }
0x59: {  	_ =	shalt  }
0x5a: {  	_ =	shalt  }
0x5b: {  	_ =	shalt  }
0x5c: {  	_ =	shalt  }
0x5d: {  	_ =	shalt  }
0x5e: {  	_ =	shalt  }
0x5f: {  	_ =	shalt  }
0x60: {  	_ =	shalt  }
0x61: {  	_ =	shalt  }
0x62: {  	_ =	shalt  }
0x63: {  	_ =	shalt  }
0x64: {  	_ =	shalt  }
0x65: {  	_ =	shalt  }
0x66: {  	_ =	shalt  }
0x67: {  	_ =	shalt  }
0x68: {  	_ =	shalt  }
0x69: {  	_ =	shalt  }
0x6a: {  	_ =	shalt  }
0x6b: {  	_ =	shalt  }
0x6c: {  	_ =	shalt  }
0x6d: {  	_ =	shalt  }
0x6e: {  	_ =	shalt  }
0x6f: {  	_ =	shalt  }
0x70: {  	_ =	shalt  }
0x71: {  	_ =	shalt  }
0x72: {  	_ =	shalt  }
0x73: {  	_ =	shalt  }
0x74: {  	_ =	shalt  }
0x75: {  	_ =	shalt  }
0x76: {  	_ =	shalt  }
0x77: {  	_ =	shalt  }
0x78: {  	_ =	shalt  }
0x79: {  	_ =	shalt  }
0x7a: {  	_ =	shalt  }
0x7b: {  	_ =	shalt  }
0x7c: {  	_ =	shalt  }
0x7d: {  	_ =	shalt  }
0x7e: {  	_ =	shalt  }
0x7f: {  	_ =	shalt  }
0x80: {  	_ =	shalt  }
0x81: {  	_ =	shalt  }
0x82: {  	_ =	shalt  }
0x83: {  	_ =	shalt  }
0x84: {  	_ =	shalt  }
0x85: {  	_ =	shalt  }
0x86: {  	_ =	shalt  }
0x87: {  	_ =	shalt  }
.Lfunc_end0:
.L_simem_size_0:
called_computation.1_lowered:
.L_overlay_start_0:
0x88: {  	s2 =	sld [smem:$0x3FD9]  }
0x89: {  	s3 =	sld [smem:$0x3FFE];
	_ =	sdelay $0x1  }
0x8a: {  	s1 =	srdreg.scid  }
0x8b: {  	s0 =	sand.u32 $0x1, s1  }
0x8c: {  	s16 =	sshll.u32 s0, $0xA;
	s2 =	sadd.s32 s3, s2  }
0x8d: {  	s2 =	sadd.s32 s2, s16  }
0x8e: {  	[smem:$0x3FAB] =	sst s2  }
0x8f: {  	_ = 	snop  }
0x90: {  	(tm) =	ssettm $0x1  }
0x91: {  	s17 =	sld [smem:$0x3FFB];
	_ =	sdelay $0x3  }
0x92: {  	_ =	strace s17  }
0x93: {  	s2 =	sld [smem:$0x3FFC];
	_ =	sdelay $0x3  }
0x94: {  	_ =	strace s2  }
0x95: {  	s2 =	sld [smem:$0x3FFD];
	_ =	sdelay $0x3  }
0x96: {  	_ =	strace s2  }
0x97: {  	_ =	strace $0x8FFFFFFF  }
0x98: {  	s18 =	sld [smem:$0x3FDB];
	_ =	sdelay $0x1  }
0x99: {  	s19 =	simm.s32 $_scs_section_size  }
0x9a: {  	s4 =	simm.s32 $_size__tile_overlayer_lowered;
	s5 =	simm.s32 $_tile_overlayer_lowered  }
0x9b: {  	s22 =	simm.s32 $0x1BFF;
	s21 =	sshll.u32 s5, $0x1;
	s2 =	sadd.s32 s19, s18  }
0x9c: {  	s6 =	simm.s32 $0x0;
	s20 =	sshll.u32 s4, $0x1;
	s4 =	sadd.s32 s21, s2  }
0x9d: {  	[timem:s6], [sflag:s22] =	dma.local [hbm:s4], s20  }
0x9e: {  	_ =	swait.ge [sflag:s22], s20  }
0x9f: {  	s3 =	ssub.s32 $0x0, s20;
	[sflag:s22] =	ssyncset.done $0x0  }
0xa0: {  	[sflag:s22] =	ssyncadd.s32 s3;
	_ =	sdelay $0x1  }
0xa1: {  	s23 =	simm.s32 $0x1B8B  }
0xa2: {  	_ =	swait.ge [sflag:s23], $0x1  }
0xa3: {  	[sflag:s23] =	ssyncset.done $0x0  }
0xa4: {  	s25 =	simm.s32 $0x1B8E;
	s24 =	sld [smem:$0x3FFE];
	[sflag:s23] =	ssyncadd.s32 $0xFFFFFFFF  }
0xa5: {  	s26 =	simm.s32 $execute0_lowered;
	[smem:$0x3FD2] =	sst s25  }
0xa6: {  	s4 =	sshll.u32 s26, $0x1;
	_ =	strace $0x80000049;
	[dreg:$0x1] =	wrdreg $0xFFFFFFFF  }
0xa7: {  	s28 =	simm.s32 $_size_execute0_lowered;
	s2 =	sadd.s32 s2, s4;
	[dreg:$0x0] =	wrdreg $0x0  }
0xa8: {  	s4 =	sshll.u32 s28, $0x1;
	[dreg:$0x2] =	wrdreg s2  }
0xa9: {  	[dreg:$0x3] =	wrdreg s4  }
0xaa: {  	[dreg:$0x4] =	wrdreg $0xC0  }
0xab: {  	_ =	task [dreg:s6], $0x5FFFF  }
0xac: {  	[dreg:$0x1] =	wrdreg $0xFFFFFFFF  }
0xad: {  	[dreg:$0x0] =	wrdreg $0x60  }
0xae: {  	[dreg:$0x2] =	wrdreg s24  }
0xaf: {  	[dreg:$0x3] =	wrdreg $0x54400  }
0xb0: {  	[dreg:$0x4] =	wrdreg $0x9  }
0xb1: {  	_ =	task.clear_ibuf [dreg:s6], $0x5FFFF;
	_ =	strace $0x90000049  }
0xb2: {  	s29 =	simm.s32 $0x9;
	_ =	strace $0x8000004B  }
0xb3: {  	_ =	swait.ge [sflag:s29], $0x1  }
0xb4: {  	[sflag:s29] =	ssyncadd.s32 $0xFFFFFFFF  }
0xb5: {  	_ =	strace $0x9000004B  }
0xb6: {  	_ =	sfence  }
0xb7: {  	s30 =	sld [smem:$0x0];
	_ =	sdelay $0x2  }
0xb8: {  	s31 =	sshll.u32 s1, $0xD;
	s1 =	sshrl.u32 s1, $0x2  }
0xb9: {  	s3 =	sand.u32 $0x4000, s31;
	s1 =	sadd.s32 s1, s30  }
0xba: {  	s0 =	sor.u32 s3, s0;
	s1 =	sshll.u32 s1, $0x11  }
0xbb: {  	s0 =	sor.u32 s1, s0  }
0xbc: {  	s0 =	sadd.s32 $0x8F2B, s0  }
0xbd: {  	[sflag:s0] =	ssyncadd.remote.s32 $0x1  }
0xbe: {  	_ =	sfence.sel $0xFFFF  }
0xbf: {  	[dreg:$0x0] =	wrdreg $0xFFFFFFFF;
	(pc) =	sbr.abs _section_cstart, $3  }
0xc0: {  	[dreg:$0x1] =	wrdreg $0xFFFFFFFF  }
0xc1: {  	_ =	task.clear_ibuf [dreg:s6], $0x2FFFF;
	_ =	strace $0x9FFFFFFF  }
0xc2: {  	(tm) =	ssettm $0x7FFFFFFF  }
0xc3: {  	_ =	shalt  }
tec
execute0_lowered:
.L_overlay_start_1:
0x0: {  	(tag) =	ssettag $0x1  }
0x1: {  	s0 =	rddreg [dreg:$0x0]  }
0x2: {  	s1 =	rddreg [dreg:$0x1]  }
0x3: {  	s2 =	simm.s32 $0x0;
	s4 =	srdreg.scid;
	s10 =	stileid.u32  }
0x4: {  	s17 =	simm.s32 $0x4800;
	s18 =	simm.s32 $0x7;
	s19 =	simm.s32 $0x400  }
0x5: {  	s20 =	simm.s32 $0x200;
	s21 =	simm.s32 $0x800;
	s28 =	simm.s32 $0x5  }
0x6: {  	s29 =	simm.s32 $0x4;
	s30 =	simm.s32 $0x1;
	s31 =	simm.s32 $0x6  }
0x7: {  	[smem:$0x7FF] =	sst s2;
	s3 =	sadd.s32 $0x37800, s0;
	s6 =	sadd.s32 $0x6800, s0  }
0x8: {  	s7 =	sand.u32 $0x1, s4;
	s4 =	sadd.s32 $0x99800, s0;
	s13 =	smul.u32 $0x3100, s10  }
0x9: {  	s5 =	sadd.s32 $0x68800, s0;
	s11 =	smul.u32 $0x18800, s10;
	s12 =	sadd.s32 $0xFB800, s0  }
0xa: {  	s0 =	sadd.s32 $0xCA800, s0;
	_ =	strace $0x8000004A;
	[dreg:$0x3] =	wrdreg s12  }
0xb: {  	s15 =	smul.u32 $0x62000, s10;
	s8 =	ssub.s32 $0x2, s7;
	[dreg:$0x4] =	wrdreg s0  }
0xc: {  	p0 =	sne.s32 s7, $0x0;
	s0 =	simm.s32 $0x0;
	s9 =	sshrl.u32 s8, $0x1  }
0xd: {  	s23 =	sshrl.u32 s11, $0x3;
	s25 =	sadd.s32 s11, s1;
	s14 =	sor.u32 $0x40, s13  }
0xe: {  	s24 =	sor.u32 $0x80, s13;
	s26 =	sshrl.u32 s15, $0x2;
	s22 =	ssub.s32 s8, s9  }
.Ltmp0:
0xf: {  	s8 =	sadd.s32 s3, s13;
	s9 =	sadd.s32 s6, s13;
	(pc) =	sbr.rel .LBB2_1-.Ltmp0, $4  }
0x10: {  	[dreg:$0x5] =	wrdreg s23;
	s12 =	sadd.s32 s3, s14;
	s13 =	sadd.s32 s6, s14  }
0x11: {  	s14 =	sadd.s32 s3, s24;
	s15 =	sadd.s32 s6, s24;
	s16 =	sadd.s32 s26, s1  }
0x12: {  	s23 =	simm.s32 $0x3;
	s24 =	simm.s32 $0x2;
	s25 =	sshrl.u32 s25, $0x3  }
0x13: {  	v0 =	vimm.f32 $0.0e+00;
	s26 =	simm.s32 $0x2800;
	s11 =	smax.u32 s22, $0x1;
	s22 =	simm.s32 $0x600  }
.LBB2_12:
0x14: {  	s3 =	rddreg [dreg:$0x4]  }
.LBB2_13:
0x15: {  	_ =	swait.ge [sflag:s29], $0x2000  }
0x16: {  	[sflag:s29] =	ssyncset.done $0x0  }
0x17: {  	[sflag:s29] =	ssyncadd.s32 $0xFFFFE000  }
0x18: {  	[spmem:s1] =	stream.indirect.scatter.add.f32 [tilespmem:s26], [sflag:$0x6], $0x10, s22, s20, $0xb8;
	[tilespmem:$0x1DC40] =	vst v63  }
0x19: {  	s6 =	stileid.u32;
	s0 =	sadd.s32 $0x1, s0;
	_ =	swait.ge [sflag:s31], $0x2000  }
0x1a: {  	s6 =	sshll.u32 s6, $0x6;
	p1 =	sne.s32 s0, s11;
	[sflag:s31] =	ssyncset.done $0x0  }
0x1b: {  	s6 =	sor.u32 $0x1C07, s6;
	s7 =	rddreg [dreg:$0x5];
	[sflag:s31] =	ssyncadd.s32 $0xFFFFE000  }
.Ltmp1:
0x1c: {  	s3 =	sadd.s32 s3, s7;
	[bflag:$0x0] =	sbarrier.arrive $0xFFFF;
	(pc) =	sbr.rel @!p1 .LBB2_14-.Ltmp1, $4  }
0x1d: {  	[hbm:s3], [sflag:s6] =	dma.local [spmem:s25], $0x3100  }
0x1e: {  	_ =	swait.ge [sflag:s18], $0x3100  }
0x1f: {  	[sflag:s18] =	ssyncset.done $0x0  }
0x20: {  	[sflag:s18] =	ssyncadd.s32 $0xFFFFCF00  }
.LBB2_1:
0x21: {  	s3 =	simm.s32 $0x0  }
.LBB2_2:
0x22: {  	p1 =	sne.s32 s3, $0x30C0  }
.Ltmp2:
0x23: {  	_ = 	snop;
	(pc) =	sbr.rel @p1 .LBB2_2-.Ltmp2, $3  }
0x24: {  	_ =	sdelay $0x1  }
0x25: {  	s6 =	sshra.s32 s3, $0x2  }
0x26: {  	s3 =	sadd.s32 $0x40, s3;
	[tilespmem:s6+$0x4800] =	vst v0  }
0x27: {  	s3 =	sadd.s32 $0x0, s16  }
0x28: {  	[spmem:s3] =	stream.linear.scatter [tilespmem:s17], [sflag:$0x7], $0xC40, $0x38;
	[tilespmem:$0x1DC40] =	vst v63  }
0x29: {  	s3 =	simm.s32 $0x3100;
	_ =	swait.ge [sflag:s18], $0xC40  }
.LBB2_4:
0x2a: {  	s6 =	sshra.s32 s3, $0x2;
	[sflag:s18] =	ssyncset.done $0x0;
	p1 =	sne.s32 s3, $0x5EF00  }
.Ltmp3:
0x2b: {  	s6 =	sadd.s32 s6, s16;
	[sflag:s18] =	ssyncadd.s32 $0xFFFFF3C0;
	(pc) =	sbr.rel @p1 .LBB2_4-.Ltmp3, $3  }
0x2c: {  	[spmem:s6] =	stream.linear.scatter [tilespmem:s17], [sflag:$0x7], $0xC40, $0x38;
	[tilespmem:$0x1DC40] =	vst v63  }
0x2d: {  	s3 =	sadd.s32 $0x3100, s3;
	_ =	sdelay $0x1  }
0x2e: {  	_ =	swait.ge [sflag:s18], $0xC40  }
0x2f: {  	[sflag:s18] =	ssyncset.done $0x0  }
0x30: {  	[sflag:s18] =	ssyncadd.s32 $0xFFFFF3C0  }
0x31: {  	[bflag:$0x0] =	sbarrier.arrive $0xFFFF  }
0x32: {  	[tilespmem:s2], [sflag:$0x7] =	stream.linear.gather [hbm4b:s8+s2], $0x200, $0x38;
	[tilespmem:$0x1DC40] =	vst v63  }
0x33: {  	_ =	swait.ge [sflag:s18], $0x200  }
0x34: {  	[sflag:s18] =	ssyncset.done $0x0  }
.Ltmp4:
0x35: {  	[sflag:s18] =	ssyncadd.s32 $0xFFFFFE00;
	(pc) =	sbr.rel @p0 .LBB2_10-.Ltmp4, $4  }
0x36: {  	[tilespmem:s19], [sflag:$0x7] =	stream.linear.gather [hbm4b:s9+s2], $0x200, $0x38;
	[tilespmem:$0x1DC40] =	vst v63  }
0x37: {  	_ =	swait.ge [sflag:s18], $0x200  }
0x38: {  	[sflag:s18] =	ssyncset.done $0x0  }
0x39: {  	[sflag:s18] =	ssyncadd.s32 $0xFFFFFE00  }
0x3a: {  	[tilespmem:s21], [sflag:$0x3] =	stream.indirect.gather [hbm4b:s4+s20], $0x10, s2, s20, $0xb8;
	[tilespmem:$0x1DC40] =	vst v63  }
0x3b: {  	_ = 	snop  }
0x3c: {  	[tilespmem:s20], [sflag:$0x2] =	stream.linear.gather [hbm4b:s12+s2], $0x200, $0x38;
	[tilespmem:$0x1DC40] =	vst v63  }
0x3d: {  	_ = 	snop  }
0x3e: {  	[tilespmem:s22], [sflag:$0x2] =	stream.linear.gather [hbm4b:s13+s2], $0x200, $0x38;
	[tilespmem:$0x1DC40] =	vst v63  }
0x3f: {  	_ =	swait.ge [sflag:s23], $0x2000  }
0x40: {  	[sflag:s23] =	ssyncset.done $0x0  }
0x41: {  	[sflag:s23] =	ssyncadd.s32 $0xFFFFE000  }
0x42: {  	_ =	swait.ge [sflag:s24], $0x200  }
0x43: {  	[sflag:s24] =	ssyncset.done $0x0  }
0x44: {  	[sflag:s24] =	ssyncadd.s32 $0xFFFFFE00  }
0x45: {  	_ =	swait.ge [sflag:s24], $0x200  }
0x46: {  	[sflag:s24] =	ssyncset.done $0x0  }
0x47: {  	[sflag:s24] =	ssyncadd.s32 $0xFFFFFE00  }
0x48: {  	[tilespmem:s26], [sflag:$0x4] =	stream.indirect.gather [hbm4b:s4+s20], $0x10, s20, s20, $0xb8;
	[tilespmem:$0x1DC40] =	vst v63  }
0x49: {  	_ = 	snop  }
0x4a: {  	[spmem:s1] =	stream.indirect.scatter.add.f32 [tilespmem:s21], [sflag:$0x5], $0x10, s19, s20, $0xb8;
	[tilespmem:$0x1DC40] =	vst v63  }
0x4b: {  	_ =	swait.ge [sflag:s28], $0x2000  }
0x4c: {  	[sflag:s28] =	ssyncset.done $0x0  }
0x4d: {  	[sflag:s28] =	ssyncadd.s32 $0xFFFFE000  }
0x4e: {  	[tilespmem:s2], [sflag:$0x1] =	stream.linear.gather [hbm4b:s14+s2], $0x200, $0x38;
	[tilespmem:$0x1DC40] =	vst v63  }
0x4f: {  	_ = 	snop  }
0x50: {  	[tilespmem:s19], [sflag:$0x1] =	stream.linear.gather [hbm4b:s15+s2], $0x200, $0x38;
	[tilespmem:$0x1DC40] =	vst v63  }
0x51: {  	_ =	swait.ge [sflag:s29], $0x2000  }
0x52: {  	[sflag:s29] =	ssyncset.done $0x0  }
0x53: {  	[sflag:s29] =	ssyncadd.s32 $0xFFFFE000  }
0x54: {  	_ =	swait.ge [sflag:s30], $0x200  }
0x55: {  	[sflag:s30] =	ssyncset.done $0x0  }
0x56: {  	[sflag:s30] =	ssyncadd.s32 $0xFFFFFE00  }
0x57: {  	_ =	swait.ge [sflag:s30], $0x200  }
0x58: {  	[sflag:s30] =	ssyncset.done $0x0  }
0x59: {  	[sflag:s30] =	ssyncadd.s32 $0xFFFFFE00  }
0x5a: {  	[tilespmem:s21], [sflag:$0x3] =	stream.indirect.gather [hbm4b:s4+s20], $0x10, s2, s20, $0xb8;
	[tilespmem:$0x1DC40] =	vst v63  }
0x5b: {  	s6 =	simm.s32 $0xFFFFD000  }
0x5c: {  	[spmem:s1] =	stream.indirect.scatter.add.f32 [tilespmem:s26], [sflag:$0x6], $0x10, s22, s20, $0xb8;
	[tilespmem:$0x1DC40] =	vst v63  }
.LBB2_7:
0x5d: {  	_ =	swait.ge [sflag:s31], $0x2000  }
0x5e: {  	s7 =	sadd.s32 s6, s8;
	[sflag:s31] =	ssyncset.done $0x0  }
0x5f: {  	s3 =	sadd.s32 $0x30C0, s7;
	[sflag:s31] =	ssyncadd.s32 $0xFFFFE000  }
0x60: {  	[tilespmem:s20], [sflag:$0x2] =	stream.linear.gather [hbm4b:s3+s2], $0x200, $0x38;
	[tilespmem:$0x1DC40] =	vst v63  }
0x61: {  	s3 =	sadd.s32 s6, s9  }
0x62: {  	s10 =	sadd.s32 $0x30C0, s3  }
0x63: {  	[tilespmem:s22], [sflag:$0x2] =	stream.linear.gather [hbm4b:s10+s2], $0x200, $0x38;
	[tilespmem:$0x1DC40] =	vst v63  }
0x64: {  	_ =	swait.ge [sflag:s23], $0x2000  }
0x65: {  	[sflag:s23] =	ssyncset.done $0x0  }
0x66: {  	[sflag:s23] =	ssyncadd.s32 $0xFFFFE000  }
0x67: {  	_ =	swait.ge [sflag:s24], $0x200  }
0x68: {  	[sflag:s24] =	ssyncset.done $0x0  }
0x69: {  	[sflag:s24] =	ssyncadd.s32 $0xFFFFFE00  }
0x6a: {  	_ =	swait.ge [sflag:s24], $0x200  }
0x6b: {  	[sflag:s24] =	ssyncset.done $0x0  }
0x6c: {  	p1 =	seq.s32 s6, $0x0;
	[sflag:s24] =	ssyncadd.s32 $0xFFFFFE00  }
0x6d: {  	[tilespmem:s26], [sflag:$0x4] =	stream.indirect.gather [hbm4b:s4+s20], $0x10, s20, s20, $0xb8;
	[tilespmem:$0x1DC40] =	vst v63  }
.Ltmp5:
0x6e: {  	_ = 	snop;
	(pc) =	sbr.rel @p1 .LBB2_8-.Ltmp5, $4  }
0x6f: {  	[spmem:s1] =	stream.indirect.scatter.add.f32 [tilespmem:s21], [sflag:$0x5], $0x10, s19, s20, $0xb8;
	[tilespmem:$0x1DC40] =	vst v63  }
0x70: {  	_ =	swait.ge [sflag:s28], $0x2000  }
0x71: {  	[sflag:s28] =	ssyncset.done $0x0  }
0x72: {  	[sflag:s28] =	ssyncadd.s32 $0xFFFFE000  }
0x73: {  	s7 =	sadd.s32 $0x3100, s7  }
0x74: {  	[tilespmem:s2], [sflag:$0x1] =	stream.linear.gather [hbm4b:s7+s2], $0x200, $0x38;
	[tilespmem:$0x1DC40] =	vst v63  }
0x75: {  	s3 =	sadd.s32 $0x3100, s3  }
0x76: {  	[tilespmem:s19], [sflag:$0x1] =	stream.linear.gather [hbm4b:s3+s2], $0x200, $0x38;
	[tilespmem:$0x1DC40] =	vst v63  }
0x77: {  	_ =	swait.ge [sflag:s29], $0x2000  }
0x78: {  	[sflag:s29] =	ssyncset.done $0x0  }
0x79: {  	[sflag:s29] =	ssyncadd.s32 $0xFFFFE000  }
0x7a: {  	_ =	swait.ge [sflag:s30], $0x200  }
0x7b: {  	[sflag:s30] =	ssyncset.done $0x0  }
0x7c: {  	[sflag:s30] =	ssyncadd.s32 $0xFFFFFE00  }
0x7d: {  	_ =	swait.ge [sflag:s30], $0x200  }
.Ltmp6:
0x7e: {  	[sflag:s30] =	ssyncset.done $0x0;
	(pc) =	sbr.rel .LBB2_7-.Ltmp6, $4  }
0x7f: {  	[sflag:s30] =	ssyncadd.s32 $0xFFFFFE00  }
0x80: {  	[tilespmem:s21], [sflag:$0x3] =	stream.indirect.gather [hbm4b:s4+s20], $0x10, s2, s20, $0xb8;
	[tilespmem:$0x1DC40] =	vst v63  }
0x81: {  	s6 =	sadd.s32 $0x80, s6  }
0x82: {  	[spmem:s1] =	stream.indirect.scatter.add.f32 [tilespmem:s26], [sflag:$0x6], $0x10, s22, s20, $0xb8;
	[tilespmem:$0x1DC40] =	vst v63  }
.LBB2_10:
0x83: {  	[tilespmem:s21], [sflag:$0x3] =	stream.indirect.gather [hbm4b:s5+s20], $0x10, s2, s20, $0xb8;
	[tilespmem:$0x1DC40] =	vst v63  }
0x84: {  	_ = 	snop  }
0x85: {  	[tilespmem:s20], [sflag:$0x2] =	stream.linear.gather [hbm4b:s12+s2], $0x200, $0x38;
	[tilespmem:$0x1DC40] =	vst v63  }
0x86: {  	_ = 	snop  }
0x87: {  	[tilespmem:s22], [sflag:$0x2] =	stream.linear.gather [hbm4b:s13+s2], $0x200, $0x38;
	[tilespmem:$0x1DC40] =	vst v63  }
0x88: {  	_ =	swait.ge [sflag:s23], $0x2000  }
0x89: {  	[sflag:s23] =	ssyncset.done $0x0  }
0x8a: {  	[sflag:s23] =	ssyncadd.s32 $0xFFFFE000  }
0x8b: {  	_ =	swait.ge [sflag:s24], $0x200  }
0x8c: {  	[sflag:s24] =	ssyncset.done $0x0  }
0x8d: {  	[sflag:s24] =	ssyncadd.s32 $0xFFFFFE00  }
0x8e: {  	_ =	swait.ge [sflag:s24], $0x200  }
0x8f: {  	[sflag:s24] =	ssyncset.done $0x0  }
0x90: {  	[sflag:s24] =	ssyncadd.s32 $0xFFFFFE00  }
0x91: {  	[tilespmem:s26], [sflag:$0x4] =	stream.indirect.gather [hbm4b:s5+s20], $0x10, s20, s20, $0xb8;
	[tilespmem:$0x1DC40] =	vst v63  }
0x92: {  	_ = 	snop  }
0x93: {  	[spmem:s1] =	stream.indirect.scatter.add.f32 [tilespmem:s21], [sflag:$0x5], $0x10, s19, s20, $0xb8;
	[tilespmem:$0x1DC40] =	vst v63  }
0x94: {  	_ =	swait.ge [sflag:s28], $0x2000  }
0x95: {  	[sflag:s28] =	ssyncset.done $0x0  }
0x96: {  	[sflag:s28] =	ssyncadd.s32 $0xFFFFE000  }
0x97: {  	[tilespmem:s2], [sflag:$0x1] =	stream.linear.gather [hbm4b:s14+s2], $0x200, $0x38;
	[tilespmem:$0x1DC40] =	vst v63  }
0x98: {  	_ = 	snop  }
0x99: {  	[tilespmem:s19], [sflag:$0x1] =	stream.linear.gather [hbm4b:s15+s2], $0x200, $0x38;
	[tilespmem:$0x1DC40] =	vst v63  }
0x9a: {  	_ =	swait.ge [sflag:s29], $0x2000  }
0x9b: {  	[sflag:s29] =	ssyncset.done $0x0  }
0x9c: {  	[sflag:s29] =	ssyncadd.s32 $0xFFFFE000  }
0x9d: {  	_ =	swait.ge [sflag:s30], $0x200  }
0x9e: {  	[sflag:s30] =	ssyncset.done $0x0  }
0x9f: {  	[sflag:s30] =	ssyncadd.s32 $0xFFFFFE00  }
0xa0: {  	_ =	swait.ge [sflag:s30], $0x200  }
0xa1: {  	[sflag:s30] =	ssyncset.done $0x0  }
0xa2: {  	[sflag:s30] =	ssyncadd.s32 $0xFFFFFE00  }
0xa3: {  	[tilespmem:s21], [sflag:$0x3] =	stream.indirect.gather [hbm4b:s5+s20], $0x10, s2, s20, $0xb8;
	[tilespmem:$0x1DC40] =	vst v63  }
0xa4: {  	s6 =	simm.s32 $0xFFFFD000  }
0xa5: {  	[spmem:s1] =	stream.indirect.scatter.add.f32 [tilespmem:s26], [sflag:$0x6], $0x10, s22, s20, $0xb8;
	[tilespmem:$0x1DC40] =	vst v63  }
.LBB2_11:
0xa6: {  	_ =	swait.ge [sflag:s31], $0x2000  }
0xa7: {  	s7 =	sadd.s32 s6, s8;
	[sflag:s31] =	ssyncset.done $0x0  }
0xa8: {  	s3 =	sadd.s32 $0x30C0, s7;
	[sflag:s31] =	ssyncadd.s32 $0xFFFFE000  }
0xa9: {  	[tilespmem:s20], [sflag:$0x2] =	stream.linear.gather [hbm4b:s3+s2], $0x200, $0x38;
	[tilespmem:$0x1DC40] =	vst v63  }
0xaa: {  	s3 =	sadd.s32 s6, s9  }
0xab: {  	s10 =	sadd.s32 $0x30C0, s3  }
0xac: {  	[tilespmem:s22], [sflag:$0x2] =	stream.linear.gather [hbm4b:s10+s2], $0x200, $0x38;
	[tilespmem:$0x1DC40] =	vst v63  }
0xad: {  	_ =	swait.ge [sflag:s23], $0x2000  }
0xae: {  	[sflag:s23] =	ssyncset.done $0x0  }
0xaf: {  	[sflag:s23] =	ssyncadd.s32 $0xFFFFE000  }
0xb0: {  	_ =	swait.ge [sflag:s24], $0x200  }
0xb1: {  	[sflag:s24] =	ssyncset.done $0x0  }
0xb2: {  	[sflag:s24] =	ssyncadd.s32 $0xFFFFFE00  }
0xb3: {  	_ =	swait.ge [sflag:s24], $0x200  }
0xb4: {  	[sflag:s24] =	ssyncset.done $0x0  }
0xb5: {  	p1 =	seq.s32 s6, $0x0;
	[sflag:s24] =	ssyncadd.s32 $0xFFFFFE00  }
0xb6: {  	[tilespmem:s26], [sflag:$0x4] =	stream.indirect.gather [hbm4b:s5+s20], $0x10, s20, s20, $0xb8;
	[tilespmem:$0x1DC40] =	vst v63  }
.Ltmp7:
0xb7: {  	_ = 	snop;
	(pc) =	sbr.rel @p1 .LBB2_12-.Ltmp7, $4  }
0xb8: {  	[spmem:s1] =	stream.indirect.scatter.add.f32 [tilespmem:s21], [sflag:$0x5], $0x10, s19, s20, $0xb8;
	[tilespmem:$0x1DC40] =	vst v63  }
0xb9: {  	_ =	swait.ge [sflag:s28], $0x2000  }
0xba: {  	[sflag:s28] =	ssyncset.done $0x0  }
0xbb: {  	[sflag:s28] =	ssyncadd.s32 $0xFFFFE000  }
0xbc: {  	s7 =	sadd.s32 $0x3100, s7  }
0xbd: {  	[tilespmem:s2], [sflag:$0x1] =	stream.linear.gather [hbm4b:s7+s2], $0x200, $0x38;
	[tilespmem:$0x1DC40] =	vst v63  }
0xbe: {  	s3 =	sadd.s32 $0x3100, s3  }
0xbf: {  	[tilespmem:s19], [sflag:$0x1] =	stream.linear.gather [hbm4b:s3+s2], $0x200, $0x38;
	[tilespmem:$0x1DC40] =	vst v63  }
0xc0: {  	_ =	swait.ge [sflag:s29], $0x2000  }
0xc1: {  	[sflag:s29] =	ssyncset.done $0x0  }
0xc2: {  	[sflag:s29] =	ssyncadd.s32 $0xFFFFE000  }
0xc3: {  	_ =	swait.ge [sflag:s30], $0x200  }
0xc4: {  	[sflag:s30] =	ssyncset.done $0x0  }
0xc5: {  	[sflag:s30] =	ssyncadd.s32 $0xFFFFFE00  }
0xc6: {  	_ =	swait.ge [sflag:s30], $0x200  }
.Ltmp8:
0xc7: {  	[sflag:s30] =	ssyncset.done $0x0;
	(pc) =	sbr.rel .LBB2_11-.Ltmp8, $4  }
0xc8: {  	[sflag:s30] =	ssyncadd.s32 $0xFFFFFE00  }
0xc9: {  	[tilespmem:s21], [sflag:$0x3] =	stream.indirect.gather [hbm4b:s5+s20], $0x10, s2, s20, $0xb8;
	[tilespmem:$0x1DC40] =	vst v63  }
0xca: {  	s6 =	sadd.s32 $0x80, s6  }
0xcb: {  	[spmem:s1] =	stream.indirect.scatter.add.f32 [tilespmem:s26], [sflag:$0x6], $0x10, s22, s20, $0xb8;
	[tilespmem:$0x1DC40] =	vst v63  }
.LBB2_8:
.Ltmp9:
0xcc: {  	(pc) =	sbr.rel .LBB2_13-.Ltmp9, $2  }
0xcd: {  	_ =	sdelay $0x2  }
0xce: {  	s3 =	rddreg [dreg:$0x3]  }
.LBB2_14:
0xcf: {  	_ =	sfence.sel $0x180000  }
0xd0: {  	[bflag:$0x0] =	sbarrier.arrive $0xFFFF  }
0xd1: {  	_ =	strace $0x9000004A  }
0xd2: {  	s0 =	stileid.u32;
	[bflag:$0x2] =	sbarrier.arrive $0xFFFF  }
0xd3: {  	p0 =	sne.s32 s0, $0x0;
	s0 =	rddreg [dreg:$0x2]  }
0xd4: {  	s0 =	sadd.s32 @!p0 $0x100000, s0  }
0xd5: {  	[sflag:s0] =	ssyncadd.tile.s32 @!p0 $0x1;
	_ =	shalt  }
.Lfunc_end2:
_tile_overlayer_lowered:
.L_overlay_start_2:
0xd6: {  	(tag) =	ssettag $0x2  }
0xd7: {  	s0 =	rddreg [dreg:$0x0];
	s2 =	stileid.u32  }
0xd8: {  	s1 =	rddreg [dreg:$0x1];
	p0 =	sne.s32 s2, $0x0  }
0xd9: {  	s3 =	rddreg [dreg:$0x2];
	[bflag:$0x3] =	sbarrier.arrive $0xFFFF;
	s2 =	simm.s32 @!p0 $0x1C07  }
0xda: {  	[timem:s3], [sflag:s2] =	dma.local @!p0 [hbm:s0], s1  }
0xdb: {  	s0 =	simm.s32 @!p0 $0x7  }
0xdc: {  	_ =	swait.ge @!p0 [sflag:s0], s1  }
0xdd: {  	s1 =	ssub.s32 @!p0 $0x0, s1;
	[sflag:s0] =	ssyncset.done @!p0 $0x0  }
0xde: {  	[sflag:s0] =	ssyncadd.s32 @!p0 s1  }
0xdf: {  	[bflag:$0x3] =	sbarrier.arrive $0xFFFF  }
0xe0: {  	_ =	shalt  }

// kernel: kernel.18.cloned.1.call-start
scs
__scs_entry_jumppad:
0x0: {  	(pc) =	sbr.rel $0x88, $3  }
0x1: {  	(tag) =	ssettag $0x0;
	lr =	simm.s32 $0x1  }
0x2: {  	[smem:$0x3F84] =	sst lr;
	_ =	strace $0xD0000000  }
0x3: {  	_ = 	snop  }
0x4: {  	_ = 	snop  }
0x5: {  	_ = 	snop  }
0x6: {  	_ = 	snop  }
0x7: {  	_ = 	snop  }
__scs_overlays_trampoline_lowered:
0x8: {  	[smem:$0x3F93] =	sst s0  }
0x9: {  	[smem:$0x3F94] =	sst s1  }
0xa: {  	[smem:$0x3F95] =	sst s2  }
0xb: {  	[smem:$0x3F96] =	sst s3  }
0xc: {  	[smem:$0x3F97] =	sst s4  }
0xd: {  	[smem:$0x3F98] =	sst s5  }
0xe: {  	[smem:$0x3F99] =	sst s6  }
0xf: {  	[smem:$0x3F9A] =	sst s7  }
0x10: {  	[smem:$0x3F9B] =	sst s8  }
0x11: {  	[smem:$0x3F9C] =	sst s9;
	s0 =	simm.s32 @!p0 $0x0  }
0x12: {  	s1 =	sld [smem:$0x3F82];
	s0 =	simm.s32 @p0 $0x1  }
0x13: {  	[smem:$0x3F9D] =	sst s0;
	s0 =	simm.s32 @!p1 $0x0  }
0x14: {  	s2 =	sld [smem:$0x3F81];
	s0 =	simm.s32 @p1 $0x1  }
0x15: {  	[smem:$0x3F9E] =	sst s0;
	s0 =	simm.s32 @!p2 $0x0  }
0x16: {  	s3 =	sld [smem:$0x3FDB];
	s0 =	simm.s32 @p2 $0x1  }
0x17: {  	s4 =	simm.s32 $0x1BF5;
	[smem:$0x3FA0] =	sst s0  }
0x18: {  	s0 =	sld [smem:$0x3F83];
	_ =	swait.ge [sflag:s4], $0x0  }
0x19: {  	s7 =	sld [smem:$0x3F84]  }
0x1a: {  	s8 =	sadd.s32 $0xFFFFE003, lr  }
0x1b: {  	s9 =	sadd.s32 $0xFFFFFEF7, lr;
	s5 =	simm.s32 $0xFFFFFFFF;
	p2 =	slt.u32 s8, $0xFFFFF086  }
0x1c: {  	p1 =	slt.u32 s9, $0xF7A;
	s5 =	simm.s32 @!p2 $0x0  }
0x1d: {  	s5 =	simm.s32 @p1 $0x1;
	p0 =	seq.s32 s7, s2  }
0x1e: {  	s7 =	smul.u32 @!p0 $0xF7A, s2;
	p2 =	seq.s32 @!p0 s5, $0x0  }
0x1f: {  	s9 =	smul.u32 $0xF7A, s1;
	s8 =	simm.s32 @!p0 $0x1BF5;
	p2 =	por !p2, p0  }
0x20: {  	[sflag:s8] =	ssyncset.s32 @!p0 $0xFFFFF086;
	s6 =	sadd.s32 @!p0 s3, s7;
	s7 =	simm.s32 @!p0 $0x108  }
0x21: {  	s3 =	sadd.s32 s3, s9;
	s6 =	sadd.s32 @!p0 $0x88, s6;
	s7 =	simm.s32 @p2 $0x1082  }
0x22: {  	[simem:s7], [sflag:s8] =	dma.local @!p0 [hbm:s6], $0xF7A  }
0x23: {  	s9 =	sor.u32 $0xD0000000, s2;
	s6 =	simm.s32 $0x108;
	_ =	swait.ge @!p0 [sflag:s8], $0x0  }
0x24: {  	s3 =	sadd.s32 $0x88, s3;
	s6 =	simm.s32 @!p1 $0x1082;
	[sflag:s4] =	ssyncset.s32 $0xFFFFF086  }
0x25: {  	[simem:s6], [sflag:s4] =	dma.local [hbm:s3], $0xF7A  }
0x26: {  	[smem:$0x3F84] =	sst s1;
	(tag) =	ssettag s2;
	_ =	strace s9  }
0x27: {  	s1 =	sld [smem:$0x3F94]  }
0x28: {  	s2 =	sld [smem:$0x3F95]  }
0x29: {  	s4 =	sld [smem:$0x3F97]  }
0x2a: {  	p0 =	seq.s32 s5, $0x0;
	s5 =	sld [smem:$0x3F98]  }
0x2b: {  	s6 =	sld [smem:$0x3F99]  }
0x2c: {  	s7 =	sld [smem:$0x3F9A]  }
0x2d: {  	s3 =	simm.s32 $0x108;
	s8 =	sld [smem:$0x3F9B]  }
0x2e: {  	s3 =	simm.s32 @!p0 $0x1082;
	s9 =	sld [smem:$0x3F9C]  }
0x2f: {  	lr =	sadd.s32 s0, s3;
	s0 =	sld [smem:$0x3F93]  }
0x30: {  	s3 =	sld [smem:$0x3F96]  }
0x31: {  	[smem:$0x3F9F] =	sst s10  }
0x32: {  	s10 =	sld [smem:$0x3F9D];
	_ =	sdelay $0x3  }
0x33: {  	p0 =	seq.s32 s10, $0x1;
	s10 =	sld [smem:$0x3F9F];
	_ =	sdelay $0x3  }
0x34: {  	[smem:$0x3F9F] =	sst s10  }
0x35: {  	s10 =	sld [smem:$0x3F9E];
	_ =	sdelay $0x3  }
0x36: {  	p1 =	seq.s32 s10, $0x1;
	s10 =	sld [smem:$0x3F9F];
	_ =	sdelay $0x3  }
0x37: {  	[smem:$0x3F9F] =	sst s10  }
0x38: {  	s10 =	sld [smem:$0x3FA0]  }
0x39: {  	_ = 	snop;
	(pc) =	sbr.ind lr, $3  }
0x3a: {  	_ = 	snop  }
0x3b: {  	_ = 	snop  }
0x3c: {  	p2 =	seq.s32 s10, $0x1;
	s10 =	sld [smem:$0x3F9F]  }
0x3d: {  	_ =	shalt  }
0x3e: {  	_ =	shalt  }
0x3f: {  	_ =	shalt  }
0x40: {  	_ =	shalt  }
0x41: {  	_ =	shalt  }
0x42: {  	_ =	shalt  }
0x43: {  	_ =	shalt  }
0x44: {  	_ =	shalt  }
0x45: {  	_ =	shalt  }
0x46: {  	_ =	shalt  }
0x47: {  	_ =	shalt  }
0x48: {  	_ =	shalt  }
0x49: {  	_ =	shalt  }
0x4a: {  	_ =	shalt  }
0x4b: {  	_ =	shalt  }
0x4c: {  	_ =	shalt  }
0x4d: {  	_ =	shalt  }
0x4e: {  	_ =	shalt  }
0x4f: {  	_ =	shalt  }
0x50: {  	_ =	shalt  }
0x51: {  	_ =	shalt  }
0x52: {  	_ =	shalt  }
0x53: {  	_ =	shalt  }
0x54: {  	_ =	shalt  }
0x55: {  	_ =	shalt  }
0x56: {  	_ =	shalt  }
0x57: {  	_ =	shalt  }
0x58: {  	_ =	shalt  }
0x59: {  	_ =	shalt  }
0x5a: {  	_ =	shalt  }
0x5b: {  	_ =	shalt  }
0x5c: {  	_ =	shalt  }
0x5d: {  	_ =	shalt  }
0x5e: {  	_ =	shalt  }
0x5f: {  	_ =	shalt  }
0x60: {  	_ =	shalt  }
0x61: {  	_ =	shalt  }
0x62: {  	_ =	shalt  }
0x63: {  	_ =	shalt  }
0x64: {  	_ =	shalt  }
0x65: {  	_ =	shalt  }
0x66: {  	_ =	shalt  }
0x67: {  	_ =	shalt  }
0x68: {  	_ =	shalt  }
0x69: {  	_ =	shalt  }
0x6a: {  	_ =	shalt  }
0x6b: {  	_ =	shalt  }
0x6c: {  	_ =	shalt  }
0x6d: {  	_ =	shalt  }
0x6e: {  	_ =	shalt  }
0x6f: {  	_ =	shalt  }
0x70: {  	_ =	shalt  }
0x71: {  	_ =	shalt  }
0x72: {  	_ =	shalt  }
0x73: {  	_ =	shalt  }
0x74: {  	_ =	shalt  }
0x75: {  	_ =	shalt  }
0x76: {  	_ =	shalt  }
0x77: {  	_ =	shalt  }
0x78: {  	_ =	shalt  }
0x79: {  	_ =	shalt  }
0x7a: {  	_ =	shalt  }
0x7b: {  	_ =	shalt  }
0x7c: {  	_ =	shalt  }
0x7d: {  	_ =	shalt  }
0x7e: {  	_ =	shalt  }
0x7f: {  	_ =	shalt  }
0x80: {  	_ =	shalt  }
0x81: {  	_ =	shalt  }
0x82: {  	_ =	shalt  }
0x83: {  	_ =	shalt  }
0x84: {  	_ =	shalt  }
0x85: {  	_ =	shalt  }
0x86: {  	_ =	shalt  }
0x87: {  	_ =	shalt  }
.Lfunc_end0:
.L_simem_size_0:
called_computation.2_lowered:
.L_overlay_start_0:
0x88: {  	s2 =	sld [smem:$0x3FD9]  }
0x89: {  	s3 =	sld [smem:$0x3FFE];
	_ =	sdelay $0x1  }
0x8a: {  	s1 =	srdreg.scid  }
0x8b: {  	s0 =	sand.u32 $0x1, s1  }
0x8c: {  	s16 =	sshll.u32 s0, $0xA;
	s2 =	sadd.s32 s3, s2  }
0x8d: {  	s2 =	sadd.s32 s2, s16  }
0x8e: {  	[smem:$0x3FAB] =	sst s2  }
0x8f: {  	_ = 	snop  }
0x90: {  	(tm) =	ssettm $0x1  }
0x91: {  	s17 =	sld [smem:$0x3FFB];
	_ =	sdelay $0x3  }
0x92: {  	_ =	strace s17  }
0x93: {  	s2 =	sld [smem:$0x3FFC];
	_ =	sdelay $0x3  }
0x94: {  	_ =	strace s2  }
0x95: {  	s2 =	sld [smem:$0x3FFD];
	_ =	sdelay $0x3  }
0x96: {  	_ =	strace s2  }
0x97: {  	_ =	strace $0x8FFFFFFF  }
0x98: {  	s18 =	sld [smem:$0x3FDB];
	_ =	sdelay $0x1  }
0x99: {  	s19 =	simm.s32 $_scs_section_size  }
0x9a: {  	s4 =	simm.s32 $_size__tile_overlayer_lowered;
	s5 =	simm.s32 $_tile_overlayer_lowered  }
0x9b: {  	s22 =	simm.s32 $0x1BFF;
	s21 =	sshll.u32 s5, $0x1;
	s2 =	sadd.s32 s19, s18  }
0x9c: {  	s6 =	simm.s32 $0x0;
	s20 =	sshll.u32 s4, $0x1;
	s4 =	sadd.s32 s21, s2  }
0x9d: {  	[timem:s6], [sflag:s22] =	dma.local [hbm:s4], s20  }
0x9e: {  	_ =	swait.ge [sflag:s22], s20  }
0x9f: {  	s3 =	ssub.s32 $0x0, s20;
	[sflag:s22] =	ssyncset.done $0x0  }
0xa0: {  	[sflag:s22] =	ssyncadd.s32 s3;
	_ =	sdelay $0x1  }
0xa1: {  	s23 =	simm.s32 $0x1B8B  }
0xa2: {  	_ =	swait.ge [sflag:s23], $0x1  }
0xa3: {  	[sflag:s23] =	ssyncset.done $0x0  }
0xa4: {  	s25 =	simm.s32 $0x1B8E;
	s24 =	sld [smem:$0x3FFE];
	[sflag:s23] =	ssyncadd.s32 $0xFFFFFFFF  }
0xa5: {  	s26 =	simm.s32 $execute0_lowered;
	[smem:$0x3FD2] =	sst s25  }
0xa6: {  	s4 =	sshll.u32 s26, $0x1;
	_ =	strace $0x8000004C;
	[dreg:$0x1] =	wrdreg $0xFFFFFFFF  }
0xa7: {  	s28 =	simm.s32 $_size_execute0_lowered;
	s2 =	sadd.s32 s2, s4;
	[dreg:$0x0] =	wrdreg $0x0  }
0xa8: {  	s4 =	sshll.u32 s28, $0x1;
	[dreg:$0x2] =	wrdreg s2  }
0xa9: {  	[dreg:$0x3] =	wrdreg s4  }
0xaa: {  	[dreg:$0x4] =	wrdreg $0xC0  }
0xab: {  	_ =	task [dreg:s6], $0x5FFFF  }
0xac: {  	[dreg:$0x1] =	wrdreg $0xFFFFFFFF  }
0xad: {  	[dreg:$0x0] =	wrdreg $0x60  }
0xae: {  	[dreg:$0x2] =	wrdreg s24  }
0xaf: {  	[dreg:$0x3] =	wrdreg $0x54400  }
0xb0: {  	[dreg:$0x4] =	wrdreg $0x9  }
0xb1: {  	_ =	task.clear_ibuf [dreg:s6], $0x5FFFF;
	_ =	strace $0x9000004C  }
0xb2: {  	s29 =	simm.s32 $0x9;
	_ =	strace $0x8000004E  }
0xb3: {  	_ =	swait.ge [sflag:s29], $0x1  }
0xb4: {  	[sflag:s29] =	ssyncadd.s32 $0xFFFFFFFF  }
0xb5: {  	_ =	strace $0x9000004E  }
0xb6: {  	_ =	sfence  }
0xb7: {  	s30 =	sld [smem:$0x0];
	_ =	sdelay $0x2  }
0xb8: {  	s31 =	sshll.u32 s1, $0xD;
	s1 =	sshrl.u32 s1, $0x2  }
0xb9: {  	s3 =	sand.u32 $0x4000, s31;
	s1 =	sadd.s32 s1, s30  }
0xba: {  	s0 =	sor.u32 s3, s0;
	s1 =	sshll.u32 s1, $0x11  }
0xbb: {  	s0 =	sor.u32 s1, s0  }
0xbc: {  	s0 =	sadd.s32 $0x8F2B, s0  }
0xbd: {  	[sflag:s0] =	ssyncadd.remote.s32 $0x1  }
0xbe: {  	_ =	sfence.sel $0xFFFF  }
0xbf: {  	[dreg:$0x0] =	wrdreg $0xFFFFFFFF;
	(pc) =	sbr.abs _section_cstart, $3  }
0xc0: {  	[dreg:$0x1] =	wrdreg $0xFFFFFFFF  }
0xc1: {  	_ =	task.clear_ibuf [dreg:s6], $0x2FFFF;
	_ =	strace $0x9FFFFFFF  }
0xc2: {  	(tm) =	ssettm $0x7FFFFFFF  }
0xc3: {  	_ =	shalt  }
tec
execute0_lowered:
.L_overlay_start_1:
0x0: {  	(tag) =	ssettag $0x1  }
0x1: {  	s0 =	rddreg [dreg:$0x0]  }
0x2: {  	s1 =	rddreg [dreg:$0x1]  }
0x3: {  	s2 =	simm.s32 $0x0;
	s19 =	srdreg.scid;
	s15 =	stileid.u32  }
0x4: {  	s28 =	simm.s32 $0x600;
	s29 =	simm.s32 $0x3;
	s30 =	simm.s32 $0x2  }
0x5: {  	s31 =	simm.s32 $0x2800;
	[smem:$0x7FF] =	sst s2;
	s6 =	sadd.s32 $0x37800, s0  }
0x6: {  	s8 =	sadd.s32 $0x6800, s0;
	s3 =	sadd.s32 $0xFB800, s0;
	s4 =	sadd.s32 $0xCA800, s0  }
0x7: {  	s5 =	sadd.s32 $0x99800, s0;
	s7 =	sadd.s32 $0x68800, s0;
	s9 =	sadd.s32 $0x18E800, s0  }
0x8: {  	s10 =	sadd.s32 $0x15D800, s0;
	_ =	strace $0x8000004D;
	[dreg:$0x3] =	wrdreg s9  }
0x9: {  	s20 =	sadd.s32 $0x12C800, s0;
	s11 =	smul.u32 $0x3100, s15;
	[dreg:$0x4] =	wrdreg s10  }
0xa: {  	s0 =	sadd.s32 $0x1BF800, s0;
	s14 =	smul.u32 $0x18800, s15;
	[dreg:$0x5] =	wrdreg s20  }
0xb: {  	s15 =	smul.u32 $0x62000, s15;
	s9 =	sand.u32 $0x1, s19;
	[dreg:$0x6] =	wrdreg s0  }
0xc: {  	s10 =	simm.s32 $0x6;
	s21 =	ssub.s32 $0x2, s9;
	s12 =	sadd.s32 s6, s11  }
0xd: {  	s13 =	sadd.s32 s8, s11;
	s19 =	sshrl.u32 s14, $0x3;
	s23 =	sor.u32 $0x40, s11  }
0xe: {  	s14 =	sadd.s32 s14, s1;
	s25 =	sor.u32 $0x80, s11;
	s26 =	sshrl.u32 s15, $0x2  }
0xf: {  	p0 =	sne.s32 s9, $0x0;
	s9 =	simm.s32 $0x1;
	s11 =	simm.s32 $0x0  }
0x10: {  	s22 =	sshrl.u32 s21, $0x1;
	[dreg:$0x7] =	wrdreg s14;
	s18 =	sadd.s32 s6, s23  }
0x11: {  	s24 =	sadd.s32 s8, s23;
	s6 =	sadd.s32 s6, s25;
	s20 =	sadd.s32 s8, s25  }
.Ltmp0:
0x12: {  	s23 =	simm.s32 $0x7;
	s25 =	simm.s32 $0x200;
	(pc) =	sbr.rel .LBB2_1-.Ltmp0, $4  }
0x13: {  	s8 =	simm.s32 $0x4;
	s0 =	ssub.s32 s21, s22;
	[dreg:$0xa] =	wrdreg s24  }
0x14: {  	[dreg:$0xb] =	wrdreg s6;
	s21 =	sadd.s32 s26, s1;
	s22 =	simm.s32 $0x4800  }
0x15: {  	s24 =	simm.s32 $0x400;
	[dreg:$0x9] =	wrdreg s18;
	s0 =	smax.u32 s0, $0x1  }
0x16: {  	v0 =	vimm.f32 $0.0e+00;
	s26 =	simm.s32 $0x800;
	[dreg:$0x8] =	wrdreg s0;
	s0 =	simm.s32 $0x5  }
.LBB2_22:
0x17: {  	s14 =	rddreg [dreg:$0x6]  }
.LBB2_23:
0x18: {  	_ =	swait.ge [sflag:s8], $0x2000  }
0x19: {  	[sflag:s8] =	ssyncset.done $0x0  }
0x1a: {  	[sflag:s8] =	ssyncadd.s32 $0xFFFFE000  }
0x1b: {  	[spmem:s1] =	stream.indirect.scatter.add.f32 [tilespmem:s31], [sflag:$0x6], $0x10, s28, s25, $0xb8;
	[tilespmem:$0x1DC40] =	vst v63  }
0x1c: {  	_ =	swait.ge [sflag:s10], $0x2000  }
0x1d: {  	[sflag:s10] =	ssyncset.done $0x0  }
0x1e: {  	[sflag:s10] =	ssyncadd.s32 $0xFFFFE000  }
0x1f: {  	s14 =	sadd.s32 s14, s19;
	[bflag:$0x0] =	sbarrier.arrive $0xFFFF  }
0x20: {  	[hbm:s14], [sflag:s6] =	dma.local [spmem:s15], $0x3100  }
0x21: {  	_ =	swait.ge [sflag:s23], $0x3100  }
0x22: {  	s11 =	sadd.s32 $0x1, s11;
	s18 =	rddreg [dreg:$0x8]  }
0x23: {  	p1 =	sne.s32 s11, s18  }
.Ltmp1:
0x24: {  	_ = 	snop;
	(pc) =	sbr.rel @!p1 .LBB2_24-.Ltmp1, $3  }
0x25: {  	_ =	sdelay $0x1  }
0x26: {  	[sflag:s23] =	ssyncset.done $0x0  }
0x27: {  	[sflag:s23] =	ssyncadd.s32 $0xFFFFCF00;
	s18 =	rddreg [dreg:$0x9]  }
.LBB2_1:
0x28: {  	s6 =	simm.s32 $0x0  }
.LBB2_2:
0x29: {  	p1 =	sne.s32 s6, $0x30C0  }
.Ltmp2:
0x2a: {  	_ = 	snop;
	(pc) =	sbr.rel @p1 .LBB2_2-.Ltmp2, $3  }
0x2b: {  	_ =	sdelay $0x1  }
0x2c: {  	s14 =	sshra.s32 s6, $0x2  }
0x2d: {  	s6 =	sadd.s32 $0x40, s6;
	[tilespmem:s14+$0x4800] =	vst v0  }
0x2e: {  	s6 =	sadd.s32 $0x0, s21  }
0x2f: {  	[spmem:s6] =	stream.linear.scatter [tilespmem:s22], [sflag:$0x7], $0xC40, $0x38;
	[tilespmem:$0x1DC40] =	vst v63  }
0x30: {  	s6 =	simm.s32 $0x3100;
	_ =	swait.ge [sflag:s23], $0xC40  }
.LBB2_4:
0x31: {  	s14 =	sshra.s32 s6, $0x2;
	[sflag:s23] =	ssyncset.done $0x0;
	p1 =	sne.s32 s6, $0x5EF00  }
.Ltmp3:
0x32: {  	s14 =	sadd.s32 s14, s21;
	[sflag:s23] =	ssyncadd.s32 $0xFFFFF3C0;
	(pc) =	sbr.rel @p1 .LBB2_4-.Ltmp3, $3  }
0x33: {  	[spmem:s14] =	stream.linear.scatter [tilespmem:s22], [sflag:$0x7], $0xC40, $0x38;
	[tilespmem:$0x1DC40] =	vst v63  }
0x34: {  	s6 =	sadd.s32 $0x3100, s6;
	_ =	sdelay $0x1  }
0x35: {  	_ =	swait.ge [sflag:s23], $0xC40  }
0x36: {  	[sflag:s23] =	ssyncset.done $0x0  }
0x37: {  	[sflag:s23] =	ssyncadd.s32 $0xFFFFF3C0  }
0x38: {  	[bflag:$0x0] =	sbarrier.arrive $0xFFFF  }
0x39: {  	[tilespmem:s2], [sflag:$0x7] =	stream.linear.gather [hbm4b:s12+s2], $0x200, $0x38;
	[tilespmem:$0x1DC40] =	vst v63  }
0x3a: {  	_ =	swait.ge [sflag:s23], $0x200  }
0x3b: {  	[sflag:s23] =	ssyncset.done $0x0  }
.Ltmp4:
0x3c: {  	[sflag:s23] =	ssyncadd.s32 $0xFFFFFE00;
	(pc) =	sbr.rel @p0 .LBB2_10-.Ltmp4, $4  }
0x3d: {  	[tilespmem:s24], [sflag:$0x7] =	stream.linear.gather [hbm4b:s13+s2], $0x200, $0x38;
	[tilespmem:$0x1DC40] =	vst v63  }
0x3e: {  	_ =	swait.ge [sflag:s23], $0x200  }
0x3f: {  	[sflag:s23] =	ssyncset.done $0x0  }
0x40: {  	[sflag:s23] =	ssyncadd.s32 $0xFFFFFE00  }
0x41: {  	[tilespmem:s26], [sflag:$0x3] =	stream.indirect.gather [hbm4b:s3+s25], $0x10, s2, s25, $0xb8;
	[tilespmem:$0x1DC40] =	vst v63  }
0x42: {  	_ = 	snop  }
0x43: {  	[tilespmem:s25], [sflag:$0x2] =	stream.linear.gather [hbm4b:s18+s2], $0x200, $0x38;
	[tilespmem:$0x1DC40] =	vst v63  }
0x44: {  	s6 =	rddreg [dreg:$0xa]  }
0x45: {  	[tilespmem:s28], [sflag:$0x2] =	stream.linear.gather [hbm4b:s6+s2], $0x200, $0x38;
	[tilespmem:$0x1DC40] =	vst v63  }
0x46: {  	_ =	swait.ge [sflag:s29], $0x2000  }
0x47: {  	[sflag:s29] =	ssyncset.done $0x0  }
0x48: {  	[sflag:s29] =	ssyncadd.s32 $0xFFFFE000  }
0x49: {  	_ =	swait.ge [sflag:s30], $0x200  }
0x4a: {  	[sflag:s30] =	ssyncset.done $0x0  }
0x4b: {  	[sflag:s30] =	ssyncadd.s32 $0xFFFFFE00  }
0x4c: {  	_ =	swait.ge [sflag:s30], $0x200  }
0x4d: {  	[sflag:s30] =	ssyncset.done $0x0  }
0x4e: {  	[sflag:s30] =	ssyncadd.s32 $0xFFFFFE00  }
0x4f: {  	[tilespmem:s31], [sflag:$0x4] =	stream.indirect.gather [hbm4b:s3+s25], $0x10, s25, s25, $0xb8;
	[tilespmem:$0x1DC40] =	vst v63  }
0x50: {  	_ = 	snop  }
0x51: {  	[spmem:s1] =	stream.indirect.scatter.add.f32 [tilespmem:s26], [sflag:$0x5], $0x10, s24, s25, $0xb8;
	[tilespmem:$0x1DC40] =	vst v63  }
0x52: {  	_ =	swait.ge [sflag:s0], $0x2000  }
0x53: {  	[sflag:s0] =	ssyncset.done $0x0  }
0x54: {  	s17 =	rddreg [dreg:$0xb];
	[sflag:s0] =	ssyncadd.s32 $0xFFFFE000  }
0x55: {  	[tilespmem:s2], [sflag:$0x1] =	stream.linear.gather [hbm4b:s17+s2], $0x200, $0x38;
	[tilespmem:$0x1DC40] =	vst v63  }
0x56: {  	_ = 	snop  }
0x57: {  	[tilespmem:s24], [sflag:$0x1] =	stream.linear.gather [hbm4b:s20+s2], $0x200, $0x38;
	[tilespmem:$0x1DC40] =	vst v63  }
0x58: {  	_ =	swait.ge [sflag:s8], $0x2000  }
0x59: {  	[sflag:s8] =	ssyncset.done $0x0  }
0x5a: {  	[sflag:s8] =	ssyncadd.s32 $0xFFFFE000  }
0x5b: {  	_ =	swait.ge [sflag:s9], $0x200  }
0x5c: {  	[sflag:s9] =	ssyncset.done $0x0  }
0x5d: {  	[sflag:s9] =	ssyncadd.s32 $0xFFFFFE00  }
0x5e: {  	_ =	swait.ge [sflag:s9], $0x200  }
0x5f: {  	[sflag:s9] =	ssyncset.done $0x0  }
0x60: {  	[sflag:s9] =	ssyncadd.s32 $0xFFFFFE00  }
0x61: {  	[tilespmem:s26], [sflag:$0x3] =	stream.indirect.gather [hbm4b:s3+s25], $0x10, s2, s25, $0xb8;
	[tilespmem:$0x1DC40] =	vst v63  }
0x62: {  	s6 =	simm.s32 $0xFFFFD000  }
0x63: {  	[spmem:s1] =	stream.indirect.scatter.add.f32 [tilespmem:s31], [sflag:$0x6], $0x10, s28, s25, $0xb8;
	[tilespmem:$0x1DC40] =	vst v63  }
.LBB2_7:
0x64: {  	_ =	swait.ge [sflag:s10], $0x2000  }
0x65: {  	s15 =	sadd.s32 s6, s12;
	[sflag:s10] =	ssyncset.done $0x0  }
0x66: {  	s14 =	sadd.s32 $0x30C0, s15;
	[sflag:s10] =	ssyncadd.s32 $0xFFFFE000  }
0x67: {  	[tilespmem:s25], [sflag:$0x2] =	stream.linear.gather [hbm4b:s14+s2], $0x200, $0x38;
	[tilespmem:$0x1DC40] =	vst v63  }
0x68: {  	s14 =	sadd.s32 s6, s13  }
0x69: {  	s16 =	sadd.s32 $0x30C0, s14  }
0x6a: {  	[tilespmem:s28], [sflag:$0x2] =	stream.linear.gather [hbm4b:s16+s2], $0x200, $0x38;
	[tilespmem:$0x1DC40] =	vst v63  }
0x6b: {  	_ =	swait.ge [sflag:s29], $0x2000  }
0x6c: {  	[sflag:s29] =	ssyncset.done $0x0  }
0x6d: {  	[sflag:s29] =	ssyncadd.s32 $0xFFFFE000  }
0x6e: {  	_ =	swait.ge [sflag:s30], $0x200  }
0x6f: {  	[sflag:s30] =	ssyncset.done $0x0  }
0x70: {  	[sflag:s30] =	ssyncadd.s32 $0xFFFFFE00  }
0x71: {  	_ =	swait.ge [sflag:s30], $0x200  }
0x72: {  	[sflag:s30] =	ssyncset.done $0x0  }
0x73: {  	p1 =	seq.s32 s6, $0x0;
	[sflag:s30] =	ssyncadd.s32 $0xFFFFFE00  }
0x74: {  	[tilespmem:s31], [sflag:$0x4] =	stream.indirect.gather [hbm4b:s3+s25], $0x10, s25, s25, $0xb8;
	[tilespmem:$0x1DC40] =	vst v63  }
.Ltmp5:
0x75: {  	_ = 	snop;
	(pc) =	sbr.rel @p1 .LBB2_8-.Ltmp5, $4  }
0x76: {  	[spmem:s1] =	stream.indirect.scatter.add.f32 [tilespmem:s26], [sflag:$0x5], $0x10, s24, s25, $0xb8;
	[tilespmem:$0x1DC40] =	vst v63  }
0x77: {  	_ =	swait.ge [sflag:s0], $0x2000  }
0x78: {  	[sflag:s0] =	ssyncset.done $0x0  }
0x79: {  	[sflag:s0] =	ssyncadd.s32 $0xFFFFE000  }
0x7a: {  	s15 =	sadd.s32 $0x3100, s15  }
0x7b: {  	[tilespmem:s2], [sflag:$0x1] =	stream.linear.gather [hbm4b:s15+s2], $0x200, $0x38;
	[tilespmem:$0x1DC40] =	vst v63  }
0x7c: {  	s14 =	sadd.s32 $0x3100, s14  }
0x7d: {  	[tilespmem:s24], [sflag:$0x1] =	stream.linear.gather [hbm4b:s14+s2], $0x200, $0x38;
	[tilespmem:$0x1DC40] =	vst v63  }
0x7e: {  	_ =	swait.ge [sflag:s8], $0x2000  }
0x7f: {  	[sflag:s8] =	ssyncset.done $0x0  }
0x80: {  	[sflag:s8] =	ssyncadd.s32 $0xFFFFE000  }
0x81: {  	_ =	swait.ge [sflag:s9], $0x200  }
0x82: {  	[sflag:s9] =	ssyncset.done $0x0  }
0x83: {  	[sflag:s9] =	ssyncadd.s32 $0xFFFFFE00  }
0x84: {  	_ =	swait.ge [sflag:s9], $0x200  }
.Ltmp6:
0x85: {  	[sflag:s9] =	ssyncset.done $0x0;
	(pc) =	sbr.rel .LBB2_7-.Ltmp6, $4  }
0x86: {  	[sflag:s9] =	ssyncadd.s32 $0xFFFFFE00  }
0x87: {  	[tilespmem:s26], [sflag:$0x3] =	stream.indirect.gather [hbm4b:s3+s25], $0x10, s2, s25, $0xb8;
	[tilespmem:$0x1DC40] =	vst v63  }
0x88: {  	s6 =	sadd.s32 $0x80, s6  }
0x89: {  	[spmem:s1] =	stream.indirect.scatter.add.f32 [tilespmem:s31], [sflag:$0x6], $0x10, s28, s25, $0xb8;
	[tilespmem:$0x1DC40] =	vst v63  }
.LBB2_10:
0x8a: {  	[tilespmem:s26], [sflag:$0x3] =	stream.indirect.gather [hbm4b:s4+s25], $0x10, s2, s25, $0xb8;
	[tilespmem:$0x1DC40] =	vst v63  }
0x8b: {  	_ = 	snop  }
0x8c: {  	[tilespmem:s25], [sflag:$0x2] =	stream.linear.gather [hbm4b:s18+s2], $0x200, $0x38;
	[tilespmem:$0x1DC40] =	vst v63  }
0x8d: {  	s6 =	rddreg [dreg:$0xa]  }
0x8e: {  	[tilespmem:s28], [sflag:$0x2] =	stream.linear.gather [hbm4b:s6+s2], $0x200, $0x38;
	[tilespmem:$0x1DC40] =	vst v63  }
0x8f: {  	_ =	swait.ge [sflag:s29], $0x2000  }
0x90: {  	[sflag:s29] =	ssyncset.done $0x0  }
0x91: {  	[sflag:s29] =	ssyncadd.s32 $0xFFFFE000  }
0x92: {  	_ =	swait.ge [sflag:s30], $0x200  }
0x93: {  	[sflag:s30] =	ssyncset.done $0x0  }
0x94: {  	[sflag:s30] =	ssyncadd.s32 $0xFFFFFE00  }
0x95: {  	_ =	swait.ge [sflag:s30], $0x200  }
0x96: {  	[sflag:s30] =	ssyncset.done $0x0  }
0x97: {  	[sflag:s30] =	ssyncadd.s32 $0xFFFFFE00  }
0x98: {  	[tilespmem:s31], [sflag:$0x4] =	stream.indirect.gather [hbm4b:s4+s25], $0x10, s25, s25, $0xb8;
	[tilespmem:$0x1DC40] =	vst v63  }
0x99: {  	_ = 	snop  }
0x9a: {  	[spmem:s1] =	stream.indirect.scatter.add.f32 [tilespmem:s26], [sflag:$0x5], $0x10, s24, s25, $0xb8;
	[tilespmem:$0x1DC40] =	vst v63  }
0x9b: {  	_ =	swait.ge [sflag:s0], $0x2000  }
0x9c: {  	[sflag:s0] =	ssyncset.done $0x0  }
0x9d: {  	s17 =	rddreg [dreg:$0xb];
	[sflag:s0] =	ssyncadd.s32 $0xFFFFE000  }
0x9e: {  	[tilespmem:s2], [sflag:$0x1] =	stream.linear.gather [hbm4b:s17+s2], $0x200, $0x38;
	[tilespmem:$0x1DC40] =	vst v63  }
0x9f: {  	_ = 	snop  }
0xa0: {  	[tilespmem:s24], [sflag:$0x1] =	stream.linear.gather [hbm4b:s20+s2], $0x200, $0x38;
	[tilespmem:$0x1DC40] =	vst v63  }
0xa1: {  	_ =	swait.ge [sflag:s8], $0x2000  }
0xa2: {  	[sflag:s8] =	ssyncset.done $0x0  }
0xa3: {  	[sflag:s8] =	ssyncadd.s32 $0xFFFFE000  }
0xa4: {  	_ =	swait.ge [sflag:s9], $0x200  }
0xa5: {  	[sflag:s9] =	ssyncset.done $0x0  }
0xa6: {  	[sflag:s9] =	ssyncadd.s32 $0xFFFFFE00  }
0xa7: {  	_ =	swait.ge [sflag:s9], $0x200  }
0xa8: {  	[sflag:s9] =	ssyncset.done $0x0  }
0xa9: {  	[sflag:s9] =	ssyncadd.s32 $0xFFFFFE00  }
0xaa: {  	[tilespmem:s26], [sflag:$0x3] =	stream.indirect.gather [hbm4b:s4+s25], $0x10, s2, s25, $0xb8;
	[tilespmem:$0x1DC40] =	vst v63  }
0xab: {  	s6 =	simm.s32 $0xFFFFD000  }
0xac: {  	[spmem:s1] =	stream.indirect.scatter.add.f32 [tilespmem:s31], [sflag:$0x6], $0x10, s28, s25, $0xb8;
	[tilespmem:$0x1DC40] =	vst v63  }
.LBB2_11:
0xad: {  	_ =	swait.ge [sflag:s10], $0x2000  }
0xae: {  	s15 =	sadd.s32 s6, s12;
	[sflag:s10] =	ssyncset.done $0x0  }
0xaf: {  	s14 =	sadd.s32 $0x30C0, s15;
	[sflag:s10] =	ssyncadd.s32 $0xFFFFE000  }
0xb0: {  	[tilespmem:s25], [sflag:$0x2] =	stream.linear.gather [hbm4b:s14+s2], $0x200, $0x38;
	[tilespmem:$0x1DC40] =	vst v63  }
0xb1: {  	s14 =	sadd.s32 s6, s13  }
0xb2: {  	s16 =	sadd.s32 $0x30C0, s14  }
0xb3: {  	[tilespmem:s28], [sflag:$0x2] =	stream.linear.gather [hbm4b:s16+s2], $0x200, $0x38;
	[tilespmem:$0x1DC40] =	vst v63  }
0xb4: {  	_ =	swait.ge [sflag:s29], $0x2000  }
0xb5: {  	[sflag:s29] =	ssyncset.done $0x0  }
0xb6: {  	[sflag:s29] =	ssyncadd.s32 $0xFFFFE000  }
0xb7: {  	_ =	swait.ge [sflag:s30], $0x200  }
0xb8: {  	[sflag:s30] =	ssyncset.done $0x0  }
0xb9: {  	[sflag:s30] =	ssyncadd.s32 $0xFFFFFE00  }
0xba: {  	_ =	swait.ge [sflag:s30], $0x200  }
0xbb: {  	[sflag:s30] =	ssyncset.done $0x0  }
0xbc: {  	p1 =	seq.s32 s6, $0x0;
	[sflag:s30] =	ssyncadd.s32 $0xFFFFFE00  }
0xbd: {  	[tilespmem:s31], [sflag:$0x4] =	stream.indirect.gather [hbm4b:s4+s25], $0x10, s25, s25, $0xb8;
	[tilespmem:$0x1DC40] =	vst v63  }
.Ltmp7:
0xbe: {  	_ = 	snop;
	(pc) =	sbr.rel @p1 .LBB2_12-.Ltmp7, $4  }
0xbf: {  	[spmem:s1] =	stream.indirect.scatter.add.f32 [tilespmem:s26], [sflag:$0x5], $0x10, s24, s25, $0xb8;
	[tilespmem:$0x1DC40] =	vst v63  }
0xc0: {  	_ =	swait.ge [sflag:s0], $0x2000  }
0xc1: {  	[sflag:s0] =	ssyncset.done $0x0  }
0xc2: {  	[sflag:s0] =	ssyncadd.s32 $0xFFFFE000  }
0xc3: {  	s15 =	sadd.s32 $0x3100, s15  }
0xc4: {  	[tilespmem:s2], [sflag:$0x1] =	stream.linear.gather [hbm4b:s15+s2], $0x200, $0x38;
	[tilespmem:$0x1DC40] =	vst v63  }
0xc5: {  	s14 =	sadd.s32 $0x3100, s14  }
0xc6: {  	[tilespmem:s24], [sflag:$0x1] =	stream.linear.gather [hbm4b:s14+s2], $0x200, $0x38;
	[tilespmem:$0x1DC40] =	vst v63  }
0xc7: {  	_ =	swait.ge [sflag:s8], $0x2000  }
0xc8: {  	[sflag:s8] =	ssyncset.done $0x0  }
0xc9: {  	[sflag:s8] =	ssyncadd.s32 $0xFFFFE000  }
0xca: {  	_ =	swait.ge [sflag:s9], $0x200  }
0xcb: {  	[sflag:s9] =	ssyncset.done $0x0  }
0xcc: {  	[sflag:s9] =	ssyncadd.s32 $0xFFFFFE00  }
0xcd: {  	_ =	swait.ge [sflag:s9], $0x200  }
.Ltmp8:
0xce: {  	[sflag:s9] =	ssyncset.done $0x0;
	(pc) =	sbr.rel .LBB2_11-.Ltmp8, $4  }
0xcf: {  	[sflag:s9] =	ssyncadd.s32 $0xFFFFFE00  }
0xd0: {  	[tilespmem:s26], [sflag:$0x3] =	stream.indirect.gather [hbm4b:s4+s25], $0x10, s2, s25, $0xb8;
	[tilespmem:$0x1DC40] =	vst v63  }
0xd1: {  	s6 =	sadd.s32 $0x80, s6  }
0xd2: {  	[spmem:s1] =	stream.indirect.scatter.add.f32 [tilespmem:s31], [sflag:$0x6], $0x10, s28, s25, $0xb8;
	[tilespmem:$0x1DC40] =	vst v63  }
.LBB2_8:
.Ltmp9:
0xd3: {  	(pc) =	sbr.rel .LBB2_13-.Ltmp9, $2  }
0xd4: {  	_ =	sdelay $0x2  }
0xd5: {  	s6 =	rddreg [dreg:$0x3]  }
.LBB2_12:
0xd6: {  	s6 =	rddreg [dreg:$0x4]  }
.LBB2_13:
0xd7: {  	_ =	swait.ge [sflag:s8], $0x2000  }
0xd8: {  	[sflag:s8] =	ssyncset.done $0x0  }
0xd9: {  	[sflag:s8] =	ssyncadd.s32 $0xFFFFE000  }
0xda: {  	[spmem:s1] =	stream.indirect.scatter.add.f32 [tilespmem:s31], [sflag:$0x6], $0x10, s28, s25, $0xb8;
	[tilespmem:$0x1DC40] =	vst v63  }
0xdb: {  	_ =	swait.ge [sflag:s10], $0x2000  }
0xdc: {  	[sflag:s10] =	ssyncset.done $0x0  }
0xdd: {  	[sflag:s10] =	ssyncadd.s32 $0xFFFFE000  }
0xde: {  	s16 =	stileid.u32;
	[bflag:$0x0] =	sbarrier.arrive $0xFFFF  }
0xdf: {  	s14 =	sadd.s32 s6, s19;
	s6 =	sshll.u32 s16, $0x6;
	s15 =	rddreg [dreg:$0x7]  }
0xe0: {  	s6 =	sor.u32 $0x1C07, s6;
	s15 =	sshrl.u32 s15, $0x3  }
0xe1: {  	[hbm:s14], [sflag:s6] =	dma.local [spmem:s15], $0x3100  }
0xe2: {  	_ =	swait.ge [sflag:s23], $0x3100  }
0xe3: {  	[sflag:s23] =	ssyncset.done $0x0  }
0xe4: {  	[sflag:s23] =	ssyncadd.s32 $0xFFFFCF00  }
0xe5: {  	s17 =	sadd.s32 $0x0, s21;
	[bflag:$0x0] =	sbarrier.arrive $0xFFFF  }
0xe6: {  	[spmem:s17] =	stream.linear.scatter [tilespmem:s22], [sflag:$0x7], $0xC40, $0x38;
	[tilespmem:$0x1DC40] =	vst v63  }
0xe7: {  	s14 =	simm.s32 $0x3100;
	_ =	swait.ge [sflag:s23], $0xC40  }
.LBB2_14:
0xe8: {  	s16 =	sshra.s32 s14, $0x2;
	[sflag:s23] =	ssyncset.done $0x0;
	p1 =	sne.s32 s14, $0x5EF00  }
.Ltmp10:
0xe9: {  	s16 =	sadd.s32 s16, s21;
	[sflag:s23] =	ssyncadd.s32 $0xFFFFF3C0;
	(pc) =	sbr.rel @p1 .LBB2_14-.Ltmp10, $3  }
0xea: {  	[spmem:s16] =	stream.linear.scatter [tilespmem:s22], [sflag:$0x7], $0xC40, $0x38;
	[tilespmem:$0x1DC40] =	vst v63  }
0xeb: {  	s14 =	sadd.s32 $0x3100, s14;
	_ =	sdelay $0x1  }
0xec: {  	_ =	swait.ge [sflag:s23], $0xC40  }
0xed: {  	[sflag:s23] =	ssyncset.done $0x0  }
0xee: {  	[sflag:s23] =	ssyncadd.s32 $0xFFFFF3C0  }
0xef: {  	[bflag:$0x0] =	sbarrier.arrive $0xFFFF  }
0xf0: {  	[tilespmem:s2], [sflag:$0x7] =	stream.linear.gather [hbm4b:s12+s2], $0x200, $0x38;
	[tilespmem:$0x1DC40] =	vst v63  }
0xf1: {  	_ =	swait.ge [sflag:s23], $0x200  }
0xf2: {  	[sflag:s23] =	ssyncset.done $0x0  }
.Ltmp11:
0xf3: {  	[sflag:s23] =	ssyncadd.s32 $0xFFFFFE00;
	(pc) =	sbr.rel @p0 .LBB2_20-.Ltmp11, $4  }
0xf4: {  	[tilespmem:s24], [sflag:$0x7] =	stream.linear.gather [hbm4b:s13+s2], $0x200, $0x38;
	[tilespmem:$0x1DC40] =	vst v63  }
0xf5: {  	_ =	swait.ge [sflag:s23], $0x200  }
0xf6: {  	[sflag:s23] =	ssyncset.done $0x0  }
0xf7: {  	[sflag:s23] =	ssyncadd.s32 $0xFFFFFE00  }
0xf8: {  	[tilespmem:s26], [sflag:$0x3] =	stream.indirect.gather [hbm4b:s5+s25], $0x10, s2, s25, $0xb8;
	[tilespmem:$0x1DC40] =	vst v63  }
0xf9: {  	_ = 	snop  }
0xfa: {  	[tilespmem:s25], [sflag:$0x2] =	stream.linear.gather [hbm4b:s18+s2], $0x200, $0x38;
	[tilespmem:$0x1DC40] =	vst v63  }
0xfb: {  	s14 =	rddreg [dreg:$0xa]  }
0xfc: {  	[tilespmem:s28], [sflag:$0x2] =	stream.linear.gather [hbm4b:s14+s2], $0x200, $0x38;
	[tilespmem:$0x1DC40] =	vst v63  }
0xfd: {  	_ =	swait.ge [sflag:s29], $0x2000  }
0xfe: {  	[sflag:s29] =	ssyncset.done $0x0  }
0xff: {  	[sflag:s29] =	ssyncadd.s32 $0xFFFFE000  }
0x100: {  	_ =	swait.ge [sflag:s30], $0x200  }
0x101: {  	[sflag:s30] =	ssyncset.done $0x0  }
0x102: {  	[sflag:s30] =	ssyncadd.s32 $0xFFFFFE00  }
0x103: {  	_ =	swait.ge [sflag:s30], $0x200  }
0x104: {  	[sflag:s30] =	ssyncset.done $0x0  }
0x105: {  	[sflag:s30] =	ssyncadd.s32 $0xFFFFFE00  }
0x106: {  	[tilespmem:s31], [sflag:$0x4] =	stream.indirect.gather [hbm4b:s5+s25], $0x10, s25, s25, $0xb8;
	[tilespmem:$0x1DC40] =	vst v63  }
0x107: {  	_ = 	snop  }
0x108: {  	[spmem:s1] =	stream.indirect.scatter.add.f32 [tilespmem:s26], [sflag:$0x5], $0x10, s24, s25, $0xb8;
	[tilespmem:$0x1DC40] =	vst v63  }
0x109: {  	_ =	swait.ge [sflag:s0], $0x2000  }
0x10a: {  	[sflag:s0] =	ssyncset.done $0x0  }
0x10b: {  	s18 =	rddreg [dreg:$0xb];
	[sflag:s0] =	ssyncadd.s32 $0xFFFFE000  }
0x10c: {  	[tilespmem:s2], [sflag:$0x1] =	stream.linear.gather [hbm4b:s18+s2], $0x200, $0x38;
	[tilespmem:$0x1DC40] =	vst v63  }
0x10d: {  	_ = 	snop  }
0x10e: {  	[tilespmem:s24], [sflag:$0x1] =	stream.linear.gather [hbm4b:s20+s2], $0x200, $0x38;
	[tilespmem:$0x1DC40] =	vst v63  }
0x10f: {  	_ =	swait.ge [sflag:s8], $0x2000  }
0x110: {  	[sflag:s8] =	ssyncset.done $0x0  }
0x111: {  	[sflag:s8] =	ssyncadd.s32 $0xFFFFE000  }
0x112: {  	_ =	swait.ge [sflag:s9], $0x200  }
0x113: {  	[sflag:s9] =	ssyncset.done $0x0  }
0x114: {  	[sflag:s9] =	ssyncadd.s32 $0xFFFFFE00  }
0x115: {  	_ =	swait.ge [sflag:s9], $0x200  }
0x116: {  	[sflag:s9] =	ssyncset.done $0x0  }
0x117: {  	[sflag:s9] =	ssyncadd.s32 $0xFFFFFE00  }
0x118: {  	[tilespmem:s26], [sflag:$0x3] =	stream.indirect.gather [hbm4b:s5+s25], $0x10, s2, s25, $0xb8;
	[tilespmem:$0x1DC40] =	vst v63  }
0x119: {  	s16 =	simm.s32 $0xFFFFD000  }
0x11a: {  	[spmem:s1] =	stream.indirect.scatter.add.f32 [tilespmem:s31], [sflag:$0x6], $0x10, s28, s25, $0xb8;
	[tilespmem:$0x1DC40] =	vst v63  }
.LBB2_17:
0x11b: {  	_ =	swait.ge [sflag:s10], $0x2000  }
0x11c: {  	s14 =	sadd.s32 s16, s12;
	[sflag:s10] =	ssyncset.done $0x0  }
0x11d: {  	s17 =	sadd.s32 $0x30C0, s14;
	[sflag:s10] =	ssyncadd.s32 $0xFFFFE000  }
0x11e: {  	[tilespmem:s25], [sflag:$0x2] =	stream.linear.gather [hbm4b:s17+s2], $0x200, $0x38;
	[tilespmem:$0x1DC40] =	vst v63  }
0x11f: {  	s17 =	sadd.s32 s16, s13  }
0x120: {  	s18 =	sadd.s32 $0x30C0, s17  }
0x121: {  	[tilespmem:s28], [sflag:$0x2] =	stream.linear.gather [hbm4b:s18+s2], $0x200, $0x38;
	[tilespmem:$0x1DC40] =	vst v63  }
0x122: {  	_ =	swait.ge [sflag:s29], $0x2000  }
0x123: {  	[sflag:s29] =	ssyncset.done $0x0  }
0x124: {  	[sflag:s29] =	ssyncadd.s32 $0xFFFFE000  }
0x125: {  	_ =	swait.ge [sflag:s30], $0x200  }
0x126: {  	[sflag:s30] =	ssyncset.done $0x0  }
0x127: {  	[sflag:s30] =	ssyncadd.s32 $0xFFFFFE00  }
0x128: {  	_ =	swait.ge [sflag:s30], $0x200  }
0x129: {  	[sflag:s30] =	ssyncset.done $0x0  }
0x12a: {  	p1 =	seq.s32 s16, $0x0;
	[sflag:s30] =	ssyncadd.s32 $0xFFFFFE00  }
0x12b: {  	[tilespmem:s31], [sflag:$0x4] =	stream.indirect.gather [hbm4b:s5+s25], $0x10, s25, s25, $0xb8;
	[tilespmem:$0x1DC40] =	vst v63  }
.Ltmp12:
0x12c: {  	_ = 	snop;
	(pc) =	sbr.rel @p1 .LBB2_18-.Ltmp12, $4  }
0x12d: {  	[spmem:s1] =	stream.indirect.scatter.add.f32 [tilespmem:s26], [sflag:$0x5], $0x10, s24, s25, $0xb8;
	[tilespmem:$0x1DC40] =	vst v63  }
0x12e: {  	_ =	swait.ge [sflag:s0], $0x2000  }
0x12f: {  	[sflag:s0] =	ssyncset.done $0x0  }
0x130: {  	[sflag:s0] =	ssyncadd.s32 $0xFFFFE000  }
0x131: {  	s14 =	sadd.s32 $0x3100, s14  }
0x132: {  	[tilespmem:s2], [sflag:$0x1] =	stream.linear.gather [hbm4b:s14+s2], $0x200, $0x38;
	[tilespmem:$0x1DC40] =	vst v63  }
0x133: {  	s18 =	sadd.s32 $0x3100, s17  }
0x134: {  	[tilespmem:s24], [sflag:$0x1] =	stream.linear.gather [hbm4b:s18+s2], $0x200, $0x38;
	[tilespmem:$0x1DC40] =	vst v63  }
0x135: {  	_ =	swait.ge [sflag:s8], $0x2000  }
0x136: {  	[sflag:s8] =	ssyncset.done $0x0  }
0x137: {  	[sflag:s8] =	ssyncadd.s32 $0xFFFFE000  }
0x138: {  	_ =	swait.ge [sflag:s9], $0x200  }
0x139: {  	[sflag:s9] =	ssyncset.done $0x0  }
0x13a: {  	[sflag:s9] =	ssyncadd.s32 $0xFFFFFE00  }
0x13b: {  	_ =	swait.ge [sflag:s9], $0x200  }
.Ltmp13:
0x13c: {  	[sflag:s9] =	ssyncset.done $0x0;
	(pc) =	sbr.rel .LBB2_17-.Ltmp13, $4  }
0x13d: {  	[sflag:s9] =	ssyncadd.s32 $0xFFFFFE00  }
0x13e: {  	[tilespmem:s26], [sflag:$0x3] =	stream.indirect.gather [hbm4b:s5+s25], $0x10, s2, s25, $0xb8;
	[tilespmem:$0x1DC40] =	vst v63  }
0x13f: {  	s16 =	sadd.s32 $0x80, s16  }
0x140: {  	[spmem:s1] =	stream.indirect.scatter.add.f32 [tilespmem:s31], [sflag:$0x6], $0x10, s28, s25, $0xb8;
	[tilespmem:$0x1DC40] =	vst v63  }
.LBB2_20:
0x141: {  	[tilespmem:s26], [sflag:$0x3] =	stream.indirect.gather [hbm4b:s7+s25], $0x10, s2, s25, $0xb8;
	[tilespmem:$0x1DC40] =	vst v63  }
0x142: {  	_ = 	snop  }
0x143: {  	[tilespmem:s25], [sflag:$0x2] =	stream.linear.gather [hbm4b:s18+s2], $0x200, $0x38;
	[tilespmem:$0x1DC40] =	vst v63  }
0x144: {  	s14 =	rddreg [dreg:$0xa]  }
0x145: {  	[tilespmem:s28], [sflag:$0x2] =	stream.linear.gather [hbm4b:s14+s2], $0x200, $0x38;
	[tilespmem:$0x1DC40] =	vst v63  }
0x146: {  	_ =	swait.ge [sflag:s29], $0x2000  }
0x147: {  	[sflag:s29] =	ssyncset.done $0x0  }
0x148: {  	[sflag:s29] =	ssyncadd.s32 $0xFFFFE000  }
0x149: {  	_ =	swait.ge [sflag:s30], $0x200  }
0x14a: {  	[sflag:s30] =	ssyncset.done $0x0  }
0x14b: {  	[sflag:s30] =	ssyncadd.s32 $0xFFFFFE00  }
0x14c: {  	_ =	swait.ge [sflag:s30], $0x200  }
0x14d: {  	[sflag:s30] =	ssyncset.done $0x0  }
0x14e: {  	[sflag:s30] =	ssyncadd.s32 $0xFFFFFE00  }
0x14f: {  	[tilespmem:s31], [sflag:$0x4] =	stream.indirect.gather [hbm4b:s7+s25], $0x10, s25, s25, $0xb8;
	[tilespmem:$0x1DC40] =	vst v63  }
0x150: {  	_ = 	snop  }
0x151: {  	[spmem:s1] =	stream.indirect.scatter.add.f32 [tilespmem:s26], [sflag:$0x5], $0x10, s24, s25, $0xb8;
	[tilespmem:$0x1DC40] =	vst v63  }
0x152: {  	_ =	swait.ge [sflag:s0], $0x2000  }
0x153: {  	[sflag:s0] =	ssyncset.done $0x0  }
0x154: {  	s18 =	rddreg [dreg:$0xb];
	[sflag:s0] =	ssyncadd.s32 $0xFFFFE000  }
0x155: {  	[tilespmem:s2], [sflag:$0x1] =	stream.linear.gather [hbm4b:s18+s2], $0x200, $0x38;
	[tilespmem:$0x1DC40] =	vst v63  }
0x156: {  	_ = 	snop  }
0x157: {  	[tilespmem:s24], [sflag:$0x1] =	stream.linear.gather [hbm4b:s20+s2], $0x200, $0x38;
	[tilespmem:$0x1DC40] =	vst v63  }
0x158: {  	_ =	swait.ge [sflag:s8], $0x2000  }
0x159: {  	[sflag:s8] =	ssyncset.done $0x0  }
0x15a: {  	[sflag:s8] =	ssyncadd.s32 $0xFFFFE000  }
0x15b: {  	_ =	swait.ge [sflag:s9], $0x200  }
0x15c: {  	[sflag:s9] =	ssyncset.done $0x0  }
0x15d: {  	[sflag:s9] =	ssyncadd.s32 $0xFFFFFE00  }
0x15e: {  	_ =	swait.ge [sflag:s9], $0x200  }
0x15f: {  	[sflag:s9] =	ssyncset.done $0x0  }
0x160: {  	[sflag:s9] =	ssyncadd.s32 $0xFFFFFE00  }
0x161: {  	[tilespmem:s26], [sflag:$0x3] =	stream.indirect.gather [hbm4b:s7+s25], $0x10, s2, s25, $0xb8;
	[tilespmem:$0x1DC40] =	vst v63  }
0x162: {  	s16 =	simm.s32 $0xFFFFD000  }
0x163: {  	[spmem:s1] =	stream.indirect.scatter.add.f32 [tilespmem:s31], [sflag:$0x6], $0x10, s28, s25, $0xb8;
	[tilespmem:$0x1DC40] =	vst v63  }
.LBB2_21:
0x164: {  	_ =	swait.ge [sflag:s10], $0x2000  }
0x165: {  	s14 =	sadd.s32 s16, s12;
	[sflag:s10] =	ssyncset.done $0x0  }
0x166: {  	s17 =	sadd.s32 $0x30C0, s14;
	[sflag:s10] =	ssyncadd.s32 $0xFFFFE000  }
0x167: {  	[tilespmem:s25], [sflag:$0x2] =	stream.linear.gather [hbm4b:s17+s2], $0x200, $0x38;
	[tilespmem:$0x1DC40] =	vst v63  }
0x168: {  	s17 =	sadd.s32 s16, s13  }
0x169: {  	s18 =	sadd.s32 $0x30C0, s17  }
0x16a: {  	[tilespmem:s28], [sflag:$0x2] =	stream.linear.gather [hbm4b:s18+s2], $0x200, $0x38;
	[tilespmem:$0x1DC40] =	vst v63  }
0x16b: {  	_ =	swait.ge [sflag:s29], $0x2000  }
0x16c: {  	[sflag:s29] =	ssyncset.done $0x0  }
0x16d: {  	[sflag:s29] =	ssyncadd.s32 $0xFFFFE000  }
0x16e: {  	_ =	swait.ge [sflag:s30], $0x200  }
0x16f: {  	[sflag:s30] =	ssyncset.done $0x0  }
0x170: {  	[sflag:s30] =	ssyncadd.s32 $0xFFFFFE00  }
0x171: {  	_ =	swait.ge [sflag:s30], $0x200  }
0x172: {  	[sflag:s30] =	ssyncset.done $0x0  }
0x173: {  	p1 =	seq.s32 s16, $0x0;
	[sflag:s30] =	ssyncadd.s32 $0xFFFFFE00  }
0x174: {  	[tilespmem:s31], [sflag:$0x4] =	stream.indirect.gather [hbm4b:s7+s25], $0x10, s25, s25, $0xb8;
	[tilespmem:$0x1DC40] =	vst v63  }
.Ltmp14:
0x175: {  	_ = 	snop;
	(pc) =	sbr.rel @p1 .LBB2_22-.Ltmp14, $4  }
0x176: {  	[spmem:s1] =	stream.indirect.scatter.add.f32 [tilespmem:s26], [sflag:$0x5], $0x10, s24, s25, $0xb8;
	[tilespmem:$0x1DC40] =	vst v63  }
0x177: {  	_ =	swait.ge [sflag:s0], $0x2000  }
0x178: {  	[sflag:s0] =	ssyncset.done $0x0  }
0x179: {  	[sflag:s0] =	ssyncadd.s32 $0xFFFFE000  }
0x17a: {  	s14 =	sadd.s32 $0x3100, s14  }
0x17b: {  	[tilespmem:s2], [sflag:$0x1] =	stream.linear.gather [hbm4b:s14+s2], $0x200, $0x38;
	[tilespmem:$0x1DC40] =	vst v63  }
0x17c: {  	s18 =	sadd.s32 $0x3100, s17  }
0x17d: {  	[tilespmem:s24], [sflag:$0x1] =	stream.linear.gather [hbm4b:s18+s2], $0x200, $0x38;
	[tilespmem:$0x1DC40] =	vst v63  }
0x17e: {  	_ =	swait.ge [sflag:s8], $0x2000  }
0x17f: {  	[sflag:s8] =	ssyncset.done $0x0  }
0x180: {  	[sflag:s8] =	ssyncadd.s32 $0xFFFFE000  }
0x181: {  	_ =	swait.ge [sflag:s9], $0x200  }
0x182: {  	[sflag:s9] =	ssyncset.done $0x0  }
0x183: {  	[sflag:s9] =	ssyncadd.s32 $0xFFFFFE00  }
0x184: {  	_ =	swait.ge [sflag:s9], $0x200  }
.Ltmp15:
0x185: {  	[sflag:s9] =	ssyncset.done $0x0;
	(pc) =	sbr.rel .LBB2_21-.Ltmp15, $4  }
0x186: {  	[sflag:s9] =	ssyncadd.s32 $0xFFFFFE00  }
0x187: {  	[tilespmem:s26], [sflag:$0x3] =	stream.indirect.gather [hbm4b:s7+s25], $0x10, s2, s25, $0xb8;
	[tilespmem:$0x1DC40] =	vst v63  }
0x188: {  	s16 =	sadd.s32 $0x80, s16  }
0x189: {  	[spmem:s1] =	stream.indirect.scatter.add.f32 [tilespmem:s31], [sflag:$0x6], $0x10, s28, s25, $0xb8;
	[tilespmem:$0x1DC40] =	vst v63  }
.LBB2_18:
.Ltmp16:
0x18a: {  	(pc) =	sbr.rel .LBB2_23-.Ltmp16, $2  }
0x18b: {  	_ =	sdelay $0x2  }
0x18c: {  	s14 =	rddreg [dreg:$0x5]  }
.LBB2_24:
0x18d: {  	_ =	sfence.sel $0x180000  }
0x18e: {  	[bflag:$0x0] =	sbarrier.arrive $0xFFFF  }
0x18f: {  	_ =	strace $0x9000004D  }
0x190: {  	s0 =	stileid.u32;
	[bflag:$0x2] =	sbarrier.arrive $0xFFFF  }
0x191: {  	p0 =	sne.s32 s0, $0x0;
	s0 =	rddreg [dreg:$0x2]  }
0x192: {  	s0 =	sadd.s32 @!p0 $0x100000, s0  }
0x193: {  	[sflag:s0] =	ssyncadd.tile.s32 @!p0 $0x1;
	_ =	shalt  }
.Lfunc_end2:
_tile_overlayer_lowered:
.L_overlay_start_2:
0x194: {  	(tag) =	ssettag $0x2  }
0x195: {  	s0 =	rddreg [dreg:$0x0];
	s2 =	stileid.u32  }
0x196: {  	s1 =	rddreg [dreg:$0x1];
	p0 =	sne.s32 s2, $0x0  }
0x197: {  	s3 =	rddreg [dreg:$0x2];
	[bflag:$0x3] =	sbarrier.arrive $0xFFFF;
	s2 =	simm.s32 @!p0 $0x1C07  }
0x198: {  	[timem:s3], [sflag:s2] =	dma.local @!p0 [hbm:s0], s1  }
0x199: {  	s0 =	simm.s32 @!p0 $0x7  }
0x19a: {  	_ =	swait.ge @!p0 [sflag:s0], s1  }
0x19b: {  	s1 =	ssub.s32 @!p0 $0x0, s1;
	[sflag:s0] =	ssyncset.done @!p0 $0x0  }
0x19c: {  	[sflag:s0] =	ssyncadd.s32 @!p0 s1  }
0x19d: {  	[bflag:$0x3] =	sbarrier.arrive $0xFFFF  }
0x19e: {  	_ =	shalt  }

// kernel: kernel.21.cloned.1.call-start
scs
__scs_entry_jumppad:
0x0: {  	(pc) =	sbr.rel $0x88, $3  }
0x1: {  	(tag) =	ssettag $0x0;
	lr =	simm.s32 $0x1  }
0x2: {  	[smem:$0x3F84] =	sst lr;
	_ =	strace $0xD0000000  }
0x3: {  	_ = 	snop  }
0x4: {  	_ = 	snop  }
0x5: {  	_ = 	snop  }
0x6: {  	_ = 	snop  }
0x7: {  	_ = 	snop  }
__scs_overlays_trampoline_lowered:
0x8: {  	[smem:$0x3F93] =	sst s0  }
0x9: {  	[smem:$0x3F94] =	sst s1  }
0xa: {  	[smem:$0x3F95] =	sst s2  }
0xb: {  	[smem:$0x3F96] =	sst s3  }
0xc: {  	[smem:$0x3F97] =	sst s4  }
0xd: {  	[smem:$0x3F98] =	sst s5  }
0xe: {  	[smem:$0x3F99] =	sst s6  }
0xf: {  	[smem:$0x3F9A] =	sst s7  }
0x10: {  	[smem:$0x3F9B] =	sst s8  }
0x11: {  	[smem:$0x3F9C] =	sst s9;
	s0 =	simm.s32 @!p0 $0x0  }
0x12: {  	s1 =	sld [smem:$0x3F82];
	s0 =	simm.s32 @p0 $0x1  }
0x13: {  	[smem:$0x3F9D] =	sst s0;
	s0 =	simm.s32 @!p1 $0x0  }
0x14: {  	s2 =	sld [smem:$0x3F81];
	s0 =	simm.s32 @p1 $0x1  }
0x15: {  	[smem:$0x3F9E] =	sst s0;
	s0 =	simm.s32 @!p2 $0x0  }
0x16: {  	s3 =	sld [smem:$0x3FDB];
	s0 =	simm.s32 @p2 $0x1  }
0x17: {  	s4 =	simm.s32 $0x1BF5;
	[smem:$0x3FA0] =	sst s0  }
0x18: {  	s0 =	sld [smem:$0x3F83];
	_ =	swait.ge [sflag:s4], $0x0  }
0x19: {  	s7 =	sld [smem:$0x3F84]  }
0x1a: {  	s8 =	sadd.s32 $0xFFFFE003, lr  }
0x1b: {  	s9 =	sadd.s32 $0xFFFFFEF7, lr;
	s5 =	simm.s32 $0xFFFFFFFF;
	p2 =	slt.u32 s8, $0xFFFFF086  }
0x1c: {  	p1 =	slt.u32 s9, $0xF7A;
	s5 =	simm.s32 @!p2 $0x0  }
0x1d: {  	s5 =	simm.s32 @p1 $0x1;
	p0 =	seq.s32 s7, s2  }
0x1e: {  	s7 =	smul.u32 @!p0 $0xF7A, s2;
	p2 =	seq.s32 @!p0 s5, $0x0  }
0x1f: {  	s9 =	smul.u32 $0xF7A, s1;
	s8 =	simm.s32 @!p0 $0x1BF5;
	p2 =	por !p2, p0  }
0x20: {  	[sflag:s8] =	ssyncset.s32 @!p0 $0xFFFFF086;
	s6 =	sadd.s32 @!p0 s3, s7;
	s7 =	simm.s32 @!p0 $0x108  }
0x21: {  	s3 =	sadd.s32 s3, s9;
	s6 =	sadd.s32 @!p0 $0x88, s6;
	s7 =	simm.s32 @p2 $0x1082  }
0x22: {  	[simem:s7], [sflag:s8] =	dma.local @!p0 [hbm:s6], $0xF7A  }
0x23: {  	s9 =	sor.u32 $0xD0000000, s2;
	s6 =	simm.s32 $0x108;
	_ =	swait.ge @!p0 [sflag:s8], $0x0  }
0x24: {  	s3 =	sadd.s32 $0x88, s3;
	s6 =	simm.s32 @!p1 $0x1082;
	[sflag:s4] =	ssyncset.s32 $0xFFFFF086  }
0x25: {  	[simem:s6], [sflag:s4] =	dma.local [hbm:s3], $0xF7A  }
0x26: {  	[smem:$0x3F84] =	sst s1;
	(tag) =	ssettag s2;
	_ =	strace s9  }
0x27: {  	s1 =	sld [smem:$0x3F94]  }
0x28: {  	s2 =	sld [smem:$0x3F95]  }
0x29: {  	s4 =	sld [smem:$0x3F97]  }
0x2a: {  	p0 =	seq.s32 s5, $0x0;
	s5 =	sld [smem:$0x3F98]  }
0x2b: {  	s6 =	sld [smem:$0x3F99]  }
0x2c: {  	s7 =	sld [smem:$0x3F9A]  }
0x2d: {  	s3 =	simm.s32 $0x108;
	s8 =	sld [smem:$0x3F9B]  }
0x2e: {  	s3 =	simm.s32 @!p0 $0x1082;
	s9 =	sld [smem:$0x3F9C]  }
0x2f: {  	lr =	sadd.s32 s0, s3;
	s0 =	sld [smem:$0x3F93]  }
0x30: {  	s3 =	sld [smem:$0x3F96]  }
0x31: {  	[smem:$0x3F9F] =	sst s10  }
0x32: {  	s10 =	sld [smem:$0x3F9D];
	_ =	sdelay $0x3  }
0x33: {  	p0 =	seq.s32 s10, $0x1;
	s10 =	sld [smem:$0x3F9F];
	_ =	sdelay $0x3  }
0x34: {  	[smem:$0x3F9F] =	sst s10  }
0x35: {  	s10 =	sld [smem:$0x3F9E];
	_ =	sdelay $0x3  }
0x36: {  	p1 =	seq.s32 s10, $0x1;
	s10 =	sld [smem:$0x3F9F];
	_ =	sdelay $0x3  }
0x37: {  	[smem:$0x3F9F] =	sst s10  }
0x38: {  	s10 =	sld [smem:$0x3FA0]  }
0x39: {  	_ = 	snop;
	(pc) =	sbr.ind lr, $3  }
0x3a: {  	_ = 	snop  }
0x3b: {  	_ = 	snop  }
0x3c: {  	p2 =	seq.s32 s10, $0x1;
	s10 =	sld [smem:$0x3F9F]  }
0x3d: {  	_ =	shalt  }
0x3e: {  	_ =	shalt  }
0x3f: {  	_ =	shalt  }
0x40: {  	_ =	shalt  }
0x41: {  	_ =	shalt  }
0x42: {  	_ =	shalt  }
0x43: {  	_ =	shalt  }
0x44: {  	_ =	shalt  }
0x45: {  	_ =	shalt  }
0x46: {  	_ =	shalt  }
0x47: {  	_ =	shalt  }
0x48: {  	_ =	shalt  }
0x49: {  	_ =	shalt  }
0x4a: {  	_ =	shalt  }
0x4b: {  	_ =	shalt  }
0x4c: {  	_ =	shalt  }
0x4d: {  	_ =	shalt  }
0x4e: {  	_ =	shalt  }
0x4f: {  	_ =	shalt  }
0x50: {  	_ =	shalt  }
0x51: {  	_ =	shalt  }
0x52: {  	_ =	shalt  }
0x53: {  	_ =	shalt  }
0x54: {  	_ =	shalt  }
0x55: {  	_ =	shalt  }
0x56: {  	_ =	shalt  }
0x57: {  	_ =	shalt  }
0x58: {  	_ =	shalt  }
0x59: {  	_ =	shalt  }
0x5a: {  	_ =	shalt  }
0x5b: {  	_ =	shalt  }
0x5c: {  	_ =	shalt  }
0x5d: {  	_ =	shalt  }
0x5e: {  	_ =	shalt  }
0x5f: {  	_ =	shalt  }
0x60: {  	_ =	shalt  }
0x61: {  	_ =	shalt  }
0x62: {  	_ =	shalt  }
0x63: {  	_ =	shalt  }
0x64: {  	_ =	shalt  }
0x65: {  	_ =	shalt  }
0x66: {  	_ =	shalt  }
0x67: {  	_ =	shalt  }
0x68: {  	_ =	shalt  }
0x69: {  	_ =	shalt  }
0x6a: {  	_ =	shalt  }
0x6b: {  	_ =	shalt  }
0x6c: {  	_ =	shalt  }
0x6d: {  	_ =	shalt  }
0x6e: {  	_ =	shalt  }
0x6f: {  	_ =	shalt  }
0x70: {  	_ =	shalt  }
0x71: {  	_ =	shalt  }
0x72: {  	_ =	shalt  }
0x73: {  	_ =	shalt  }
0x74: {  	_ =	shalt  }
0x75: {  	_ =	shalt  }
0x76: {  	_ =	shalt  }
0x77: {  	_ =	shalt  }
0x78: {  	_ =	shalt  }
0x79: {  	_ =	shalt  }
0x7a: {  	_ =	shalt  }
0x7b: {  	_ =	shalt  }
0x7c: {  	_ =	shalt  }
0x7d: {  	_ =	shalt  }
0x7e: {  	_ =	shalt  }
0x7f: {  	_ =	shalt  }
0x80: {  	_ =	shalt  }
0x81: {  	_ =	shalt  }
0x82: {  	_ =	shalt  }
0x83: {  	_ =	shalt  }
0x84: {  	_ =	shalt  }
0x85: {  	_ =	shalt  }
0x86: {  	_ =	shalt  }
0x87: {  	_ =	shalt  }
.Lfunc_end0:
.L_simem_size_0:
called_computation.3_lowered:
.L_overlay_start_0:
0x88: {  	s2 =	sld [smem:$0x3FD9]  }
0x89: {  	s3 =	sld [smem:$0x3FFE];
	_ =	sdelay $0x1  }
0x8a: {  	s1 =	srdreg.scid  }
0x8b: {  	s0 =	sand.u32 $0x1, s1  }
0x8c: {  	s16 =	sshll.u32 s0, $0xA;
	s2 =	sadd.s32 s3, s2  }
0x8d: {  	s2 =	sadd.s32 s2, s16  }
0x8e: {  	[smem:$0x3FAB] =	sst s2  }
0x8f: {  	_ = 	snop  }
0x90: {  	(tm) =	ssettm $0x1  }
0x91: {  	s17 =	sld [smem:$0x3FFB];
	_ =	sdelay $0x3  }
0x92: {  	_ =	strace s17  }
0x93: {  	s2 =	sld [smem:$0x3FFC];
	_ =	sdelay $0x3  }
0x94: {  	_ =	strace s2  }
0x95: {  	s2 =	sld [smem:$0x3FFD];
	_ =	sdelay $0x3  }
0x96: {  	_ =	strace s2  }
0x97: {  	_ =	strace $0x8FFFFFFF  }
0x98: {  	s18 =	sld [smem:$0x3FDB];
	_ =	sdelay $0x1  }
0x99: {  	s19 =	simm.s32 $_scs_section_size  }
0x9a: {  	s4 =	simm.s32 $_size__tile_overlayer_lowered;
	s5 =	simm.s32 $_tile_overlayer_lowered  }
0x9b: {  	s22 =	simm.s32 $0x1BFF;
	s21 =	sshll.u32 s5, $0x1;
	s2 =	sadd.s32 s19, s18  }
0x9c: {  	s6 =	simm.s32 $0x0;
	s20 =	sshll.u32 s4, $0x1;
	s4 =	sadd.s32 s21, s2  }
0x9d: {  	[timem:s6], [sflag:s22] =	dma.local [hbm:s4], s20  }
0x9e: {  	_ =	swait.ge [sflag:s22], s20  }
0x9f: {  	s3 =	ssub.s32 $0x0, s20;
	[sflag:s22] =	ssyncset.done $0x0  }
0xa0: {  	[sflag:s22] =	ssyncadd.s32 s3;
	_ =	sdelay $0x1  }
0xa1: {  	s23 =	simm.s32 $0x1B8B  }
0xa2: {  	_ =	swait.ge [sflag:s23], $0x1  }
0xa3: {  	[sflag:s23] =	ssyncset.done $0x0  }
0xa4: {  	s25 =	simm.s32 $0x1B8E;
	s24 =	sld [smem:$0x3FFE];
	[sflag:s23] =	ssyncadd.s32 $0xFFFFFFFF  }
0xa5: {  	s26 =	simm.s32 $execute0_lowered;
	[smem:$0x3FD2] =	sst s25  }
0xa6: {  	s4 =	sshll.u32 s26, $0x1;
	_ =	strace $0x8000004F;
	[dreg:$0x1] =	wrdreg $0xFFFFFFFF  }
0xa7: {  	s28 =	simm.s32 $_size_execute0_lowered;
	s2 =	sadd.s32 s2, s4;
	[dreg:$0x0] =	wrdreg $0x0  }
0xa8: {  	s4 =	sshll.u32 s28, $0x1;
	[dreg:$0x2] =	wrdreg s2  }
0xa9: {  	[dreg:$0x3] =	wrdreg s4  }
0xaa: {  	[dreg:$0x4] =	wrdreg $0xC0  }
0xab: {  	_ =	task [dreg:s6], $0x5FFFF  }
0xac: {  	[dreg:$0x1] =	wrdreg $0xFFFFFFFF  }
0xad: {  	[dreg:$0x0] =	wrdreg $0x60  }
0xae: {  	[dreg:$0x2] =	wrdreg s24  }
0xaf: {  	[dreg:$0x3] =	wrdreg $0x54400  }
0xb0: {  	[dreg:$0x4] =	wrdreg $0x9  }
0xb1: {  	_ =	task.clear_ibuf [dreg:s6], $0x5FFFF;
	_ =	strace $0x9000004F  }
0xb2: {  	s29 =	simm.s32 $0x9;
	_ =	strace $0x80000051  }
0xb3: {  	_ =	swait.ge [sflag:s29], $0x1  }
0xb4: {  	[sflag:s29] =	ssyncadd.s32 $0xFFFFFFFF  }
0xb5: {  	_ =	strace $0x90000051  }
0xb6: {  	_ =	sfence  }
0xb7: {  	s30 =	sld [smem:$0x0];
	_ =	sdelay $0x2  }
0xb8: {  	s31 =	sshll.u32 s1, $0xD;
	s1 =	sshrl.u32 s1, $0x2  }
0xb9: {  	s3 =	sand.u32 $0x4000, s31;
	s1 =	sadd.s32 s1, s30  }
0xba: {  	s0 =	sor.u32 s3, s0;
	s1 =	sshll.u32 s1, $0x11  }
0xbb: {  	s0 =	sor.u32 s1, s0  }
0xbc: {  	s0 =	sadd.s32 $0x8F2B, s0  }
0xbd: {  	[sflag:s0] =	ssyncadd.remote.s32 $0x1  }
0xbe: {  	_ =	sfence.sel $0xFFFF  }
0xbf: {  	[dreg:$0x0] =	wrdreg $0xFFFFFFFF;
	(pc) =	sbr.abs _section_cstart, $3  }
0xc0: {  	[dreg:$0x1] =	wrdreg $0xFFFFFFFF  }
0xc1: {  	_ =	task.clear_ibuf [dreg:s6], $0x2FFFF;
	_ =	strace $0x9FFFFFFF  }
0xc2: {  	(tm) =	ssettm $0x7FFFFFFF  }
0xc3: {  	_ =	shalt  }
tec
execute0_lowered:
.L_overlay_start_1:
0x0: {  	(tag) =	ssettag $0x1  }
0x1: {  	s0 =	rddreg [dreg:$0x0]  }
0x2: {  	s1 =	rddreg [dreg:$0x1]  }
0x3: {  	s2 =	simm.s32 $0x0;
	s19 =	srdreg.scid;
	s15 =	stileid.u32  }
0x4: {  	s28 =	simm.s32 $0x600;
	s29 =	simm.s32 $0x3;
	s30 =	simm.s32 $0x2  }
0x5: {  	s31 =	simm.s32 $0x2800;
	[smem:$0x7FF] =	sst s2;
	s6 =	sadd.s32 $0x37800, s0  }
0x6: {  	s8 =	sadd.s32 $0x6800, s0;
	s3 =	sadd.s32 $0xFB800, s0;
	s4 =	sadd.s32 $0xCA800, s0  }
0x7: {  	s5 =	sadd.s32 $0x99800, s0;
	s7 =	sadd.s32 $0x68800, s0;
	s9 =	sadd.s32 $0x1BF800, s0  }
0x8: {  	s10 =	sadd.s32 $0x18E800, s0;
	_ =	strace $0x80000050;
	[dreg:$0x3] =	wrdreg s9  }
0x9: {  	s20 =	sadd.s32 $0x15D800, s0;
	s11 =	smul.u32 $0x3100, s15;
	[dreg:$0x4] =	wrdreg s10  }
0xa: {  	s0 =	sadd.s32 $0x12C800, s0;
	s14 =	smul.u32 $0x18800, s15;
	[dreg:$0x5] =	wrdreg s20  }
0xb: {  	s15 =	smul.u32 $0x62000, s15;
	s9 =	sand.u32 $0x1, s19;
	[dreg:$0x6] =	wrdreg s0  }
0xc: {  	s10 =	simm.s32 $0x6;
	s21 =	ssub.s32 $0x2, s9;
	s12 =	sadd.s32 s6, s11  }
0xd: {  	s13 =	sadd.s32 s8, s11;
	s19 =	sshrl.u32 s14, $0x3;
	s23 =	sor.u32 $0x40, s11  }
0xe: {  	s14 =	sadd.s32 s14, s1;
	s25 =	sor.u32 $0x80, s11;
	s26 =	sshrl.u32 s15, $0x2  }
0xf: {  	p0 =	sne.s32 s9, $0x0;
	s9 =	simm.s32 $0x1;
	s11 =	simm.s32 $0x0  }
0x10: {  	s22 =	sshrl.u32 s21, $0x1;
	[dreg:$0x7] =	wrdreg s14;
	s18 =	sadd.s32 s6, s23  }
0x11: {  	s24 =	sadd.s32 s8, s23;
	s6 =	sadd.s32 s6, s25;
	s20 =	sadd.s32 s8, s25  }
.Ltmp0:
0x12: {  	s23 =	simm.s32 $0x7;
	s25 =	simm.s32 $0x200;
	(pc) =	sbr.rel .LBB2_1-.Ltmp0, $4  }
0x13: {  	s8 =	simm.s32 $0x4;
	s0 =	ssub.s32 s21, s22;
	[dreg:$0xa] =	wrdreg s24  }
0x14: {  	[dreg:$0xb] =	wrdreg s6;
	s21 =	sadd.s32 s26, s1;
	s22 =	simm.s32 $0x4800  }
0x15: {  	s24 =	simm.s32 $0x400;
	[dreg:$0x9] =	wrdreg s18;
	s0 =	smax.u32 s0, $0x1  }
0x16: {  	v0 =	vimm.f32 $0.0e+00;
	s26 =	simm.s32 $0x800;
	[dreg:$0x8] =	wrdreg s0;
	s0 =	simm.s32 $0x5  }
.LBB2_22:
0x17: {  	s14 =	rddreg [dreg:$0x6]  }
.LBB2_23:
0x18: {  	_ =	swait.ge [sflag:s8], $0x2000  }
0x19: {  	[sflag:s8] =	ssyncset.done $0x0  }
0x1a: {  	[sflag:s8] =	ssyncadd.s32 $0xFFFFE000  }
0x1b: {  	[spmem:s1] =	stream.indirect.scatter.add.f32 [tilespmem:s31], [sflag:$0x6], $0x10, s28, s25, $0xb8;
	[tilespmem:$0x1DC40] =	vst v63  }
0x1c: {  	_ =	swait.ge [sflag:s10], $0x2000  }
0x1d: {  	[sflag:s10] =	ssyncset.done $0x0  }
0x1e: {  	[sflag:s10] =	ssyncadd.s32 $0xFFFFE000  }
0x1f: {  	s14 =	sadd.s32 s14, s19;
	[bflag:$0x0] =	sbarrier.arrive $0xFFFF  }
0x20: {  	[hbm:s14], [sflag:s6] =	dma.local [spmem:s15], $0x3100  }
0x21: {  	_ =	swait.ge [sflag:s23], $0x3100  }
0x22: {  	s11 =	sadd.s32 $0x1, s11;
	s18 =	rddreg [dreg:$0x8]  }
0x23: {  	p1 =	sne.s32 s11, s18  }
.Ltmp1:
0x24: {  	_ = 	snop;
	(pc) =	sbr.rel @!p1 .LBB2_24-.Ltmp1, $3  }
0x25: {  	_ =	sdelay $0x1  }
0x26: {  	[sflag:s23] =	ssyncset.done $0x0  }
0x27: {  	[sflag:s23] =	ssyncadd.s32 $0xFFFFCF00;
	s18 =	rddreg [dreg:$0x9]  }
.LBB2_1:
0x28: {  	s6 =	simm.s32 $0x0  }
.LBB2_2:
0x29: {  	p1 =	sne.s32 s6, $0x30C0  }
.Ltmp2:
0x2a: {  	_ = 	snop;
	(pc) =	sbr.rel @p1 .LBB2_2-.Ltmp2, $3  }
0x2b: {  	_ =	sdelay $0x1  }
0x2c: {  	s14 =	sshra.s32 s6, $0x2  }
0x2d: {  	s6 =	sadd.s32 $0x40, s6;
	[tilespmem:s14+$0x4800] =	vst v0  }
0x2e: {  	s6 =	sadd.s32 $0x0, s21  }
0x2f: {  	[spmem:s6] =	stream.linear.scatter [tilespmem:s22], [sflag:$0x7], $0xC40, $0x38;
	[tilespmem:$0x1DC40] =	vst v63  }
0x30: {  	s6 =	simm.s32 $0x3100;
	_ =	swait.ge [sflag:s23], $0xC40  }
.LBB2_4:
0x31: {  	s14 =	sshra.s32 s6, $0x2;
	[sflag:s23] =	ssyncset.done $0x0;
	p1 =	sne.s32 s6, $0x5EF00  }
.Ltmp3:
0x32: {  	s14 =	sadd.s32 s14, s21;
	[sflag:s23] =	ssyncadd.s32 $0xFFFFF3C0;
	(pc) =	sbr.rel @p1 .LBB2_4-.Ltmp3, $3  }
0x33: {  	[spmem:s14] =	stream.linear.scatter [tilespmem:s22], [sflag:$0x7], $0xC40, $0x38;
	[tilespmem:$0x1DC40] =	vst v63  }
0x34: {  	s6 =	sadd.s32 $0x3100, s6;
	_ =	sdelay $0x1  }
0x35: {  	_ =	swait.ge [sflag:s23], $0xC40  }
0x36: {  	[sflag:s23] =	ssyncset.done $0x0  }
0x37: {  	[sflag:s23] =	ssyncadd.s32 $0xFFFFF3C0  }
0x38: {  	[bflag:$0x0] =	sbarrier.arrive $0xFFFF  }
0x39: {  	[tilespmem:s2], [sflag:$0x7] =	stream.linear.gather [hbm4b:s12+s2], $0x200, $0x38;
	[tilespmem:$0x1DC40] =	vst v63  }
0x3a: {  	_ =	swait.ge [sflag:s23], $0x200  }
0x3b: {  	[sflag:s23] =	ssyncset.done $0x0  }
.Ltmp4:
0x3c: {  	[sflag:s23] =	ssyncadd.s32 $0xFFFFFE00;
	(pc) =	sbr.rel @p0 .LBB2_10-.Ltmp4, $4  }
0x3d: {  	[tilespmem:s24], [sflag:$0x7] =	stream.linear.gather [hbm4b:s13+s2], $0x200, $0x38;
	[tilespmem:$0x1DC40] =	vst v63  }
0x3e: {  	_ =	swait.ge [sflag:s23], $0x200  }
0x3f: {  	[sflag:s23] =	ssyncset.done $0x0  }
0x40: {  	[sflag:s23] =	ssyncadd.s32 $0xFFFFFE00  }
0x41: {  	[tilespmem:s26], [sflag:$0x3] =	stream.indirect.gather [hbm4b:s3+s25], $0x10, s2, s25, $0xb8;
	[tilespmem:$0x1DC40] =	vst v63  }
0x42: {  	_ = 	snop  }
0x43: {  	[tilespmem:s25], [sflag:$0x2] =	stream.linear.gather [hbm4b:s18+s2], $0x200, $0x38;
	[tilespmem:$0x1DC40] =	vst v63  }
0x44: {  	s6 =	rddreg [dreg:$0xa]  }
0x45: {  	[tilespmem:s28], [sflag:$0x2] =	stream.linear.gather [hbm4b:s6+s2], $0x200, $0x38;
	[tilespmem:$0x1DC40] =	vst v63  }
0x46: {  	_ =	swait.ge [sflag:s29], $0x2000  }
0x47: {  	[sflag:s29] =	ssyncset.done $0x0  }
0x48: {  	[sflag:s29] =	ssyncadd.s32 $0xFFFFE000  }
0x49: {  	_ =	swait.ge [sflag:s30], $0x200  }
0x4a: {  	[sflag:s30] =	ssyncset.done $0x0  }
0x4b: {  	[sflag:s30] =	ssyncadd.s32 $0xFFFFFE00  }
0x4c: {  	_ =	swait.ge [sflag:s30], $0x200  }
0x4d: {  	[sflag:s30] =	ssyncset.done $0x0  }
0x4e: {  	[sflag:s30] =	ssyncadd.s32 $0xFFFFFE00  }
0x4f: {  	[tilespmem:s31], [sflag:$0x4] =	stream.indirect.gather [hbm4b:s3+s25], $0x10, s25, s25, $0xb8;
	[tilespmem:$0x1DC40] =	vst v63  }
0x50: {  	_ = 	snop  }
0x51: {  	[spmem:s1] =	stream.indirect.scatter.add.f32 [tilespmem:s26], [sflag:$0x5], $0x10, s24, s25, $0xb8;
	[tilespmem:$0x1DC40] =	vst v63  }
0x52: {  	_ =	swait.ge [sflag:s0], $0x2000  }
0x53: {  	[sflag:s0] =	ssyncset.done $0x0  }
0x54: {  	s17 =	rddreg [dreg:$0xb];
	[sflag:s0] =	ssyncadd.s32 $0xFFFFE000  }
0x55: {  	[tilespmem:s2], [sflag:$0x1] =	stream.linear.gather [hbm4b:s17+s2], $0x200, $0x38;
	[tilespmem:$0x1DC40] =	vst v63  }
0x56: {  	_ = 	snop  }
0x57: {  	[tilespmem:s24], [sflag:$0x1] =	stream.linear.gather [hbm4b:s20+s2], $0x200, $0x38;
	[tilespmem:$0x1DC40] =	vst v63  }
0x58: {  	_ =	swait.ge [sflag:s8], $0x2000  }
0x59: {  	[sflag:s8] =	ssyncset.done $0x0  }
0x5a: {  	[sflag:s8] =	ssyncadd.s32 $0xFFFFE000  }
0x5b: {  	_ =	swait.ge [sflag:s9], $0x200  }
0x5c: {  	[sflag:s9] =	ssyncset.done $0x0  }
0x5d: {  	[sflag:s9] =	ssyncadd.s32 $0xFFFFFE00  }
0x5e: {  	_ =	swait.ge [sflag:s9], $0x200  }
0x5f: {  	[sflag:s9] =	ssyncset.done $0x0  }
0x60: {  	[sflag:s9] =	ssyncadd.s32 $0xFFFFFE00  }
0x61: {  	[tilespmem:s26], [sflag:$0x3] =	stream.indirect.gather [hbm4b:s3+s25], $0x10, s2, s25, $0xb8;
	[tilespmem:$0x1DC40] =	vst v63  }
0x62: {  	s6 =	simm.s32 $0xFFFFD000  }
0x63: {  	[spmem:s1] =	stream.indirect.scatter.add.f32 [tilespmem:s31], [sflag:$0x6], $0x10, s28, s25, $0xb8;
	[tilespmem:$0x1DC40] =	vst v63  }
.LBB2_7:
0x64: {  	_ =	swait.ge [sflag:s10], $0x2000  }
0x65: {  	s15 =	sadd.s32 s6, s12;
	[sflag:s10] =	ssyncset.done $0x0  }
0x66: {  	s14 =	sadd.s32 $0x30C0, s15;
	[sflag:s10] =	ssyncadd.s32 $0xFFFFE000  }
0x67: {  	[tilespmem:s25], [sflag:$0x2] =	stream.linear.gather [hbm4b:s14+s2], $0x200, $0x38;
	[tilespmem:$0x1DC40] =	vst v63  }
0x68: {  	s14 =	sadd.s32 s6, s13  }
0x69: {  	s16 =	sadd.s32 $0x30C0, s14  }
0x6a: {  	[tilespmem:s28], [sflag:$0x2] =	stream.linear.gather [hbm4b:s16+s2], $0x200, $0x38;
	[tilespmem:$0x1DC40] =	vst v63  }
0x6b: {  	_ =	swait.ge [sflag:s29], $0x2000  }
0x6c: {  	[sflag:s29] =	ssyncset.done $0x0  }
0x6d: {  	[sflag:s29] =	ssyncadd.s32 $0xFFFFE000  }
0x6e: {  	_ =	swait.ge [sflag:s30], $0x200  }
0x6f: {  	[sflag:s30] =	ssyncset.done $0x0  }
0x70: {  	[sflag:s30] =	ssyncadd.s32 $0xFFFFFE00  }
0x71: {  	_ =	swait.ge [sflag:s30], $0x200  }
0x72: {  	[sflag:s30] =	ssyncset.done $0x0  }
0x73: {  	p1 =	seq.s32 s6, $0x0;
	[sflag:s30] =	ssyncadd.s32 $0xFFFFFE00  }
0x74: {  	[tilespmem:s31], [sflag:$0x4] =	stream.indirect.gather [hbm4b:s3+s25], $0x10, s25, s25, $0xb8;
	[tilespmem:$0x1DC40] =	vst v63  }
.Ltmp5:
0x75: {  	_ = 	snop;
	(pc) =	sbr.rel @p1 .LBB2_8-.Ltmp5, $4  }
0x76: {  	[spmem:s1] =	stream.indirect.scatter.add.f32 [tilespmem:s26], [sflag:$0x5], $0x10, s24, s25, $0xb8;
	[tilespmem:$0x1DC40] =	vst v63  }
0x77: {  	_ =	swait.ge [sflag:s0], $0x2000  }
0x78: {  	[sflag:s0] =	ssyncset.done $0x0  }
0x79: {  	[sflag:s0] =	ssyncadd.s32 $0xFFFFE000  }
0x7a: {  	s15 =	sadd.s32 $0x3100, s15  }
0x7b: {  	[tilespmem:s2], [sflag:$0x1] =	stream.linear.gather [hbm4b:s15+s2], $0x200, $0x38;
	[tilespmem:$0x1DC40] =	vst v63  }
0x7c: {  	s14 =	sadd.s32 $0x3100, s14  }
0x7d: {  	[tilespmem:s24], [sflag:$0x1] =	stream.linear.gather [hbm4b:s14+s2], $0x200, $0x38;
	[tilespmem:$0x1DC40] =	vst v63  }
0x7e: {  	_ =	swait.ge [sflag:s8], $0x2000  }
0x7f: {  	[sflag:s8] =	ssyncset.done $0x0  }
0x80: {  	[sflag:s8] =	ssyncadd.s32 $0xFFFFE000  }
0x81: {  	_ =	swait.ge [sflag:s9], $0x200  }
0x82: {  	[sflag:s9] =	ssyncset.done $0x0  }
0x83: {  	[sflag:s9] =	ssyncadd.s32 $0xFFFFFE00  }
0x84: {  	_ =	swait.ge [sflag:s9], $0x200  }
.Ltmp6:
0x85: {  	[sflag:s9] =	ssyncset.done $0x0;
	(pc) =	sbr.rel .LBB2_7-.Ltmp6, $4  }
0x86: {  	[sflag:s9] =	ssyncadd.s32 $0xFFFFFE00  }
0x87: {  	[tilespmem:s26], [sflag:$0x3] =	stream.indirect.gather [hbm4b:s3+s25], $0x10, s2, s25, $0xb8;
	[tilespmem:$0x1DC40] =	vst v63  }
0x88: {  	s6 =	sadd.s32 $0x80, s6  }
0x89: {  	[spmem:s1] =	stream.indirect.scatter.add.f32 [tilespmem:s31], [sflag:$0x6], $0x10, s28, s25, $0xb8;
	[tilespmem:$0x1DC40] =	vst v63  }
.LBB2_10:
0x8a: {  	[tilespmem:s26], [sflag:$0x3] =	stream.indirect.gather [hbm4b:s4+s25], $0x10, s2, s25, $0xb8;
	[tilespmem:$0x1DC40] =	vst v63  }
0x8b: {  	_ = 	snop  }
0x8c: {  	[tilespmem:s25], [sflag:$0x2] =	stream.linear.gather [hbm4b:s18+s2], $0x200, $0x38;
	[tilespmem:$0x1DC40] =	vst v63  }
0x8d: {  	s6 =	rddreg [dreg:$0xa]  }
0x8e: {  	[tilespmem:s28], [sflag:$0x2] =	stream.linear.gather [hbm4b:s6+s2], $0x200, $0x38;
	[tilespmem:$0x1DC40] =	vst v63  }
0x8f: {  	_ =	swait.ge [sflag:s29], $0x2000  }
0x90: {  	[sflag:s29] =	ssyncset.done $0x0  }
0x91: {  	[sflag:s29] =	ssyncadd.s32 $0xFFFFE000  }
0x92: {  	_ =	swait.ge [sflag:s30], $0x200  }
0x93: {  	[sflag:s30] =	ssyncset.done $0x0  }
0x94: {  	[sflag:s30] =	ssyncadd.s32 $0xFFFFFE00  }
0x95: {  	_ =	swait.ge [sflag:s30], $0x200  }
0x96: {  	[sflag:s30] =	ssyncset.done $0x0  }
0x97: {  	[sflag:s30] =	ssyncadd.s32 $0xFFFFFE00  }
0x98: {  	[tilespmem:s31], [sflag:$0x4] =	stream.indirect.gather [hbm4b:s4+s25], $0x10, s25, s25, $0xb8;
	[tilespmem:$0x1DC40] =	vst v63  }
0x99: {  	_ = 	snop  }
0x9a: {  	[spmem:s1] =	stream.indirect.scatter.add.f32 [tilespmem:s26], [sflag:$0x5], $0x10, s24, s25, $0xb8;
	[tilespmem:$0x1DC40] =	vst v63  }
0x9b: {  	_ =	swait.ge [sflag:s0], $0x2000  }
0x9c: {  	[sflag:s0] =	ssyncset.done $0x0  }
0x9d: {  	s17 =	rddreg [dreg:$0xb];
	[sflag:s0] =	ssyncadd.s32 $0xFFFFE000  }
0x9e: {  	[tilespmem:s2], [sflag:$0x1] =	stream.linear.gather [hbm4b:s17+s2], $0x200, $0x38;
	[tilespmem:$0x1DC40] =	vst v63  }
0x9f: {  	_ = 	snop  }
0xa0: {  	[tilespmem:s24], [sflag:$0x1] =	stream.linear.gather [hbm4b:s20+s2], $0x200, $0x38;
	[tilespmem:$0x1DC40] =	vst v63  }
0xa1: {  	_ =	swait.ge [sflag:s8], $0x2000  }
0xa2: {  	[sflag:s8] =	ssyncset.done $0x0  }
0xa3: {  	[sflag:s8] =	ssyncadd.s32 $0xFFFFE000  }
0xa4: {  	_ =	swait.ge [sflag:s9], $0x200  }
0xa5: {  	[sflag:s9] =	ssyncset.done $0x0  }
0xa6: {  	[sflag:s9] =	ssyncadd.s32 $0xFFFFFE00  }
0xa7: {  	_ =	swait.ge [sflag:s9], $0x200  }
0xa8: {  	[sflag:s9] =	ssyncset.done $0x0  }
0xa9: {  	[sflag:s9] =	ssyncadd.s32 $0xFFFFFE00  }
0xaa: {  	[tilespmem:s26], [sflag:$0x3] =	stream.indirect.gather [hbm4b:s4+s25], $0x10, s2, s25, $0xb8;
	[tilespmem:$0x1DC40] =	vst v63  }
0xab: {  	s6 =	simm.s32 $0xFFFFD000  }
0xac: {  	[spmem:s1] =	stream.indirect.scatter.add.f32 [tilespmem:s31], [sflag:$0x6], $0x10, s28, s25, $0xb8;
	[tilespmem:$0x1DC40] =	vst v63  }
.LBB2_11:
0xad: {  	_ =	swait.ge [sflag:s10], $0x2000  }
0xae: {  	s15 =	sadd.s32 s6, s12;
	[sflag:s10] =	ssyncset.done $0x0  }
0xaf: {  	s14 =	sadd.s32 $0x30C0, s15;
	[sflag:s10] =	ssyncadd.s32 $0xFFFFE000  }
0xb0: {  	[tilespmem:s25], [sflag:$0x2] =	stream.linear.gather [hbm4b:s14+s2], $0x200, $0x38;
	[tilespmem:$0x1DC40] =	vst v63  }
0xb1: {  	s14 =	sadd.s32 s6, s13  }
0xb2: {  	s16 =	sadd.s32 $0x30C0, s14  }
0xb3: {  	[tilespmem:s28], [sflag:$0x2] =	stream.linear.gather [hbm4b:s16+s2], $0x200, $0x38;
	[tilespmem:$0x1DC40] =	vst v63  }
0xb4: {  	_ =	swait.ge [sflag:s29], $0x2000  }
0xb5: {  	[sflag:s29] =	ssyncset.done $0x0  }
0xb6: {  	[sflag:s29] =	ssyncadd.s32 $0xFFFFE000  }
0xb7: {  	_ =	swait.ge [sflag:s30], $0x200  }
0xb8: {  	[sflag:s30] =	ssyncset.done $0x0  }
0xb9: {  	[sflag:s30] =	ssyncadd.s32 $0xFFFFFE00  }
0xba: {  	_ =	swait.ge [sflag:s30], $0x200  }
0xbb: {  	[sflag:s30] =	ssyncset.done $0x0  }
0xbc: {  	p1 =	seq.s32 s6, $0x0;
	[sflag:s30] =	ssyncadd.s32 $0xFFFFFE00  }
0xbd: {  	[tilespmem:s31], [sflag:$0x4] =	stream.indirect.gather [hbm4b:s4+s25], $0x10, s25, s25, $0xb8;
	[tilespmem:$0x1DC40] =	vst v63  }
.Ltmp7:
0xbe: {  	_ = 	snop;
	(pc) =	sbr.rel @p1 .LBB2_12-.Ltmp7, $4  }
0xbf: {  	[spmem:s1] =	stream.indirect.scatter.add.f32 [tilespmem:s26], [sflag:$0x5], $0x10, s24, s25, $0xb8;
	[tilespmem:$0x1DC40] =	vst v63  }
0xc0: {  	_ =	swait.ge [sflag:s0], $0x2000  }
0xc1: {  	[sflag:s0] =	ssyncset.done $0x0  }
0xc2: {  	[sflag:s0] =	ssyncadd.s32 $0xFFFFE000  }
0xc3: {  	s15 =	sadd.s32 $0x3100, s15  }
0xc4: {  	[tilespmem:s2], [sflag:$0x1] =	stream.linear.gather [hbm4b:s15+s2], $0x200, $0x38;
	[tilespmem:$0x1DC40] =	vst v63  }
0xc5: {  	s14 =	sadd.s32 $0x3100, s14  }
0xc6: {  	[tilespmem:s24], [sflag:$0x1] =	stream.linear.gather [hbm4b:s14+s2], $0x200, $0x38;
	[tilespmem:$0x1DC40] =	vst v63  }
0xc7: {  	_ =	swait.ge [sflag:s8], $0x2000  }
0xc8: {  	[sflag:s8] =	ssyncset.done $0x0  }
0xc9: {  	[sflag:s8] =	ssyncadd.s32 $0xFFFFE000  }
0xca: {  	_ =	swait.ge [sflag:s9], $0x200  }
0xcb: {  	[sflag:s9] =	ssyncset.done $0x0  }
0xcc: {  	[sflag:s9] =	ssyncadd.s32 $0xFFFFFE00  }
0xcd: {  	_ =	swait.ge [sflag:s9], $0x200  }
.Ltmp8:
0xce: {  	[sflag:s9] =	ssyncset.done $0x0;
	(pc) =	sbr.rel .LBB2_11-.Ltmp8, $4  }
0xcf: {  	[sflag:s9] =	ssyncadd.s32 $0xFFFFFE00  }
0xd0: {  	[tilespmem:s26], [sflag:$0x3] =	stream.indirect.gather [hbm4b:s4+s25], $0x10, s2, s25, $0xb8;
	[tilespmem:$0x1DC40] =	vst v63  }
0xd1: {  	s6 =	sadd.s32 $0x80, s6  }
0xd2: {  	[spmem:s1] =	stream.indirect.scatter.add.f32 [tilespmem:s31], [sflag:$0x6], $0x10, s28, s25, $0xb8;
	[tilespmem:$0x1DC40] =	vst v63  }
.LBB2_8:
.Ltmp9:
0xd3: {  	(pc) =	sbr.rel .LBB2_13-.Ltmp9, $2  }
0xd4: {  	_ =	sdelay $0x2  }
0xd5: {  	s6 =	rddreg [dreg:$0x3]  }
.LBB2_12:
0xd6: {  	s6 =	rddreg [dreg:$0x4]  }
.LBB2_13:
0xd7: {  	_ =	swait.ge [sflag:s8], $0x2000  }
0xd8: {  	[sflag:s8] =	ssyncset.done $0x0  }
0xd9: {  	[sflag:s8] =	ssyncadd.s32 $0xFFFFE000  }
0xda: {  	[spmem:s1] =	stream.indirect.scatter.add.f32 [tilespmem:s31], [sflag:$0x6], $0x10, s28, s25, $0xb8;
	[tilespmem:$0x1DC40] =	vst v63  }
0xdb: {  	_ =	swait.ge [sflag:s10], $0x2000  }
0xdc: {  	[sflag:s10] =	ssyncset.done $0x0  }
0xdd: {  	[sflag:s10] =	ssyncadd.s32 $0xFFFFE000  }
0xde: {  	s16 =	stileid.u32;
	[bflag:$0x0] =	sbarrier.arrive $0xFFFF  }
0xdf: {  	s14 =	sadd.s32 s6, s19;
	s6 =	sshll.u32 s16, $0x6;
	s15 =	rddreg [dreg:$0x7]  }
0xe0: {  	s6 =	sor.u32 $0x1C07, s6;
	s15 =	sshrl.u32 s15, $0x3  }
0xe1: {  	[hbm:s14], [sflag:s6] =	dma.local [spmem:s15], $0x3100  }
0xe2: {  	_ =	swait.ge [sflag:s23], $0x3100  }
0xe3: {  	[sflag:s23] =	ssyncset.done $0x0  }
0xe4: {  	[sflag:s23] =	ssyncadd.s32 $0xFFFFCF00  }
0xe5: {  	s17 =	sadd.s32 $0x0, s21;
	[bflag:$0x0] =	sbarrier.arrive $0xFFFF  }
0xe6: {  	[spmem:s17] =	stream.linear.scatter [tilespmem:s22], [sflag:$0x7], $0xC40, $0x38;
	[tilespmem:$0x1DC40] =	vst v63  }
0xe7: {  	s14 =	simm.s32 $0x3100;
	_ =	swait.ge [sflag:s23], $0xC40  }
.LBB2_14:
0xe8: {  	s16 =	sshra.s32 s14, $0x2;
	[sflag:s23] =	ssyncset.done $0x0;
	p1 =	sne.s32 s14, $0x5EF00  }
.Ltmp10:
0xe9: {  	s16 =	sadd.s32 s16, s21;
	[sflag:s23] =	ssyncadd.s32 $0xFFFFF3C0;
	(pc) =	sbr.rel @p1 .LBB2_14-.Ltmp10, $3  }
0xea: {  	[spmem:s16] =	stream.linear.scatter [tilespmem:s22], [sflag:$0x7], $0xC40, $0x38;
	[tilespmem:$0x1DC40] =	vst v63  }
0xeb: {  	s14 =	sadd.s32 $0x3100, s14;
	_ =	sdelay $0x1  }
0xec: {  	_ =	swait.ge [sflag:s23], $0xC40  }
0xed: {  	[sflag:s23] =	ssyncset.done $0x0  }
0xee: {  	[sflag:s23] =	ssyncadd.s32 $0xFFFFF3C0  }
0xef: {  	[bflag:$0x0] =	sbarrier.arrive $0xFFFF  }
0xf0: {  	[tilespmem:s2], [sflag:$0x7] =	stream.linear.gather [hbm4b:s12+s2], $0x200, $0x38;
	[tilespmem:$0x1DC40] =	vst v63  }
0xf1: {  	_ =	swait.ge [sflag:s23], $0x200  }
0xf2: {  	[sflag:s23] =	ssyncset.done $0x0  }
.Ltmp11:
0xf3: {  	[sflag:s23] =	ssyncadd.s32 $0xFFFFFE00;
	(pc) =	sbr.rel @p0 .LBB2_20-.Ltmp11, $4  }
0xf4: {  	[tilespmem:s24], [sflag:$0x7] =	stream.linear.gather [hbm4b:s13+s2], $0x200, $0x38;
	[tilespmem:$0x1DC40] =	vst v63  }
0xf5: {  	_ =	swait.ge [sflag:s23], $0x200  }
0xf6: {  	[sflag:s23] =	ssyncset.done $0x0  }
0xf7: {  	[sflag:s23] =	ssyncadd.s32 $0xFFFFFE00  }
0xf8: {  	[tilespmem:s26], [sflag:$0x3] =	stream.indirect.gather [hbm4b:s5+s25], $0x10, s2, s25, $0xb8;
	[tilespmem:$0x1DC40] =	vst v63  }
0xf9: {  	_ = 	snop  }
0xfa: {  	[tilespmem:s25], [sflag:$0x2] =	stream.linear.gather [hbm4b:s18+s2], $0x200, $0x38;
	[tilespmem:$0x1DC40] =	vst v63  }
0xfb: {  	s14 =	rddreg [dreg:$0xa]  }
0xfc: {  	[tilespmem:s28], [sflag:$0x2] =	stream.linear.gather [hbm4b:s14+s2], $0x200, $0x38;
	[tilespmem:$0x1DC40] =	vst v63  }
0xfd: {  	_ =	swait.ge [sflag:s29], $0x2000  }
0xfe: {  	[sflag:s29] =	ssyncset.done $0x0  }
0xff: {  	[sflag:s29] =	ssyncadd.s32 $0xFFFFE000  }
0x100: {  	_ =	swait.ge [sflag:s30], $0x200  }
0x101: {  	[sflag:s30] =	ssyncset.done $0x0  }
0x102: {  	[sflag:s30] =	ssyncadd.s32 $0xFFFFFE00  }
0x103: {  	_ =	swait.ge [sflag:s30], $0x200  }
0x104: {  	[sflag:s30] =	ssyncset.done $0x0  }
0x105: {  	[sflag:s30] =	ssyncadd.s32 $0xFFFFFE00  }
0x106: {  	[tilespmem:s31], [sflag:$0x4] =	stream.indirect.gather [hbm4b:s5+s25], $0x10, s25, s25, $0xb8;
	[tilespmem:$0x1DC40] =	vst v63  }
0x107: {  	_ = 	snop  }
0x108: {  	[spmem:s1] =	stream.indirect.scatter.add.f32 [tilespmem:s26], [sflag:$0x5], $0x10, s24, s25, $0xb8;
	[tilespmem:$0x1DC40] =	vst v63  }
0x109: {  	_ =	swait.ge [sflag:s0], $0x2000  }
0x10a: {  	[sflag:s0] =	ssyncset.done $0x0  }
0x10b: {  	s18 =	rddreg [dreg:$0xb];
	[sflag:s0] =	ssyncadd.s32 $0xFFFFE000  }
0x10c: {  	[tilespmem:s2], [sflag:$0x1] =	stream.linear.gather [hbm4b:s18+s2], $0x200, $0x38;
	[tilespmem:$0x1DC40] =	vst v63  }
0x10d: {  	_ = 	snop  }
0x10e: {  	[tilespmem:s24], [sflag:$0x1] =	stream.linear.gather [hbm4b:s20+s2], $0x200, $0x38;
	[tilespmem:$0x1DC40] =	vst v63  }
0x10f: {  	_ =	swait.ge [sflag:s8], $0x2000  }
0x110: {  	[sflag:s8] =	ssyncset.done $0x0  }
0x111: {  	[sflag:s8] =	ssyncadd.s32 $0xFFFFE000  }
0x112: {  	_ =	swait.ge [sflag:s9], $0x200  }
0x113: {  	[sflag:s9] =	ssyncset.done $0x0  }
0x114: {  	[sflag:s9] =	ssyncadd.s32 $0xFFFFFE00  }
0x115: {  	_ =	swait.ge [sflag:s9], $0x200  }
0x116: {  	[sflag:s9] =	ssyncset.done $0x0  }
0x117: {  	[sflag:s9] =	ssyncadd.s32 $0xFFFFFE00  }
0x118: {  	[tilespmem:s26], [sflag:$0x3] =	stream.indirect.gather [hbm4b:s5+s25], $0x10, s2, s25, $0xb8;
	[tilespmem:$0x1DC40] =	vst v63  }
0x119: {  	s16 =	simm.s32 $0xFFFFD000  }
0x11a: {  	[spmem:s1] =	stream.indirect.scatter.add.f32 [tilespmem:s31], [sflag:$0x6], $0x10, s28, s25, $0xb8;
	[tilespmem:$0x1DC40] =	vst v63  }
.LBB2_17:
0x11b: {  	_ =	swait.ge [sflag:s10], $0x2000  }
0x11c: {  	s14 =	sadd.s32 s16, s12;
	[sflag:s10] =	ssyncset.done $0x0  }
0x11d: {  	s17 =	sadd.s32 $0x30C0, s14;
	[sflag:s10] =	ssyncadd.s32 $0xFFFFE000  }
0x11e: {  	[tilespmem:s25], [sflag:$0x2] =	stream.linear.gather [hbm4b:s17+s2], $0x200, $0x38;
	[tilespmem:$0x1DC40] =	vst v63  }
0x11f: {  	s17 =	sadd.s32 s16, s13  }
0x120: {  	s18 =	sadd.s32 $0x30C0, s17  }
0x121: {  	[tilespmem:s28], [sflag:$0x2] =	stream.linear.gather [hbm4b:s18+s2], $0x200, $0x38;
	[tilespmem:$0x1DC40] =	vst v63  }
0x122: {  	_ =	swait.ge [sflag:s29], $0x2000  }
0x123: {  	[sflag:s29] =	ssyncset.done $0x0  }
0x124: {  	[sflag:s29] =	ssyncadd.s32 $0xFFFFE000  }
0x125: {  	_ =	swait.ge [sflag:s30], $0x200  }
0x126: {  	[sflag:s30] =	ssyncset.done $0x0  }
0x127: {  	[sflag:s30] =	ssyncadd.s32 $0xFFFFFE00  }
0x128: {  	_ =	swait.ge [sflag:s30], $0x200  }
0x129: {  	[sflag:s30] =	ssyncset.done $0x0  }
0x12a: {  	p1 =	seq.s32 s16, $0x0;
	[sflag:s30] =	ssyncadd.s32 $0xFFFFFE00  }
0x12b: {  	[tilespmem:s31], [sflag:$0x4] =	stream.indirect.gather [hbm4b:s5+s25], $0x10, s25, s25, $0xb8;
	[tilespmem:$0x1DC40] =	vst v63  }
.Ltmp12:
0x12c: {  	_ = 	snop;
	(pc) =	sbr.rel @p1 .LBB2_18-.Ltmp12, $4  }
0x12d: {  	[spmem:s1] =	stream.indirect.scatter.add.f32 [tilespmem:s26], [sflag:$0x5], $0x10, s24, s25, $0xb8;
	[tilespmem:$0x1DC40] =	vst v63  }
0x12e: {  	_ =	swait.ge [sflag:s0], $0x2000  }
0x12f: {  	[sflag:s0] =	ssyncset.done $0x0  }
0x130: {  	[sflag:s0] =	ssyncadd.s32 $0xFFFFE000  }
0x131: {  	s14 =	sadd.s32 $0x3100, s14  }
0x132: {  	[tilespmem:s2], [sflag:$0x1] =	stream.linear.gather [hbm4b:s14+s2], $0x200, $0x38;
	[tilespmem:$0x1DC40] =	vst v63  }
0x133: {  	s18 =	sadd.s32 $0x3100, s17  }
0x134: {  	[tilespmem:s24], [sflag:$0x1] =	stream.linear.gather [hbm4b:s18+s2], $0x200, $0x38;
	[tilespmem:$0x1DC40] =	vst v63  }
0x135: {  	_ =	swait.ge [sflag:s8], $0x2000  }
0x136: {  	[sflag:s8] =	ssyncset.done $0x0  }
0x137: {  	[sflag:s8] =	ssyncadd.s32 $0xFFFFE000  }
0x138: {  	_ =	swait.ge [sflag:s9], $0x200  }
0x139: {  	[sflag:s9] =	ssyncset.done $0x0  }
0x13a: {  	[sflag:s9] =	ssyncadd.s32 $0xFFFFFE00  }
0x13b: {  	_ =	swait.ge [sflag:s9], $0x200  }
.Ltmp13:
0x13c: {  	[sflag:s9] =	ssyncset.done $0x0;
	(pc) =	sbr.rel .LBB2_17-.Ltmp13, $4  }
0x13d: {  	[sflag:s9] =	ssyncadd.s32 $0xFFFFFE00  }
0x13e: {  	[tilespmem:s26], [sflag:$0x3] =	stream.indirect.gather [hbm4b:s5+s25], $0x10, s2, s25, $0xb8;
	[tilespmem:$0x1DC40] =	vst v63  }
0x13f: {  	s16 =	sadd.s32 $0x80, s16  }
0x140: {  	[spmem:s1] =	stream.indirect.scatter.add.f32 [tilespmem:s31], [sflag:$0x6], $0x10, s28, s25, $0xb8;
	[tilespmem:$0x1DC40] =	vst v63  }
.LBB2_20:
0x141: {  	[tilespmem:s26], [sflag:$0x3] =	stream.indirect.gather [hbm4b:s7+s25], $0x10, s2, s25, $0xb8;
	[tilespmem:$0x1DC40] =	vst v63  }
0x142: {  	_ = 	snop  }
0x143: {  	[tilespmem:s25], [sflag:$0x2] =	stream.linear.gather [hbm4b:s18+s2], $0x200, $0x38;
	[tilespmem:$0x1DC40] =	vst v63  }
0x144: {  	s14 =	rddreg [dreg:$0xa]  }
0x145: {  	[tilespmem:s28], [sflag:$0x2] =	stream.linear.gather [hbm4b:s14+s2], $0x200, $0x38;
	[tilespmem:$0x1DC40] =	vst v63  }
0x146: {  	_ =	swait.ge [sflag:s29], $0x2000  }
0x147: {  	[sflag:s29] =	ssyncset.done $0x0  }
0x148: {  	[sflag:s29] =	ssyncadd.s32 $0xFFFFE000  }
0x149: {  	_ =	swait.ge [sflag:s30], $0x200  }
0x14a: {  	[sflag:s30] =	ssyncset.done $0x0  }
0x14b: {  	[sflag:s30] =	ssyncadd.s32 $0xFFFFFE00  }
0x14c: {  	_ =	swait.ge [sflag:s30], $0x200  }
0x14d: {  	[sflag:s30] =	ssyncset.done $0x0  }
0x14e: {  	[sflag:s30] =	ssyncadd.s32 $0xFFFFFE00  }
0x14f: {  	[tilespmem:s31], [sflag:$0x4] =	stream.indirect.gather [hbm4b:s7+s25], $0x10, s25, s25, $0xb8;
	[tilespmem:$0x1DC40] =	vst v63  }
0x150: {  	_ = 	snop  }
0x151: {  	[spmem:s1] =	stream.indirect.scatter.add.f32 [tilespmem:s26], [sflag:$0x5], $0x10, s24, s25, $0xb8;
	[tilespmem:$0x1DC40] =	vst v63  }
0x152: {  	_ =	swait.ge [sflag:s0], $0x2000  }
0x153: {  	[sflag:s0] =	ssyncset.done $0x0  }
0x154: {  	s18 =	rddreg [dreg:$0xb];
	[sflag:s0] =	ssyncadd.s32 $0xFFFFE000  }
0x155: {  	[tilespmem:s2], [sflag:$0x1] =	stream.linear.gather [hbm4b:s18+s2], $0x200, $0x38;
	[tilespmem:$0x1DC40] =	vst v63  }
0x156: {  	_ = 	snop  }
0x157: {  	[tilespmem:s24], [sflag:$0x1] =	stream.linear.gather [hbm4b:s20+s2], $0x200, $0x38;
	[tilespmem:$0x1DC40] =	vst v63  }
0x158: {  	_ =	swait.ge [sflag:s8], $0x2000  }
0x159: {  	[sflag:s8] =	ssyncset.done $0x0  }
0x15a: {  	[sflag:s8] =	ssyncadd.s32 $0xFFFFE000  }
0x15b: {  	_ =	swait.ge [sflag:s9], $0x200  }
0x15c: {  	[sflag:s9] =	ssyncset.done $0x0  }
0x15d: {  	[sflag:s9] =	ssyncadd.s32 $0xFFFFFE00  }
0x15e: {  	_ =	swait.ge [sflag:s9], $0x200  }
0x15f: {  	[sflag:s9] =	ssyncset.done $0x0  }
0x160: {  	[sflag:s9] =	ssyncadd.s32 $0xFFFFFE00  }
0x161: {  	[tilespmem:s26], [sflag:$0x3] =	stream.indirect.gather [hbm4b:s7+s25], $0x10, s2, s25, $0xb8;
	[tilespmem:$0x1DC40] =	vst v63  }
0x162: {  	s16 =	simm.s32 $0xFFFFD000  }
0x163: {  	[spmem:s1] =	stream.indirect.scatter.add.f32 [tilespmem:s31], [sflag:$0x6], $0x10, s28, s25, $0xb8;
	[tilespmem:$0x1DC40] =	vst v63  }
.LBB2_21:
0x164: {  	_ =	swait.ge [sflag:s10], $0x2000  }
0x165: {  	s14 =	sadd.s32 s16, s12;
	[sflag:s10] =	ssyncset.done $0x0  }
0x166: {  	s17 =	sadd.s32 $0x30C0, s14;
	[sflag:s10] =	ssyncadd.s32 $0xFFFFE000  }
0x167: {  	[tilespmem:s25], [sflag:$0x2] =	stream.linear.gather [hbm4b:s17+s2], $0x200, $0x38;
	[tilespmem:$0x1DC40] =	vst v63  }
0x168: {  	s17 =	sadd.s32 s16, s13  }
0x169: {  	s18 =	sadd.s32 $0x30C0, s17  }
0x16a: {  	[tilespmem:s28], [sflag:$0x2] =	stream.linear.gather [hbm4b:s18+s2], $0x200, $0x38;
	[tilespmem:$0x1DC40] =	vst v63  }
0x16b: {  	_ =	swait.ge [sflag:s29], $0x2000  }
0x16c: {  	[sflag:s29] =	ssyncset.done $0x0  }
0x16d: {  	[sflag:s29] =	ssyncadd.s32 $0xFFFFE000  }
0x16e: {  	_ =	swait.ge [sflag:s30], $0x200  }
0x16f: {  	[sflag:s30] =	ssyncset.done $0x0  }
0x170: {  	[sflag:s30] =	ssyncadd.s32 $0xFFFFFE00  }
0x171: {  	_ =	swait.ge [sflag:s30], $0x200  }
0x172: {  	[sflag:s30] =	ssyncset.done $0x0  }
0x173: {  	p1 =	seq.s32 s16, $0x0;
	[sflag:s30] =	ssyncadd.s32 $0xFFFFFE00  }
0x174: {  	[tilespmem:s31], [sflag:$0x4] =	stream.indirect.gather [hbm4b:s7+s25], $0x10, s25, s25, $0xb8;
	[tilespmem:$0x1DC40] =	vst v63  }
.Ltmp14:
0x175: {  	_ = 	snop;
	(pc) =	sbr.rel @p1 .LBB2_22-.Ltmp14, $4  }
0x176: {  	[spmem:s1] =	stream.indirect.scatter.add.f32 [tilespmem:s26], [sflag:$0x5], $0x10, s24, s25, $0xb8;
	[tilespmem:$0x1DC40] =	vst v63  }
0x177: {  	_ =	swait.ge [sflag:s0], $0x2000  }
0x178: {  	[sflag:s0] =	ssyncset.done $0x0  }
0x179: {  	[sflag:s0] =	ssyncadd.s32 $0xFFFFE000  }
0x17a: {  	s14 =	sadd.s32 $0x3100, s14  }
0x17b: {  	[tilespmem:s2], [sflag:$0x1] =	stream.linear.gather [hbm4b:s14+s2], $0x200, $0x38;
	[tilespmem:$0x1DC40] =	vst v63  }
0x17c: {  	s18 =	sadd.s32 $0x3100, s17  }
0x17d: {  	[tilespmem:s24], [sflag:$0x1] =	stream.linear.gather [hbm4b:s18+s2], $0x200, $0x38;
	[tilespmem:$0x1DC40] =	vst v63  }
0x17e: {  	_ =	swait.ge [sflag:s8], $0x2000  }
0x17f: {  	[sflag:s8] =	ssyncset.done $0x0  }
0x180: {  	[sflag:s8] =	ssyncadd.s32 $0xFFFFE000  }
0x181: {  	_ =	swait.ge [sflag:s9], $0x200  }
0x182: {  	[sflag:s9] =	ssyncset.done $0x0  }
0x183: {  	[sflag:s9] =	ssyncadd.s32 $0xFFFFFE00  }
0x184: {  	_ =	swait.ge [sflag:s9], $0x200  }
.Ltmp15:
0x185: {  	[sflag:s9] =	ssyncset.done $0x0;
	(pc) =	sbr.rel .LBB2_21-.Ltmp15, $4  }
0x186: {  	[sflag:s9] =	ssyncadd.s32 $0xFFFFFE00  }
0x187: {  	[tilespmem:s26], [sflag:$0x3] =	stream.indirect.gather [hbm4b:s7+s25], $0x10, s2, s25, $0xb8;
	[tilespmem:$0x1DC40] =	vst v63  }
0x188: {  	s16 =	sadd.s32 $0x80, s16  }
0x189: {  	[spmem:s1] =	stream.indirect.scatter.add.f32 [tilespmem:s31], [sflag:$0x6], $0x10, s28, s25, $0xb8;
	[tilespmem:$0x1DC40] =	vst v63  }
.LBB2_18:
.Ltmp16:
0x18a: {  	(pc) =	sbr.rel .LBB2_23-.Ltmp16, $2  }
0x18b: {  	_ =	sdelay $0x2  }
0x18c: {  	s14 =	rddreg [dreg:$0x5]  }
.LBB2_24:
0x18d: {  	_ =	sfence.sel $0x180000  }
0x18e: {  	[bflag:$0x0] =	sbarrier.arrive $0xFFFF  }
0x18f: {  	_ =	strace $0x90000050  }
0x190: {  	s0 =	stileid.u32;
	[bflag:$0x2] =	sbarrier.arrive $0xFFFF  }
0x191: {  	p0 =	sne.s32 s0, $0x0;
	s0 =	rddreg [dreg:$0x2]  }
0x192: {  	s0 =	sadd.s32 @!p0 $0x100000, s0  }
0x193: {  	[sflag:s0] =	ssyncadd.tile.s32 @!p0 $0x1;
	_ =	shalt  }
.Lfunc_end2:
_tile_overlayer_lowered:
.L_overlay_start_2:
0x194: {  	(tag) =	ssettag $0x2  }
0x195: {  	s0 =	rddreg [dreg:$0x0];
	s2 =	stileid.u32  }
0x196: {  	s1 =	rddreg [dreg:$0x1];
	p0 =	sne.s32 s2, $0x0  }
0x197: {  	s3 =	rddreg [dreg:$0x2];
	[bflag:$0x3] =	sbarrier.arrive $0xFFFF;
	s2 =	simm.s32 @!p0 $0x1C07  }
0x198: {  	[timem:s3], [sflag:s2] =	dma.local @!p0 [hbm:s0], s1  }
0x199: {  	s0 =	simm.s32 @!p0 $0x7  }
0x19a: {  	_ =	swait.ge @!p0 [sflag:s0], s1  }
0x19b: {  	s1 =	ssub.s32 @!p0 $0x0, s1;
	[sflag:s0] =	ssyncset.done @!p0 $0x0  }
0x19c: {  	[sflag:s0] =	ssyncadd.s32 @!p0 s1  }
0x19d: {  	[bflag:$0x3] =	sbarrier.arrive $0xFFFF  }
0x19e: {  	_ =	shalt  }

// kernel: kernel.24.cloned.1.call-start
scs
__scs_entry_jumppad:
0x0: {  	(pc) =	sbr.rel $0x88, $3  }
0x1: {  	(tag) =	ssettag $0x0;
	lr =	simm.s32 $0x1  }
0x2: {  	[smem:$0x3F84] =	sst lr;
	_ =	strace $0xD0000000  }
0x3: {  	_ = 	snop  }
0x4: {  	_ = 	snop  }
0x5: {  	_ = 	snop  }
0x6: {  	_ = 	snop  }
0x7: {  	_ = 	snop  }
__scs_overlays_trampoline_lowered:
0x8: {  	[smem:$0x3F93] =	sst s0  }
0x9: {  	[smem:$0x3F94] =	sst s1  }
0xa: {  	[smem:$0x3F95] =	sst s2  }
0xb: {  	[smem:$0x3F96] =	sst s3  }
0xc: {  	[smem:$0x3F97] =	sst s4  }
0xd: {  	[smem:$0x3F98] =	sst s5  }
0xe: {  	[smem:$0x3F99] =	sst s6  }
0xf: {  	[smem:$0x3F9A] =	sst s7  }
0x10: {  	[smem:$0x3F9B] =	sst s8  }
0x11: {  	[smem:$0x3F9C] =	sst s9;
	s0 =	simm.s32 @!p0 $0x0  }
0x12: {  	s1 =	sld [smem:$0x3F82];
	s0 =	simm.s32 @p0 $0x1  }
0x13: {  	[smem:$0x3F9D] =	sst s0;
	s0 =	simm.s32 @!p1 $0x0  }
0x14: {  	s2 =	sld [smem:$0x3F81];
	s0 =	simm.s32 @p1 $0x1  }
0x15: {  	[smem:$0x3F9E] =	sst s0;
	s0 =	simm.s32 @!p2 $0x0  }
0x16: {  	s3 =	sld [smem:$0x3FDB];
	s0 =	simm.s32 @p2 $0x1  }
0x17: {  	s4 =	simm.s32 $0x1BF5;
	[smem:$0x3FA0] =	sst s0  }
0x18: {  	s0 =	sld [smem:$0x3F83];
	_ =	swait.ge [sflag:s4], $0x0  }
0x19: {  	s7 =	sld [smem:$0x3F84]  }
0x1a: {  	s8 =	sadd.s32 $0xFFFFE003, lr  }
0x1b: {  	s9 =	sadd.s32 $0xFFFFFEF7, lr;
	s5 =	simm.s32 $0xFFFFFFFF;
	p2 =	slt.u32 s8, $0xFFFFF086  }
0x1c: {  	p1 =	slt.u32 s9, $0xF7A;
	s5 =	simm.s32 @!p2 $0x0  }
0x1d: {  	s5 =	simm.s32 @p1 $0x1;
	p0 =	seq.s32 s7, s2  }
0x1e: {  	s7 =	smul.u32 @!p0 $0xF7A, s2;
	p2 =	seq.s32 @!p0 s5, $0x0  }
0x1f: {  	s9 =	smul.u32 $0xF7A, s1;
	s8 =	simm.s32 @!p0 $0x1BF5;
	p2 =	por !p2, p0  }
0x20: {  	[sflag:s8] =	ssyncset.s32 @!p0 $0xFFFFF086;
	s6 =	sadd.s32 @!p0 s3, s7;
	s7 =	simm.s32 @!p0 $0x108  }
0x21: {  	s3 =	sadd.s32 s3, s9;
	s6 =	sadd.s32 @!p0 $0x88, s6;
	s7 =	simm.s32 @p2 $0x1082  }
0x22: {  	[simem:s7], [sflag:s8] =	dma.local @!p0 [hbm:s6], $0xF7A  }
0x23: {  	s9 =	sor.u32 $0xD0000000, s2;
	s6 =	simm.s32 $0x108;
	_ =	swait.ge @!p0 [sflag:s8], $0x0  }
0x24: {  	s3 =	sadd.s32 $0x88, s3;
	s6 =	simm.s32 @!p1 $0x1082;
	[sflag:s4] =	ssyncset.s32 $0xFFFFF086  }
0x25: {  	[simem:s6], [sflag:s4] =	dma.local [hbm:s3], $0xF7A  }
0x26: {  	[smem:$0x3F84] =	sst s1;
	(tag) =	ssettag s2;
	_ =	strace s9  }
0x27: {  	s1 =	sld [smem:$0x3F94]  }
0x28: {  	s2 =	sld [smem:$0x3F95]  }
0x29: {  	s4 =	sld [smem:$0x3F97]  }
0x2a: {  	p0 =	seq.s32 s5, $0x0;
	s5 =	sld [smem:$0x3F98]  }
0x2b: {  	s6 =	sld [smem:$0x3F99]  }
0x2c: {  	s7 =	sld [smem:$0x3F9A]  }
0x2d: {  	s3 =	simm.s32 $0x108;
	s8 =	sld [smem:$0x3F9B]  }
0x2e: {  	s3 =	simm.s32 @!p0 $0x1082;
	s9 =	sld [smem:$0x3F9C]  }
0x2f: {  	lr =	sadd.s32 s0, s3;
	s0 =	sld [smem:$0x3F93]  }
0x30: {  	s3 =	sld [smem:$0x3F96]  }
0x31: {  	[smem:$0x3F9F] =	sst s10  }
0x32: {  	s10 =	sld [smem:$0x3F9D];
	_ =	sdelay $0x3  }
0x33: {  	p0 =	seq.s32 s10, $0x1;
	s10 =	sld [smem:$0x3F9F];
	_ =	sdelay $0x3  }
0x34: {  	[smem:$0x3F9F] =	sst s10  }
0x35: {  	s10 =	sld [smem:$0x3F9E];
	_ =	sdelay $0x3  }
0x36: {  	p1 =	seq.s32 s10, $0x1;
	s10 =	sld [smem:$0x3F9F];
	_ =	sdelay $0x3  }
0x37: {  	[smem:$0x3F9F] =	sst s10  }
0x38: {  	s10 =	sld [smem:$0x3FA0]  }
0x39: {  	_ = 	snop;
	(pc) =	sbr.ind lr, $3  }
0x3a: {  	_ = 	snop  }
0x3b: {  	_ = 	snop  }
0x3c: {  	p2 =	seq.s32 s10, $0x1;
	s10 =	sld [smem:$0x3F9F]  }
0x3d: {  	_ =	shalt  }
0x3e: {  	_ =	shalt  }
0x3f: {  	_ =	shalt  }
0x40: {  	_ =	shalt  }
0x41: {  	_ =	shalt  }
0x42: {  	_ =	shalt  }
0x43: {  	_ =	shalt  }
0x44: {  	_ =	shalt  }
0x45: {  	_ =	shalt  }
0x46: {  	_ =	shalt  }
0x47: {  	_ =	shalt  }
0x48: {  	_ =	shalt  }
0x49: {  	_ =	shalt  }
0x4a: {  	_ =	shalt  }
0x4b: {  	_ =	shalt  }
0x4c: {  	_ =	shalt  }
0x4d: {  	_ =	shalt  }
0x4e: {  	_ =	shalt  }
0x4f: {  	_ =	shalt  }
0x50: {  	_ =	shalt  }
0x51: {  	_ =	shalt  }
0x52: {  	_ =	shalt  }
0x53: {  	_ =	shalt  }
0x54: {  	_ =	shalt  }
0x55: {  	_ =	shalt  }
0x56: {  	_ =	shalt  }
0x57: {  	_ =	shalt  }
0x58: {  	_ =	shalt  }
0x59: {  	_ =	shalt  }
0x5a: {  	_ =	shalt  }
0x5b: {  	_ =	shalt  }
0x5c: {  	_ =	shalt  }
0x5d: {  	_ =	shalt  }
0x5e: {  	_ =	shalt  }
0x5f: {  	_ =	shalt  }
0x60: {  	_ =	shalt  }
0x61: {  	_ =	shalt  }
0x62: {  	_ =	shalt  }
0x63: {  	_ =	shalt  }
0x64: {  	_ =	shalt  }
0x65: {  	_ =	shalt  }
0x66: {  	_ =	shalt  }
0x67: {  	_ =	shalt  }
0x68: {  	_ =	shalt  }
0x69: {  	_ =	shalt  }
0x6a: {  	_ =	shalt  }
0x6b: {  	_ =	shalt  }
0x6c: {  	_ =	shalt  }
0x6d: {  	_ =	shalt  }
0x6e: {  	_ =	shalt  }
0x6f: {  	_ =	shalt  }
0x70: {  	_ =	shalt  }
0x71: {  	_ =	shalt  }
0x72: {  	_ =	shalt  }
0x73: {  	_ =	shalt  }
0x74: {  	_ =	shalt  }
0x75: {  	_ =	shalt  }
0x76: {  	_ =	shalt  }
0x77: {  	_ =	shalt  }
0x78: {  	_ =	shalt  }
0x79: {  	_ =	shalt  }
0x7a: {  	_ =	shalt  }
0x7b: {  	_ =	shalt  }
0x7c: {  	_ =	shalt  }
0x7d: {  	_ =	shalt  }
0x7e: {  	_ =	shalt  }
0x7f: {  	_ =	shalt  }
0x80: {  	_ =	shalt  }
0x81: {  	_ =	shalt  }
0x82: {  	_ =	shalt  }
0x83: {  	_ =	shalt  }
0x84: {  	_ =	shalt  }
0x85: {  	_ =	shalt  }
0x86: {  	_ =	shalt  }
0x87: {  	_ =	shalt  }
.Lfunc_end0:
.L_simem_size_0:
called_computation.4_lowered:
.L_overlay_start_0:
0x88: {  	s2 =	sld [smem:$0x3FD9]  }
0x89: {  	s3 =	sld [smem:$0x3FFE];
	_ =	sdelay $0x1  }
0x8a: {  	s1 =	srdreg.scid  }
0x8b: {  	s0 =	sand.u32 $0x1, s1  }
0x8c: {  	s16 =	sshll.u32 s0, $0xA;
	s2 =	sadd.s32 s3, s2  }
0x8d: {  	s2 =	sadd.s32 s2, s16  }
0x8e: {  	[smem:$0x3FAB] =	sst s2  }
0x8f: {  	_ = 	snop  }
0x90: {  	(tm) =	ssettm $0x1  }
0x91: {  	s17 =	sld [smem:$0x3FFB];
	_ =	sdelay $0x3  }
0x92: {  	_ =	strace s17  }
0x93: {  	s2 =	sld [smem:$0x3FFC];
	_ =	sdelay $0x3  }
0x94: {  	_ =	strace s2  }
0x95: {  	s2 =	sld [smem:$0x3FFD];
	_ =	sdelay $0x3  }
0x96: {  	_ =	strace s2  }
0x97: {  	_ =	strace $0x8FFFFFFF  }
0x98: {  	s18 =	sld [smem:$0x3FDB];
	_ =	sdelay $0x1  }
0x99: {  	s19 =	simm.s32 $_scs_section_size  }
0x9a: {  	s4 =	simm.s32 $_size__tile_overlayer_lowered;
	s5 =	simm.s32 $_tile_overlayer_lowered  }
0x9b: {  	s22 =	simm.s32 $0x1BFF;
	s21 =	sshll.u32 s5, $0x1;
	s2 =	sadd.s32 s19, s18  }
0x9c: {  	s6 =	simm.s32 $0x0;
	s20 =	sshll.u32 s4, $0x1;
	s4 =	sadd.s32 s21, s2  }
0x9d: {  	[timem:s6], [sflag:s22] =	dma.local [hbm:s4], s20  }
0x9e: {  	_ =	swait.ge [sflag:s22], s20  }
0x9f: {  	s3 =	ssub.s32 $0x0, s20;
	[sflag:s22] =	ssyncset.done $0x0  }
0xa0: {  	[sflag:s22] =	ssyncadd.s32 s3;
	_ =	sdelay $0x1  }
0xa1: {  	s23 =	simm.s32 $0x1B8B  }
0xa2: {  	_ =	swait.ge [sflag:s23], $0x1  }
0xa3: {  	[sflag:s23] =	ssyncset.done $0x0  }
0xa4: {  	s25 =	simm.s32 $0x1B8E;
	s24 =	sld [smem:$0x3FFE];
	[sflag:s23] =	ssyncadd.s32 $0xFFFFFFFF  }
0xa5: {  	s26 =	simm.s32 $execute0_lowered;
	[smem:$0x3FD2] =	sst s25  }
0xa6: {  	s4 =	sshll.u32 s26, $0x1;
	_ =	strace $0x80000052;
	[dreg:$0x1] =	wrdreg $0xFFFFFFFF  }
0xa7: {  	s28 =	simm.s32 $_size_execute0_lowered;
	s2 =	sadd.s32 s2, s4;
	[dreg:$0x0] =	wrdreg $0x0  }
0xa8: {  	s4 =	sshll.u32 s28, $0x1;
	[dreg:$0x2] =	wrdreg s2  }
0xa9: {  	[dreg:$0x3] =	wrdreg s4  }
0xaa: {  	[dreg:$0x4] =	wrdreg $0xC0  }
0xab: {  	_ =	task [dreg:s6], $0x5FFFF  }
0xac: {  	[dreg:$0x1] =	wrdreg $0xFFFFFFFF  }
0xad: {  	[dreg:$0x0] =	wrdreg $0x60  }
0xae: {  	[dreg:$0x2] =	wrdreg s24  }
0xaf: {  	[dreg:$0x3] =	wrdreg $0x15000  }
0xb0: {  	[dreg:$0x4] =	wrdreg $0x19800  }
0xb1: {  	[dreg:$0x5] =	wrdreg $0x9  }
0xb2: {  	_ =	task.clear_ibuf [dreg:s6], $0x6FFFF;
	_ =	strace $0x90000052  }
0xb3: {  	s29 =	simm.s32 $0x9;
	_ =	strace $0x80000054  }
0xb4: {  	_ =	swait.ge [sflag:s29], $0x1  }
0xb5: {  	[sflag:s29] =	ssyncadd.s32 $0xFFFFFFFF  }
0xb6: {  	_ =	strace $0x90000054  }
0xb7: {  	_ =	sfence  }
0xb8: {  	s30 =	sld [smem:$0x0];
	_ =	sdelay $0x2  }
0xb9: {  	s31 =	sshll.u32 s1, $0xD;
	s1 =	sshrl.u32 s1, $0x2  }
0xba: {  	s3 =	sand.u32 $0x4000, s31;
	s1 =	sadd.s32 s1, s30  }
0xbb: {  	s0 =	sor.u32 s3, s0;
	s1 =	sshll.u32 s1, $0x11  }
0xbc: {  	s0 =	sor.u32 s1, s0  }
0xbd: {  	s0 =	sadd.s32 $0x8F2B, s0  }
0xbe: {  	[sflag:s0] =	ssyncadd.remote.s32 $0x1  }
0xbf: {  	_ =	sfence.sel $0xFFFF  }
0xc0: {  	[dreg:$0x0] =	wrdreg $0xFFFFFFFF;
	(pc) =	sbr.abs _section_cstart, $3  }
0xc1: {  	[dreg:$0x1] =	wrdreg $0xFFFFFFFF  }
0xc2: {  	_ =	task.clear_ibuf [dreg:s6], $0x2FFFF;
	_ =	strace $0x9FFFFFFF  }
0xc3: {  	(tm) =	ssettm $0x7FFFFFFF  }
tec
execute0_lowered:
.L_overlay_start_1:
0x0: {  	(tag) =	ssettag $0x1  }
0x1: {  	s7 =	rddreg [dreg:$0x0]  }
0x2: {  	s1 =	rddreg [dreg:$0x1]  }
0x3: {  	s2 =	rddreg [dreg:$0x2]  }
0x4: {  	s0 =	rddreg [dreg:$0x3];
	s4 =	simm.s32 $0x0  }
0x5: {  	s3 =	stileid.u32;
	s6 =	srdreg.scid;
	s16 =	simm.s32 $0x80  }
0x6: {  	s18 =	simm.s32 $0x1C41;
	s19 =	simm.s32 $0x0;
	[smem:$0x7FF] =	sst s4  }
0x7: {  	s5 =	smul.u32 $0x310, s3;
	s10 =	sadd.s32 $0x37800, s7;
	s11 =	sadd.s32 $0x6800, s7  }
0x8: {  	s15 =	sand.u32 $0x1, s6;
	s9 =	smul.u32 $0x480, s3;
	s6 =	sadd.s32 $0x69000, s7  }
0x9: {  	p0 =	seq.s32 s3, $0x0;
	p3 =	seq.s32 s3, $0x1;
	s14 =	smul.u32 $0x3100, s3  }
0xa: {  	_ =	strace $0x80000053;
	s8 =	ssub.s32 $0x2, s15;
	p2 =	seq.s32 s15, $0x0  }
0xb: {  	s17 =	sor.u32 s3, s15;
	p1 =	seq.s32 s15, $0x1;
	s12 =	sadd.s32 s5, s7  }
0xc: {  	s5 =	sadd.s32 $0x69800, s7;
	s13 =	sshrl.u32 s8, $0x1;
	s7 =	sadd.s32 $0x68800, s7  }
0xd: {  	p0 =	por !p0, !p1;
	p6 =	por !p2, !p3;
	s11 =	smov.u32 @p2 s10  }
.Ltmp0:
0xe: {  	p2 =	sne.s32 s15, $0x0;
	s15 =	simm.s32 $0x2;
	(pc) =	sbr.rel .LBB2_1-.Ltmp0, $4  }
0xf: {  	p3 =	sne.s32 s17, $0x0;
	s17 =	simm.s32 $0x1C01;
	s13 =	ssub.s32 s8, s13  }
0x10: {  	s8 =	sadd.s32 s9, s1;
	s9 =	sadd.s32 s9, s2;
	p0 =	por !p0, !p0  }
0x11: {  	p1 =	por !p6, !p6;
	s11 =	sadd.s32 s11, s14;
	s12 =	sadd.s32 $0x1F0800, s12  }
0x12: {  	v0 =	vimm.f32 $1.000000000e+00;
	v1 =	vimm.f32 $0.0e+00;
	s14 =	simm.s32 $0x1;
	s10 =	smax.u32 s13, $0x1;
	s13 =	simm.s32 $0x1080  }
.LBB2_8:
0x13: {  	s20 =	sshrl.u32 s1, $0x3  }
0x14: {  	[hbm:s6], [sflag:s17] =	dma.local [spmem:s20], $0x800  }
.LBB2_11:
0x15: {  	_ =	swait.ge [sflag:s14], $0x800  }
0x16: {  	[sflag:s14] =	ssyncset.done $0x0  }
0x17: {  	[sflag:s14] =	ssyncadd.s32 $0xFFFFF800  }
.LBB2_12:
0x18: {  	s19 =	sadd.s32 $0x1, s19  }
0x19: {  	p4 =	sne.s32 s19, s10  }
.Ltmp1:
0x1a: {  	_ = 	snop;
	(pc) =	sbr.rel @!p4 .LBB2_13-.Ltmp1, $1  }
0x1b: {  	_ =	sdelay $0x3  }
.LBB2_1:
0x1c: {  	s20 =	simm.s32 $0x0  }
.LBB2_2:
0x1d: {  	p4 =	sne.s32 s20, $0x1FC0  }
.Ltmp2:
0x1e: {  	_ = 	snop;
	(pc) =	sbr.rel @p4 .LBB2_2-.Ltmp2, $3  }
0x1f: {  	_ =	sdelay $0x1  }
0x20: {  	s21 =	sshra.s32 s20, $0x2  }
0x21: {  	s20 =	sadd.s32 $0x40, s20;
	[tilespmem:s21+$0x880] =	vst v0  }
0x22: {  	s20 =	simm.s32 $0x40;
	s21 =	simm.s32 $0x0  }
.LBB2_4:
0x23: {  	p4 =	sne.s32 s20, $0x11C0;
	[tilespmem:s21+$0x1080] =	vst v1;
	s21 =	smov.u32 s20;
	s20 =	sadd.s32 $0x40, s20  }
.Ltmp3:
0x24: {  	(pc) =	sbr.rel @p4 .LBB2_4-.Ltmp3, $2  }
0x25: {  	_ =	sdelay $0x2  }
0x26: {  	s21 =	sshra.s32 s21, $0x2  }
0x27: {  	[tilespmem:s21+$0x1080] =	vst v1  }
0x28: {  	[spmem:s8] =	stream.linear.scatter [tilespmem:s13], [sflag:$0x1], $0x480, $0x38;
	[tilespmem:$0x1E00] =	vst v63  }
0x29: {  	_ =	swait.ge [sflag:s14], $0x480  }
0x2a: {  	[sflag:s14] =	ssyncset.done $0x0  }
0x2b: {  	[sflag:s14] =	ssyncadd.s32 $0xFFFFFB80  }
0x2c: {  	[spmem:s9] =	stream.linear.scatter [tilespmem:s13], [sflag:$0x1], $0x480, $0x38;
	[tilespmem:$0x1E00] =	vst v63  }
0x2d: {  	_ =	swait.ge [sflag:s14], $0x480  }
0x2e: {  	[sflag:s14] =	ssyncset.done $0x0  }
0x2f: {  	[sflag:s14] =	ssyncadd.s32 $0xFFFFFB80  }
0x30: {  	s20 =	sadd.s32 $0x0, s12;
	[bflag:$0x0] =	sbarrier.arrive $0xFFFF  }
0x31: {  	[tilespmem:s4], [sflag:$0x2] =	stream.linear.gather [hbm4b:s20+s4], $0x80, $0x38;
	[tilespmem:$0x1E00] =	vst v63  }
0x32: {  	_ =	swait.ge [sflag:s15], $0x80  }
0x33: {  	[sflag:s15] =	ssyncset.done $0x0  }
0x34: {  	[sflag:s15] =	ssyncadd.s32 $0xFFFFFF80  }
0x35: {  	[tilespmem:s16], [sflag:$0x2] =	stream.linear.gather [hbm4b:s11+s4], $0x800, $0x38;
	[tilespmem:$0x1E00] =	vst v63  }
0x36: {  	_ =	swait.ge [sflag:s15], $0x800  }
0x37: {  	[sflag:s15] =	ssyncset.done $0x0  }
0x38: {  	[sflag:s15] =	ssyncadd.s32 $0xFFFFF800  }
0x39: {  	[spmem:s1] =	stream.indirect.scatter.add.f32 [tilespmem:s16], [sflag:$0x2], $0x10, s4, s16, $0xb8;
	[tilespmem:$0x1E00] =	vst v63  }
0x3a: {  	_ =	swait.ge [sflag:s15], $0x800  }
0x3b: {  	s21 =	simm.s32 @!p2 $0x880;
	s23 =	simm.s32 @!p2 $0x80;
	[sflag:s15] =	ssyncset.done $0x0  }
0x3c: {  	s24 =	simm.s32 @!p2 $0x0;
	s20 =	simm.s32 @!p2 $0x1;
	[sflag:s15] =	ssyncadd.s32 $0xFFFFF800  }
0x3d: {  	[spmem:s2] =	stream.indirect.scatter.add.f32 @!p2 [tilespmem:s21], [sflag:$0x1], $0x10, s24, s23, $0xb8;
	[tilespmem:$0x1E00] =	vst v63  }
0x3e: {  	s25 =	simm.s32 $0x10;
	_ =	swait.ge @!p2 [sflag:s20], $0x800  }
0x3f: {  	s26 =	simm.s32 $0x20;
	s22 =	sadd.s32 $0x100, s11;
	[sflag:s20] =	ssyncset.done @!p2 $0x0  }
.LBB2_6:
0x40: {  	s28 =	sadd.s32 s25, s12  }
0x41: {  	[sflag:s20] =	ssyncadd.s32 @!p2 $0xFFFFF800;
	s25 =	smov.u32 s26;
	s26 =	sadd.s32 $0x10, s26  }
0x42: {  	[tilespmem:s4], [sflag:$0x2] =	stream.linear.gather [hbm4b:s28+s4], $0x80, $0x38;
	[tilespmem:$0x1E00] =	vst v63  }
0x43: {  	p4 =	sne.s32 s26, $0x310;
	_ =	swait.ge [sflag:s15], $0x80  }
0x44: {  	[sflag:s15] =	ssyncset.done $0x0  }
0x45: {  	[sflag:s15] =	ssyncadd.s32 $0xFFFFFF80  }
0x46: {  	[tilespmem:s16], [sflag:$0x2] =	stream.linear.gather [hbm4b:s22+s4], $0x800, $0x38;
	[tilespmem:$0x1E00] =	vst v63  }
0x47: {  	_ =	swait.ge [sflag:s15], $0x800  }
0x48: {  	[sflag:s15] =	ssyncset.done $0x0  }
0x49: {  	[sflag:s15] =	ssyncadd.s32 $0xFFFFF800  }
0x4a: {  	[spmem:s1] =	stream.indirect.scatter.add.f32 [tilespmem:s16], [sflag:$0x2], $0x10, s4, s16, $0xb8;
	[tilespmem:$0x1E00] =	vst v63  }
0x4b: {  	_ =	swait.ge [sflag:s15], $0x800  }
.Ltmp4:
0x4c: {  	[sflag:s15] =	ssyncset.done $0x0;
	(pc) =	sbr.rel @p4 .LBB2_6-.Ltmp4, $4  }
0x4d: {  	[sflag:s15] =	ssyncadd.s32 $0xFFFFF800  }
0x4e: {  	[spmem:s2] =	stream.indirect.scatter.add.f32 @!p2 [tilespmem:s21], [sflag:$0x1], $0x10, s24, s23, $0xb8;
	[tilespmem:$0x1E00] =	vst v63  }
0x4f: {  	_ =	swait.ge @!p2 [sflag:s20], $0x800  }
0x50: {  	s22 =	sadd.s32 $0x100, s22;
	[sflag:s20] =	ssyncset.done @!p2 $0x0  }
0x51: {  	s21 =	sadd.s32 s25, s12;
	[sflag:s20] =	ssyncadd.s32 @!p2 $0xFFFFF800  }
0x52: {  	[tilespmem:s4], [sflag:$0x2] =	stream.linear.gather [hbm4b:s21+s4], $0x80, $0x38;
	[tilespmem:$0x1E00] =	vst v63  }
0x53: {  	_ =	swait.ge [sflag:s15], $0x80  }
0x54: {  	[sflag:s15] =	ssyncset.done $0x0  }
0x55: {  	[sflag:s15] =	ssyncadd.s32 $0xFFFFFF80  }
0x56: {  	[tilespmem:s16], [sflag:$0x2] =	stream.linear.gather [hbm4b:s22+s4], $0x800, $0x38;
	[tilespmem:$0x1E00] =	vst v63  }
0x57: {  	_ =	swait.ge [sflag:s15], $0x800  }
0x58: {  	[sflag:s15] =	ssyncset.done $0x0  }
0x59: {  	[sflag:s15] =	ssyncadd.s32 $0xFFFFF800  }
0x5a: {  	[spmem:s1] =	stream.indirect.scatter.add.f32 [tilespmem:s16], [sflag:$0x2], $0x10, s4, s16, $0xb8;
	[tilespmem:$0x1E00] =	vst v63  }
0x5b: {  	_ =	swait.ge [sflag:s15], $0x800  }
0x5c: {  	s20 =	simm.s32 @!p2 $0x1;
	s23 =	simm.s32 @!p2 $0x0;
	[sflag:s15] =	ssyncset.done $0x0  }
0x5d: {  	s21 =	simm.s32 @!p2 $0x880;
	s22 =	simm.s32 @!p2 $0x80;
	[sflag:s15] =	ssyncadd.s32 $0xFFFFF800  }
0x5e: {  	[spmem:s2] =	stream.indirect.scatter.add.f32 @!p2 [tilespmem:s21], [sflag:$0x1], $0x10, s23, s22, $0xb8;
	[tilespmem:$0x1E00] =	vst v63  }
0x5f: {  	_ =	swait.ge @!p2 [sflag:s20], $0x800  }
0x60: {  	[sflag:s20] =	ssyncset.done @!p2 $0x0  }
0x61: {  	[sflag:s20] =	ssyncadd.s32 @!p2 $0xFFFFF800;
	s20 =	sshll.u32 @!p3 s3, $0x6  }
0x62: {  	s21 =	sshrl.u32 @!p3 s1, $0x3;
	[bflag:$0x0] =	sbarrier.arrive $0xFFFF;
	s20 =	sor.u32 @!p3 $0x1C01, s20  }
0x63: {  	[hbm:s5], [sflag:s20] =	dma.local @!p3 [spmem:s21], $0x800  }
.Ltmp5:
0x64: {  	_ = 	snop;
	(pc) =	sbr.rel @p0 .LBB2_8-.Ltmp5, $4  }
0x65: {  	s20 =	simm.s32 @!p3 $0x1  }
0x66: {  	_ =	swait.ge @!p3 [sflag:s20], $0x800  }
0x67: {  	[sflag:s20] =	ssyncset.done @!p3 $0x0  }
0x68: {  	[sflag:s20] =	ssyncadd.s32 @!p3 $0xFFFFF800  }
.Ltmp6:
0x69: {  	(pc) =	sbr.rel @!p1 .LBB2_12-.Ltmp6, $1  }
0x6a: {  	_ =	sdelay $0x3  }
.Ltmp7:
0x6b: {  	(pc) =	sbr.rel .LBB2_11-.Ltmp7, $3  }
0x6c: {  	_ =	sdelay $0x1  }
0x6d: {  	s20 =	sshrl.u32 s2, $0x3  }
0x6e: {  	[hbm:s7], [sflag:s18] =	dma.local [spmem:s20], $0x800  }
.LBB2_13:
0x6f: {  	_ =	sfence.sel $0x180000  }
0x70: {  	[bflag:$0x0] =	sbarrier.arrive $0xFFFF  }
0x71: {  	p0 =	sne.s32 s3, $0x0;
	_ =	strace $0x90000053  }
0x72: {  	s0 =	sadd.s32 @!p0 $0x100000, s0;
	[bflag:$0x2] =	sbarrier.arrive $0xFFFF  }
0x73: {  	[sflag:s0] =	ssyncadd.tile.s32 @!p0 $0x1;
	_ =	shalt  }
.Lfunc_end2:
_tile_overlayer_lowered:
.L_overlay_start_2:
0x74: {  	(tag) =	ssettag $0x2  }
0x75: {  	s0 =	rddreg [dreg:$0x0];
	s2 =	stileid.u32  }
0x76: {  	s1 =	rddreg [dreg:$0x1];
	p0 =	sne.s32 s2, $0x0  }
0x77: {  	s3 =	rddreg [dreg:$0x2];
	[bflag:$0x3] =	sbarrier.arrive $0xFFFF;
	s2 =	simm.s32 @!p0 $0x1C01  }
0x78: {  	[timem:s3], [sflag:s2] =	dma.local @!p0 [hbm:s0], s1  }
0x79: {  	s0 =	simm.s32 @!p0 $0x1  }
0x7a: {  	_ =	swait.ge @!p0 [sflag:s0], s1  }
0x7b: {  	s1 =	ssub.s32 @!p0 $0x0, s1;
	[sflag:s0] =	ssyncset.done @!p0 $0x0  }
0x7c: {  	[sflag:s0] =	ssyncadd.s32 @!p0 s1  }
0x7d: {  	[bflag:$0x3] =	sbarrier.arrive $0xFFFF  }
0x7e: {  	_ =	shalt  }

</sc_bundles>
